<compile_context>
chip_gen: v7x
topology: tpu7x:2x2x1
jax: 0.10.2.dev20260603
libtpu: 0.0.44.dev20260713+nightly
codegen_flags: <defaults>
</compile_context>

<pallas_src>
import functools

import jax
import jax.numpy as jnp
from jax import lax
from jax.experimental import pallas as pl
from jax.experimental.pallas import tpu as pltpu
from jax.experimental.pallas import tpu_sc as plsc

N = 10000
E = 320000
D = 128

NSUB = 32
NPW = 320
NPAD = NSUB * NPW
SHIFT = 16384
BLK = 6400
NBLK = E // BLK
CAP = 256
G = 128
RC = 64
NEG = float("-inf")
ER = 2500


def _tc_body(x_ref, w_ref, b_ref, a_ref, bm_ref):
    xb = x_ref[...]
    w1 = w_ref[0:D, :]
    w2 = w_ref[D : 2 * D, :]
    a_ref[...] = (
        jnp.dot(xb, w1 - w2, preferred_element_type=jnp.float32) + b_ref[...]
    )
    bm_ref[...] = jnp.dot(xb, w2, preferred_element_type=jnp.float32)


def _node_transforms(xp, W, b2):
    grid = NPAD // 1024
    return pl.pallas_call(
        _tc_body,
        grid=(grid,),
        in_specs=[
            pl.BlockSpec((1024, D), lambda i: (i, 0)),
            pl.BlockSpec((2 * D, D), lambda i: (0, 0)),
            pl.BlockSpec((1, D), lambda i: (0, 0)),
        ],
        out_specs=[
            pl.BlockSpec((1024, D), lambda i: (i, 0)),
            pl.BlockSpec((1024, D), lambda i: (i, 0)),
        ],
        out_shape=[
            jax.ShapeDtypeStruct((NPAD, D), jnp.float32),
            jax.ShapeDtypeStruct((NPAD, D), jnp.float32),
        ],
    )(xp, W, b2)


def _pack_body(s_ref, d_ref, e_ref):
    e_ref[...] = d_ref[...] * SHIFT + s_ref[...]


def _pack_edges(s2, d2):
    return pl.pallas_call(
        _pack_body,
        grid=(1,),
        in_specs=[
            pl.BlockSpec((ER, D), lambda i: (0, 0)),
            pl.BlockSpec((ER, D), lambda i: (0, 0)),
        ],
        out_specs=pl.BlockSpec((ER, D), lambda i: (0, 0)),
        out_shape=jax.ShapeDtypeStruct((ER, D), jnp.int32),
    )(s2, d2)


def _sc_kernel(enc_hbm, bm_hbm, a_hbm, out_hbm, encv, encv2, ebuf, gidxa,
               gidxb, rows, accf, astg, ostg, gsem, gsem2, esem, esem2):
    wid = lax.axis_index("s") * 2 + lax.axis_index("c")
    lo = wid * NPW
    elo = lo * SHIFT
    ehi = (lo + NPW) * SHIFT

    def init_acc(i, c):
        accf[pl.ds(i * 16, 16)] = jnp.full((16,), NEG, jnp.float32)
        return c

    lax.fori_loop(0, NPW * D // 16, init_acc, 0)
    for i in range(CAP // 16):
        ebuf[pl.ds(16 * i, 16)] = jnp.zeros((16,), jnp.int32)

    iota16 = lax.iota(jnp.int32, 16)

    def do_flush(n):
        for t in range(G // 32):
            gidxa[pl.ds(16 * t, 16)] = ebuf[pl.ds(16 * t, 16)] & (SHIFT - 1)
            gidxb[pl.ds(16 * t, 16)] = ebuf[pl.ds(64 + 16 * t, 16)] & (SHIFT - 1)
        ca = pltpu.async_copy(bm_hbm.at[gidxa], rows.at[pl.ds(0, 64)], gsem)
        cb = pltpu.async_copy(bm_hbm.at[gidxb], rows.at[pl.ds(64, 64)], gsem2)

        def acc_body(r, c):
            ev = plsc.load_gather(ebuf, [jnp.full((16,), r, jnp.int32)])
            base = (lax.shift_right_logical(ev, 14) - lo) * D
            for j in range(D // 16):
                idx = base + (16 * j) + iota16
                cur = plsc.load_gather(accf, [idx])
                g = rows[r, pl.ds(16 * j, 16)]
                plsc.store_scatter(accf, [idx], jnp.maximum(cur, g))
            return c

        ca.wait()
        lax.fori_loop(0, jnp.minimum(n, 64), acc_body, 0)
        cb.wait()
        lax.fori_loop(64, jnp.maximum(n, 64), acc_body, 0)

    def scan_buf(buf, m):
        def vec_body(i, m):
            es = [buf[pl.ds(i * 128 + 16 * u, 16)] for u in range(8)]
            msks = [(e >= elo) & (e < ehi) for e in es]
            cnts = [jnp.cumsum(k.astype(jnp.int32)) for k in msks]
            t = m
            for u in range(8):
                plsc.store_scatter(ebuf, [t + cnts[u] - 1], es[u], mask=msks[u])
                t = t + cnts[u][15]

            def fl(mm):
                do_flush(G)
                for u in range(8):
                    ebuf[pl.ds(16 * u, 16)] = ebuf[pl.ds(G + 16 * u, 16)]
                return mm - G

            return lax.cond(t >= G, fl, lambda mm: mm, t)

        return lax.fori_loop(0, BLK // 128, vec_body, m)

    def wait_enc(buf, sem):
        pltpu.make_async_copy(enc_hbm.at[pl.ds(0, BLK)], buf, sem).wait()

    pltpu.async_copy(enc_hbm.at[pl.ds(0, BLK)], encv, esem)

    def blk_body(g, m):
        wait_enc(encv, esem)

        @pl.when(2 * g + 1 < NBLK)
        def _():
            pltpu.async_copy(
                enc_hbm.at[pl.ds((2 * g + 1) * BLK, BLK)], encv2, esem2
            )

        m = scan_buf(encv, m)
        wait_enc(encv2, esem2)

        @pl.when(2 * g + 2 < NBLK)
        def _():
            pltpu.async_copy(
                enc_hbm.at[pl.ds((2 * g + 2) * BLK, BLK)], encv, esem
            )

        return scan_buf(encv2, m)

    m_fin = lax.fori_loop(0, NBLK // 2, blk_body, 0)
    do_flush(m_fin)

    for c in range(NPW // RC):
        pltpu.sync_copy(a_hbm.at[pl.ds(lo + c * RC, RC)], astg)

        def ep_body(r, cc):
            for j in range(D // 16):
                v = astg[r, pl.ds(16 * j, 16)] + accf[
                    pl.ds((c * RC + r) * D + 16 * j, 16)
                ]
                ostg[r, pl.ds(16 * j, 16)] = jnp.maximum(v, 0.0)
            return cc

        lax.fori_loop(0, RC, ep_body, 0)
        pltpu.sync_copy(ostg, out_hbm.at[pl.ds(lo + c * RC, RC)])


_sc_call = functools.partial(
    pl.kernel,
    mesh=plsc.VectorSubcoreMesh(core_axis_name="c", subcore_axis_name="s"),
    out_type=jax.ShapeDtypeStruct((NPAD, D), jnp.float32),
    scratch_types=[
        pltpu.VMEM((BLK,), jnp.int32),
        pltpu.VMEM((BLK,), jnp.int32),
        pltpu.VMEM((CAP,), jnp.int32),
        pltpu.VMEM((G // 2,), jnp.int32),
        pltpu.VMEM((G // 2,), jnp.int32),
        pltpu.VMEM((G, D), jnp.float32),
        pltpu.VMEM((NPW * D,), jnp.float32),
        pltpu.VMEM((RC, D), jnp.float32),
        pltpu.VMEM((RC, D), jnp.float32),
        pltpu.SemaphoreType.DMA,
        pltpu.SemaphoreType.DMA,
        pltpu.SemaphoreType.DMA,
        pltpu.SemaphoreType.DMA,
    ],
    compiler_params=pltpu.CompilerParams(needs_layout_passes=False),
)(_sc_kernel)


@jax.jit
def kernel(x, edge_index, W, b):
    xp = jnp.zeros((NPAD, D), jnp.float32).at[:N].set(x)
    s2 = edge_index[0].reshape(ER, D)
    d2 = edge_index[1].reshape(ER, D)
    A, Bm = _node_transforms(xp, W, b.reshape(1, D))
    enc2 = _pack_edges(s2, d2)
    outp = _sc_call(enc2.reshape(E), Bm, A)
    return outp[:N]

# --- scband reference (transcript-rebuilt; emitter-appended) ---
"""Pipeline reference for scband-model-35064113004948 (READ-ONLY COPY).

The authoritative reference and input builder live on the scoring server;
editing this copy changes nothing except your own understanding.
"""

import jax, jax.numpy as jnp
import numpy as np

N = 10000
E = 320000
D = 128


def setup_inputs(seed: int = 0) -> dict:
    key = jax.random.key(seed)
    k1, k2, k3 = jax.random.split(key, 3)
    x = jax.random.normal(k1, (N, D), dtype=jnp.float32)
    edge_index = jax.random.randint(k2, (2, E), 0, N, dtype=jnp.int32)
    W = jax.random.normal(k3, (2 * D, D), dtype=jnp.float32) * 0.05
    b = jnp.zeros((D,), dtype=jnp.float32)
    return {"x": x, "edge_index": edge_index, "W": W, "b": b}


def reference(x, edge_index, W, b):
    # Faithful EdgeConv (torch_geometric.nn.EdgeConv) with a 1-layer ReLU MLP,
    # which is the core message-passing op of the Encoder/Decoder model.
    # message_ij = relu(concat([x_i, x_j - x_i]) @ W + b), aggregated at dst via max.
    src = edge_index[0]
    dst = edge_index[1]
    x_i = jnp.take(x, dst, axis=0)  # gather dst (center) node features
    x_j = jnp.take(x, src, axis=0)  # gather src (neighbor) node features
    msg = jnp.concatenate([x_i, x_j - x_i], axis=-1)
    msg = jax.nn.relu(msg @ W + b)
    out = jax.ops.segment_max(msg, dst, num_segments=N)
    # nodes with no incoming edges get -inf from segment_max; zero them (PyG behavior)
    out = jnp.where(jnp.isfinite(out), out, 0.0)
    return out

if __name__ == "__main__":
    import jax
    _d = setup_inputs()
    print(jax.jit(kernel)(*tuple(_d.values())))

</pallas_src>

<mosaic_0001>
#map = affine_map<(d0, d1) -> (0)>
#map1 = affine_map<(d0, d1) -> (0, 0)>
module attributes {stable_mosaic.version = 14 : i64} {
  func.func @_sc_kernel(%arg0: i32, %arg1: i32, %arg2: memref<320000xi32, #tpu.memory_space<hbm>>, %arg3: memref<10240x128xf32, #tpu.memory_space<hbm>>, %arg4: memref<10240x128xf32, #tpu.memory_space<hbm>>, %arg5: memref<10240x128xf32, #tpu.memory_space<hbm>>, %arg6: memref<6400xi32, #tpu.memory_space<vmem>>, %arg7: memref<6400xi32, #tpu.memory_space<vmem>>, %arg8: memref<256xi32, #tpu.memory_space<vmem>>, %arg9: memref<64xi32, #tpu.memory_space<vmem>>, %arg10: memref<64xi32, #tpu.memory_space<vmem>>, %arg11: memref<128x128xf32, #tpu.memory_space<vmem>>, %arg12: memref<40960xf32, #tpu.memory_space<vmem>>, %arg13: memref<64x128xf32, #tpu.memory_space<vmem>>, %arg14: memref<64x128xf32, #tpu.memory_space<vmem>>, %arg15: memref<!tpu.dma_semaphore, #tpu.memory_space<semaphore_mem>>, %arg16: memref<!tpu.dma_semaphore, #tpu.memory_space<semaphore_mem>>, %arg17: memref<!tpu.dma_semaphore, #tpu.memory_space<semaphore_mem>>, %arg18: memref<!tpu.dma_semaphore, #tpu.memory_space<semaphore_mem>>) attributes {dimension_semantics = [#tpu.dimension_semantics<core_parallel>, #tpu.dimension_semantics<subcore_parallel>], iteration_bounds = array<i64: 2, 16>, scalar_prefetch = 0 : i64, scratch_operands = 13 : i64, tpu.core_type = #tpu.core_type<sc_vector_subcore>, window_params = [{transform_indices = #map}, {transform_indices = #map1}, {transform_indices = #map1}, {transform_indices = #map1}]} {
    %mul3A = arith.constant 2 : i32
    %mul3A_0 = arith.muli %arg1, %mul3A : i32
    %add3A = arith.addi %mul3A_0, %arg0 : i32
    %mul3A_1 = arith.constant 320 : i32
    %mul3A_2 = arith.muli %add3A, %mul3A_1 : i32
    %mul3A_3 = arith.constant 16384 : i32
    %mul3A_4 = arith.muli %mul3A_2, %mul3A_3 : i32
    %add3A_5 = arith.constant 320 : i32
    %add3A_6 = arith.addi %mul3A_2, %add3A_5 : i32
    %mul3A_7 = arith.constant 16384 : i32
    %mul3A_8 = arith.muli %add3A_6, %mul3A_7 : i32
    %scan3A = arith.constant 0 : i32
    %scan3A_9 = arith.constant 0 : i32
    %scan3A_10 = arith.constant 2560 : i32
    %scan3A_11 = arith.addi %scan3A_9, %scan3A_10 : i32
    %scan3A_12 = arith.constant 1 : i32
    scf.for %scan3A_234 = %scan3A_9 to %scan3A_11 step %scan3A_12  : i32 {
      %broadcast_in_dim3A_235 = arith.constant 0xFF800000 : f32
      %broadcast_in_dim3A_236 = vector.broadcast %broadcast_in_dim3A_235 : f32 to vector<16xf32>
      %mul3A_237 = arith.constant 16 : i32
      %mul3A_238 = arith.muli %scan3A_234, %mul3A_237 : i32
      %swap3A_239 = arith.index_cast %mul3A_238 : i32 to index
      %swap3A_240 = tpu.vector_load %arg12[%swap3A_239] {strides = array<i32>} : memref<40960xf32, #tpu.memory_space<vmem>>, vector<16xf32>,
      tpu.vector_store %arg12[%swap3A_239], %broadcast_in_dim3A_236 {strides = array<i32>} : memref<40960xf32, #tpu.memory_space<vmem>>, vector<16xf32>,
    }
    %scan3A_13 = arith.constant 2560 : i32
    %broadcast_in_dim3A = arith.constant 0 : i32
    %broadcast_in_dim3A_14 = vector.broadcast %broadcast_in_dim3A : i32 to vector<16xi32>
    %swap3A = arith.constant 0 : index
    %swap3A_15 = tpu.vector_load %arg8[%swap3A] {strides = array<i32>} : memref<256xi32, #tpu.memory_space<vmem>>, vector<16xi32>,
    tpu.vector_store %arg8[%swap3A], %broadcast_in_dim3A_14 {strides = array<i32>} : memref<256xi32, #tpu.memory_space<vmem>>, vector<16xi32>,
    %broadcast_in_dim3A_16 = arith.constant 0 : i32
    %broadcast_in_dim3A_17 = vector.broadcast %broadcast_in_dim3A_16 : i32 to vector<16xi32>
    %swap3A_18 = arith.constant 16 : index
    %swap3A_19 = tpu.vector_load %arg8[%swap3A_18] {strides = array<i32>} : memref<256xi32, #tpu.memory_space<vmem>>, vector<16xi32>,
    tpu.vector_store %arg8[%swap3A_18], %broadcast_in_dim3A_17 {strides = array<i32>} : memref<256xi32, #tpu.memory_space<vmem>>, vector<16xi32>,
    %broadcast_in_dim3A_20 = arith.constant 0 : i32
    %broadcast_in_dim3A_21 = vector.broadcast %broadcast_in_dim3A_20 : i32 to vector<16xi32>
    %swap3A_22 = arith.constant 32 : index
    %swap3A_23 = tpu.vector_load %arg8[%swap3A_22] {strides = array<i32>} : memref<256xi32, #tpu.memory_space<vmem>>, vector<16xi32>,
    tpu.vector_store %arg8[%swap3A_22], %broadcast_in_dim3A_21 {strides = array<i32>} : memref<256xi32, #tpu.memory_space<vmem>>, vector<16xi32>,
    %broadcast_in_dim3A_24 = arith.constant 0 : i32
    %broadcast_in_dim3A_25 = vector.broadcast %broadcast_in_dim3A_24 : i32 to vector<16xi32>
    %swap3A_26 = arith.constant 48 : index
    %swap3A_27 = tpu.vector_load %arg8[%swap3A_26] {strides = array<i32>} : memref<256xi32, #tpu.memory_space<vmem>>, vector<16xi32>,
    tpu.vector_store %arg8[%swap3A_26], %broadcast_in_dim3A_25 {strides = array<i32>} : memref<256xi32, #tpu.memory_space<vmem>>, vector<16xi32>,
    %broadcast_in_dim3A_28 = arith.constant 0 : i32
    %broadcast_in_dim3A_29 = vector.broadcast %broadcast_in_dim3A_28 : i32 to vector<16xi32>
    %swap3A_30 = arith.constant 64 : index
    %swap3A_31 = tpu.vector_load %arg8[%swap3A_30] {strides = array<i32>} : memref<256xi32, #tpu.memory_space<vmem>>, vector<16xi32>,
    tpu.vector_store %arg8[%swap3A_30], %broadcast_in_dim3A_29 {strides = array<i32>} : memref<256xi32, #tpu.memory_space<vmem>>, vector<16xi32>,
    %broadcast_in_dim3A_32 = arith.constant 0 : i32
    %broadcast_in_dim3A_33 = vector.broadcast %broadcast_in_dim3A_32 : i32 to vector<16xi32>
    %swap3A_34 = arith.constant 80 : index
    %swap3A_35 = tpu.vector_load %arg8[%swap3A_34] {strides = array<i32>} : memref<256xi32, #tpu.memory_space<vmem>>, vector<16xi32>,
    tpu.vector_store %arg8[%swap3A_34], %broadcast_in_dim3A_33 {strides = array<i32>} : memref<256xi32, #tpu.memory_space<vmem>>, vector<16xi32>,
    %broadcast_in_dim3A_36 = arith.constant 0 : i32
    %broadcast_in_dim3A_37 = vector.broadcast %broadcast_in_dim3A_36 : i32 to vector<16xi32>
    %swap3A_38 = arith.constant 96 : index
    %swap3A_39 = tpu.vector_load %arg8[%swap3A_38] {strides = array<i32>} : memref<256xi32, #tpu.memory_space<vmem>>, vector<16xi32>,
    tpu.vector_store %arg8[%swap3A_38], %broadcast_in_dim3A_37 {strides = array<i32>} : memref<256xi32, #tpu.memory_space<vmem>>, vector<16xi32>,
    %broadcast_in_dim3A_40 = arith.constant 0 : i32
    %broadcast_in_dim3A_41 = vector.broadcast %broadcast_in_dim3A_40 : i32 to vector<16xi32>
    %swap3A_42 = arith.constant 112 : index
    %swap3A_43 = tpu.vector_load %arg8[%swap3A_42] {strides = array<i32>} : memref<256xi32, #tpu.memory_space<vmem>>, vector<16xi32>,
    tpu.vector_store %arg8[%swap3A_42], %broadcast_in_dim3A_41 {strides = array<i32>} : memref<256xi32, #tpu.memory_space<vmem>>, vector<16xi32>,
    %broadcast_in_dim3A_44 = arith.constant 0 : i32
    %broadcast_in_dim3A_45 = vector.broadcast %broadcast_in_dim3A_44 : i32 to vector<16xi32>
    %swap3A_46 = arith.constant 128 : index
    %swap3A_47 = tpu.vector_load %arg8[%swap3A_46] {strides = array<i32>} : memref<256xi32, #tpu.memory_space<vmem>>, vector<16xi32>,
    tpu.vector_store %arg8[%swap3A_46], %broadcast_in_dim3A_45 {strides = array<i32>} : memref<256xi32, #tpu.memory_space<vmem>>, vector<16xi32>,
    %broadcast_in_dim3A_48 = arith.constant 0 : i32
    %broadcast_in_dim3A_49 = vector.broadcast %broadcast_in_dim3A_48 : i32 to vector<16xi32>
    %swap3A_50 = arith.constant 144 : index
    %swap3A_51 = tpu.vector_load %arg8[%swap3A_50] {strides = array<i32>} : memref<256xi32, #tpu.memory_space<vmem>>, vector<16xi32>,
    tpu.vector_store %arg8[%swap3A_50], %broadcast_in_dim3A_49 {strides = array<i32>} : memref<256xi32, #tpu.memory_space<vmem>>, vector<16xi32>,
    %broadcast_in_dim3A_52 = arith.constant 0 : i32
    %broadcast_in_dim3A_53 = vector.broadcast %broadcast_in_dim3A_52 : i32 to vector<16xi32>
    %swap3A_54 = arith.constant 160 : index
    %swap3A_55 = tpu.vector_load %arg8[%swap3A_54] {strides = array<i32>} : memref<256xi32, #tpu.memory_space<vmem>>, vector<16xi32>,
    tpu.vector_store %arg8[%swap3A_54], %broadcast_in_dim3A_53 {strides = array<i32>} : memref<256xi32, #tpu.memory_space<vmem>>, vector<16xi32>,
    %broadcast_in_dim3A_56 = arith.constant 0 : i32
    %broadcast_in_dim3A_57 = vector.broadcast %broadcast_in_dim3A_56 : i32 to vector<16xi32>
    %swap3A_58 = arith.constant 176 : index
    %swap3A_59 = tpu.vector_load %arg8[%swap3A_58] {strides = array<i32>} : memref<256xi32, #tpu.memory_space<vmem>>, vector<16xi32>,
    tpu.vector_store %arg8[%swap3A_58], %broadcast_in_dim3A_57 {strides = array<i32>} : memref<256xi32, #tpu.memory_space<vmem>>, vector<16xi32>,
    %broadcast_in_dim3A_60 = arith.constant 0 : i32
    %broadcast_in_dim3A_61 = vector.broadcast %broadcast_in_dim3A_60 : i32 to vector<16xi32>
    %swap3A_62 = arith.constant 192 : index
    %swap3A_63 = tpu.vector_load %arg8[%swap3A_62] {strides = array<i32>} : memref<256xi32, #tpu.memory_space<vmem>>, vector<16xi32>,
    tpu.vector_store %arg8[%swap3A_62], %broadcast_in_dim3A_61 {strides = array<i32>} : memref<256xi32, #tpu.memory_space<vmem>>, vector<16xi32>,
    %broadcast_in_dim3A_64 = arith.constant 0 : i32
    %broadcast_in_dim3A_65 = vector.broadcast %broadcast_in_dim3A_64 : i32 to vector<16xi32>
    %swap3A_66 = arith.constant 208 : index
    %swap3A_67 = tpu.vector_load %arg8[%swap3A_66] {strides = array<i32>} : memref<256xi32, #tpu.memory_space<vmem>>, vector<16xi32>,
    tpu.vector_store %arg8[%swap3A_66], %broadcast_in_dim3A_65 {strides = array<i32>} : memref<256xi32, #tpu.memory_space<vmem>>, vector<16xi32>,
    %broadcast_in_dim3A_68 = arith.constant 0 : i32
    %broadcast_in_dim3A_69 = vector.broadcast %broadcast_in_dim3A_68 : i32 to vector<16xi32>
    %swap3A_70 = arith.constant 224 : index
    %swap3A_71 = tpu.vector_load %arg8[%swap3A_70] {strides = array<i32>} : memref<256xi32, #tpu.memory_space<vmem>>, vector<16xi32>,
    tpu.vector_store %arg8[%swap3A_70], %broadcast_in_dim3A_69 {strides = array<i32>} : memref<256xi32, #tpu.memory_space<vmem>>, vector<16xi32>,
    %broadcast_in_dim3A_72 = arith.constant 0 : i32
    %broadcast_in_dim3A_73 = vector.broadcast %broadcast_in_dim3A_72 : i32 to vector<16xi32>
    %swap3A_74 = arith.constant 240 : index
    %swap3A_75 = tpu.vector_load %arg8[%swap3A_74] {strides = array<i32>} : memref<256xi32, #tpu.memory_space<vmem>>, vector<16xi32>,
    tpu.vector_store %arg8[%swap3A_74], %broadcast_in_dim3A_73 {strides = array<i32>} : memref<256xi32, #tpu.memory_space<vmem>>, vector<16xi32>,
    %iota3A = tpu.iota {dimensions = array<i32: 0>} : vector<16xi32>
    %dma_start3A = arith.constant 0 : i32
    %dma_start3A_76 = tpu.memref_slice %arg2[%dma_start3A] : memref<320000xi32, #tpu.memory_space<hbm>> -> memref<6400xi32, #tpu.memory_space<hbm>>
    %dma_start3A_77 = arith.constant 0 : i32
    %dma_start3A_78 = tpu.memref_slice %arg2[%dma_start3A_77] : memref<320000xi32, #tpu.memory_space<hbm>> -> memref<6400xi32, #tpu.memory_space<hbm>>
    tpu.enqueue_dma source(%dma_start3A_78 : memref<6400xi32, #tpu.memory_space<hbm>>) target(%arg6 : memref<6400xi32, #tpu.memory_space<vmem>>) target_semaphore(%arg17 : memref<!tpu.dma_semaphore, #tpu.memory_space<semaphore_mem>>)
    %scan3A_79 = arith.constant 0 : i32
    %scan3A_80 = arith.constant 0 : i32
    %scan3A_81 = arith.constant 25 : i32
    %scan3A_82 = arith.addi %scan3A_80, %scan3A_81 : i32
    %scan3A_83 = arith.constant 1 : i32
    %scan3A_84 = scf.for %scan3A_234 = %scan3A_80 to %scan3A_82 step %scan3A_83 iter_args(%scan3A_235 = %scan3A_79) -> (i32)  : i32 {
      %dma_wait3A_236 = arith.constant 0 : i32
      %dma_wait3A_237 = tpu.memref_slice %arg2[%dma_wait3A_236] : memref<320000xi32, #tpu.memory_space<hbm>> -> memref<6400xi32, #tpu.memory_space<hbm>>
      %dma_wait3A_238 = arith.constant 0 : i32
      %dma_wait3A_239 = tpu.memref_slice %arg2[%dma_wait3A_238] : memref<320000xi32, #tpu.memory_space<hbm>> -> memref<6400xi32, #tpu.memory_space<hbm>>
      tpu.wait_dma2 semaphore(%arg17 : memref<!tpu.dma_semaphore, #tpu.memory_space<semaphore_mem>>) src(%dma_wait3A_239 : memref<6400xi32, #tpu.memory_space<hbm>>) dst(%arg6 : memref<6400xi32, #tpu.memory_space<vmem>>)
      %mul3A_240 = arith.constant 2 : i32
      %mul3A_241 = arith.muli %mul3A_240, %scan3A_234 : i32
      %add3A_242 = arith.constant 1 : i32
      %add3A_243 = arith.addi %mul3A_241, %add3A_242 : i32
      %lt3A = arith.constant 50 : i32
      %lt3A_244 = arith.cmpi slt, %add3A_243, %lt3A : i32
      %convert_element_type3A = arith.extui %lt3A_244 : i1 to i32
      %cond3A = arith.constant 0 : i32
      %cond3A_245 = arith.cmpi ne, %convert_element_type3A, %cond3A : i32
      scf.if %cond3A_245 {
        %mul3A_271 = arith.constant 2 : i32
        %mul3A_272 = arith.muli %mul3A_271, %scan3A_234 : i32
        %add3A_273 = arith.constant 1 : i32
        %add3A_274 = arith.addi %mul3A_272, %add3A_273 : i32
        %mul3A_275 = arith.constant 6400 : i32
        %mul3A_276 = arith.muli %add3A_274, %mul3A_275 : i32
        %dma_start3A_277 = tpu.memref_slice %arg2[%mul3A_276] : memref<320000xi32, #tpu.memory_space<hbm>> -> memref<6400xi32, #tpu.memory_space<hbm>>
        %dma_start3A_278 = tpu.memref_slice %arg2[%mul3A_276] : memref<320000xi32, #tpu.memory_space<hbm>> -> memref<6400xi32, #tpu.memory_space<hbm>>
        tpu.enqueue_dma source(%dma_start3A_278 : memref<6400xi32, #tpu.memory_space<hbm>>) target(%arg7 : memref<6400xi32, #tpu.memory_space<vmem>>) target_semaphore(%arg18 : memref<!tpu.dma_semaphore, #tpu.memory_space<semaphore_mem>>)
      } else {
      }
      %scan3A_246 = arith.constant 0 : i32
      %scan3A_247 = arith.constant 50 : i32
      %scan3A_248 = arith.addi %scan3A_246, %scan3A_247 : i32
      %scan3A_249 = arith.constant 1 : i32
      %scan3A_250 = scf.for %scan3A_271 = %scan3A_246 to %scan3A_248 step %scan3A_249 iter_args(%scan3A_272 = %scan3A_235) -> (i32)  : i32 {
        %mul3A_273 = arith.constant 128 : i32
        %mul3A_274 = arith.muli %scan3A_271, %mul3A_273 : i32
        %add3A_275 = arith.constant 0 : i32
        %add3A_276 = arith.addi %mul3A_274, %add3A_275 : i32
        %get3A_277 = arith.index_cast %add3A_276 : i32 to index
        %get3A_278 = tpu.vector_load %arg6[%get3A_277] {strides = array<i32>} : memref<6400xi32, #tpu.memory_space<vmem>>, vector<16xi32>,
        %mul3A_279 = arith.constant 128 : i32
        %mul3A_280 = arith.muli %scan3A_271, %mul3A_279 : i32
        %add3A_281 = arith.constant 16 : i32
        %add3A_282 = arith.addi %mul3A_280, %add3A_281 : i32
        %get3A_283 = arith.index_cast %add3A_282 : i32 to index
        %get3A_284 = tpu.vector_load %arg6[%get3A_283] {strides = array<i32>} : memref<6400xi32, #tpu.memory_space<vmem>>, vector<16xi32>,
        %mul3A_285 = arith.constant 128 : i32
        %mul3A_286 = arith.muli %scan3A_271, %mul3A_285 : i32
        %add3A_287 = arith.constant 32 : i32
        %add3A_288 = arith.addi %mul3A_286, %add3A_287 : i32
        %get3A_289 = arith.index_cast %add3A_288 : i32 to index
        %get3A_290 = tpu.vector_load %arg6[%get3A_289] {strides = array<i32>} : memref<6400xi32, #tpu.memory_space<vmem>>, vector<16xi32>,
        %mul3A_291 = arith.constant 128 : i32
        %mul3A_292 = arith.muli %scan3A_271, %mul3A_291 : i32
        %add3A_293 = arith.constant 48 : i32
        %add3A_294 = arith.addi %mul3A_292, %add3A_293 : i32
        %get3A_295 = arith.index_cast %add3A_294 : i32 to index
        %get3A_296 = tpu.vector_load %arg6[%get3A_295] {strides = array<i32>} : memref<6400xi32, #tpu.memory_space<vmem>>, vector<16xi32>,
        %mul3A_297 = arith.constant 128 : i32
        %mul3A_298 = arith.muli %scan3A_271, %mul3A_297 : i32
        %add3A_299 = arith.constant 64 : i32
        %add3A_300 = arith.addi %mul3A_298, %add3A_299 : i32
        %get3A_301 = arith.index_cast %add3A_300 : i32 to index
        %get3A_302 = tpu.vector_load %arg6[%get3A_301] {strides = array<i32>} : memref<6400xi32, #tpu.memory_space<vmem>>, vector<16xi32>,
        %mul3A_303 = arith.constant 128 : i32
        %mul3A_304 = arith.muli %scan3A_271, %mul3A_303 : i32
        %add3A_305 = arith.constant 80 : i32
        %add3A_306 = arith.addi %mul3A_304, %add3A_305 : i32
        %get3A_307 = arith.index_cast %add3A_306 : i32 to index
        %get3A_308 = tpu.vector_load %arg6[%get3A_307] {strides = array<i32>} : memref<6400xi32, #tpu.memory_space<vmem>>, vector<16xi32>,
        %mul3A_309 = arith.constant 128 : i32
        %mul3A_310 = arith.muli %scan3A_271, %mul3A_309 : i32
        %add3A_311 = arith.constant 96 : i32
        %add3A_312 = arith.addi %mul3A_310, %add3A_311 : i32
        %get3A_313 = arith.index_cast %add3A_312 : i32 to index
        %get3A_314 = tpu.vector_load %arg6[%get3A_313] {strides = array<i32>} : memref<6400xi32, #tpu.memory_space<vmem>>, vector<16xi32>,
        %mul3A_315 = arith.constant 128 : i32
        %mul3A_316 = arith.muli %scan3A_271, %mul3A_315 : i32
        %add3A_317 = arith.constant 112 : i32
        %add3A_318 = arith.addi %mul3A_316, %add3A_317 : i32
        %get3A_319 = arith.index_cast %add3A_318 : i32 to index
        %get3A_320 = tpu.vector_load %arg6[%get3A_319] {strides = array<i32>} : memref<6400xi32, #tpu.memory_space<vmem>>, vector<16xi32>,
        %ge3A = vector.broadcast %mul3A_4 : i32 to vector<16xi32>
        %ge3A_321 = arith.cmpi sge, %get3A_278, %ge3A : vector<16xi32>
        %lt3A_322 = vector.broadcast %mul3A_8 : i32 to vector<16xi32>
        %lt3A_323 = arith.cmpi slt, %get3A_278, %lt3A_322 : vector<16xi32>
        %and3A_324 = arith.andi %ge3A_321, %lt3A_323 : vector<16xi1>
        %ge3A_325 = vector.broadcast %mul3A_4 : i32 to vector<16xi32>
        %ge3A_326 = arith.cmpi sge, %get3A_284, %ge3A_325 : vector<16xi32>
        %lt3A_327 = vector.broadcast %mul3A_8 : i32 to vector<16xi32>
        %lt3A_328 = arith.cmpi slt, %get3A_284, %lt3A_327 : vector<16xi32>
        %and3A_329 = arith.andi %ge3A_326, %lt3A_328 : vector<16xi1>
        %ge3A_330 = vector.broadcast %mul3A_4 : i32 to vector<16xi32>
        %ge3A_331 = arith.cmpi sge, %get3A_290, %ge3A_330 : vector<16xi32>
        %lt3A_332 = vector.broadcast %mul3A_8 : i32 to vector<16xi32>
        %lt3A_333 = arith.cmpi slt, %get3A_290, %lt3A_332 : vector<16xi32>
        %and3A_334 = arith.andi %ge3A_331, %lt3A_333 : vector<16xi1>
        %ge3A_335 = vector.broadcast %mul3A_4 : i32 to vector<16xi32>
        %ge3A_336 = arith.cmpi sge, %get3A_296, %ge3A_335 : vector<16xi32>
        %lt3A_337 = vector.broadcast %mul3A_8 : i32 to vector<16xi32>
        %lt3A_338 = arith.cmpi slt, %get3A_296, %lt3A_337 : vector<16xi32>
        %and3A_339 = arith.andi %ge3A_336, %lt3A_338 : vector<16xi1>
        %ge3A_340 = vector.broadcast %mul3A_4 : i32 to vector<16xi32>
        %ge3A_341 = arith.cmpi sge, %get3A_302, %ge3A_340 : vector<16xi32>
        %lt3A_342 = vector.broadcast %mul3A_8 : i32 to vector<16xi32>
        %lt3A_343 = arith.cmpi slt, %get3A_302, %lt3A_342 : vector<16xi32>
        %and3A_344 = arith.andi %ge3A_341, %lt3A_343 : vector<16xi1>
        %ge3A_345 = vector.broadcast %mul3A_4 : i32 to vector<16xi32>
        %ge3A_346 = arith.cmpi sge, %get3A_308, %ge3A_345 : vector<16xi32>
        %lt3A_347 = vector.broadcast %mul3A_8 : i32 to vector<16xi32>
        %lt3A_348 = arith.cmpi slt, %get3A_308, %lt3A_347 : vector<16xi32>
        %and3A_349 = arith.andi %ge3A_346, %lt3A_348 : vector<16xi1>
        %ge3A_350 = vector.broadcast %mul3A_4 : i32 to vector<16xi32>
        %ge3A_351 = arith.cmpi sge, %get3A_314, %ge3A_350 : vector<16xi32>
        %lt3A_352 = vector.broadcast %mul3A_8 : i32 to vector<16xi32>
        %lt3A_353 = arith.cmpi slt, %get3A_314, %lt3A_352 : vector<16xi32>
        %and3A_354 = arith.andi %ge3A_351, %lt3A_353 : vector<16xi1>
        %ge3A_355 = vector.broadcast %mul3A_4 : i32 to vector<16xi32>
        %ge3A_356 = arith.cmpi sge, %get3A_320, %ge3A_355 : vector<16xi32>
        %lt3A_357 = vector.broadcast %mul3A_8 : i32 to vector<16xi32>
        %lt3A_358 = arith.cmpi slt, %get3A_320, %lt3A_357 : vector<16xi32>
        %and3A_359 = arith.andi %ge3A_356, %lt3A_358 : vector<16xi1>
        %convert_element_type3A_360 = arith.extui %and3A_324 : vector<16xi1> to vector<16xi32>
        %cumsum3A = arith.constant true
        %cumsum3A_361 = vector.broadcast %cumsum3A : i1 to vector<16xi1>
        %cumsum3A_362 = tpu.scan <sum>, %convert_element_type3A_360 masked %cumsum3A_361 : vector<16xi32>, vector<16xi1> -> vector<16xi32>
        %convert_element_type3A_363 = arith.extui %and3A_329 : vector<16xi1> to vector<16xi32>
        %cumsum3A_364 = arith.constant true
        %cumsum3A_365 = vector.broadcast %cumsum3A_364 : i1 to vector<16xi1>
        %cumsum3A_366 = tpu.scan <sum>, %convert_element_type3A_363 masked %cumsum3A_365 : vector<16xi32>, vector<16xi1> -> vector<16xi32>
        %convert_element_type3A_367 = arith.extui %and3A_334 : vector<16xi1> to vector<16xi32>
        %cumsum3A_368 = arith.constant true
        %cumsum3A_369 = vector.broadcast %cumsum3A_368 : i1 to vector<16xi1>
        %cumsum3A_370 = tpu.scan <sum>, %convert_element_type3A_367 masked %cumsum3A_369 : vector<16xi32>, vector<16xi1> -> vector<16xi32>
        %convert_element_type3A_371 = arith.extui %and3A_339 : vector<16xi1> to vector<16xi32>
        %cumsum3A_372 = arith.constant true
        %cumsum3A_373 = vector.broadcast %cumsum3A_372 : i1 to vector<16xi1>
        %cumsum3A_374 = tpu.scan <sum>, %convert_element_type3A_371 masked %cumsum3A_373 : vector<16xi32>, vector<16xi1> -> vector<16xi32>
        %convert_element_type3A_375 = arith.extui %and3A_344 : vector<16xi1> to vector<16xi32>
        %cumsum3A_376 = arith.constant true
        %cumsum3A_377 = vector.broadcast %cumsum3A_376 : i1 to vector<16xi1>
        %cumsum3A_378 = tpu.scan <sum>, %convert_element_type3A_375 masked %cumsum3A_377 : vector<16xi32>, vector<16xi1> -> vector<16xi32>
        %convert_element_type3A_379 = arith.extui %and3A_349 : vector<16xi1> to vector<16xi32>
        %cumsum3A_380 = arith.constant true
        %cumsum3A_381 = vector.broadcast %cumsum3A_380 : i1 to vector<16xi1>
        %cumsum3A_382 = tpu.scan <sum>, %convert_element_type3A_379 masked %cumsum3A_381 : vector<16xi32>, vector<16xi1> -> vector<16xi32>
        %convert_element_type3A_383 = arith.extui %and3A_354 : vector<16xi1> to vector<16xi32>
        %cumsum3A_384 = arith.constant true
        %cumsum3A_385 = vector.broadcast %cumsum3A_384 : i1 to vector<16xi1>
        %cumsum3A_386 = tpu.scan <sum>, %convert_element_type3A_383 masked %cumsum3A_385 : vector<16xi32>, vector<16xi1> -> vector<16xi32>
        %convert_element_type3A_387 = arith.extui %and3A_359 : vector<16xi1> to vector<16xi32>
        %cumsum3A_388 = arith.constant true
        %cumsum3A_389 = vector.broadcast %cumsum3A_388 : i1 to vector<16xi1>
        %cumsum3A_390 = tpu.scan <sum>, %convert_element_type3A_387 masked %cumsum3A_389 : vector<16xi32>, vector<16xi1> -> vector<16xi32>
        %add3A_391 = vector.broadcast %scan3A_272 : i32 to vector<16xi32>
        %add3A_392 = arith.addi %add3A_391, %cumsum3A_362 : vector<16xi32>
        %sub3A = arith.constant 1 : i32
        %sub3A_393 = vector.broadcast %sub3A : i32 to vector<16xi32>
        %sub3A_394 = arith.subi %add3A_392, %sub3A_393 : vector<16xi32>
        tpu.vector_store_idx %arg8[%sub3A_394], %get3A_278 masked %and3A_324 : memref<256xi32, #tpu.memory_space<vmem>>[vector<16xi32>], vector<16xi32>, vector<16xi1>
        %slice3A = vector.extract_strided_slice %cumsum3A_362 {offsets = [15], sizes = [1], strides = [1]} : vector<16xi32> to vector<1xi32>
        %squeeze3A = vector.extract %slice3A[0] : i32 from vector<1xi32>
        %add3A_395 = arith.addi %scan3A_272, %squeeze3A : i32
        %add3A_396 = vector.broadcast %add3A_395 : i32 to vector<16xi32>
        %add3A_397 = arith.addi %add3A_396, %cumsum3A_366 : vector<16xi32>
        %sub3A_398 = arith.constant 1 : i32
        %sub3A_399 = vector.broadcast %sub3A_398 : i32 to vector<16xi32>
        %sub3A_400 = arith.subi %add3A_397, %sub3A_399 : vector<16xi32>
        tpu.vector_store_idx %arg8[%sub3A_400], %get3A_284 masked %and3A_329 : memref<256xi32, #tpu.memory_space<vmem>>[vector<16xi32>], vector<16xi32>, vector<16xi1>
        %slice3A_401 = vector.extract_strided_slice %cumsum3A_366 {offsets = [15], sizes = [1], strides = [1]} : vector<16xi32> to vector<1xi32>
        %squeeze3A_402 = vector.extract %slice3A_401[0] : i32 from vector<1xi32>
        %add3A_403 = arith.addi %add3A_395, %squeeze3A_402 : i32
        %add3A_404 = vector.broadcast %add3A_403 : i32 to vector<16xi32>
        %add3A_405 = arith.addi %add3A_404, %cumsum3A_370 : vector<16xi32>
        %sub3A_406 = arith.constant 1 : i32
        %sub3A_407 = vector.broadcast %sub3A_406 : i32 to vector<16xi32>
        %sub3A_408 = arith.subi %add3A_405, %sub3A_407 : vector<16xi32>
        tpu.vector_store_idx %arg8[%sub3A_408], %get3A_290 masked %and3A_334 : memref<256xi32, #tpu.memory_space<vmem>>[vector<16xi32>], vector<16xi32>, vector<16xi1>
        %slice3A_409 = vector.extract_strided_slice %cumsum3A_370 {offsets = [15], sizes = [1], strides = [1]} : vector<16xi32> to vector<1xi32>
        %squeeze3A_410 = vector.extract %slice3A_409[0] : i32 from vector<1xi32>
        %add3A_411 = arith.addi %add3A_403, %squeeze3A_410 : i32
        %add3A_412 = vector.broadcast %add3A_411 : i32 to vector<16xi32>
        %add3A_413 = arith.addi %add3A_412, %cumsum3A_374 : vector<16xi32>
        %sub3A_414 = arith.constant 1 : i32
        %sub3A_415 = vector.broadcast %sub3A_414 : i32 to vector<16xi32>
        %sub3A_416 = arith.subi %add3A_413, %sub3A_415 : vector<16xi32>
        tpu.vector_store_idx %arg8[%sub3A_416], %get3A_296 masked %and3A_339 : memref<256xi32, #tpu.memory_space<vmem>>[vector<16xi32>], vector<16xi32>, vector<16xi1>
        %slice3A_417 = vector.extract_strided_slice %cumsum3A_374 {offsets = [15], sizes = [1], strides = [1]} : vector<16xi32> to vector<1xi32>
        %squeeze3A_418 = vector.extract %slice3A_417[0] : i32 from vector<1xi32>
        %add3A_419 = arith.addi %add3A_411, %squeeze3A_418 : i32
        %add3A_420 = vector.broadcast %add3A_419 : i32 to vector<16xi32>
        %add3A_421 = arith.addi %add3A_420, %cumsum3A_378 : vector<16xi32>
        %sub3A_422 = arith.constant 1 : i32
        %sub3A_423 = vector.broadcast %sub3A_422 : i32 to vector<16xi32>
        %sub3A_424 = arith.subi %add3A_421, %sub3A_423 : vector<16xi32>
        tpu.vector_store_idx %arg8[%sub3A_424], %get3A_302 masked %and3A_344 : memref<256xi32, #tpu.memory_space<vmem>>[vector<16xi32>], vector<16xi32>, vector<16xi1>
        %slice3A_425 = vector.extract_strided_slice %cumsum3A_378 {offsets = [15], sizes = [1], strides = [1]} : vector<16xi32> to vector<1xi32>
        %squeeze3A_426 = vector.extract %slice3A_425[0] : i32 from vector<1xi32>
        %add3A_427 = arith.addi %add3A_419, %squeeze3A_426 : i32
        %add3A_428 = vector.broadcast %add3A_427 : i32 to vector<16xi32>
        %add3A_429 = arith.addi %add3A_428, %cumsum3A_382 : vector<16xi32>
        %sub3A_430 = arith.constant 1 : i32
        %sub3A_431 = vector.broadcast %sub3A_430 : i32 to vector<16xi32>
        %sub3A_432 = arith.subi %add3A_429, %sub3A_431 : vector<16xi32>
        tpu.vector_store_idx %arg8[%sub3A_432], %get3A_308 masked %and3A_349 : memref<256xi32, #tpu.memory_space<vmem>>[vector<16xi32>], vector<16xi32>, vector<16xi1>
        %slice3A_433 = vector.extract_strided_slice %cumsum3A_382 {offsets = [15], sizes = [1], strides = [1]} : vector<16xi32> to vector<1xi32>
        %squeeze3A_434 = vector.extract %slice3A_433[0] : i32 from vector<1xi32>
        %add3A_435 = arith.addi %add3A_427, %squeeze3A_434 : i32
        %add3A_436 = vector.broadcast %add3A_435 : i32 to vector<16xi32>
        %add3A_437 = arith.addi %add3A_436, %cumsum3A_386 : vector<16xi32>
        %sub3A_438 = arith.constant 1 : i32
        %sub3A_439 = vector.broadcast %sub3A_438 : i32 to vector<16xi32>
        %sub3A_440 = arith.subi %add3A_437, %sub3A_439 : vector<16xi32>
        tpu.vector_store_idx %arg8[%sub3A_440], %get3A_314 masked %and3A_354 : memref<256xi32, #tpu.memory_space<vmem>>[vector<16xi32>], vector<16xi32>, vector<16xi1>
        %slice3A_441 = vector.extract_strided_slice %cumsum3A_386 {offsets = [15], sizes = [1], strides = [1]} : vector<16xi32> to vector<1xi32>
        %squeeze3A_442 = vector.extract %slice3A_441[0] : i32 from vector<1xi32>
        %add3A_443 = arith.addi %add3A_435, %squeeze3A_442 : i32
        %add3A_444 = vector.broadcast %add3A_443 : i32 to vector<16xi32>
        %add3A_445 = arith.addi %add3A_444, %cumsum3A_390 : vector<16xi32>
        %sub3A_446 = arith.constant 1 : i32
        %sub3A_447 = vector.broadcast %sub3A_446 : i32 to vector<16xi32>
        %sub3A_448 = arith.subi %add3A_445, %sub3A_447 : vector<16xi32>
        tpu.vector_store_idx %arg8[%sub3A_448], %get3A_320 masked %and3A_359 : memref<256xi32, #tpu.memory_space<vmem>>[vector<16xi32>], vector<16xi32>, vector<16xi1>
        %slice3A_449 = vector.extract_strided_slice %cumsum3A_390 {offsets = [15], sizes = [1], strides = [1]} : vector<16xi32> to vector<1xi32>
        %squeeze3A_450 = vector.extract %slice3A_449[0] : i32 from vector<1xi32>
        %add3A_451 = arith.addi %add3A_443, %squeeze3A_450 : i32
        %ge3A_452 = arith.constant 128 : i32
        %ge3A_453 = arith.cmpi sge, %add3A_451, %ge3A_452 : i32
        %convert_element_type3A_454 = arith.extui %ge3A_453 : i1 to i32
        %cond3A_455 = arith.constant 0 : i32
        %cond3A_456 = arith.cmpi ne, %convert_element_type3A_454, %cond3A_455 : i32
        %cond3A_457 = scf.if %cond3A_456 -> (i32) {
          %get3A_458 = arith.constant 0 : index
          %get3A_459 = tpu.vector_load %arg8[%get3A_458] {strides = array<i32>} : memref<256xi32, #tpu.memory_space<vmem>>, vector<16xi32>,
          %and3A_460 = arith.constant 16383 : i32
          %and3A_461 = vector.broadcast %and3A_460 : i32 to vector<16xi32>
          %and3A_462 = arith.andi %get3A_459, %and3A_461 : vector<16xi32>
          %swap3A_463 = arith.constant 0 : index
          %swap3A_464 = tpu.vector_load %arg9[%swap3A_463] {strides = array<i32>} : memref<64xi32, #tpu.memory_space<vmem>>, vector<16xi32>,
          tpu.vector_store %arg9[%swap3A_463], %and3A_462 {strides = array<i32>} : memref<64xi32, #tpu.memory_space<vmem>>, vector<16xi32>,
          %get3A_465 = arith.constant 64 : index
          %get3A_466 = tpu.vector_load %arg8[%get3A_465] {strides = array<i32>} : memref<256xi32, #tpu.memory_space<vmem>>, vector<16xi32>,
          %and3A_467 = arith.constant 16383 : i32
          %and3A_468 = vector.broadcast %and3A_467 : i32 to vector<16xi32>
          %and3A_469 = arith.andi %get3A_466, %and3A_468 : vector<16xi32>
          %swap3A_470 = arith.constant 0 : index
          %swap3A_471 = tpu.vector_load %arg10[%swap3A_470] {strides = array<i32>} : memref<64xi32, #tpu.memory_space<vmem>>, vector<16xi32>,
          tpu.vector_store %arg10[%swap3A_470], %and3A_469 {strides = array<i32>} : memref<64xi32, #tpu.memory_space<vmem>>, vector<16xi32>,
          %get3A_472 = arith.constant 16 : index
          %get3A_473 = tpu.vector_load %arg8[%get3A_472] {strides = array<i32>} : memref<256xi32, #tpu.memory_space<vmem>>, vector<16xi32>,
          %and3A_474 = arith.constant 16383 : i32
          %and3A_475 = vector.broadcast %and3A_474 : i32 to vector<16xi32>
          %and3A_476 = arith.andi %get3A_473, %and3A_475 : vector<16xi32>
          %swap3A_477 = arith.constant 16 : index
          %swap3A_478 = tpu.vector_load %arg9[%swap3A_477] {strides = array<i32>} : memref<64xi32, #tpu.memory_space<vmem>>, vector<16xi32>,
          tpu.vector_store %arg9[%swap3A_477], %and3A_476 {strides = array<i32>} : memref<64xi32, #tpu.memory_space<vmem>>, vector<16xi32>,
          %get3A_479 = arith.constant 80 : index
          %get3A_480 = tpu.vector_load %arg8[%get3A_479] {strides = array<i32>} : memref<256xi32, #tpu.memory_space<vmem>>, vector<16xi32>,
          %and3A_481 = arith.constant 16383 : i32
          %and3A_482 = vector.broadcast %and3A_481 : i32 to vector<16xi32>
          %and3A_483 = arith.andi %get3A_480, %and3A_482 : vector<16xi32>
          %swap3A_484 = arith.constant 16 : index
          %swap3A_485 = tpu.vector_load %arg10[%swap3A_484] {strides = array<i32>} : memref<64xi32, #tpu.memory_space<vmem>>, vector<16xi32>,
          tpu.vector_store %arg10[%swap3A_484], %and3A_483 {strides = array<i32>} : memref<64xi32, #tpu.memory_space<vmem>>, vector<16xi32>,
          %get3A_486 = arith.constant 32 : index
          %get3A_487 = tpu.vector_load %arg8[%get3A_486] {strides = array<i32>} : memref<256xi32, #tpu.memory_space<vmem>>, vector<16xi32>,
          %and3A_488 = arith.constant 16383 : i32
          %and3A_489 = vector.broadcast %and3A_488 : i32 to vector<16xi32>
          %and3A_490 = arith.andi %get3A_487, %and3A_489 : vector<16xi32>
          %swap3A_491 = arith.constant 32 : index
          %swap3A_492 = tpu.vector_load %arg9[%swap3A_491] {strides = array<i32>} : memref<64xi32, #tpu.memory_space<vmem>>, vector<16xi32>,
          tpu.vector_store %arg9[%swap3A_491], %and3A_490 {strides = array<i32>} : memref<64xi32, #tpu.memory_space<vmem>>, vector<16xi32>,
          %get3A_493 = arith.constant 96 : index
          %get3A_494 = tpu.vector_load %arg8[%get3A_493] {strides = array<i32>} : memref<256xi32, #tpu.memory_space<vmem>>, vector<16xi32>,
          %and3A_495 = arith.constant 16383 : i32
          %and3A_496 = vector.broadcast %and3A_495 : i32 to vector<16xi32>
          %and3A_497 = arith.andi %get3A_494, %and3A_496 : vector<16xi32>
          %swap3A_498 = arith.constant 32 : index
          %swap3A_499 = tpu.vector_load %arg10[%swap3A_498] {strides = array<i32>} : memref<64xi32, #tpu.memory_space<vmem>>, vector<16xi32>,
          tpu.vector_store %arg10[%swap3A_498], %and3A_497 {strides = array<i32>} : memref<64xi32, #tpu.memory_space<vmem>>, vector<16xi32>,
          %get3A_500 = arith.constant 48 : index
          %get3A_501 = tpu.vector_load %arg8[%get3A_500] {strides = array<i32>} : memref<256xi32, #tpu.memory_space<vmem>>, vector<16xi32>,
          %and3A_502 = arith.constant 16383 : i32
          %and3A_503 = vector.broadcast %and3A_502 : i32 to vector<16xi32>
          %and3A_504 = arith.andi %get3A_501, %and3A_503 : vector<16xi32>
          %swap3A_505 = arith.constant 48 : index
          %swap3A_506 = tpu.vector_load %arg9[%swap3A_505] {strides = array<i32>} : memref<64xi32, #tpu.memory_space<vmem>>, vector<16xi32>,
          tpu.vector_store %arg9[%swap3A_505], %and3A_504 {strides = array<i32>} : memref<64xi32, #tpu.memory_space<vmem>>, vector<16xi32>,
          %get3A_507 = arith.constant 112 : index
          %get3A_508 = tpu.vector_load %arg8[%get3A_507] {strides = array<i32>} : memref<256xi32, #tpu.memory_space<vmem>>, vector<16xi32>,
          %and3A_509 = arith.constant 16383 : i32
          %and3A_510 = vector.broadcast %and3A_509 : i32 to vector<16xi32>
          %and3A_511 = arith.andi %get3A_508, %and3A_510 : vector<16xi32>
          %swap3A_512 = arith.constant 48 : index
          %swap3A_513 = tpu.vector_load %arg10[%swap3A_512] {strides = array<i32>} : memref<64xi32, #tpu.memory_space<vmem>>, vector<16xi32>,
          tpu.vector_store %arg10[%swap3A_512], %and3A_511 {strides = array<i32>} : memref<64xi32, #tpu.memory_space<vmem>>, vector<16xi32>,
          %dma_start3A_514 = arith.constant 0 : i32
          %dma_start3A_515 = arith.constant 0 : i32
          %dma_start3A_516 = tpu.memref_slice %arg11[%dma_start3A_514, %dma_start3A_515] : memref<128x128xf32, #tpu.memory_space<vmem>> -> memref<64x128xf32, #tpu.memory_space<vmem>>
          %dma_start3A_517 = arith.constant 0 : i32
          %dma_start3A_518 = arith.constant 0 : i32
          %dma_start3A_519 = tpu.memref_slice %arg3[%dma_start3A_517, %dma_start3A_518] : memref<10240x128xf32, #tpu.memory_space<hbm>> -> memref<10240x128xf32, #tpu.memory_space<hbm>>
          tpu.enqueue_indirect_dma source(%dma_start3A_519 : memref<10240x128xf32, #tpu.memory_space<hbm>>) target(%dma_start3A_516 : memref<64x128xf32, #tpu.memory_space<vmem>>) offsets(%arg9 : memref<64xi32, #tpu.memory_space<vmem>>) semaphore(%arg15 : memref<!tpu.dma_semaphore, #tpu.memory_space<semaphore_mem>>)
          %dma_start3A_520 = arith.constant 64 : i32
          %dma_start3A_521 = arith.constant 0 : i32
          %dma_start3A_522 = tpu.memref_slice %arg11[%dma_start3A_520, %dma_start3A_521] : memref<128x128xf32, #tpu.memory_space<vmem>> -> memref<64x128xf32, #tpu.memory_space<vmem>>
          %dma_start3A_523 = arith.constant 0 : i32
          %dma_start3A_524 = arith.constant 0 : i32
          %dma_start3A_525 = tpu.memref_slice %arg3[%dma_start3A_523, %dma_start3A_524] : memref<10240x128xf32, #tpu.memory_space<hbm>> -> memref<10240x128xf32, #tpu.memory_space<hbm>>
          tpu.enqueue_indirect_dma source(%dma_start3A_525 : memref<10240x128xf32, #tpu.memory_space<hbm>>) target(%dma_start3A_522 : memref<64x128xf32, #tpu.memory_space<vmem>>) offsets(%arg10 : memref<64xi32, #tpu.memory_space<vmem>>) semaphore(%arg16 : memref<!tpu.dma_semaphore, #tpu.memory_space<semaphore_mem>>)
          %dma_wait3A_526 = arith.constant 0 : i32
          %dma_wait3A_527 = arith.constant 0 : i32
          %dma_wait3A_528 = tpu.memref_slice %arg11[%dma_wait3A_526, %dma_wait3A_527] : memref<128x128xf32, #tpu.memory_space<vmem>> -> memref<64x128xf32, #tpu.memory_space<vmem>>
          %dma_wait3A_529 = arith.constant 0 : i32
          %dma_wait3A_530 = arith.constant 0 : i32
          %dma_wait3A_531 = tpu.memref_slice %arg3[%dma_wait3A_529, %dma_wait3A_530] : memref<10240x128xf32, #tpu.memory_space<hbm>> -> memref<10240x128xf32, #tpu.memory_space<hbm>>
          tpu.wait_indirect_dma semaphore(%arg15 : memref<!tpu.dma_semaphore, #tpu.memory_space<semaphore_mem>>) src(%dma_wait3A_531 : memref<10240x128xf32, #tpu.memory_space<hbm>>) dst(%dma_wait3A_528 : memref<64x128xf32, #tpu.memory_space<vmem>>)
          %min3A_532 = arith.constant 128 : i32
          %min3A_533 = arith.constant 64 : i32
          %min3A_534 = arith.minsi %min3A_532, %min3A_533 : i32
          %while3A_535 = arith.constant 0 : i32
          %while3A_536 = arith.constant 0 : i32
          %while3A_537 = arith.subi %min3A_534, %while3A_536 : i32
          %while3A_538 = arith.addi %while3A_536, %while3A_537 : i32
          %while3A_539 = arith.constant 1 : i32
          %while3A_540 = arith.divsi %while3A_537, %while3A_539 : i32
          %while3A_541 = arith.muli %while3A_540, %while3A_539 : i32
          %while3A_542 = arith.addi %while3A_536, %while3A_541 : i32
          %while3A_543 = arith.constant 1 : i32
          scf.for %while3A_598 = %while3A_536 to %while3A_542 step %while3A_543  : i32 {
            %broadcast_in_dim3A_599 = vector.broadcast %while3A_598 : i32 to vector<16xi32>
            %gather3A = tpu.vector_load_idx %arg8[%broadcast_in_dim3A_599] : memref<256xi32, #tpu.memory_space<vmem>>[vector<16xi32>], vector<16xi32>,
            %shift_right_logical3A = arith.constant 14 : i32
            %shift_right_logical3A_600 = vector.broadcast %shift_right_logical3A : i32 to vector<16xi32>
            %shift_right_logical3A_601 = arith.shrui %gather3A, %shift_right_logical3A_600 : vector<16xi32>
            %sub3A_602 = vector.broadcast %mul3A_2 : i32 to vector<16xi32>
            %sub3A_603 = arith.subi %shift_right_logical3A_601, %sub3A_602 : vector<16xi32>
            %mul3A_604 = arith.constant 128 : i32
            %mul3A_605 = vector.broadcast %mul3A_604 : i32 to vector<16xi32>
            %mul3A_606 = arith.muli %sub3A_603, %mul3A_605 : vector<16xi32>
            %add3A_607 = arith.constant 0 : i32
            %add3A_608 = vector.broadcast %add3A_607 : i32 to vector<16xi32>
            %add3A_609 = arith.addi %mul3A_606, %add3A_608 : vector<16xi32>
            %add3A_610 = arith.addi %add3A_609, %iota3A : vector<16xi32>
            %gather3A_611 = tpu.vector_load_idx %arg12[%add3A_610] : memref<40960xf32, #tpu.memory_space<vmem>>[vector<16xi32>], vector<16xf32>,
            %get3A_612 = arith.index_cast %while3A_598 : i32 to index
            %get3A_613 = arith.constant 0 : index
            %get3A_614 = tpu.vector_load %arg11[%get3A_612, %get3A_613] {strides = array<i32>} : memref<128x128xf32, #tpu.memory_space<vmem>>, vector<16xf32>,
            %max3A_615 = arith.maximumf %gather3A_611, %get3A_614 : vector<16xf32>
            tpu.vector_store_idx %arg12[%add3A_610], %max3A_615 : memref<40960xf32, #tpu.memory_space<vmem>>[vector<16xi32>], vector<16xf32>,
            %add3A_616 = arith.constant 16 : i32
            %add3A_617 = vector.broadcast %add3A_616 : i32 to vector<16xi32>
            %add3A_618 = arith.addi %mul3A_606, %add3A_617 : vector<16xi32>
            %add3A_619 = arith.addi %add3A_618, %iota3A : vector<16xi32>
            %gather3A_620 = tpu.vector_load_idx %arg12[%add3A_619] : memref<40960xf32, #tpu.memory_space<vmem>>[vector<16xi32>], vector<16xf32>,
            %get3A_621 = arith.index_cast %while3A_598 : i32 to index
            %get3A_622 = arith.constant 16 : index
            %get3A_623 = tpu.vector_load %arg11[%get3A_621, %get3A_622] {strides = array<i32>} : memref<128x128xf32, #tpu.memory_space<vmem>>, vector<16xf32>,
            %max3A_624 = arith.maximumf %gather3A_620, %get3A_623 : vector<16xf32>
            tpu.vector_store_idx %arg12[%add3A_619], %max3A_624 : memref<40960xf32, #tpu.memory_space<vmem>>[vector<16xi32>], vector<16xf32>,
            %add3A_625 = arith.constant 32 : i32
            %add3A_626 = vector.broadcast %add3A_625 : i32 to vector<16xi32>
            %add3A_627 = arith.addi %mul3A_606, %add3A_626 : vector<16xi32>
            %add3A_628 = arith.addi %add3A_627, %iota3A : vector<16xi32>
            %gather3A_629 = tpu.vector_load_idx %arg12[%add3A_628] : memref<40960xf32, #tpu.memory_space<vmem>>[vector<16xi32>], vector<16xf32>,
            %get3A_630 = arith.index_cast %while3A_598 : i32 to index
            %get3A_631 = arith.constant 32 : index
            %get3A_632 = tpu.vector_load %arg11[%get3A_630, %get3A_631] {strides = array<i32>} : memref<128x128xf32, #tpu.memory_space<vmem>>, vector<16xf32>,
            %max3A_633 = arith.maximumf %gather3A_629, %get3A_632 : vector<16xf32>
            tpu.vector_store_idx %arg12[%add3A_628], %max3A_633 : memref<40960xf32, #tpu.memory_space<vmem>>[vector<16xi32>], vector<16xf32>,
            %add3A_634 = arith.constant 48 : i32
            %add3A_635 = vector.broadcast %add3A_634 : i32 to vector<16xi32>
            %add3A_636 = arith.addi %mul3A_606, %add3A_635 : vector<16xi32>
            %add3A_637 = arith.addi %add3A_636, %iota3A : vector<16xi32>
            %gather3A_638 = tpu.vector_load_idx %arg12[%add3A_637] : memref<40960xf32, #tpu.memory_space<vmem>>[vector<16xi32>], vector<16xf32>,
            %get3A_639 = arith.index_cast %while3A_598 : i32 to index
            %get3A_640 = arith.constant 48 : index
            %get3A_641 = tpu.vector_load %arg11[%get3A_639, %get3A_640] {strides = array<i32>} : memref<128x128xf32, #tpu.memory_space<vmem>>, vector<16xf32>,
            %max3A_642 = arith.maximumf %gather3A_638, %get3A_641 : vector<16xf32>
            tpu.vector_store_idx %arg12[%add3A_637], %max3A_642 : memref<40960xf32, #tpu.memory_space<vmem>>[vector<16xi32>], vector<16xf32>,
            %add3A_643 = arith.constant 64 : i32
            %add3A_644 = vector.broadcast %add3A_643 : i32 to vector<16xi32>
            %add3A_645 = arith.addi %mul3A_606, %add3A_644 : vector<16xi32>
            %add3A_646 = arith.addi %add3A_645, %iota3A : vector<16xi32>
            %gather3A_647 = tpu.vector_load_idx %arg12[%add3A_646] : memref<40960xf32, #tpu.memory_space<vmem>>[vector<16xi32>], vector<16xf32>,
            %get3A_648 = arith.index_cast %while3A_598 : i32 to index
            %get3A_649 = arith.constant 64 : index
            %get3A_650 = tpu.vector_load %arg11[%get3A_648, %get3A_649] {strides = array<i32>} : memref<128x128xf32, #tpu.memory_space<vmem>>, vector<16xf32>,
            %max3A_651 = arith.maximumf %gather3A_647, %get3A_650 : vector<16xf32>
            tpu.vector_store_idx %arg12[%add3A_646], %max3A_651 : memref<40960xf32, #tpu.memory_space<vmem>>[vector<16xi32>], vector<16xf32>,
            %add3A_652 = arith.constant 80 : i32
            %add3A_653 = vector.broadcast %add3A_652 : i32 to vector<16xi32>
            %add3A_654 = arith.addi %mul3A_606, %add3A_653 : vector<16xi32>
            %add3A_655 = arith.addi %add3A_654, %iota3A : vector<16xi32>
            %gather3A_656 = tpu.vector_load_idx %arg12[%add3A_655] : memref<40960xf32, #tpu.memory_space<vmem>>[vector<16xi32>], vector<16xf32>,
            %get3A_657 = arith.index_cast %while3A_598 : i32 to index
            %get3A_658 = arith.constant 80 : index
            %get3A_659 = tpu.vector_load %arg11[%get3A_657, %get3A_658] {strides = array<i32>} : memref<128x128xf32, #tpu.memory_space<vmem>>, vector<16xf32>,
            %max3A_660 = arith.maximumf %gather3A_656, %get3A_659 : vector<16xf32>
            tpu.vector_store_idx %arg12[%add3A_655], %max3A_660 : memref<40960xf32, #tpu.memory_space<vmem>>[vector<16xi32>], vector<16xf32>,
            %add3A_661 = arith.constant 96 : i32
            %add3A_662 = vector.broadcast %add3A_661 : i32 to vector<16xi32>
            %add3A_663 = arith.addi %mul3A_606, %add3A_662 : vector<16xi32>
            %add3A_664 = arith.addi %add3A_663, %iota3A : vector<16xi32>
            %gather3A_665 = tpu.vector_load_idx %arg12[%add3A_664] : memref<40960xf32, #tpu.memory_space<vmem>>[vector<16xi32>], vector<16xf32>,
            %get3A_666 = arith.index_cast %while3A_598 : i32 to index
            %get3A_667 = arith.constant 96 : index
            %get3A_668 = tpu.vector_load %arg11[%get3A_666, %get3A_667] {strides = array<i32>} : memref<128x128xf32, #tpu.memory_space<vmem>>, vector<16xf32>,
            %max3A_669 = arith.maximumf %gather3A_665, %get3A_668 : vector<16xf32>
            tpu.vector_store_idx %arg12[%add3A_664], %max3A_669 : memref<40960xf32, #tpu.memory_space<vmem>>[vector<16xi32>], vector<16xf32>,
            %add3A_670 = arith.constant 112 : i32
            %add3A_671 = vector.broadcast %add3A_670 : i32 to vector<16xi32>
            %add3A_672 = arith.addi %mul3A_606, %add3A_671 : vector<16xi32>
            %add3A_673 = arith.addi %add3A_672, %iota3A : vector<16xi32>
            %gather3A_674 = tpu.vector_load_idx %arg12[%add3A_673] : memref<40960xf32, #tpu.memory_space<vmem>>[vector<16xi32>], vector<16xf32>,
            %get3A_675 = arith.index_cast %while3A_598 : i32 to index
            %get3A_676 = arith.constant 112 : index
            %get3A_677 = tpu.vector_load %arg11[%get3A_675, %get3A_676] {strides = array<i32>} : memref<128x128xf32, #tpu.memory_space<vmem>>, vector<16xf32>,
            %max3A_678 = arith.maximumf %gather3A_674, %get3A_677 : vector<16xf32>
            tpu.vector_store_idx %arg12[%add3A_673], %max3A_678 : memref<40960xf32, #tpu.memory_space<vmem>>[vector<16xi32>], vector<16xf32>,
          }
          %while3A_544 = arith.constant 1 : i32
          scf.for %while3A_598 = %while3A_542 to %while3A_538 step %while3A_544  : i32 {
            %broadcast_in_dim3A_599 = vector.broadcast %while3A_598 : i32 to vector<16xi32>
            %gather3A = tpu.vector_load_idx %arg8[%broadcast_in_dim3A_599] : memref<256xi32, #tpu.memory_space<vmem>>[vector<16xi32>], vector<16xi32>,
            %shift_right_logical3A = arith.constant 14 : i32
            %shift_right_logical3A_600 = vector.broadcast %shift_right_logical3A : i32 to vector<16xi32>
            %shift_right_logical3A_601 = arith.shrui %gather3A, %shift_right_logical3A_600 : vector<16xi32>
            %sub3A_602 = vector.broadcast %mul3A_2 : i32 to vector<16xi32>
            %sub3A_603 = arith.subi %shift_right_logical3A_601, %sub3A_602 : vector<16xi32>
            %mul3A_604 = arith.constant 128 : i32
            %mul3A_605 = vector.broadcast %mul3A_604 : i32 to vector<16xi32>
            %mul3A_606 = arith.muli %sub3A_603, %mul3A_605 : vector<16xi32>
            %add3A_607 = arith.constant 0 : i32
            %add3A_608 = vector.broadcast %add3A_607 : i32 to vector<16xi32>
            %add3A_609 = arith.addi %mul3A_606, %add3A_608 : vector<16xi32>
            %add3A_610 = arith.addi %add3A_609, %iota3A : vector<16xi32>
            %gather3A_611 = tpu.vector_load_idx %arg12[%add3A_610] : memref<40960xf32, #tpu.memory_space<vmem>>[vector<16xi32>], vector<16xf32>,
            %get3A_612 = arith.index_cast %while3A_598 : i32 to index
            %get3A_613 = arith.constant 0 : index
            %get3A_614 = tpu.vector_load %arg11[%get3A_612, %get3A_613] {strides = array<i32>} : memref<128x128xf32, #tpu.memory_space<vmem>>, vector<16xf32>,
            %max3A_615 = arith.maximumf %gather3A_611, %get3A_614 : vector<16xf32>
            tpu.vector_store_idx %arg12[%add3A_610], %max3A_615 : memref<40960xf32, #tpu.memory_space<vmem>>[vector<16xi32>], vector<16xf32>,
            %add3A_616 = arith.constant 16 : i32
            %add3A_617 = vector.broadcast %add3A_616 : i32 to vector<16xi32>
            %add3A_618 = arith.addi %mul3A_606, %add3A_617 : vector<16xi32>
            %add3A_619 = arith.addi %add3A_618, %iota3A : vector<16xi32>
            %gather3A_620 = tpu.vector_load_idx %arg12[%add3A_619] : memref<40960xf32, #tpu.memory_space<vmem>>[vector<16xi32>], vector<16xf32>,
            %get3A_621 = arith.index_cast %while3A_598 : i32 to index
            %get3A_622 = arith.constant 16 : index
            %get3A_623 = tpu.vector_load %arg11[%get3A_621, %get3A_622] {strides = array<i32>} : memref<128x128xf32, #tpu.memory_space<vmem>>, vector<16xf32>,
            %max3A_624 = arith.maximumf %gather3A_620, %get3A_623 : vector<16xf32>
            tpu.vector_store_idx %arg12[%add3A_619], %max3A_624 : memref<40960xf32, #tpu.memory_space<vmem>>[vector<16xi32>], vector<16xf32>,
            %add3A_625 = arith.constant 32 : i32
            %add3A_626 = vector.broadcast %add3A_625 : i32 to vector<16xi32>
            %add3A_627 = arith.addi %mul3A_606, %add3A_626 : vector<16xi32>
            %add3A_628 = arith.addi %add3A_627, %iota3A : vector<16xi32>
            %gather3A_629 = tpu.vector_load_idx %arg12[%add3A_628] : memref<40960xf32, #tpu.memory_space<vmem>>[vector<16xi32>], vector<16xf32>,
            %get3A_630 = arith.index_cast %while3A_598 : i32 to index
            %get3A_631 = arith.constant 32 : index
            %get3A_632 = tpu.vector_load %arg11[%get3A_630, %get3A_631] {strides = array<i32>} : memref<128x128xf32, #tpu.memory_space<vmem>>, vector<16xf32>,
            %max3A_633 = arith.maximumf %gather3A_629, %get3A_632 : vector<16xf32>
            tpu.vector_store_idx %arg12[%add3A_628], %max3A_633 : memref<40960xf32, #tpu.memory_space<vmem>>[vector<16xi32>], vector<16xf32>,
            %add3A_634 = arith.constant 48 : i32
            %add3A_635 = vector.broadcast %add3A_634 : i32 to vector<16xi32>
            %add3A_636 = arith.addi %mul3A_606, %add3A_635 : vector<16xi32>
            %add3A_637 = arith.addi %add3A_636, %iota3A : vector<16xi32>
            %gather3A_638 = tpu.vector_load_idx %arg12[%add3A_637] : memref<40960xf32, #tpu.memory_space<vmem>>[vector<16xi32>], vector<16xf32>,
            %get3A_639 = arith.index_cast %while3A_598 : i32 to index
            %get3A_640 = arith.constant 48 : index
            %get3A_641 = tpu.vector_load %arg11[%get3A_639, %get3A_640] {strides = array<i32>} : memref<128x128xf32, #tpu.memory_space<vmem>>, vector<16xf32>,
            %max3A_642 = arith.maximumf %gather3A_638, %get3A_641 : vector<16xf32>
            tpu.vector_store_idx %arg12[%add3A_637], %max3A_642 : memref<40960xf32, #tpu.memory_space<vmem>>[vector<16xi32>], vector<16xf32>,
            %add3A_643 = arith.constant 64 : i32
            %add3A_644 = vector.broadcast %add3A_643 : i32 to vector<16xi32>
            %add3A_645 = arith.addi %mul3A_606, %add3A_644 : vector<16xi32>
            %add3A_646 = arith.addi %add3A_645, %iota3A : vector<16xi32>
            %gather3A_647 = tpu.vector_load_idx %arg12[%add3A_646] : memref<40960xf32, #tpu.memory_space<vmem>>[vector<16xi32>], vector<16xf32>,
            %get3A_648 = arith.index_cast %while3A_598 : i32 to index
            %get3A_649 = arith.constant 64 : index
            %get3A_650 = tpu.vector_load %arg11[%get3A_648, %get3A_649] {strides = array<i32>} : memref<128x128xf32, #tpu.memory_space<vmem>>, vector<16xf32>,
            %max3A_651 = arith.maximumf %gather3A_647, %get3A_650 : vector<16xf32>
            tpu.vector_store_idx %arg12[%add3A_646], %max3A_651 : memref<40960xf32, #tpu.memory_space<vmem>>[vector<16xi32>], vector<16xf32>,
            %add3A_652 = arith.constant 80 : i32
            %add3A_653 = vector.broadcast %add3A_652 : i32 to vector<16xi32>
            %add3A_654 = arith.addi %mul3A_606, %add3A_653 : vector<16xi32>
            %add3A_655 = arith.addi %add3A_654, %iota3A : vector<16xi32>
            %gather3A_656 = tpu.vector_load_idx %arg12[%add3A_655] : memref<40960xf32, #tpu.memory_space<vmem>>[vector<16xi32>], vector<16xf32>,
            %get3A_657 = arith.index_cast %while3A_598 : i32 to index
            %get3A_658 = arith.constant 80 : index
            %get3A_659 = tpu.vector_load %arg11[%get3A_657, %get3A_658] {strides = array<i32>} : memref<128x128xf32, #tpu.memory_space<vmem>>, vector<16xf32>,
            %max3A_660 = arith.maximumf %gather3A_656, %get3A_659 : vector<16xf32>
            tpu.vector_store_idx %arg12[%add3A_655], %max3A_660 : memref<40960xf32, #tpu.memory_space<vmem>>[vector<16xi32>], vector<16xf32>,
            %add3A_661 = arith.constant 96 : i32
            %add3A_662 = vector.broadcast %add3A_661 : i32 to vector<16xi32>
            %add3A_663 = arith.addi %mul3A_606, %add3A_662 : vector<16xi32>
            %add3A_664 = arith.addi %add3A_663, %iota3A : vector<16xi32>
            %gather3A_665 = tpu.vector_load_idx %arg12[%add3A_664] : memref<40960xf32, #tpu.memory_space<vmem>>[vector<16xi32>], vector<16xf32>,
            %get3A_666 = arith.index_cast %while3A_598 : i32 to index
            %get3A_667 = arith.constant 96 : index
            %get3A_668 = tpu.vector_load %arg11[%get3A_666, %get3A_667] {strides = array<i32>} : memref<128x128xf32, #tpu.memory_space<vmem>>, vector<16xf32>,
            %max3A_669 = arith.maximumf %gather3A_665, %get3A_668 : vector<16xf32>
            tpu.vector_store_idx %arg12[%add3A_664], %max3A_669 : memref<40960xf32, #tpu.memory_space<vmem>>[vector<16xi32>], vector<16xf32>,
            %add3A_670 = arith.constant 112 : i32
            %add3A_671 = vector.broadcast %add3A_670 : i32 to vector<16xi32>
            %add3A_672 = arith.addi %mul3A_606, %add3A_671 : vector<16xi32>
            %add3A_673 = arith.addi %add3A_672, %iota3A : vector<16xi32>
            %gather3A_674 = tpu.vector_load_idx %arg12[%add3A_673] : memref<40960xf32, #tpu.memory_space<vmem>>[vector<16xi32>], vector<16xf32>,
            %get3A_675 = arith.index_cast %while3A_598 : i32 to index
            %get3A_676 = arith.constant 112 : index
            %get3A_677 = tpu.vector_load %arg11[%get3A_675, %get3A_676] {strides = array<i32>} : memref<128x128xf32, #tpu.memory_space<vmem>>, vector<16xf32>,
            %max3A_678 = arith.maximumf %gather3A_674, %get3A_677 : vector<16xf32>
            tpu.vector_store_idx %arg12[%add3A_673], %max3A_678 : memref<40960xf32, #tpu.memory_space<vmem>>[vector<16xi32>], vector<16xf32>,
          }
          %dma_wait3A_545 = arith.constant 64 : i32
          %dma_wait3A_546 = arith.constant 0 : i32
          %dma_wait3A_547 = tpu.memref_slice %arg11[%dma_wait3A_545, %dma_wait3A_546] : memref<128x128xf32, #tpu.memory_space<vmem>> -> memref<64x128xf32, #tpu.memory_space<vmem>>
          %dma_wait3A_548 = arith.constant 0 : i32
          %dma_wait3A_549 = arith.constant 0 : i32
          %dma_wait3A_550 = tpu.memref_slice %arg3[%dma_wait3A_548, %dma_wait3A_549] : memref<10240x128xf32, #tpu.memory_space<hbm>> -> memref<10240x128xf32, #tpu.memory_space<hbm>>
          tpu.wait_indirect_dma semaphore(%arg16 : memref<!tpu.dma_semaphore, #tpu.memory_space<semaphore_mem>>) src(%dma_wait3A_550 : memref<10240x128xf32, #tpu.memory_space<hbm>>) dst(%dma_wait3A_547 : memref<64x128xf32, #tpu.memory_space<vmem>>)
          %max3A_551 = arith.constant 128 : i32
          %max3A_552 = arith.constant 64 : i32
          %max3A_553 = arith.maxsi %max3A_551, %max3A_552 : i32
          %while3A_554 = arith.constant 0 : i32
          %while3A_555 = arith.constant 64 : i32
          %while3A_556 = arith.subi %max3A_553, %while3A_555 : i32
          %while3A_557 = arith.addi %while3A_555, %while3A_556 : i32
          %while3A_558 = arith.constant 1 : i32
          %while3A_559 = arith.divsi %while3A_556, %while3A_558 : i32
          %while3A_560 = arith.muli %while3A_559, %while3A_558 : i32
          %while3A_561 = arith.addi %while3A_555, %while3A_560 : i32
          %while3A_562 = arith.constant 1 : i32
          scf.for %while3A_598 = %while3A_555 to %while3A_561 step %while3A_562  : i32 {
            %broadcast_in_dim3A_599 = vector.broadcast %while3A_598 : i32 to vector<16xi32>
            %gather3A = tpu.vector_load_idx %arg8[%broadcast_in_dim3A_599] : memref<256xi32, #tpu.memory_space<vmem>>[vector<16xi32>], vector<16xi32>,
            %shift_right_logical3A = arith.constant 14 : i32
            %shift_right_logical3A_600 = vector.broadcast %shift_right_logical3A : i32 to vector<16xi32>
            %shift_right_logical3A_601 = arith.shrui %gather3A, %shift_right_logical3A_600 : vector<16xi32>
            %sub3A_602 = vector.broadcast %mul3A_2 : i32 to vector<16xi32>
            %sub3A_603 = arith.subi %shift_right_logical3A_601, %sub3A_602 : vector<16xi32>
            %mul3A_604 = arith.constant 128 : i32
            %mul3A_605 = vector.broadcast %mul3A_604 : i32 to vector<16xi32>
            %mul3A_606 = arith.muli %sub3A_603, %mul3A_605 : vector<16xi32>
            %add3A_607 = arith.constant 0 : i32
            %add3A_608 = vector.broadcast %add3A_607 : i32 to vector<16xi32>
            %add3A_609 = arith.addi %mul3A_606, %add3A_608 : vector<16xi32>
            %add3A_610 = arith.addi %add3A_609, %iota3A : vector<16xi32>
            %gather3A_611 = tpu.vector_load_idx %arg12[%add3A_610] : memref<40960xf32, #tpu.memory_space<vmem>>[vector<16xi32>], vector<16xf32>,
            %get3A_612 = arith.index_cast %while3A_598 : i32 to index
            %get3A_613 = arith.constant 0 : index
            %get3A_614 = tpu.vector_load %arg11[%get3A_612, %get3A_613] {strides = array<i32>} : memref<128x128xf32, #tpu.memory_space<vmem>>, vector<16xf32>,
            %max3A_615 = arith.maximumf %gather3A_611, %get3A_614 : vector<16xf32>
            tpu.vector_store_idx %arg12[%add3A_610], %max3A_615 : memref<40960xf32, #tpu.memory_space<vmem>>[vector<16xi32>], vector<16xf32>,
            %add3A_616 = arith.constant 16 : i32
            %add3A_617 = vector.broadcast %add3A_616 : i32 to vector<16xi32>
            %add3A_618 = arith.addi %mul3A_606, %add3A_617 : vector<16xi32>
            %add3A_619 = arith.addi %add3A_618, %iota3A : vector<16xi32>
            %gather3A_620 = tpu.vector_load_idx %arg12[%add3A_619] : memref<40960xf32, #tpu.memory_space<vmem>>[vector<16xi32>], vector<16xf32>,
            %get3A_621 = arith.index_cast %while3A_598 : i32 to index
            %get3A_622 = arith.constant 16 : index
            %get3A_623 = tpu.vector_load %arg11[%get3A_621, %get3A_622] {strides = array<i32>} : memref<128x128xf32, #tpu.memory_space<vmem>>, vector<16xf32>,
            %max3A_624 = arith.maximumf %gather3A_620, %get3A_623 : vector<16xf32>
            tpu.vector_store_idx %arg12[%add3A_619], %max3A_624 : memref<40960xf32, #tpu.memory_space<vmem>>[vector<16xi32>], vector<16xf32>,
            %add3A_625 = arith.constant 32 : i32
            %add3A_626 = vector.broadcast %add3A_625 : i32 to vector<16xi32>
            %add3A_627 = arith.addi %mul3A_606, %add3A_626 : vector<16xi32>
            %add3A_628 = arith.addi %add3A_627, %iota3A : vector<16xi32>
            %gather3A_629 = tpu.vector_load_idx %arg12[%add3A_628] : memref<40960xf32, #tpu.memory_space<vmem>>[vector<16xi32>], vector<16xf32>,
            %get3A_630 = arith.index_cast %while3A_598 : i32 to index
            %get3A_631 = arith.constant 32 : index
            %get3A_632 = tpu.vector_load %arg11[%get3A_630, %get3A_631] {strides = array<i32>} : memref<128x128xf32, #tpu.memory_space<vmem>>, vector<16xf32>,
            %max3A_633 = arith.maximumf %gather3A_629, %get3A_632 : vector<16xf32>
            tpu.vector_store_idx %arg12[%add3A_628], %max3A_633 : memref<40960xf32, #tpu.memory_space<vmem>>[vector<16xi32>], vector<16xf32>,
            %add3A_634 = arith.constant 48 : i32
            %add3A_635 = vector.broadcast %add3A_634 : i32 to vector<16xi32>
            %add3A_636 = arith.addi %mul3A_606, %add3A_635 : vector<16xi32>
            %add3A_637 = arith.addi %add3A_636, %iota3A : vector<16xi32>
            %gather3A_638 = tpu.vector_load_idx %arg12[%add3A_637] : memref<40960xf32, #tpu.memory_space<vmem>>[vector<16xi32>], vector<16xf32>,
            %get3A_639 = arith.index_cast %while3A_598 : i32 to index
            %get3A_640 = arith.constant 48 : index
            %get3A_641 = tpu.vector_load %arg11[%get3A_639, %get3A_640] {strides = array<i32>} : memref<128x128xf32, #tpu.memory_space<vmem>>, vector<16xf32>,
            %max3A_642 = arith.maximumf %gather3A_638, %get3A_641 : vector<16xf32>
            tpu.vector_store_idx %arg12[%add3A_637], %max3A_642 : memref<40960xf32, #tpu.memory_space<vmem>>[vector<16xi32>], vector<16xf32>,
            %add3A_643 = arith.constant 64 : i32
            %add3A_644 = vector.broadcast %add3A_643 : i32 to vector<16xi32>
            %add3A_645 = arith.addi %mul3A_606, %add3A_644 : vector<16xi32>
            %add3A_646 = arith.addi %add3A_645, %iota3A : vector<16xi32>
            %gather3A_647 = tpu.vector_load_idx %arg12[%add3A_646] : memref<40960xf32, #tpu.memory_space<vmem>>[vector<16xi32>], vector<16xf32>,
            %get3A_648 = arith.index_cast %while3A_598 : i32 to index
            %get3A_649 = arith.constant 64 : index
            %get3A_650 = tpu.vector_load %arg11[%get3A_648, %get3A_649] {strides = array<i32>} : memref<128x128xf32, #tpu.memory_space<vmem>>, vector<16xf32>,
            %max3A_651 = arith.maximumf %gather3A_647, %get3A_650 : vector<16xf32>
            tpu.vector_store_idx %arg12[%add3A_646], %max3A_651 : memref<40960xf32, #tpu.memory_space<vmem>>[vector<16xi32>], vector<16xf32>,
            %add3A_652 = arith.constant 80 : i32
            %add3A_653 = vector.broadcast %add3A_652 : i32 to vector<16xi32>
            %add3A_654 = arith.addi %mul3A_606, %add3A_653 : vector<16xi32>
            %add3A_655 = arith.addi %add3A_654, %iota3A : vector<16xi32>
            %gather3A_656 = tpu.vector_load_idx %arg12[%add3A_655] : memref<40960xf32, #tpu.memory_space<vmem>>[vector<16xi32>], vector<16xf32>,
            %get3A_657 = arith.index_cast %while3A_598 : i32 to index
            %get3A_658 = arith.constant 80 : index
            %get3A_659 = tpu.vector_load %arg11[%get3A_657, %get3A_658] {strides = array<i32>} : memref<128x128xf32, #tpu.memory_space<vmem>>, vector<16xf32>,
            %max3A_660 = arith.maximumf %gather3A_656, %get3A_659 : vector<16xf32>
            tpu.vector_store_idx %arg12[%add3A_655], %max3A_660 : memref<40960xf32, #tpu.memory_space<vmem>>[vector<16xi32>], vector<16xf32>,
            %add3A_661 = arith.constant 96 : i32
            %add3A_662 = vector.broadcast %add3A_661 : i32 to vector<16xi32>
            %add3A_663 = arith.addi %mul3A_606, %add3A_662 : vector<16xi32>
            %add3A_664 = arith.addi %add3A_663, %iota3A : vector<16xi32>
            %gather3A_665 = tpu.vector_load_idx %arg12[%add3A_664] : memref<40960xf32, #tpu.memory_space<vmem>>[vector<16xi32>], vector<16xf32>,
            %get3A_666 = arith.index_cast %while3A_598 : i32 to index
            %get3A_667 = arith.constant 96 : index
            %get3A_668 = tpu.vector_load %arg11[%get3A_666, %get3A_667] {strides = array<i32>} : memref<128x128xf32, #tpu.memory_space<vmem>>, vector<16xf32>,
            %max3A_669 = arith.maximumf %gather3A_665, %get3A_668 : vector<16xf32>
            tpu.vector_store_idx %arg12[%add3A_664], %max3A_669 : memref<40960xf32, #tpu.memory_space<vmem>>[vector<16xi32>], vector<16xf32>,
            %add3A_670 = arith.constant 112 : i32
            %add3A_671 = vector.broadcast %add3A_670 : i32 to vector<16xi32>
            %add3A_672 = arith.addi %mul3A_606, %add3A_671 : vector<16xi32>
            %add3A_673 = arith.addi %add3A_672, %iota3A : vector<16xi32>
            %gather3A_674 = tpu.vector_load_idx %arg12[%add3A_673] : memref<40960xf32, #tpu.memory_space<vmem>>[vector<16xi32>], vector<16xf32>,
            %get3A_675 = arith.index_cast %while3A_598 : i32 to index
            %get3A_676 = arith.constant 112 : index
            %get3A_677 = tpu.vector_load %arg11[%get3A_675, %get3A_676] {strides = array<i32>} : memref<128x128xf32, #tpu.memory_space<vmem>>, vector<16xf32>,
            %max3A_678 = arith.maximumf %gather3A_674, %get3A_677 : vector<16xf32>
            tpu.vector_store_idx %arg12[%add3A_673], %max3A_678 : memref<40960xf32, #tpu.memory_space<vmem>>[vector<16xi32>], vector<16xf32>,
          }
          %while3A_563 = arith.constant 1 : i32
          scf.for %while3A_598 = %while3A_561 to %while3A_557 step %while3A_563  : i32 {
            %broadcast_in_dim3A_599 = vector.broadcast %while3A_598 : i32 to vector<16xi32>
            %gather3A = tpu.vector_load_idx %arg8[%broadcast_in_dim3A_599] : memref<256xi32, #tpu.memory_space<vmem>>[vector<16xi32>], vector<16xi32>,
            %shift_right_logical3A = arith.constant 14 : i32
            %shift_right_logical3A_600 = vector.broadcast %shift_right_logical3A : i32 to vector<16xi32>
            %shift_right_logical3A_601 = arith.shrui %gather3A, %shift_right_logical3A_600 : vector<16xi32>
            %sub3A_602 = vector.broadcast %mul3A_2 : i32 to vector<16xi32>
            %sub3A_603 = arith.subi %shift_right_logical3A_601, %sub3A_602 : vector<16xi32>
            %mul3A_604 = arith.constant 128 : i32
            %mul3A_605 = vector.broadcast %mul3A_604 : i32 to vector<16xi32>
            %mul3A_606 = arith.muli %sub3A_603, %mul3A_605 : vector<16xi32>
            %add3A_607 = arith.constant 0 : i32
            %add3A_608 = vector.broadcast %add3A_607 : i32 to vector<16xi32>
            %add3A_609 = arith.addi %mul3A_606, %add3A_608 : vector<16xi32>
            %add3A_610 = arith.addi %add3A_609, %iota3A : vector<16xi32>
            %gather3A_611 = tpu.vector_load_idx %arg12[%add3A_610] : memref<40960xf32, #tpu.memory_space<vmem>>[vector<16xi32>], vector<16xf32>,
            %get3A_612 = arith.index_cast %while3A_598 : i32 to index
            %get3A_613 = arith.constant 0 : index
            %get3A_614 = tpu.vector_load %arg11[%get3A_612, %get3A_613] {strides = array<i32>} : memref<128x128xf32, #tpu.memory_space<vmem>>, vector<16xf32>,
            %max3A_615 = arith.maximumf %gather3A_611, %get3A_614 : vector<16xf32>
            tpu.vector_store_idx %arg12[%add3A_610], %max3A_615 : memref<40960xf32, #tpu.memory_space<vmem>>[vector<16xi32>], vector<16xf32>,
            %add3A_616 = arith.constant 16 : i32
            %add3A_617 = vector.broadcast %add3A_616 : i32 to vector<16xi32>
            %add3A_618 = arith.addi %mul3A_606, %add3A_617 : vector<16xi32>
            %add3A_619 = arith.addi %add3A_618, %iota3A : vector<16xi32>
            %gather3A_620 = tpu.vector_load_idx %arg12[%add3A_619] : memref<40960xf32, #tpu.memory_space<vmem>>[vector<16xi32>], vector<16xf32>,
            %get3A_621 = arith.index_cast %while3A_598 : i32 to index
            %get3A_622 = arith.constant 16 : index
            %get3A_623 = tpu.vector_load %arg11[%get3A_621, %get3A_622] {strides = array<i32>} : memref<128x128xf32, #tpu.memory_space<vmem>>, vector<16xf32>,
            %max3A_624 = arith.maximumf %gather3A_620, %get3A_623 : vector<16xf32>
            tpu.vector_store_idx %arg12[%add3A_619], %max3A_624 : memref<40960xf32, #tpu.memory_space<vmem>>[vector<16xi32>], vector<16xf32>,
            %add3A_625 = arith.constant 32 : i32
            %add3A_626 = vector.broadcast %add3A_625 : i32 to vector<16xi32>
            %add3A_627 = arith.addi %mul3A_606, %add3A_626 : vector<16xi32>
            %add3A_628 = arith.addi %add3A_627, %iota3A : vector<16xi32>
            %gather3A_629 = tpu.vector_load_idx %arg12[%add3A_628] : memref<40960xf32, #tpu.memory_space<vmem>>[vector<16xi32>], vector<16xf32>,
            %get3A_630 = arith.index_cast %while3A_598 : i32 to index
            %get3A_631 = arith.constant 32 : index
            %get3A_632 = tpu.vector_load %arg11[%get3A_630, %get3A_631] {strides = array<i32>} : memref<128x128xf32, #tpu.memory_space<vmem>>, vector<16xf32>,
            %max3A_633 = arith.maximumf %gather3A_629, %get3A_632 : vector<16xf32>
            tpu.vector_store_idx %arg12[%add3A_628], %max3A_633 : memref<40960xf32, #tpu.memory_space<vmem>>[vector<16xi32>], vector<16xf32>,
            %add3A_634 = arith.constant 48 : i32
            %add3A_635 = vector.broadcast %add3A_634 : i32 to vector<16xi32>
            %add3A_636 = arith.addi %mul3A_606, %add3A_635 : vector<16xi32>
            %add3A_637 = arith.addi %add3A_636, %iota3A : vector<16xi32>
            %gather3A_638 = tpu.vector_load_idx %arg12[%add3A_637] : memref<40960xf32, #tpu.memory_space<vmem>>[vector<16xi32>], vector<16xf32>,
            %get3A_639 = arith.index_cast %while3A_598 : i32 to index
            %get3A_640 = arith.constant 48 : index
            %get3A_641 = tpu.vector_load %arg11[%get3A_639, %get3A_640] {strides = array<i32>} : memref<128x128xf32, #tpu.memory_space<vmem>>, vector<16xf32>,
            %max3A_642 = arith.maximumf %gather3A_638, %get3A_641 : vector<16xf32>
            tpu.vector_store_idx %arg12[%add3A_637], %max3A_642 : memref<40960xf32, #tpu.memory_space<vmem>>[vector<16xi32>], vector<16xf32>,
            %add3A_643 = arith.constant 64 : i32
            %add3A_644 = vector.broadcast %add3A_643 : i32 to vector<16xi32>
            %add3A_645 = arith.addi %mul3A_606, %add3A_644 : vector<16xi32>
            %add3A_646 = arith.addi %add3A_645, %iota3A : vector<16xi32>
            %gather3A_647 = tpu.vector_load_idx %arg12[%add3A_646] : memref<40960xf32, #tpu.memory_space<vmem>>[vector<16xi32>], vector<16xf32>,
            %get3A_648 = arith.index_cast %while3A_598 : i32 to index
            %get3A_649 = arith.constant 64 : index
            %get3A_650 = tpu.vector_load %arg11[%get3A_648, %get3A_649] {strides = array<i32>} : memref<128x128xf32, #tpu.memory_space<vmem>>, vector<16xf32>,
            %max3A_651 = arith.maximumf %gather3A_647, %get3A_650 : vector<16xf32>
            tpu.vector_store_idx %arg12[%add3A_646], %max3A_651 : memref<40960xf32, #tpu.memory_space<vmem>>[vector<16xi32>], vector<16xf32>,
            %add3A_652 = arith.constant 80 : i32
            %add3A_653 = vector.broadcast %add3A_652 : i32 to vector<16xi32>
            %add3A_654 = arith.addi %mul3A_606, %add3A_653 : vector<16xi32>
            %add3A_655 = arith.addi %add3A_654, %iota3A : vector<16xi32>
            %gather3A_656 = tpu.vector_load_idx %arg12[%add3A_655] : memref<40960xf32, #tpu.memory_space<vmem>>[vector<16xi32>], vector<16xf32>,
            %get3A_657 = arith.index_cast %while3A_598 : i32 to index
            %get3A_658 = arith.constant 80 : index
            %get3A_659 = tpu.vector_load %arg11[%get3A_657, %get3A_658] {strides = array<i32>} : memref<128x128xf32, #tpu.memory_space<vmem>>, vector<16xf32>,
            %max3A_660 = arith.maximumf %gather3A_656, %get3A_659 : vector<16xf32>
            tpu.vector_store_idx %arg12[%add3A_655], %max3A_660 : memref<40960xf32, #tpu.memory_space<vmem>>[vector<16xi32>], vector<16xf32>,
            %add3A_661 = arith.constant 96 : i32
            %add3A_662 = vector.broadcast %add3A_661 : i32 to vector<16xi32>
            %add3A_663 = arith.addi %mul3A_606, %add3A_662 : vector<16xi32>
            %add3A_664 = arith.addi %add3A_663, %iota3A : vector<16xi32>
            %gather3A_665 = tpu.vector_load_idx %arg12[%add3A_664] : memref<40960xf32, #tpu.memory_space<vmem>>[vector<16xi32>], vector<16xf32>,
            %get3A_666 = arith.index_cast %while3A_598 : i32 to index
            %get3A_667 = arith.constant 96 : index
            %get3A_668 = tpu.vector_load %arg11[%get3A_666, %get3A_667] {strides = array<i32>} : memref<128x128xf32, #tpu.memory_space<vmem>>, vector<16xf32>,
            %max3A_669 = arith.maximumf %gather3A_665, %get3A_668 : vector<16xf32>
            tpu.vector_store_idx %arg12[%add3A_664], %max3A_669 : memref<40960xf32, #tpu.memory_space<vmem>>[vector<16xi32>], vector<16xf32>,
            %add3A_670 = arith.constant 112 : i32
            %add3A_671 = vector.broadcast %add3A_670 : i32 to vector<16xi32>
            %add3A_672 = arith.addi %mul3A_606, %add3A_671 : vector<16xi32>
            %add3A_673 = arith.addi %add3A_672, %iota3A : vector<16xi32>
            %gather3A_674 = tpu.vector_load_idx %arg12[%add3A_673] : memref<40960xf32, #tpu.memory_space<vmem>>[vector<16xi32>], vector<16xf32>,
            %get3A_675 = arith.index_cast %while3A_598 : i32 to index
            %get3A_676 = arith.constant 112 : index
            %get3A_677 = tpu.vector_load %arg11[%get3A_675, %get3A_676] {strides = array<i32>} : memref<128x128xf32, #tpu.memory_space<vmem>>, vector<16xf32>,
            %max3A_678 = arith.maximumf %gather3A_674, %get3A_677 : vector<16xf32>
            tpu.vector_store_idx %arg12[%add3A_673], %max3A_678 : memref<40960xf32, #tpu.memory_space<vmem>>[vector<16xi32>], vector<16xf32>,
          }
          %get3A_564 = arith.constant 128 : index
          %get3A_565 = tpu.vector_load %arg8[%get3A_564] {strides = array<i32>} : memref<256xi32, #tpu.memory_space<vmem>>, vector<16xi32>,
          %swap3A_566 = arith.constant 0 : index
          %swap3A_567 = tpu.vector_load %arg8[%swap3A_566] {strides = array<i32>} : memref<256xi32, #tpu.memory_space<vmem>>, vector<16xi32>,
          tpu.vector_store %arg8[%swap3A_566], %get3A_565 {strides = array<i32>} : memref<256xi32, #tpu.memory_space<vmem>>, vector<16xi32>,
          %get3A_568 = arith.constant 144 : index
          %get3A_569 = tpu.vector_load %arg8[%get3A_568] {strides = array<i32>} : memref<256xi32, #tpu.memory_space<vmem>>, vector<16xi32>,
          %swap3A_570 = arith.constant 16 : index
          %swap3A_571 = tpu.vector_load %arg8[%swap3A_570] {strides = array<i32>} : memref<256xi32, #tpu.memory_space<vmem>>, vector<16xi32>,
          tpu.vector_store %arg8[%swap3A_570], %get3A_569 {strides = array<i32>} : memref<256xi32, #tpu.memory_space<vmem>>, vector<16xi32>,
          %get3A_572 = arith.constant 160 : index
          %get3A_573 = tpu.vector_load %arg8[%get3A_572] {strides = array<i32>} : memref<256xi32, #tpu.memory_space<vmem>>, vector<16xi32>,
          %swap3A_574 = arith.constant 32 : index
          %swap3A_575 = tpu.vector_load %arg8[%swap3A_574] {strides = array<i32>} : memref<256xi32, #tpu.memory_space<vmem>>, vector<16xi32>,
          tpu.vector_store %arg8[%swap3A_574], %get3A_573 {strides = array<i32>} : memref<256xi32, #tpu.memory_space<vmem>>, vector<16xi32>,
          %get3A_576 = arith.constant 176 : index
          %get3A_577 = tpu.vector_load %arg8[%get3A_576] {strides = array<i32>} : memref<256xi32, #tpu.memory_space<vmem>>, vector<16xi32>,
          %swap3A_578 = arith.constant 48 : index
          %swap3A_579 = tpu.vector_load %arg8[%swap3A_578] {strides = array<i32>} : memref<256xi32, #tpu.memory_space<vmem>>, vector<16xi32>,
          tpu.vector_store %arg8[%swap3A_578], %get3A_577 {strides = array<i32>} : memref<256xi32, #tpu.memory_space<vmem>>, vector<16xi32>,
          %get3A_580 = arith.constant 192 : index
          %get3A_581 = tpu.vector_load %arg8[%get3A_580] {strides = array<i32>} : memref<256xi32, #tpu.memory_space<vmem>>, vector<16xi32>,
          %swap3A_582 = arith.constant 64 : index
          %swap3A_583 = tpu.vector_load %arg8[%swap3A_582] {strides = array<i32>} : memref<256xi32, #tpu.memory_space<vmem>>, vector<16xi32>,
          tpu.vector_store %arg8[%swap3A_582], %get3A_581 {strides = array<i32>} : memref<256xi32, #tpu.memory_space<vmem>>, vector<16xi32>,
          %get3A_584 = arith.constant 208 : index
          %get3A_585 = tpu.vector_load %arg8[%get3A_584] {strides = array<i32>} : memref<256xi32, #tpu.memory_space<vmem>>, vector<16xi32>,
          %swap3A_586 = arith.constant 80 : index
          %swap3A_587 = tpu.vector_load %arg8[%swap3A_586] {strides = array<i32>} : memref<256xi32, #tpu.memory_space<vmem>>, vector<16xi32>,
          tpu.vector_store %arg8[%swap3A_586], %get3A_585 {strides = array<i32>} : memref<256xi32, #tpu.memory_space<vmem>>, vector<16xi32>,
          %get3A_588 = arith.constant 224 : index
          %get3A_589 = tpu.vector_load %arg8[%get3A_588] {strides = array<i32>} : memref<256xi32, #tpu.memory_space<vmem>>, vector<16xi32>,
          %swap3A_590 = arith.constant 96 : index
          %swap3A_591 = tpu.vector_load %arg8[%swap3A_590] {strides = array<i32>} : memref<256xi32, #tpu.memory_space<vmem>>, vector<16xi32>,
          tpu.vector_store %arg8[%swap3A_590], %get3A_589 {strides = array<i32>} : memref<256xi32, #tpu.memory_space<vmem>>, vector<16xi32>,
          %get3A_592 = arith.constant 240 : index
          %get3A_593 = tpu.vector_load %arg8[%get3A_592] {strides = array<i32>} : memref<256xi32, #tpu.memory_space<vmem>>, vector<16xi32>,
          %swap3A_594 = arith.constant 112 : index
          %swap3A_595 = tpu.vector_load %arg8[%swap3A_594] {strides = array<i32>} : memref<256xi32, #tpu.memory_space<vmem>>, vector<16xi32>,
          tpu.vector_store %arg8[%swap3A_594], %get3A_593 {strides = array<i32>} : memref<256xi32, #tpu.memory_space<vmem>>, vector<16xi32>,
          %sub3A_596 = arith.constant 128 : i32
          %sub3A_597 = arith.subi %add3A_451, %sub3A_596 : i32
          scf.yield %sub3A_597 : i32
        } else {
          scf.yield %add3A_451 : i32
        }
        scf.yield %cond3A_457 : i32
      }
      %scan3A_251 = arith.constant 50 : i32
      %dma_wait3A_252 = arith.constant 0 : i32
      %dma_wait3A_253 = tpu.memref_slice %arg2[%dma_wait3A_252] : memref<320000xi32, #tpu.memory_space<hbm>> -> memref<6400xi32, #tpu.memory_space<hbm>>
      %dma_wait3A_254 = arith.constant 0 : i32
      %dma_wait3A_255 = tpu.memref_slice %arg2[%dma_wait3A_254] : memref<320000xi32, #tpu.memory_space<hbm>> -> memref<6400xi32, #tpu.memory_space<hbm>>
      tpu.wait_dma2 semaphore(%arg18 : memref<!tpu.dma_semaphore, #tpu.memory_space<semaphore_mem>>) src(%dma_wait3A_255 : memref<6400xi32, #tpu.memory_space<hbm>>) dst(%arg7 : memref<6400xi32, #tpu.memory_space<vmem>>)
      %mul3A_256 = arith.constant 2 : i32
      %mul3A_257 = arith.muli %mul3A_256, %scan3A_234 : i32
      %add3A_258 = arith.constant 2 : i32
      %add3A_259 = arith.addi %mul3A_257, %add3A_258 : i32
      %lt3A_260 = arith.constant 50 : i32
      %lt3A_261 = arith.cmpi slt, %add3A_259, %lt3A_260 : i32
      %convert_element_type3A_262 = arith.extui %lt3A_261 : i1 to i32
      %cond3A_263 = arith.constant 0 : i32
      %cond3A_264 = arith.cmpi ne, %convert_element_type3A_262, %cond3A_263 : i32
      scf.if %cond3A_264 {
        %mul3A_271 = arith.constant 2 : i32
        %mul3A_272 = arith.muli %mul3A_271, %scan3A_234 : i32
        %add3A_273 = arith.constant 2 : i32
        %add3A_274 = arith.addi %mul3A_272, %add3A_273 : i32
        %mul3A_275 = arith.constant 6400 : i32
        %mul3A_276 = arith.muli %add3A_274, %mul3A_275 : i32
        %dma_start3A_277 = tpu.memref_slice %arg2[%mul3A_276] : memref<320000xi32, #tpu.memory_space<hbm>> -> memref<6400xi32, #tpu.memory_space<hbm>>
        %dma_start3A_278 = tpu.memref_slice %arg2[%mul3A_276] : memref<320000xi32, #tpu.memory_space<hbm>> -> memref<6400xi32, #tpu.memory_space<hbm>>
        tpu.enqueue_dma source(%dma_start3A_278 : memref<6400xi32, #tpu.memory_space<hbm>>) target(%arg6 : memref<6400xi32, #tpu.memory_space<vmem>>) target_semaphore(%arg17 : memref<!tpu.dma_semaphore, #tpu.memory_space<semaphore_mem>>)
      } else {
      }
      %scan3A_265 = arith.constant 0 : i32
      %scan3A_266 = arith.constant 50 : i32
      %scan3A_267 = arith.addi %scan3A_265, %scan3A_266 : i32
      %scan3A_268 = arith.constant 1 : i32
      %scan3A_269 = scf.for %scan3A_271 = %scan3A_265 to %scan3A_267 step %scan3A_268 iter_args(%scan3A_272 = %scan3A_250) -> (i32)  : i32 {
        %mul3A_273 = arith.constant 128 : i32
        %mul3A_274 = arith.muli %scan3A_271, %mul3A_273 : i32
        %add3A_275 = arith.constant 0 : i32
        %add3A_276 = arith.addi %mul3A_274, %add3A_275 : i32
        %get3A_277 = arith.index_cast %add3A_276 : i32 to index
        %get3A_278 = tpu.vector_load %arg7[%get3A_277] {strides = array<i32>} : memref<6400xi32, #tpu.memory_space<vmem>>, vector<16xi32>,
        %mul3A_279 = arith.constant 128 : i32
        %mul3A_280 = arith.muli %scan3A_271, %mul3A_279 : i32
        %add3A_281 = arith.constant 16 : i32
        %add3A_282 = arith.addi %mul3A_280, %add3A_281 : i32
        %get3A_283 = arith.index_cast %add3A_282 : i32 to index
        %get3A_284 = tpu.vector_load %arg7[%get3A_283] {strides = array<i32>} : memref<6400xi32, #tpu.memory_space<vmem>>, vector<16xi32>,
        %mul3A_285 = arith.constant 128 : i32
        %mul3A_286 = arith.muli %scan3A_271, %mul3A_285 : i32
        %add3A_287 = arith.constant 32 : i32
        %add3A_288 = arith.addi %mul3A_286, %add3A_287 : i32
        %get3A_289 = arith.index_cast %add3A_288 : i32 to index
        %get3A_290 = tpu.vector_load %arg7[%get3A_289] {strides = array<i32>} : memref<6400xi32, #tpu.memory_space<vmem>>, vector<16xi32>,
        %mul3A_291 = arith.constant 128 : i32
        %mul3A_292 = arith.muli %scan3A_271, %mul3A_291 : i32
        %add3A_293 = arith.constant 48 : i32
        %add3A_294 = arith.addi %mul3A_292, %add3A_293 : i32
        %get3A_295 = arith.index_cast %add3A_294 : i32 to index
        %get3A_296 = tpu.vector_load %arg7[%get3A_295] {strides = array<i32>} : memref<6400xi32, #tpu.memory_space<vmem>>, vector<16xi32>,
        %mul3A_297 = arith.constant 128 : i32
        %mul3A_298 = arith.muli %scan3A_271, %mul3A_297 : i32
        %add3A_299 = arith.constant 64 : i32
        %add3A_300 = arith.addi %mul3A_298, %add3A_299 : i32
        %get3A_301 = arith.index_cast %add3A_300 : i32 to index
        %get3A_302 = tpu.vector_load %arg7[%get3A_301] {strides = array<i32>} : memref<6400xi32, #tpu.memory_space<vmem>>, vector<16xi32>,
        %mul3A_303 = arith.constant 128 : i32
        %mul3A_304 = arith.muli %scan3A_271, %mul3A_303 : i32
        %add3A_305 = arith.constant 80 : i32
        %add3A_306 = arith.addi %mul3A_304, %add3A_305 : i32
        %get3A_307 = arith.index_cast %add3A_306 : i32 to index
        %get3A_308 = tpu.vector_load %arg7[%get3A_307] {strides = array<i32>} : memref<6400xi32, #tpu.memory_space<vmem>>, vector<16xi32>,
        %mul3A_309 = arith.constant 128 : i32
        %mul3A_310 = arith.muli %scan3A_271, %mul3A_309 : i32
        %add3A_311 = arith.constant 96 : i32
        %add3A_312 = arith.addi %mul3A_310, %add3A_311 : i32
        %get3A_313 = arith.index_cast %add3A_312 : i32 to index
        %get3A_314 = tpu.vector_load %arg7[%get3A_313] {strides = array<i32>} : memref<6400xi32, #tpu.memory_space<vmem>>, vector<16xi32>,
        %mul3A_315 = arith.constant 128 : i32
        %mul3A_316 = arith.muli %scan3A_271, %mul3A_315 : i32
        %add3A_317 = arith.constant 112 : i32
        %add3A_318 = arith.addi %mul3A_316, %add3A_317 : i32
        %get3A_319 = arith.index_cast %add3A_318 : i32 to index
        %get3A_320 = tpu.vector_load %arg7[%get3A_319] {strides = array<i32>} : memref<6400xi32, #tpu.memory_space<vmem>>, vector<16xi32>,
        %ge3A = vector.broadcast %mul3A_4 : i32 to vector<16xi32>
        %ge3A_321 = arith.cmpi sge, %get3A_278, %ge3A : vector<16xi32>
        %lt3A_322 = vector.broadcast %mul3A_8 : i32 to vector<16xi32>
        %lt3A_323 = arith.cmpi slt, %get3A_278, %lt3A_322 : vector<16xi32>
        %and3A_324 = arith.andi %ge3A_321, %lt3A_323 : vector<16xi1>
        %ge3A_325 = vector.broadcast %mul3A_4 : i32 to vector<16xi32>
        %ge3A_326 = arith.cmpi sge, %get3A_284, %ge3A_325 : vector<16xi32>
        %lt3A_327 = vector.broadcast %mul3A_8 : i32 to vector<16xi32>
        %lt3A_328 = arith.cmpi slt, %get3A_284, %lt3A_327 : vector<16xi32>
        %and3A_329 = arith.andi %ge3A_326, %lt3A_328 : vector<16xi1>
        %ge3A_330 = vector.broadcast %mul3A_4 : i32 to vector<16xi32>
        %ge3A_331 = arith.cmpi sge, %get3A_290, %ge3A_330 : vector<16xi32>
        %lt3A_332 = vector.broadcast %mul3A_8 : i32 to vector<16xi32>
        %lt3A_333 = arith.cmpi slt, %get3A_290, %lt3A_332 : vector<16xi32>
        %and3A_334 = arith.andi %ge3A_331, %lt3A_333 : vector<16xi1>
        %ge3A_335 = vector.broadcast %mul3A_4 : i32 to vector<16xi32>
        %ge3A_336 = arith.cmpi sge, %get3A_296, %ge3A_335 : vector<16xi32>
        %lt3A_337 = vector.broadcast %mul3A_8 : i32 to vector<16xi32>
        %lt3A_338 = arith.cmpi slt, %get3A_296, %lt3A_337 : vector<16xi32>
        %and3A_339 = arith.andi %ge3A_336, %lt3A_338 : vector<16xi1>
        %ge3A_340 = vector.broadcast %mul3A_4 : i32 to vector<16xi32>
        %ge3A_341 = arith.cmpi sge, %get3A_302, %ge3A_340 : vector<16xi32>
        %lt3A_342 = vector.broadcast %mul3A_8 : i32 to vector<16xi32>
        %lt3A_343 = arith.cmpi slt, %get3A_302, %lt3A_342 : vector<16xi32>
        %and3A_344 = arith.andi %ge3A_341, %lt3A_343 : vector<16xi1>
        %ge3A_345 = vector.broadcast %mul3A_4 : i32 to vector<16xi32>
        %ge3A_346 = arith.cmpi sge, %get3A_308, %ge3A_345 : vector<16xi32>
        %lt3A_347 = vector.broadcast %mul3A_8 : i32 to vector<16xi32>
        %lt3A_348 = arith.cmpi slt, %get3A_308, %lt3A_347 : vector<16xi32>
        %and3A_349 = arith.andi %ge3A_346, %lt3A_348 : vector<16xi1>
        %ge3A_350 = vector.broadcast %mul3A_4 : i32 to vector<16xi32>
        %ge3A_351 = arith.cmpi sge, %get3A_314, %ge3A_350 : vector<16xi32>
        %lt3A_352 = vector.broadcast %mul3A_8 : i32 to vector<16xi32>
        %lt3A_353 = arith.cmpi slt, %get3A_314, %lt3A_352 : vector<16xi32>
        %and3A_354 = arith.andi %ge3A_351, %lt3A_353 : vector<16xi1>
        %ge3A_355 = vector.broadcast %mul3A_4 : i32 to vector<16xi32>
        %ge3A_356 = arith.cmpi sge, %get3A_320, %ge3A_355 : vector<16xi32>
        %lt3A_357 = vector.broadcast %mul3A_8 : i32 to vector<16xi32>
        %lt3A_358 = arith.cmpi slt, %get3A_320, %lt3A_357 : vector<16xi32>
        %and3A_359 = arith.andi %ge3A_356, %lt3A_358 : vector<16xi1>
        %convert_element_type3A_360 = arith.extui %and3A_324 : vector<16xi1> to vector<16xi32>
        %cumsum3A = arith.constant true
        %cumsum3A_361 = vector.broadcast %cumsum3A : i1 to vector<16xi1>
        %cumsum3A_362 = tpu.scan <sum>, %convert_element_type3A_360 masked %cumsum3A_361 : vector<16xi32>, vector<16xi1> -> vector<16xi32>
        %convert_element_type3A_363 = arith.extui %and3A_329 : vector<16xi1> to vector<16xi32>
        %cumsum3A_364 = arith.constant true
        %cumsum3A_365 = vector.broadcast %cumsum3A_364 : i1 to vector<16xi1>
        %cumsum3A_366 = tpu.scan <sum>, %convert_element_type3A_363 masked %cumsum3A_365 : vector<16xi32>, vector<16xi1> -> vector<16xi32>
        %convert_element_type3A_367 = arith.extui %and3A_334 : vector<16xi1> to vector<16xi32>
        %cumsum3A_368 = arith.constant true
        %cumsum3A_369 = vector.broadcast %cumsum3A_368 : i1 to vector<16xi1>
        %cumsum3A_370 = tpu.scan <sum>, %convert_element_type3A_367 masked %cumsum3A_369 : vector<16xi32>, vector<16xi1> -> vector<16xi32>
        %convert_element_type3A_371 = arith.extui %and3A_339 : vector<16xi1> to vector<16xi32>
        %cumsum3A_372 = arith.constant true
        %cumsum3A_373 = vector.broadcast %cumsum3A_372 : i1 to vector<16xi1>
        %cumsum3A_374 = tpu.scan <sum>, %convert_element_type3A_371 masked %cumsum3A_373 : vector<16xi32>, vector<16xi1> -> vector<16xi32>
        %convert_element_type3A_375 = arith.extui %and3A_344 : vector<16xi1> to vector<16xi32>
        %cumsum3A_376 = arith.constant true
        %cumsum3A_377 = vector.broadcast %cumsum3A_376 : i1 to vector<16xi1>
        %cumsum3A_378 = tpu.scan <sum>, %convert_element_type3A_375 masked %cumsum3A_377 : vector<16xi32>, vector<16xi1> -> vector<16xi32>
        %convert_element_type3A_379 = arith.extui %and3A_349 : vector<16xi1> to vector<16xi32>
        %cumsum3A_380 = arith.constant true
        %cumsum3A_381 = vector.broadcast %cumsum3A_380 : i1 to vector<16xi1>
        %cumsum3A_382 = tpu.scan <sum>, %convert_element_type3A_379 masked %cumsum3A_381 : vector<16xi32>, vector<16xi1> -> vector<16xi32>
        %convert_element_type3A_383 = arith.extui %and3A_354 : vector<16xi1> to vector<16xi32>
        %cumsum3A_384 = arith.constant true
        %cumsum3A_385 = vector.broadcast %cumsum3A_384 : i1 to vector<16xi1>
        %cumsum3A_386 = tpu.scan <sum>, %convert_element_type3A_383 masked %cumsum3A_385 : vector<16xi32>, vector<16xi1> -> vector<16xi32>
        %convert_element_type3A_387 = arith.extui %and3A_359 : vector<16xi1> to vector<16xi32>
        %cumsum3A_388 = arith.constant true
        %cumsum3A_389 = vector.broadcast %cumsum3A_388 : i1 to vector<16xi1>
        %cumsum3A_390 = tpu.scan <sum>, %convert_element_type3A_387 masked %cumsum3A_389 : vector<16xi32>, vector<16xi1> -> vector<16xi32>
        %add3A_391 = vector.broadcast %scan3A_272 : i32 to vector<16xi32>
        %add3A_392 = arith.addi %add3A_391, %cumsum3A_362 : vector<16xi32>
        %sub3A = arith.constant 1 : i32
        %sub3A_393 = vector.broadcast %sub3A : i32 to vector<16xi32>
        %sub3A_394 = arith.subi %add3A_392, %sub3A_393 : vector<16xi32>
        tpu.vector_store_idx %arg8[%sub3A_394], %get3A_278 masked %and3A_324 : memref<256xi32, #tpu.memory_space<vmem>>[vector<16xi32>], vector<16xi32>, vector<16xi1>
        %slice3A = vector.extract_strided_slice %cumsum3A_362 {offsets = [15], sizes = [1], strides = [1]} : vector<16xi32> to vector<1xi32>
        %squeeze3A = vector.extract %slice3A[0] : i32 from vector<1xi32>
        %add3A_395 = arith.addi %scan3A_272, %squeeze3A : i32
        %add3A_396 = vector.broadcast %add3A_395 : i32 to vector<16xi32>
        %add3A_397 = arith.addi %add3A_396, %cumsum3A_366 : vector<16xi32>
        %sub3A_398 = arith.constant 1 : i32
        %sub3A_399 = vector.broadcast %sub3A_398 : i32 to vector<16xi32>
        %sub3A_400 = arith.subi %add3A_397, %sub3A_399 : vector<16xi32>
        tpu.vector_store_idx %arg8[%sub3A_400], %get3A_284 masked %and3A_329 : memref<256xi32, #tpu.memory_space<vmem>>[vector<16xi32>], vector<16xi32>, vector<16xi1>
        %slice3A_401 = vector.extract_strided_slice %cumsum3A_366 {offsets = [15], sizes = [1], strides = [1]} : vector<16xi32> to vector<1xi32>
        %squeeze3A_402 = vector.extract %slice3A_401[0] : i32 from vector<1xi32>
        %add3A_403 = arith.addi %add3A_395, %squeeze3A_402 : i32
        %add3A_404 = vector.broadcast %add3A_403 : i32 to vector<16xi32>
        %add3A_405 = arith.addi %add3A_404, %cumsum3A_370 : vector<16xi32>
        %sub3A_406 = arith.constant 1 : i32
        %sub3A_407 = vector.broadcast %sub3A_406 : i32 to vector<16xi32>
        %sub3A_408 = arith.subi %add3A_405, %sub3A_407 : vector<16xi32>
        tpu.vector_store_idx %arg8[%sub3A_408], %get3A_290 masked %and3A_334 : memref<256xi32, #tpu.memory_space<vmem>>[vector<16xi32>], vector<16xi32>, vector<16xi1>
        %slice3A_409 = vector.extract_strided_slice %cumsum3A_370 {offsets = [15], sizes = [1], strides = [1]} : vector<16xi32> to vector<1xi32>
        %squeeze3A_410 = vector.extract %slice3A_409[0] : i32 from vector<1xi32>
        %add3A_411 = arith.addi %add3A_403, %squeeze3A_410 : i32
        %add3A_412 = vector.broadcast %add3A_411 : i32 to vector<16xi32>
        %add3A_413 = arith.addi %add3A_412, %cumsum3A_374 : vector<16xi32>
        %sub3A_414 = arith.constant 1 : i32
        %sub3A_415 = vector.broadcast %sub3A_414 : i32 to vector<16xi32>
        %sub3A_416 = arith.subi %add3A_413, %sub3A_415 : vector<16xi32>
        tpu.vector_store_idx %arg8[%sub3A_416], %get3A_296 masked %and3A_339 : memref<256xi32, #tpu.memory_space<vmem>>[vector<16xi32>], vector<16xi32>, vector<16xi1>
        %slice3A_417 = vector.extract_strided_slice %cumsum3A_374 {offsets = [15], sizes = [1], strides = [1]} : vector<16xi32> to vector<1xi32>
        %squeeze3A_418 = vector.extract %slice3A_417[0] : i32 from vector<1xi32>
        %add3A_419 = arith.addi %add3A_411, %squeeze3A_418 : i32
        %add3A_420 = vector.broadcast %add3A_419 : i32 to vector<16xi32>
        %add3A_421 = arith.addi %add3A_420, %cumsum3A_378 : vector<16xi32>
        %sub3A_422 = arith.constant 1 : i32
        %sub3A_423 = vector.broadcast %sub3A_422 : i32 to vector<16xi32>
        %sub3A_424 = arith.subi %add3A_421, %sub3A_423 : vector<16xi32>
        tpu.vector_store_idx %arg8[%sub3A_424], %get3A_302 masked %and3A_344 : memref<256xi32, #tpu.memory_space<vmem>>[vector<16xi32>], vector<16xi32>, vector<16xi1>
        %slice3A_425 = vector.extract_strided_slice %cumsum3A_378 {offsets = [15], sizes = [1], strides = [1]} : vector<16xi32> to vector<1xi32>
        %squeeze3A_426 = vector.extract %slice3A_425[0] : i32 from vector<1xi32>
        %add3A_427 = arith.addi %add3A_419, %squeeze3A_426 : i32
        %add3A_428 = vector.broadcast %add3A_427 : i32 to vector<16xi32>
        %add3A_429 = arith.addi %add3A_428, %cumsum3A_382 : vector<16xi32>
        %sub3A_430 = arith.constant 1 : i32
        %sub3A_431 = vector.broadcast %sub3A_430 : i32 to vector<16xi32>
        %sub3A_432 = arith.subi %add3A_429, %sub3A_431 : vector<16xi32>
        tpu.vector_store_idx %arg8[%sub3A_432], %get3A_308 masked %and3A_349 : memref<256xi32, #tpu.memory_space<vmem>>[vector<16xi32>], vector<16xi32>, vector<16xi1>
        %slice3A_433 = vector.extract_strided_slice %cumsum3A_382 {offsets = [15], sizes = [1], strides = [1]} : vector<16xi32> to vector<1xi32>
        %squeeze3A_434 = vector.extract %slice3A_433[0] : i32 from vector<1xi32>
        %add3A_435 = arith.addi %add3A_427, %squeeze3A_434 : i32
        %add3A_436 = vector.broadcast %add3A_435 : i32 to vector<16xi32>
        %add3A_437 = arith.addi %add3A_436, %cumsum3A_386 : vector<16xi32>
        %sub3A_438 = arith.constant 1 : i32
        %sub3A_439 = vector.broadcast %sub3A_438 : i32 to vector<16xi32>
        %sub3A_440 = arith.subi %add3A_437, %sub3A_439 : vector<16xi32>
        tpu.vector_store_idx %arg8[%sub3A_440], %get3A_314 masked %and3A_354 : memref<256xi32, #tpu.memory_space<vmem>>[vector<16xi32>], vector<16xi32>, vector<16xi1>
        %slice3A_441 = vector.extract_strided_slice %cumsum3A_386 {offsets = [15], sizes = [1], strides = [1]} : vector<16xi32> to vector<1xi32>
        %squeeze3A_442 = vector.extract %slice3A_441[0] : i32 from vector<1xi32>
        %add3A_443 = arith.addi %add3A_435, %squeeze3A_442 : i32
        %add3A_444 = vector.broadcast %add3A_443 : i32 to vector<16xi32>
        %add3A_445 = arith.addi %add3A_444, %cumsum3A_390 : vector<16xi32>
        %sub3A_446 = arith.constant 1 : i32
        %sub3A_447 = vector.broadcast %sub3A_446 : i32 to vector<16xi32>
        %sub3A_448 = arith.subi %add3A_445, %sub3A_447 : vector<16xi32>
        tpu.vector_store_idx %arg8[%sub3A_448], %get3A_320 masked %and3A_359 : memref<256xi32, #tpu.memory_space<vmem>>[vector<16xi32>], vector<16xi32>, vector<16xi1>
        %slice3A_449 = vector.extract_strided_slice %cumsum3A_390 {offsets = [15], sizes = [1], strides = [1]} : vector<16xi32> to vector<1xi32>
        %squeeze3A_450 = vector.extract %slice3A_449[0] : i32 from vector<1xi32>
        %add3A_451 = arith.addi %add3A_443, %squeeze3A_450 : i32
        %ge3A_452 = arith.constant 128 : i32
        %ge3A_453 = arith.cmpi sge, %add3A_451, %ge3A_452 : i32
        %convert_element_type3A_454 = arith.extui %ge3A_453 : i1 to i32
        %cond3A_455 = arith.constant 0 : i32
        %cond3A_456 = arith.cmpi ne, %convert_element_type3A_454, %cond3A_455 : i32
        %cond3A_457 = scf.if %cond3A_456 -> (i32) {
          %get3A_458 = arith.constant 0 : index
          %get3A_459 = tpu.vector_load %arg8[%get3A_458] {strides = array<i32>} : memref<256xi32, #tpu.memory_space<vmem>>, vector<16xi32>,
          %and3A_460 = arith.constant 16383 : i32
          %and3A_461 = vector.broadcast %and3A_460 : i32 to vector<16xi32>
          %and3A_462 = arith.andi %get3A_459, %and3A_461 : vector<16xi32>
          %swap3A_463 = arith.constant 0 : index
          %swap3A_464 = tpu.vector_load %arg9[%swap3A_463] {strides = array<i32>} : memref<64xi32, #tpu.memory_space<vmem>>, vector<16xi32>,
          tpu.vector_store %arg9[%swap3A_463], %and3A_462 {strides = array<i32>} : memref<64xi32, #tpu.memory_space<vmem>>, vector<16xi32>,
          %get3A_465 = arith.constant 64 : index
          %get3A_466 = tpu.vector_load %arg8[%get3A_465] {strides = array<i32>} : memref<256xi32, #tpu.memory_space<vmem>>, vector<16xi32>,
          %and3A_467 = arith.constant 16383 : i32
          %and3A_468 = vector.broadcast %and3A_467 : i32 to vector<16xi32>
          %and3A_469 = arith.andi %get3A_466, %and3A_468 : vector<16xi32>
          %swap3A_470 = arith.constant 0 : index
          %swap3A_471 = tpu.vector_load %arg10[%swap3A_470] {strides = array<i32>} : memref<64xi32, #tpu.memory_space<vmem>>, vector<16xi32>,
          tpu.vector_store %arg10[%swap3A_470], %and3A_469 {strides = array<i32>} : memref<64xi32, #tpu.memory_space<vmem>>, vector<16xi32>,
          %get3A_472 = arith.constant 16 : index
          %get3A_473 = tpu.vector_load %arg8[%get3A_472] {strides = array<i32>} : memref<256xi32, #tpu.memory_space<vmem>>, vector<16xi32>,
          %and3A_474 = arith.constant 16383 : i32
          %and3A_475 = vector.broadcast %and3A_474 : i32 to vector<16xi32>
          %and3A_476 = arith.andi %get3A_473, %and3A_475 : vector<16xi32>
          %swap3A_477 = arith.constant 16 : index
          %swap3A_478 = tpu.vector_load %arg9[%swap3A_477] {strides = array<i32>} : memref<64xi32, #tpu.memory_space<vmem>>, vector<16xi32>,
          tpu.vector_store %arg9[%swap3A_477], %and3A_476 {strides = array<i32>} : memref<64xi32, #tpu.memory_space<vmem>>, vector<16xi32>,
          %get3A_479 = arith.constant 80 : index
          %get3A_480 = tpu.vector_load %arg8[%get3A_479] {strides = array<i32>} : memref<256xi32, #tpu.memory_space<vmem>>, vector<16xi32>,
          %and3A_481 = arith.constant 16383 : i32
          %and3A_482 = vector.broadcast %and3A_481 : i32 to vector<16xi32>
          %and3A_483 = arith.andi %get3A_480, %and3A_482 : vector<16xi32>
          %swap3A_484 = arith.constant 16 : index
          %swap3A_485 = tpu.vector_load %arg10[%swap3A_484] {strides = array<i32>} : memref<64xi32, #tpu.memory_space<vmem>>, vector<16xi32>,
          tpu.vector_store %arg10[%swap3A_484], %and3A_483 {strides = array<i32>} : memref<64xi32, #tpu.memory_space<vmem>>, vector<16xi32>,
          %get3A_486 = arith.constant 32 : index
          %get3A_487 = tpu.vector_load %arg8[%get3A_486] {strides = array<i32>} : memref<256xi32, #tpu.memory_space<vmem>>, vector<16xi32>,
          %and3A_488 = arith.constant 16383 : i32
          %and3A_489 = vector.broadcast %and3A_488 : i32 to vector<16xi32>
          %and3A_490 = arith.andi %get3A_487, %and3A_489 : vector<16xi32>
          %swap3A_491 = arith.constant 32 : index
          %swap3A_492 = tpu.vector_load %arg9[%swap3A_491] {strides = array<i32>} : memref<64xi32, #tpu.memory_space<vmem>>, vector<16xi32>,
          tpu.vector_store %arg9[%swap3A_491], %and3A_490 {strides = array<i32>} : memref<64xi32, #tpu.memory_space<vmem>>, vector<16xi32>,
          %get3A_493 = arith.constant 96 : index
          %get3A_494 = tpu.vector_load %arg8[%get3A_493] {strides = array<i32>} : memref<256xi32, #tpu.memory_space<vmem>>, vector<16xi32>,
          %and3A_495 = arith.constant 16383 : i32
          %and3A_496 = vector.broadcast %and3A_495 : i32 to vector<16xi32>
          %and3A_497 = arith.andi %get3A_494, %and3A_496 : vector<16xi32>
          %swap3A_498 = arith.constant 32 : index
          %swap3A_499 = tpu.vector_load %arg10[%swap3A_498] {strides = array<i32>} : memref<64xi32, #tpu.memory_space<vmem>>, vector<16xi32>,
          tpu.vector_store %arg10[%swap3A_498], %and3A_497 {strides = array<i32>} : memref<64xi32, #tpu.memory_space<vmem>>, vector<16xi32>,
          %get3A_500 = arith.constant 48 : index
          %get3A_501 = tpu.vector_load %arg8[%get3A_500] {strides = array<i32>} : memref<256xi32, #tpu.memory_space<vmem>>, vector<16xi32>,
          %and3A_502 = arith.constant 16383 : i32
          %and3A_503 = vector.broadcast %and3A_502 : i32 to vector<16xi32>
          %and3A_504 = arith.andi %get3A_501, %and3A_503 : vector<16xi32>
          %swap3A_505 = arith.constant 48 : index
          %swap3A_506 = tpu.vector_load %arg9[%swap3A_505] {strides = array<i32>} : memref<64xi32, #tpu.memory_space<vmem>>, vector<16xi32>,
          tpu.vector_store %arg9[%swap3A_505], %and3A_504 {strides = array<i32>} : memref<64xi32, #tpu.memory_space<vmem>>, vector<16xi32>,
          %get3A_507 = arith.constant 112 : index
          %get3A_508 = tpu.vector_load %arg8[%get3A_507] {strides = array<i32>} : memref<256xi32, #tpu.memory_space<vmem>>, vector<16xi32>,
          %and3A_509 = arith.constant 16383 : i32
          %and3A_510 = vector.broadcast %and3A_509 : i32 to vector<16xi32>
          %and3A_511 = arith.andi %get3A_508, %and3A_510 : vector<16xi32>
          %swap3A_512 = arith.constant 48 : index
          %swap3A_513 = tpu.vector_load %arg10[%swap3A_512] {strides = array<i32>} : memref<64xi32, #tpu.memory_space<vmem>>, vector<16xi32>,
          tpu.vector_store %arg10[%swap3A_512], %and3A_511 {strides = array<i32>} : memref<64xi32, #tpu.memory_space<vmem>>, vector<16xi32>,
          %dma_start3A_514 = arith.constant 0 : i32
          %dma_start3A_515 = arith.constant 0 : i32
          %dma_start3A_516 = tpu.memref_slice %arg11[%dma_start3A_514, %dma_start3A_515] : memref<128x128xf32, #tpu.memory_space<vmem>> -> memref<64x128xf32, #tpu.memory_space<vmem>>
          %dma_start3A_517 = arith.constant 0 : i32
          %dma_start3A_518 = arith.constant 0 : i32
          %dma_start3A_519 = tpu.memref_slice %arg3[%dma_start3A_517, %dma_start3A_518] : memref<10240x128xf32, #tpu.memory_space<hbm>> -> memref<10240x128xf32, #tpu.memory_space<hbm>>
          tpu.enqueue_indirect_dma source(%dma_start3A_519 : memref<10240x128xf32, #tpu.memory_space<hbm>>) target(%dma_start3A_516 : memref<64x128xf32, #tpu.memory_space<vmem>>) offsets(%arg9 : memref<64xi32, #tpu.memory_space<vmem>>) semaphore(%arg15 : memref<!tpu.dma_semaphore, #tpu.memory_space<semaphore_mem>>)
          %dma_start3A_520 = arith.constant 64 : i32
          %dma_start3A_521 = arith.constant 0 : i32
          %dma_start3A_522 = tpu.memref_slice %arg11[%dma_start3A_520, %dma_start3A_521] : memref<128x128xf32, #tpu.memory_space<vmem>> -> memref<64x128xf32, #tpu.memory_space<vmem>>
          %dma_start3A_523 = arith.constant 0 : i32
          %dma_start3A_524 = arith.constant 0 : i32
          %dma_start3A_525 = tpu.memref_slice %arg3[%dma_start3A_523, %dma_start3A_524] : memref<10240x128xf32, #tpu.memory_space<hbm>> -> memref<10240x128xf32, #tpu.memory_space<hbm>>
          tpu.enqueue_indirect_dma source(%dma_start3A_525 : memref<10240x128xf32, #tpu.memory_space<hbm>>) target(%dma_start3A_522 : memref<64x128xf32, #tpu.memory_space<vmem>>) offsets(%arg10 : memref<64xi32, #tpu.memory_space<vmem>>) semaphore(%arg16 : memref<!tpu.dma_semaphore, #tpu.memory_space<semaphore_mem>>)
          %dma_wait3A_526 = arith.constant 0 : i32
          %dma_wait3A_527 = arith.constant 0 : i32
          %dma_wait3A_528 = tpu.memref_slice %arg11[%dma_wait3A_526, %dma_wait3A_527] : memref<128x128xf32, #tpu.memory_space<vmem>> -> memref<64x128xf32, #tpu.memory_space<vmem>>
          %dma_wait3A_529 = arith.constant 0 : i32
          %dma_wait3A_530 = arith.constant 0 : i32
          %dma_wait3A_531 = tpu.memref_slice %arg3[%dma_wait3A_529, %dma_wait3A_530] : memref<10240x128xf32, #tpu.memory_space<hbm>> -> memref<10240x128xf32, #tpu.memory_space<hbm>>
          tpu.wait_indirect_dma semaphore(%arg15 : memref<!tpu.dma_semaphore, #tpu.memory_space<semaphore_mem>>) src(%dma_wait3A_531 : memref<10240x128xf32, #tpu.memory_space<hbm>>) dst(%dma_wait3A_528 : memref<64x128xf32, #tpu.memory_space<vmem>>)
          %min3A_532 = arith.constant 128 : i32
          %min3A_533 = arith.constant 64 : i32
          %min3A_534 = arith.minsi %min3A_532, %min3A_533 : i32
          %while3A_535 = arith.constant 0 : i32
          %while3A_536 = arith.constant 0 : i32
          %while3A_537 = arith.subi %min3A_534, %while3A_536 : i32
          %while3A_538 = arith.addi %while3A_536, %while3A_537 : i32
          %while3A_539 = arith.constant 1 : i32
          %while3A_540 = arith.divsi %while3A_537, %while3A_539 : i32
          %while3A_541 = arith.muli %while3A_540, %while3A_539 : i32
          %while3A_542 = arith.addi %while3A_536, %while3A_541 : i32
          %while3A_543 = arith.constant 1 : i32
          scf.for %while3A_598 = %while3A_536 to %while3A_542 step %while3A_543  : i32 {
            %broadcast_in_dim3A_599 = vector.broadcast %while3A_598 : i32 to vector<16xi32>
            %gather3A = tpu.vector_load_idx %arg8[%broadcast_in_dim3A_599] : memref<256xi32, #tpu.memory_space<vmem>>[vector<16xi32>], vector<16xi32>,
            %shift_right_logical3A = arith.constant 14 : i32
            %shift_right_logical3A_600 = vector.broadcast %shift_right_logical3A : i32 to vector<16xi32>
            %shift_right_logical3A_601 = arith.shrui %gather3A, %shift_right_logical3A_600 : vector<16xi32>
            %sub3A_602 = vector.broadcast %mul3A_2 : i32 to vector<16xi32>
            %sub3A_603 = arith.subi %shift_right_logical3A_601, %sub3A_602 : vector<16xi32>
            %mul3A_604 = arith.constant 128 : i32
            %mul3A_605 = vector.broadcast %mul3A_604 : i32 to vector<16xi32>
            %mul3A_606 = arith.muli %sub3A_603, %mul3A_605 : vector<16xi32>
            %add3A_607 = arith.constant 0 : i32
            %add3A_608 = vector.broadcast %add3A_607 : i32 to vector<16xi32>
            %add3A_609 = arith.addi %mul3A_606, %add3A_608 : vector<16xi32>
            %add3A_610 = arith.addi %add3A_609, %iota3A : vector<16xi32>
            %gather3A_611 = tpu.vector_load_idx %arg12[%add3A_610] : memref<40960xf32, #tpu.memory_space<vmem>>[vector<16xi32>], vector<16xf32>,
            %get3A_612 = arith.index_cast %while3A_598 : i32 to index
            %get3A_613 = arith.constant 0 : index
            %get3A_614 = tpu.vector_load %arg11[%get3A_612, %get3A_613] {strides = array<i32>} : memref<128x128xf32, #tpu.memory_space<vmem>>, vector<16xf32>,
            %max3A_615 = arith.maximumf %gather3A_611, %get3A_614 : vector<16xf32>
            tpu.vector_store_idx %arg12[%add3A_610], %max3A_615 : memref<40960xf32, #tpu.memory_space<vmem>>[vector<16xi32>], vector<16xf32>,
            %add3A_616 = arith.constant 16 : i32
            %add3A_617 = vector.broadcast %add3A_616 : i32 to vector<16xi32>
            %add3A_618 = arith.addi %mul3A_606, %add3A_617 : vector<16xi32>
            %add3A_619 = arith.addi %add3A_618, %iota3A : vector<16xi32>
            %gather3A_620 = tpu.vector_load_idx %arg12[%add3A_619] : memref<40960xf32, #tpu.memory_space<vmem>>[vector<16xi32>], vector<16xf32>,
            %get3A_621 = arith.index_cast %while3A_598 : i32 to index
            %get3A_622 = arith.constant 16 : index
            %get3A_623 = tpu.vector_load %arg11[%get3A_621, %get3A_622] {strides = array<i32>} : memref<128x128xf32, #tpu.memory_space<vmem>>, vector<16xf32>,
            %max3A_624 = arith.maximumf %gather3A_620, %get3A_623 : vector<16xf32>
            tpu.vector_store_idx %arg12[%add3A_619], %max3A_624 : memref<40960xf32, #tpu.memory_space<vmem>>[vector<16xi32>], vector<16xf32>,
            %add3A_625 = arith.constant 32 : i32
            %add3A_626 = vector.broadcast %add3A_625 : i32 to vector<16xi32>
            %add3A_627 = arith.addi %mul3A_606, %add3A_626 : vector<16xi32>
            %add3A_628 = arith.addi %add3A_627, %iota3A : vector<16xi32>
            %gather3A_629 = tpu.vector_load_idx %arg12[%add3A_628] : memref<40960xf32, #tpu.memory_space<vmem>>[vector<16xi32>], vector<16xf32>,
            %get3A_630 = arith.index_cast %while3A_598 : i32 to index
            %get3A_631 = arith.constant 32 : index
            %get3A_632 = tpu.vector_load %arg11[%get3A_630, %get3A_631] {strides = array<i32>} : memref<128x128xf32, #tpu.memory_space<vmem>>, vector<16xf32>,
            %max3A_633 = arith.maximumf %gather3A_629, %get3A_632 : vector<16xf32>
            tpu.vector_store_idx %arg12[%add3A_628], %max3A_633 : memref<40960xf32, #tpu.memory_space<vmem>>[vector<16xi32>], vector<16xf32>,
            %add3A_634 = arith.constant 48 : i32
            %add3A_635 = vector.broadcast %add3A_634 : i32 to vector<16xi32>
            %add3A_636 = arith.addi %mul3A_606, %add3A_635 : vector<16xi32>
            %add3A_637 = arith.addi %add3A_636, %iota3A : vector<16xi32>
            %gather3A_638 = tpu.vector_load_idx %arg12[%add3A_637] : memref<40960xf32, #tpu.memory_space<vmem>>[vector<16xi32>], vector<16xf32>,
            %get3A_639 = arith.index_cast %while3A_598 : i32 to index
            %get3A_640 = arith.constant 48 : index
            %get3A_641 = tpu.vector_load %arg11[%get3A_639, %get3A_640] {strides = array<i32>} : memref<128x128xf32, #tpu.memory_space<vmem>>, vector<16xf32>,
            %max3A_642 = arith.maximumf %gather3A_638, %get3A_641 : vector<16xf32>
            tpu.vector_store_idx %arg12[%add3A_637], %max3A_642 : memref<40960xf32, #tpu.memory_space<vmem>>[vector<16xi32>], vector<16xf32>,
            %add3A_643 = arith.constant 64 : i32
            %add3A_644 = vector.broadcast %add3A_643 : i32 to vector<16xi32>
            %add3A_645 = arith.addi %mul3A_606, %add3A_644 : vector<16xi32>
            %add3A_646 = arith.addi %add3A_645, %iota3A : vector<16xi32>
            %gather3A_647 = tpu.vector_load_idx %arg12[%add3A_646] : memref<40960xf32, #tpu.memory_space<vmem>>[vector<16xi32>], vector<16xf32>,
            %get3A_648 = arith.index_cast %while3A_598 : i32 to index
            %get3A_649 = arith.constant 64 : index
            %get3A_650 = tpu.vector_load %arg11[%get3A_648, %get3A_649] {strides = array<i32>} : memref<128x128xf32, #tpu.memory_space<vmem>>, vector<16xf32>,
            %max3A_651 = arith.maximumf %gather3A_647, %get3A_650 : vector<16xf32>
            tpu.vector_store_idx %arg12[%add3A_646], %max3A_651 : memref<40960xf32, #tpu.memory_space<vmem>>[vector<16xi32>], vector<16xf32>,
            %add3A_652 = arith.constant 80 : i32
            %add3A_653 = vector.broadcast %add3A_652 : i32 to vector<16xi32>
            %add3A_654 = arith.addi %mul3A_606, %add3A_653 : vector<16xi32>
            %add3A_655 = arith.addi %add3A_654, %iota3A : vector<16xi32>
            %gather3A_656 = tpu.vector_load_idx %arg12[%add3A_655] : memref<40960xf32, #tpu.memory_space<vmem>>[vector<16xi32>], vector<16xf32>,
            %get3A_657 = arith.index_cast %while3A_598 : i32 to index
            %get3A_658 = arith.constant 80 : index
            %get3A_659 = tpu.vector_load %arg11[%get3A_657, %get3A_658] {strides = array<i32>} : memref<128x128xf32, #tpu.memory_space<vmem>>, vector<16xf32>,
            %max3A_660 = arith.maximumf %gather3A_656, %get3A_659 : vector<16xf32>
            tpu.vector_store_idx %arg12[%add3A_655], %max3A_660 : memref<40960xf32, #tpu.memory_space<vmem>>[vector<16xi32>], vector<16xf32>,
            %add3A_661 = arith.constant 96 : i32
            %add3A_662 = vector.broadcast %add3A_661 : i32 to vector<16xi32>
            %add3A_663 = arith.addi %mul3A_606, %add3A_662 : vector<16xi32>
            %add3A_664 = arith.addi %add3A_663, %iota3A : vector<16xi32>
            %gather3A_665 = tpu.vector_load_idx %arg12[%add3A_664] : memref<40960xf32, #tpu.memory_space<vmem>>[vector<16xi32>], vector<16xf32>,
            %get3A_666 = arith.index_cast %while3A_598 : i32 to index
            %get3A_667 = arith.constant 96 : index
            %get3A_668 = tpu.vector_load %arg11[%get3A_666, %get3A_667] {strides = array<i32>} : memref<128x128xf32, #tpu.memory_space<vmem>>, vector<16xf32>,
            %max3A_669 = arith.maximumf %gather3A_665, %get3A_668 : vector<16xf32>
            tpu.vector_store_idx %arg12[%add3A_664], %max3A_669 : memref<40960xf32, #tpu.memory_space<vmem>>[vector<16xi32>], vector<16xf32>,
            %add3A_670 = arith.constant 112 : i32
            %add3A_671 = vector.broadcast %add3A_670 : i32 to vector<16xi32>
            %add3A_672 = arith.addi %mul3A_606, %add3A_671 : vector<16xi32>
            %add3A_673 = arith.addi %add3A_672, %iota3A : vector<16xi32>
            %gather3A_674 = tpu.vector_load_idx %arg12[%add3A_673] : memref<40960xf32, #tpu.memory_space<vmem>>[vector<16xi32>], vector<16xf32>,
            %get3A_675 = arith.index_cast %while3A_598 : i32 to index
            %get3A_676 = arith.constant 112 : index
            %get3A_677 = tpu.vector_load %arg11[%get3A_675, %get3A_676] {strides = array<i32>} : memref<128x128xf32, #tpu.memory_space<vmem>>, vector<16xf32>,
            %max3A_678 = arith.maximumf %gather3A_674, %get3A_677 : vector<16xf32>
            tpu.vector_store_idx %arg12[%add3A_673], %max3A_678 : memref<40960xf32, #tpu.memory_space<vmem>>[vector<16xi32>], vector<16xf32>,
          }
          %while3A_544 = arith.constant 1 : i32
          scf.for %while3A_598 = %while3A_542 to %while3A_538 step %while3A_544  : i32 {
            %broadcast_in_dim3A_599 = vector.broadcast %while3A_598 : i32 to vector<16xi32>
            %gather3A = tpu.vector_load_idx %arg8[%broadcast_in_dim3A_599] : memref<256xi32, #tpu.memory_space<vmem>>[vector<16xi32>], vector<16xi32>,
            %shift_right_logical3A = arith.constant 14 : i32
            %shift_right_logical3A_600 = vector.broadcast %shift_right_logical3A : i32 to vector<16xi32>
            %shift_right_logical3A_601 = arith.shrui %gather3A, %shift_right_logical3A_600 : vector<16xi32>
            %sub3A_602 = vector.broadcast %mul3A_2 : i32 to vector<16xi32>
            %sub3A_603 = arith.subi %shift_right_logical3A_601, %sub3A_602 : vector<16xi32>
            %mul3A_604 = arith.constant 128 : i32
            %mul3A_605 = vector.broadcast %mul3A_604 : i32 to vector<16xi32>
            %mul3A_606 = arith.muli %sub3A_603, %mul3A_605 : vector<16xi32>
            %add3A_607 = arith.constant 0 : i32
            %add3A_608 = vector.broadcast %add3A_607 : i32 to vector<16xi32>
            %add3A_609 = arith.addi %mul3A_606, %add3A_608 : vector<16xi32>
            %add3A_610 = arith.addi %add3A_609, %iota3A : vector<16xi32>
            %gather3A_611 = tpu.vector_load_idx %arg12[%add3A_610] : memref<40960xf32, #tpu.memory_space<vmem>>[vector<16xi32>], vector<16xf32>,
            %get3A_612 = arith.index_cast %while3A_598 : i32 to index
            %get3A_613 = arith.constant 0 : index
            %get3A_614 = tpu.vector_load %arg11[%get3A_612, %get3A_613] {strides = array<i32>} : memref<128x128xf32, #tpu.memory_space<vmem>>, vector<16xf32>,
            %max3A_615 = arith.maximumf %gather3A_611, %get3A_614 : vector<16xf32>
            tpu.vector_store_idx %arg12[%add3A_610], %max3A_615 : memref<40960xf32, #tpu.memory_space<vmem>>[vector<16xi32>], vector<16xf32>,
            %add3A_616 = arith.constant 16 : i32
            %add3A_617 = vector.broadcast %add3A_616 : i32 to vector<16xi32>
            %add3A_618 = arith.addi %mul3A_606, %add3A_617 : vector<16xi32>
            %add3A_619 = arith.addi %add3A_618, %iota3A : vector<16xi32>
            %gather3A_620 = tpu.vector_load_idx %arg12[%add3A_619] : memref<40960xf32, #tpu.memory_space<vmem>>[vector<16xi32>], vector<16xf32>,
            %get3A_621 = arith.index_cast %while3A_598 : i32 to index
            %get3A_622 = arith.constant 16 : index
            %get3A_623 = tpu.vector_load %arg11[%get3A_621, %get3A_622] {strides = array<i32>} : memref<128x128xf32, #tpu.memory_space<vmem>>, vector<16xf32>,
            %max3A_624 = arith.maximumf %gather3A_620, %get3A_623 : vector<16xf32>
            tpu.vector_store_idx %arg12[%add3A_619], %max3A_624 : memref<40960xf32, #tpu.memory_space<vmem>>[vector<16xi32>], vector<16xf32>,
            %add3A_625 = arith.constant 32 : i32
            %add3A_626 = vector.broadcast %add3A_625 : i32 to vector<16xi32>
            %add3A_627 = arith.addi %mul3A_606, %add3A_626 : vector<16xi32>
            %add3A_628 = arith.addi %add3A_627, %iota3A : vector<16xi32>
            %gather3A_629 = tpu.vector_load_idx %arg12[%add3A_628] : memref<40960xf32, #tpu.memory_space<vmem>>[vector<16xi32>], vector<16xf32>,
            %get3A_630 = arith.index_cast %while3A_598 : i32 to index
            %get3A_631 = arith.constant 32 : index
            %get3A_632 = tpu.vector_load %arg11[%get3A_630, %get3A_631] {strides = array<i32>} : memref<128x128xf32, #tpu.memory_space<vmem>>, vector<16xf32>,
            %max3A_633 = arith.maximumf %gather3A_629, %get3A_632 : vector<16xf32>
            tpu.vector_store_idx %arg12[%add3A_628], %max3A_633 : memref<40960xf32, #tpu.memory_space<vmem>>[vector<16xi32>], vector<16xf32>,
            %add3A_634 = arith.constant 48 : i32
            %add3A_635 = vector.broadcast %add3A_634 : i32 to vector<16xi32>
            %add3A_636 = arith.addi %mul3A_606, %add3A_635 : vector<16xi32>
            %add3A_637 = arith.addi %add3A_636, %iota3A : vector<16xi32>
            %gather3A_638 = tpu.vector_load_idx %arg12[%add3A_637] : memref<40960xf32, #tpu.memory_space<vmem>>[vector<16xi32>], vector<16xf32>,
            %get3A_639 = arith.index_cast %while3A_598 : i32 to index
            %get3A_640 = arith.constant 48 : index
            %get3A_641 = tpu.vector_load %arg11[%get3A_639, %get3A_640] {strides = array<i32>} : memref<128x128xf32, #tpu.memory_space<vmem>>, vector<16xf32>,
            %max3A_642 = arith.maximumf %gather3A_638, %get3A_641 : vector<16xf32>
            tpu.vector_store_idx %arg12[%add3A_637], %max3A_642 : memref<40960xf32, #tpu.memory_space<vmem>>[vector<16xi32>], vector<16xf32>,
            %add3A_643 = arith.constant 64 : i32
            %add3A_644 = vector.broadcast %add3A_643 : i32 to vector<16xi32>
            %add3A_645 = arith.addi %mul3A_606, %add3A_644 : vector<16xi32>
            %add3A_646 = arith.addi %add3A_645, %iota3A : vector<16xi32>
            %gather3A_647 = tpu.vector_load_idx %arg12[%add3A_646] : memref<40960xf32, #tpu.memory_space<vmem>>[vector<16xi32>], vector<16xf32>,
            %get3A_648 = arith.index_cast %while3A_598 : i32 to index
            %get3A_649 = arith.constant 64 : index
            %get3A_650 = tpu.vector_load %arg11[%get3A_648, %get3A_649] {strides = array<i32>} : memref<128x128xf32, #tpu.memory_space<vmem>>, vector<16xf32>,
            %max3A_651 = arith.maximumf %gather3A_647, %get3A_650 : vector<16xf32>
            tpu.vector_store_idx %arg12[%add3A_646], %max3A_651 : memref<40960xf32, #tpu.memory_space<vmem>>[vector<16xi32>], vector<16xf32>,
            %add3A_652 = arith.constant 80 : i32
            %add3A_653 = vector.broadcast %add3A_652 : i32 to vector<16xi32>
            %add3A_654 = arith.addi %mul3A_606, %add3A_653 : vector<16xi32>
            %add3A_655 = arith.addi %add3A_654, %iota3A : vector<16xi32>
            %gather3A_656 = tpu.vector_load_idx %arg12[%add3A_655] : memref<40960xf32, #tpu.memory_space<vmem>>[vector<16xi32>], vector<16xf32>,
            %get3A_657 = arith.index_cast %while3A_598 : i32 to index
            %get3A_658 = arith.constant 80 : index
            %get3A_659 = tpu.vector_load %arg11[%get3A_657, %get3A_658] {strides = array<i32>} : memref<128x128xf32, #tpu.memory_space<vmem>>, vector<16xf32>,
            %max3A_660 = arith.maximumf %gather3A_656, %get3A_659 : vector<16xf32>
            tpu.vector_store_idx %arg12[%add3A_655], %max3A_660 : memref<40960xf32, #tpu.memory_space<vmem>>[vector<16xi32>], vector<16xf32>,
            %add3A_661 = arith.constant 96 : i32
            %add3A_662 = vector.broadcast %add3A_661 : i32 to vector<16xi32>
            %add3A_663 = arith.addi %mul3A_606, %add3A_662 : vector<16xi32>
            %add3A_664 = arith.addi %add3A_663, %iota3A : vector<16xi32>
            %gather3A_665 = tpu.vector_load_idx %arg12[%add3A_664] : memref<40960xf32, #tpu.memory_space<vmem>>[vector<16xi32>], vector<16xf32>,
            %get3A_666 = arith.index_cast %while3A_598 : i32 to index
            %get3A_667 = arith.constant 96 : index
            %get3A_668 = tpu.vector_load %arg11[%get3A_666, %get3A_667] {strides = array<i32>} : memref<128x128xf32, #tpu.memory_space<vmem>>, vector<16xf32>,
            %max3A_669 = arith.maximumf %gather3A_665, %get3A_668 : vector<16xf32>
            tpu.vector_store_idx %arg12[%add3A_664], %max3A_669 : memref<40960xf32, #tpu.memory_space<vmem>>[vector<16xi32>], vector<16xf32>,
            %add3A_670 = arith.constant 112 : i32
            %add3A_671 = vector.broadcast %add3A_670 : i32 to vector<16xi32>
            %add3A_672 = arith.addi %mul3A_606, %add3A_671 : vector<16xi32>
            %add3A_673 = arith.addi %add3A_672, %iota3A : vector<16xi32>
            %gather3A_674 = tpu.vector_load_idx %arg12[%add3A_673] : memref<40960xf32, #tpu.memory_space<vmem>>[vector<16xi32>], vector<16xf32>,
            %get3A_675 = arith.index_cast %while3A_598 : i32 to index
            %get3A_676 = arith.constant 112 : index
            %get3A_677 = tpu.vector_load %arg11[%get3A_675, %get3A_676] {strides = array<i32>} : memref<128x128xf32, #tpu.memory_space<vmem>>, vector<16xf32>,
            %max3A_678 = arith.maximumf %gather3A_674, %get3A_677 : vector<16xf32>
            tpu.vector_store_idx %arg12[%add3A_673], %max3A_678 : memref<40960xf32, #tpu.memory_space<vmem>>[vector<16xi32>], vector<16xf32>,
          }
          %dma_wait3A_545 = arith.constant 64 : i32
          %dma_wait3A_546 = arith.constant 0 : i32
          %dma_wait3A_547 = tpu.memref_slice %arg11[%dma_wait3A_545, %dma_wait3A_546] : memref<128x128xf32, #tpu.memory_space<vmem>> -> memref<64x128xf32, #tpu.memory_space<vmem>>
          %dma_wait3A_548 = arith.constant 0 : i32
          %dma_wait3A_549 = arith.constant 0 : i32
          %dma_wait3A_550 = tpu.memref_slice %arg3[%dma_wait3A_548, %dma_wait3A_549] : memref<10240x128xf32, #tpu.memory_space<hbm>> -> memref<10240x128xf32, #tpu.memory_space<hbm>>
          tpu.wait_indirect_dma semaphore(%arg16 : memref<!tpu.dma_semaphore, #tpu.memory_space<semaphore_mem>>) src(%dma_wait3A_550 : memref<10240x128xf32, #tpu.memory_space<hbm>>) dst(%dma_wait3A_547 : memref<64x128xf32, #tpu.memory_space<vmem>>)
          %max3A_551 = arith.constant 128 : i32
          %max3A_552 = arith.constant 64 : i32
          %max3A_553 = arith.maxsi %max3A_551, %max3A_552 : i32
          %while3A_554 = arith.constant 0 : i32
          %while3A_555 = arith.constant 64 : i32
          %while3A_556 = arith.subi %max3A_553, %while3A_555 : i32
          %while3A_557 = arith.addi %while3A_555, %while3A_556 : i32
          %while3A_558 = arith.constant 1 : i32
          %while3A_559 = arith.divsi %while3A_556, %while3A_558 : i32
          %while3A_560 = arith.muli %while3A_559, %while3A_558 : i32
          %while3A_561 = arith.addi %while3A_555, %while3A_560 : i32
          %while3A_562 = arith.constant 1 : i32
          scf.for %while3A_598 = %while3A_555 to %while3A_561 step %while3A_562  : i32 {
            %broadcast_in_dim3A_599 = vector.broadcast %while3A_598 : i32 to vector<16xi32>
            %gather3A = tpu.vector_load_idx %arg8[%broadcast_in_dim3A_599] : memref<256xi32, #tpu.memory_space<vmem>>[vector<16xi32>], vector<16xi32>,
            %shift_right_logical3A = arith.constant 14 : i32
            %shift_right_logical3A_600 = vector.broadcast %shift_right_logical3A : i32 to vector<16xi32>
            %shift_right_logical3A_601 = arith.shrui %gather3A, %shift_right_logical3A_600 : vector<16xi32>
            %sub3A_602 = vector.broadcast %mul3A_2 : i32 to vector<16xi32>
            %sub3A_603 = arith.subi %shift_right_logical3A_601, %sub3A_602 : vector<16xi32>
            %mul3A_604 = arith.constant 128 : i32
            %mul3A_605 = vector.broadcast %mul3A_604 : i32 to vector<16xi32>
            %mul3A_606 = arith.muli %sub3A_603, %mul3A_605 : vector<16xi32>
            %add3A_607 = arith.constant 0 : i32
            %add3A_608 = vector.broadcast %add3A_607 : i32 to vector<16xi32>
            %add3A_609 = arith.addi %mul3A_606, %add3A_608 : vector<16xi32>
            %add3A_610 = arith.addi %add3A_609, %iota3A : vector<16xi32>
            %gather3A_611 = tpu.vector_load_idx %arg12[%add3A_610] : memref<40960xf32, #tpu.memory_space<vmem>>[vector<16xi32>], vector<16xf32>,
            %get3A_612 = arith.index_cast %while3A_598 : i32 to index
            %get3A_613 = arith.constant 0 : index
            %get3A_614 = tpu.vector_load %arg11[%get3A_612, %get3A_613] {strides = array<i32>} : memref<128x128xf32, #tpu.memory_space<vmem>>, vector<16xf32>,
            %max3A_615 = arith.maximumf %gather3A_611, %get3A_614 : vector<16xf32>
            tpu.vector_store_idx %arg12[%add3A_610], %max3A_615 : memref<40960xf32, #tpu.memory_space<vmem>>[vector<16xi32>], vector<16xf32>,
            %add3A_616 = arith.constant 16 : i32
            %add3A_617 = vector.broadcast %add3A_616 : i32 to vector<16xi32>
            %add3A_618 = arith.addi %mul3A_606, %add3A_617 : vector<16xi32>
            %add3A_619 = arith.addi %add3A_618, %iota3A : vector<16xi32>
            %gather3A_620 = tpu.vector_load_idx %arg12[%add3A_619] : memref<40960xf32, #tpu.memory_space<vmem>>[vector<16xi32>], vector<16xf32>,
            %get3A_621 = arith.index_cast %while3A_598 : i32 to index
            %get3A_622 = arith.constant 16 : index
            %get3A_623 = tpu.vector_load %arg11[%get3A_621, %get3A_622] {strides = array<i32>} : memref<128x128xf32, #tpu.memory_space<vmem>>, vector<16xf32>,
            %max3A_624 = arith.maximumf %gather3A_620, %get3A_623 : vector<16xf32>
            tpu.vector_store_idx %arg12[%add3A_619], %max3A_624 : memref<40960xf32, #tpu.memory_space<vmem>>[vector<16xi32>], vector<16xf32>,
            %add3A_625 = arith.constant 32 : i32
            %add3A_626 = vector.broadcast %add3A_625 : i32 to vector<16xi32>
            %add3A_627 = arith.addi %mul3A_606, %add3A_626 : vector<16xi32>
            %add3A_628 = arith.addi %add3A_627, %iota3A : vector<16xi32>
            %gather3A_629 = tpu.vector_load_idx %arg12[%add3A_628] : memref<40960xf32, #tpu.memory_space<vmem>>[vector<16xi32>], vector<16xf32>,
            %get3A_630 = arith.index_cast %while3A_598 : i32 to index
            %get3A_631 = arith.constant 32 : index
            %get3A_632 = tpu.vector_load %arg11[%get3A_630, %get3A_631] {strides = array<i32>} : memref<128x128xf32, #tpu.memory_space<vmem>>, vector<16xf32>,
            %max3A_633 = arith.maximumf %gather3A_629, %get3A_632 : vector<16xf32>
            tpu.vector_store_idx %arg12[%add3A_628], %max3A_633 : memref<40960xf32, #tpu.memory_space<vmem>>[vector<16xi32>], vector<16xf32>,
            %add3A_634 = arith.constant 48 : i32
            %add3A_635 = vector.broadcast %add3A_634 : i32 to vector<16xi32>
            %add3A_636 = arith.addi %mul3A_606, %add3A_635 : vector<16xi32>
            %add3A_637 = arith.addi %add3A_636, %iota3A : vector<16xi32>
            %gather3A_638 = tpu.vector_load_idx %arg12[%add3A_637] : memref<40960xf32, #tpu.memory_space<vmem>>[vector<16xi32>], vector<16xf32>,
            %get3A_639 = arith.index_cast %while3A_598 : i32 to index
            %get3A_640 = arith.constant 48 : index
            %get3A_641 = tpu.vector_load %arg11[%get3A_639, %get3A_640] {strides = array<i32>} : memref<128x128xf32, #tpu.memory_space<vmem>>, vector<16xf32>,
            %max3A_642 = arith.maximumf %gather3A_638, %get3A_641 : vector<16xf32>
            tpu.vector_store_idx %arg12[%add3A_637], %max3A_642 : memref<40960xf32, #tpu.memory_space<vmem>>[vector<16xi32>], vector<16xf32>,
            %add3A_643 = arith.constant 64 : i32
            %add3A_644 = vector.broadcast %add3A_643 : i32 to vector<16xi32>
            %add3A_645 = arith.addi %mul3A_606, %add3A_644 : vector<16xi32>
            %add3A_646 = arith.addi %add3A_645, %iota3A : vector<16xi32>
            %gather3A_647 = tpu.vector_load_idx %arg12[%add3A_646] : memref<40960xf32, #tpu.memory_space<vmem>>[vector<16xi32>], vector<16xf32>,
            %get3A_648 = arith.index_cast %while3A_598 : i32 to index
            %get3A_649 = arith.constant 64 : index
            %get3A_650 = tpu.vector_load %arg11[%get3A_648, %get3A_649] {strides = array<i32>} : memref<128x128xf32, #tpu.memory_space<vmem>>, vector<16xf32>,
            %max3A_651 = arith.maximumf %gather3A_647, %get3A_650 : vector<16xf32>
            tpu.vector_store_idx %arg12[%add3A_646], %max3A_651 : memref<40960xf32, #tpu.memory_space<vmem>>[vector<16xi32>], vector<16xf32>,
            %add3A_652 = arith.constant 80 : i32
            %add3A_653 = vector.broadcast %add3A_652 : i32 to vector<16xi32>
            %add3A_654 = arith.addi %mul3A_606, %add3A_653 : vector<16xi32>
            %add3A_655 = arith.addi %add3A_654, %iota3A : vector<16xi32>
            %gather3A_656 = tpu.vector_load_idx %arg12[%add3A_655] : memref<40960xf32, #tpu.memory_space<vmem>>[vector<16xi32>], vector<16xf32>,
            %get3A_657 = arith.index_cast %while3A_598 : i32 to index
            %get3A_658 = arith.constant 80 : index
            %get3A_659 = tpu.vector_load %arg11[%get3A_657, %get3A_658] {strides = array<i32>} : memref<128x128xf32, #tpu.memory_space<vmem>>, vector<16xf32>,
            %max3A_660 = arith.maximumf %gather3A_656, %get3A_659 : vector<16xf32>
            tpu.vector_store_idx %arg12[%add3A_655], %max3A_660 : memref<40960xf32, #tpu.memory_space<vmem>>[vector<16xi32>], vector<16xf32>,
            %add3A_661 = arith.constant 96 : i32
            %add3A_662 = vector.broadcast %add3A_661 : i32 to vector<16xi32>
            %add3A_663 = arith.addi %mul3A_606, %add3A_662 : vector<16xi32>
            %add3A_664 = arith.addi %add3A_663, %iota3A : vector<16xi32>
            %gather3A_665 = tpu.vector_load_idx %arg12[%add3A_664] : memref<40960xf32, #tpu.memory_space<vmem>>[vector<16xi32>], vector<16xf32>,
            %get3A_666 = arith.index_cast %while3A_598 : i32 to index
            %get3A_667 = arith.constant 96 : index
            %get3A_668 = tpu.vector_load %arg11[%get3A_666, %get3A_667] {strides = array<i32>} : memref<128x128xf32, #tpu.memory_space<vmem>>, vector<16xf32>,
            %max3A_669 = arith.maximumf %gather3A_665, %get3A_668 : vector<16xf32>
            tpu.vector_store_idx %arg12[%add3A_664], %max3A_669 : memref<40960xf32, #tpu.memory_space<vmem>>[vector<16xi32>], vector<16xf32>,
            %add3A_670 = arith.constant 112 : i32
            %add3A_671 = vector.broadcast %add3A_670 : i32 to vector<16xi32>
            %add3A_672 = arith.addi %mul3A_606, %add3A_671 : vector<16xi32>
            %add3A_673 = arith.addi %add3A_672, %iota3A : vector<16xi32>
            %gather3A_674 = tpu.vector_load_idx %arg12[%add3A_673] : memref<40960xf32, #tpu.memory_space<vmem>>[vector<16xi32>], vector<16xf32>,
            %get3A_675 = arith.index_cast %while3A_598 : i32 to index
            %get3A_676 = arith.constant 112 : index
            %get3A_677 = tpu.vector_load %arg11[%get3A_675, %get3A_676] {strides = array<i32>} : memref<128x128xf32, #tpu.memory_space<vmem>>, vector<16xf32>,
            %max3A_678 = arith.maximumf %gather3A_674, %get3A_677 : vector<16xf32>
            tpu.vector_store_idx %arg12[%add3A_673], %max3A_678 : memref<40960xf32, #tpu.memory_space<vmem>>[vector<16xi32>], vector<16xf32>,
          }
          %while3A_563 = arith.constant 1 : i32
          scf.for %while3A_598 = %while3A_561 to %while3A_557 step %while3A_563  : i32 {
            %broadcast_in_dim3A_599 = vector.broadcast %while3A_598 : i32 to vector<16xi32>
            %gather3A = tpu.vector_load_idx %arg8[%broadcast_in_dim3A_599] : memref<256xi32, #tpu.memory_space<vmem>>[vector<16xi32>], vector<16xi32>,
            %shift_right_logical3A = arith.constant 14 : i32
            %shift_right_logical3A_600 = vector.broadcast %shift_right_logical3A : i32 to vector<16xi32>
            %shift_right_logical3A_601 = arith.shrui %gather3A, %shift_right_logical3A_600 : vector<16xi32>
            %sub3A_602 = vector.broadcast %mul3A_2 : i32 to vector<16xi32>
            %sub3A_603 = arith.subi %shift_right_logical3A_601, %sub3A_602 : vector<16xi32>
            %mul3A_604 = arith.constant 128 : i32
            %mul3A_605 = vector.broadcast %mul3A_604 : i32 to vector<16xi32>
            %mul3A_606 = arith.muli %sub3A_603, %mul3A_605 : vector<16xi32>
            %add3A_607 = arith.constant 0 : i32
            %add3A_608 = vector.broadcast %add3A_607 : i32 to vector<16xi32>
            %add3A_609 = arith.addi %mul3A_606, %add3A_608 : vector<16xi32>
            %add3A_610 = arith.addi %add3A_609, %iota3A : vector<16xi32>
            %gather3A_611 = tpu.vector_load_idx %arg12[%add3A_610] : memref<40960xf32, #tpu.memory_space<vmem>>[vector<16xi32>], vector<16xf32>,
            %get3A_612 = arith.index_cast %while3A_598 : i32 to index
            %get3A_613 = arith.constant 0 : index
            %get3A_614 = tpu.vector_load %arg11[%get3A_612, %get3A_613] {strides = array<i32>} : memref<128x128xf32, #tpu.memory_space<vmem>>, vector<16xf32>,
            %max3A_615 = arith.maximumf %gather3A_611, %get3A_614 : vector<16xf32>
            tpu.vector_store_idx %arg12[%add3A_610], %max3A_615 : memref<40960xf32, #tpu.memory_space<vmem>>[vector<16xi32>], vector<16xf32>,
            %add3A_616 = arith.constant 16 : i32
            %add3A_617 = vector.broadcast %add3A_616 : i32 to vector<16xi32>
            %add3A_618 = arith.addi %mul3A_606, %add3A_617 : vector<16xi32>
            %add3A_619 = arith.addi %add3A_618, %iota3A : vector<16xi32>
            %gather3A_620 = tpu.vector_load_idx %arg12[%add3A_619] : memref<40960xf32, #tpu.memory_space<vmem>>[vector<16xi32>], vector<16xf32>,
            %get3A_621 = arith.index_cast %while3A_598 : i32 to index
            %get3A_622 = arith.constant 16 : index
            %get3A_623 = tpu.vector_load %arg11[%get3A_621, %get3A_622] {strides = array<i32>} : memref<128x128xf32, #tpu.memory_space<vmem>>, vector<16xf32>,
            %max3A_624 = arith.maximumf %gather3A_620, %get3A_623 : vector<16xf32>
            tpu.vector_store_idx %arg12[%add3A_619], %max3A_624 : memref<40960xf32, #tpu.memory_space<vmem>>[vector<16xi32>], vector<16xf32>,
            %add3A_625 = arith.constant 32 : i32
            %add3A_626 = vector.broadcast %add3A_625 : i32 to vector<16xi32>
            %add3A_627 = arith.addi %mul3A_606, %add3A_626 : vector<16xi32>
            %add3A_628 = arith.addi %add3A_627, %iota3A : vector<16xi32>
            %gather3A_629 = tpu.vector_load_idx %arg12[%add3A_628] : memref<40960xf32, #tpu.memory_space<vmem>>[vector<16xi32>], vector<16xf32>,
            %get3A_630 = arith.index_cast %while3A_598 : i32 to index
            %get3A_631 = arith.constant 32 : index
            %get3A_632 = tpu.vector_load %arg11[%get3A_630, %get3A_631] {strides = array<i32>} : memref<128x128xf32, #tpu.memory_space<vmem>>, vector<16xf32>,
            %max3A_633 = arith.maximumf %gather3A_629, %get3A_632 : vector<16xf32>
            tpu.vector_store_idx %arg12[%add3A_628], %max3A_633 : memref<40960xf32, #tpu.memory_space<vmem>>[vector<16xi32>], vector<16xf32>,
            %add3A_634 = arith.constant 48 : i32
            %add3A_635 = vector.broadcast %add3A_634 : i32 to vector<16xi32>
            %add3A_636 = arith.addi %mul3A_606, %add3A_635 : vector<16xi32>
            %add3A_637 = arith.addi %add3A_636, %iota3A : vector<16xi32>
            %gather3A_638 = tpu.vector_load_idx %arg12[%add3A_637] : memref<40960xf32, #tpu.memory_space<vmem>>[vector<16xi32>], vector<16xf32>,
            %get3A_639 = arith.index_cast %while3A_598 : i32 to index
            %get3A_640 = arith.constant 48 : index
            %get3A_641 = tpu.vector_load %arg11[%get3A_639, %get3A_640] {strides = array<i32>} : memref<128x128xf32, #tpu.memory_space<vmem>>, vector<16xf32>,
            %max3A_642 = arith.maximumf %gather3A_638, %get3A_641 : vector<16xf32>
            tpu.vector_store_idx %arg12[%add3A_637], %max3A_642 : memref<40960xf32, #tpu.memory_space<vmem>>[vector<16xi32>], vector<16xf32>,
            %add3A_643 = arith.constant 64 : i32
            %add3A_644 = vector.broadcast %add3A_643 : i32 to vector<16xi32>
            %add3A_645 = arith.addi %mul3A_606, %add3A_644 : vector<16xi32>
            %add3A_646 = arith.addi %add3A_645, %iota3A : vector<16xi32>
            %gather3A_647 = tpu.vector_load_idx %arg12[%add3A_646] : memref<40960xf32, #tpu.memory_space<vmem>>[vector<16xi32>], vector<16xf32>,
            %get3A_648 = arith.index_cast %while3A_598 : i32 to index
            %get3A_649 = arith.constant 64 : index
            %get3A_650 = tpu.vector_load %arg11[%get3A_648, %get3A_649] {strides = array<i32>} : memref<128x128xf32, #tpu.memory_space<vmem>>, vector<16xf32>,
            %max3A_651 = arith.maximumf %gather3A_647, %get3A_650 : vector<16xf32>
            tpu.vector_store_idx %arg12[%add3A_646], %max3A_651 : memref<40960xf32, #tpu.memory_space<vmem>>[vector<16xi32>], vector<16xf32>,
            %add3A_652 = arith.constant 80 : i32
            %add3A_653 = vector.broadcast %add3A_652 : i32 to vector<16xi32>
            %add3A_654 = arith.addi %mul3A_606, %add3A_653 : vector<16xi32>
            %add3A_655 = arith.addi %add3A_654, %iota3A : vector<16xi32>
            %gather3A_656 = tpu.vector_load_idx %arg12[%add3A_655] : memref<40960xf32, #tpu.memory_space<vmem>>[vector<16xi32>], vector<16xf32>,
            %get3A_657 = arith.index_cast %while3A_598 : i32 to index
            %get3A_658 = arith.constant 80 : index
            %get3A_659 = tpu.vector_load %arg11[%get3A_657, %get3A_658] {strides = array<i32>} : memref<128x128xf32, #tpu.memory_space<vmem>>, vector<16xf32>,
            %max3A_660 = arith.maximumf %gather3A_656, %get3A_659 : vector<16xf32>
            tpu.vector_store_idx %arg12[%add3A_655], %max3A_660 : memref<40960xf32, #tpu.memory_space<vmem>>[vector<16xi32>], vector<16xf32>,
            %add3A_661 = arith.constant 96 : i32
            %add3A_662 = vector.broadcast %add3A_661 : i32 to vector<16xi32>
            %add3A_663 = arith.addi %mul3A_606, %add3A_662 : vector<16xi32>
            %add3A_664 = arith.addi %add3A_663, %iota3A : vector<16xi32>
            %gather3A_665 = tpu.vector_load_idx %arg12[%add3A_664] : memref<40960xf32, #tpu.memory_space<vmem>>[vector<16xi32>], vector<16xf32>,
            %get3A_666 = arith.index_cast %while3A_598 : i32 to index
            %get3A_667 = arith.constant 96 : index
            %get3A_668 = tpu.vector_load %arg11[%get3A_666, %get3A_667] {strides = array<i32>} : memref<128x128xf32, #tpu.memory_space<vmem>>, vector<16xf32>,
            %max3A_669 = arith.maximumf %gather3A_665, %get3A_668 : vector<16xf32>
            tpu.vector_store_idx %arg12[%add3A_664], %max3A_669 : memref<40960xf32, #tpu.memory_space<vmem>>[vector<16xi32>], vector<16xf32>,
            %add3A_670 = arith.constant 112 : i32
            %add3A_671 = vector.broadcast %add3A_670 : i32 to vector<16xi32>
            %add3A_672 = arith.addi %mul3A_606, %add3A_671 : vector<16xi32>
            %add3A_673 = arith.addi %add3A_672, %iota3A : vector<16xi32>
            %gather3A_674 = tpu.vector_load_idx %arg12[%add3A_673] : memref<40960xf32, #tpu.memory_space<vmem>>[vector<16xi32>], vector<16xf32>,
            %get3A_675 = arith.index_cast %while3A_598 : i32 to index
            %get3A_676 = arith.constant 112 : index
            %get3A_677 = tpu.vector_load %arg11[%get3A_675, %get3A_676] {strides = array<i32>} : memref<128x128xf32, #tpu.memory_space<vmem>>, vector<16xf32>,
            %max3A_678 = arith.maximumf %gather3A_674, %get3A_677 : vector<16xf32>
            tpu.vector_store_idx %arg12[%add3A_673], %max3A_678 : memref<40960xf32, #tpu.memory_space<vmem>>[vector<16xi32>], vector<16xf32>,
          }
          %get3A_564 = arith.constant 128 : index
          %get3A_565 = tpu.vector_load %arg8[%get3A_564] {strides = array<i32>} : memref<256xi32, #tpu.memory_space<vmem>>, vector<16xi32>,
          %swap3A_566 = arith.constant 0 : index
          %swap3A_567 = tpu.vector_load %arg8[%swap3A_566] {strides = array<i32>} : memref<256xi32, #tpu.memory_space<vmem>>, vector<16xi32>,
          tpu.vector_store %arg8[%swap3A_566], %get3A_565 {strides = array<i32>} : memref<256xi32, #tpu.memory_space<vmem>>, vector<16xi32>,
          %get3A_568 = arith.constant 144 : index
          %get3A_569 = tpu.vector_load %arg8[%get3A_568] {strides = array<i32>} : memref<256xi32, #tpu.memory_space<vmem>>, vector<16xi32>,
          %swap3A_570 = arith.constant 16 : index
          %swap3A_571 = tpu.vector_load %arg8[%swap3A_570] {strides = array<i32>} : memref<256xi32, #tpu.memory_space<vmem>>, vector<16xi32>,
          tpu.vector_store %arg8[%swap3A_570], %get3A_569 {strides = array<i32>} : memref<256xi32, #tpu.memory_space<vmem>>, vector<16xi32>,
          %get3A_572 = arith.constant 160 : index
          %get3A_573 = tpu.vector_load %arg8[%get3A_572] {strides = array<i32>} : memref<256xi32, #tpu.memory_space<vmem>>, vector<16xi32>,
          %swap3A_574 = arith.constant 32 : index
          %swap3A_575 = tpu.vector_load %arg8[%swap3A_574] {strides = array<i32>} : memref<256xi32, #tpu.memory_space<vmem>>, vector<16xi32>,
          tpu.vector_store %arg8[%swap3A_574], %get3A_573 {strides = array<i32>} : memref<256xi32, #tpu.memory_space<vmem>>, vector<16xi32>,
          %get3A_576 = arith.constant 176 : index
          %get3A_577 = tpu.vector_load %arg8[%get3A_576] {strides = array<i32>} : memref<256xi32, #tpu.memory_space<vmem>>, vector<16xi32>,
          %swap3A_578 = arith.constant 48 : index
          %swap3A_579 = tpu.vector_load %arg8[%swap3A_578] {strides = array<i32>} : memref<256xi32, #tpu.memory_space<vmem>>, vector<16xi32>,
          tpu.vector_store %arg8[%swap3A_578], %get3A_577 {strides = array<i32>} : memref<256xi32, #tpu.memory_space<vmem>>, vector<16xi32>,
          %get3A_580 = arith.constant 192 : index
          %get3A_581 = tpu.vector_load %arg8[%get3A_580] {strides = array<i32>} : memref<256xi32, #tpu.memory_space<vmem>>, vector<16xi32>,
          %swap3A_582 = arith.constant 64 : index
          %swap3A_583 = tpu.vector_load %arg8[%swap3A_582] {strides = array<i32>} : memref<256xi32, #tpu.memory_space<vmem>>, vector<16xi32>,
          tpu.vector_store %arg8[%swap3A_582], %get3A_581 {strides = array<i32>} : memref<256xi32, #tpu.memory_space<vmem>>, vector<16xi32>,
          %get3A_584 = arith.constant 208 : index
          %get3A_585 = tpu.vector_load %arg8[%get3A_584] {strides = array<i32>} : memref<256xi32, #tpu.memory_space<vmem>>, vector<16xi32>,
          %swap3A_586 = arith.constant 80 : index
          %swap3A_587 = tpu.vector_load %arg8[%swap3A_586] {strides = array<i32>} : memref<256xi32, #tpu.memory_space<vmem>>, vector<16xi32>,
          tpu.vector_store %arg8[%swap3A_586], %get3A_585 {strides = array<i32>} : memref<256xi32, #tpu.memory_space<vmem>>, vector<16xi32>,
          %get3A_588 = arith.constant 224 : index
          %get3A_589 = tpu.vector_load %arg8[%get3A_588] {strides = array<i32>} : memref<256xi32, #tpu.memory_space<vmem>>, vector<16xi32>,
          %swap3A_590 = arith.constant 96 : index
          %swap3A_591 = tpu.vector_load %arg8[%swap3A_590] {strides = array<i32>} : memref<256xi32, #tpu.memory_space<vmem>>, vector<16xi32>,
          tpu.vector_store %arg8[%swap3A_590], %get3A_589 {strides = array<i32>} : memref<256xi32, #tpu.memory_space<vmem>>, vector<16xi32>,
          %get3A_592 = arith.constant 240 : index
          %get3A_593 = tpu.vector_load %arg8[%get3A_592] {strides = array<i32>} : memref<256xi32, #tpu.memory_space<vmem>>, vector<16xi32>,
          %swap3A_594 = arith.constant 112 : index
          %swap3A_595 = tpu.vector_load %arg8[%swap3A_594] {strides = array<i32>} : memref<256xi32, #tpu.memory_space<vmem>>, vector<16xi32>,
          tpu.vector_store %arg8[%swap3A_594], %get3A_593 {strides = array<i32>} : memref<256xi32, #tpu.memory_space<vmem>>, vector<16xi32>,
          %sub3A_596 = arith.constant 128 : i32
          %sub3A_597 = arith.subi %add3A_451, %sub3A_596 : i32
          scf.yield %sub3A_597 : i32
        } else {
          scf.yield %add3A_451 : i32
        }
        scf.yield %cond3A_457 : i32
      }
      %scan3A_270 = arith.constant 50 : i32
      scf.yield %scan3A_269 : i32
    }
    %scan3A_85 = arith.constant 25 : i32
    %get3A = arith.constant 0 : index
    %get3A_86 = tpu.vector_load %arg8[%get3A] {strides = array<i32>} : memref<256xi32, #tpu.memory_space<vmem>>, vector<16xi32>,
    %and3A = arith.constant 16383 : i32
    %and3A_87 = vector.broadcast %and3A : i32 to vector<16xi32>
    %and3A_88 = arith.andi %get3A_86, %and3A_87 : vector<16xi32>
    %swap3A_89 = arith.constant 0 : index
    %swap3A_90 = tpu.vector_load %arg9[%swap3A_89] {strides = array<i32>} : memref<64xi32, #tpu.memory_space<vmem>>, vector<16xi32>,
    tpu.vector_store %arg9[%swap3A_89], %and3A_88 {strides = array<i32>} : memref<64xi32, #tpu.memory_space<vmem>>, vector<16xi32>,
    %get3A_91 = arith.constant 64 : index
    %get3A_92 = tpu.vector_load %arg8[%get3A_91] {strides = array<i32>} : memref<256xi32, #tpu.memory_space<vmem>>, vector<16xi32>,
    %and3A_93 = arith.constant 16383 : i32
    %and3A_94 = vector.broadcast %and3A_93 : i32 to vector<16xi32>
    %and3A_95 = arith.andi %get3A_92, %and3A_94 : vector<16xi32>
    %swap3A_96 = arith.constant 0 : index
    %swap3A_97 = tpu.vector_load %arg10[%swap3A_96] {strides = array<i32>} : memref<64xi32, #tpu.memory_space<vmem>>, vector<16xi32>,
    tpu.vector_store %arg10[%swap3A_96], %and3A_95 {strides = array<i32>} : memref<64xi32, #tpu.memory_space<vmem>>, vector<16xi32>,
    %get3A_98 = arith.constant 16 : index
    %get3A_99 = tpu.vector_load %arg8[%get3A_98] {strides = array<i32>} : memref<256xi32, #tpu.memory_space<vmem>>, vector<16xi32>,
    %and3A_100 = arith.constant 16383 : i32
    %and3A_101 = vector.broadcast %and3A_100 : i32 to vector<16xi32>
    %and3A_102 = arith.andi %get3A_99, %and3A_101 : vector<16xi32>
    %swap3A_103 = arith.constant 16 : index
    %swap3A_104 = tpu.vector_load %arg9[%swap3A_103] {strides = array<i32>} : memref<64xi32, #tpu.memory_space<vmem>>, vector<16xi32>,
    tpu.vector_store %arg9[%swap3A_103], %and3A_102 {strides = array<i32>} : memref<64xi32, #tpu.memory_space<vmem>>, vector<16xi32>,
    %get3A_105 = arith.constant 80 : index
    %get3A_106 = tpu.vector_load %arg8[%get3A_105] {strides = array<i32>} : memref<256xi32, #tpu.memory_space<vmem>>, vector<16xi32>,
    %and3A_107 = arith.constant 16383 : i32
    %and3A_108 = vector.broadcast %and3A_107 : i32 to vector<16xi32>
    %and3A_109 = arith.andi %get3A_106, %and3A_108 : vector<16xi32>
    %swap3A_110 = arith.constant 16 : index
    %swap3A_111 = tpu.vector_load %arg10[%swap3A_110] {strides = array<i32>} : memref<64xi32, #tpu.memory_space<vmem>>, vector<16xi32>,
    tpu.vector_store %arg10[%swap3A_110], %and3A_109 {strides = array<i32>} : memref<64xi32, #tpu.memory_space<vmem>>, vector<16xi32>,
    %get3A_112 = arith.constant 32 : index
    %get3A_113 = tpu.vector_load %arg8[%get3A_112] {strides = array<i32>} : memref<256xi32, #tpu.memory_space<vmem>>, vector<16xi32>,
    %and3A_114 = arith.constant 16383 : i32
    %and3A_115 = vector.broadcast %and3A_114 : i32 to vector<16xi32>
    %and3A_116 = arith.andi %get3A_113, %and3A_115 : vector<16xi32>
    %swap3A_117 = arith.constant 32 : index
    %swap3A_118 = tpu.vector_load %arg9[%swap3A_117] {strides = array<i32>} : memref<64xi32, #tpu.memory_space<vmem>>, vector<16xi32>,
    tpu.vector_store %arg9[%swap3A_117], %and3A_116 {strides = array<i32>} : memref<64xi32, #tpu.memory_space<vmem>>, vector<16xi32>,
    %get3A_119 = arith.constant 96 : index
    %get3A_120 = tpu.vector_load %arg8[%get3A_119] {strides = array<i32>} : memref<256xi32, #tpu.memory_space<vmem>>, vector<16xi32>,
    %and3A_121 = arith.constant 16383 : i32
    %and3A_122 = vector.broadcast %and3A_121 : i32 to vector<16xi32>
    %and3A_123 = arith.andi %get3A_120, %and3A_122 : vector<16xi32>
    %swap3A_124 = arith.constant 32 : index
    %swap3A_125 = tpu.vector_load %arg10[%swap3A_124] {strides = array<i32>} : memref<64xi32, #tpu.memory_space<vmem>>, vector<16xi32>,
    tpu.vector_store %arg10[%swap3A_124], %and3A_123 {strides = array<i32>} : memref<64xi32, #tpu.memory_space<vmem>>, vector<16xi32>,
    %get3A_126 = arith.constant 48 : index
    %get3A_127 = tpu.vector_load %arg8[%get3A_126] {strides = array<i32>} : memref<256xi32, #tpu.memory_space<vmem>>, vector<16xi32>,
    %and3A_128 = arith.constant 16383 : i32
    %and3A_129 = vector.broadcast %and3A_128 : i32 to vector<16xi32>
    %and3A_130 = arith.andi %get3A_127, %and3A_129 : vector<16xi32>
    %swap3A_131 = arith.constant 48 : index
    %swap3A_132 = tpu.vector_load %arg9[%swap3A_131] {strides = array<i32>} : memref<64xi32, #tpu.memory_space<vmem>>, vector<16xi32>,
    tpu.vector_store %arg9[%swap3A_131], %and3A_130 {strides = array<i32>} : memref<64xi32, #tpu.memory_space<vmem>>, vector<16xi32>,
    %get3A_133 = arith.constant 112 : index
    %get3A_134 = tpu.vector_load %arg8[%get3A_133] {strides = array<i32>} : memref<256xi32, #tpu.memory_space<vmem>>, vector<16xi32>,
    %and3A_135 = arith.constant 16383 : i32
    %and3A_136 = vector.broadcast %and3A_135 : i32 to vector<16xi32>
    %and3A_137 = arith.andi %get3A_134, %and3A_136 : vector<16xi32>
    %swap3A_138 = arith.constant 48 : index
    %swap3A_139 = tpu.vector_load %arg10[%swap3A_138] {strides = array<i32>} : memref<64xi32, #tpu.memory_space<vmem>>, vector<16xi32>,
    tpu.vector_store %arg10[%swap3A_138], %and3A_137 {strides = array<i32>} : memref<64xi32, #tpu.memory_space<vmem>>, vector<16xi32>,
    %dma_start3A_140 = arith.constant 0 : i32
    %dma_start3A_141 = arith.constant 0 : i32
    %dma_start3A_142 = tpu.memref_slice %arg11[%dma_start3A_140, %dma_start3A_141] : memref<128x128xf32, #tpu.memory_space<vmem>> -> memref<64x128xf32, #tpu.memory_space<vmem>>
    %dma_start3A_143 = arith.constant 0 : i32
    %dma_start3A_144 = arith.constant 0 : i32
    %dma_start3A_145 = tpu.memref_slice %arg3[%dma_start3A_143, %dma_start3A_144] : memref<10240x128xf32, #tpu.memory_space<hbm>> -> memref<10240x128xf32, #tpu.memory_space<hbm>>
    tpu.enqueue_indirect_dma source(%dma_start3A_145 : memref<10240x128xf32, #tpu.memory_space<hbm>>) target(%dma_start3A_142 : memref<64x128xf32, #tpu.memory_space<vmem>>) offsets(%arg9 : memref<64xi32, #tpu.memory_space<vmem>>) semaphore(%arg15 : memref<!tpu.dma_semaphore, #tpu.memory_space<semaphore_mem>>)
    %dma_start3A_146 = arith.constant 64 : i32
    %dma_start3A_147 = arith.constant 0 : i32
    %dma_start3A_148 = tpu.memref_slice %arg11[%dma_start3A_146, %dma_start3A_147] : memref<128x128xf32, #tpu.memory_space<vmem>> -> memref<64x128xf32, #tpu.memory_space<vmem>>
    %dma_start3A_149 = arith.constant 0 : i32
    %dma_start3A_150 = arith.constant 0 : i32
    %dma_start3A_151 = tpu.memref_slice %arg3[%dma_start3A_149, %dma_start3A_150] : memref<10240x128xf32, #tpu.memory_space<hbm>> -> memref<10240x128xf32, #tpu.memory_space<hbm>>
    tpu.enqueue_indirect_dma source(%dma_start3A_151 : memref<10240x128xf32, #tpu.memory_space<hbm>>) target(%dma_start3A_148 : memref<64x128xf32, #tpu.memory_space<vmem>>) offsets(%arg10 : memref<64xi32, #tpu.memory_space<vmem>>) semaphore(%arg16 : memref<!tpu.dma_semaphore, #tpu.memory_space<semaphore_mem>>)
    %dma_wait3A = arith.constant 0 : i32
    %dma_wait3A_152 = arith.constant 0 : i32
    %dma_wait3A_153 = tpu.memref_slice %arg11[%dma_wait3A, %dma_wait3A_152] : memref<128x128xf32, #tpu.memory_space<vmem>> -> memref<64x128xf32, #tpu.memory_space<vmem>>
    %dma_wait3A_154 = arith.constant 0 : i32
    %dma_wait3A_155 = arith.constant 0 : i32
    %dma_wait3A_156 = tpu.memref_slice %arg3[%dma_wait3A_154, %dma_wait3A_155] : memref<10240x128xf32, #tpu.memory_space<hbm>> -> memref<10240x128xf32, #tpu.memory_space<hbm>>
    tpu.wait_indirect_dma semaphore(%arg15 : memref<!tpu.dma_semaphore, #tpu.memory_space<semaphore_mem>>) src(%dma_wait3A_156 : memref<10240x128xf32, #tpu.memory_space<hbm>>) dst(%dma_wait3A_153 : memref<64x128xf32, #tpu.memory_space<vmem>>)
    %min3A = arith.constant 64 : i32
    %min3A_157 = arith.minsi %scan3A_84, %min3A : i32
    %while3A = arith.constant 0 : i32
    %while3A_158 = arith.constant 0 : i32
    %while3A_159 = arith.subi %min3A_157, %while3A_158 : i32
    %while3A_160 = arith.addi %while3A_158, %while3A_159 : i32
    %while3A_161 = arith.constant 1 : i32
    %while3A_162 = arith.divsi %while3A_159, %while3A_161 : i32
    %while3A_163 = arith.muli %while3A_162, %while3A_161 : i32
    %while3A_164 = arith.addi %while3A_158, %while3A_163 : i32
    %while3A_165 = arith.constant 1 : i32
    scf.for %while3A_234 = %while3A_158 to %while3A_164 step %while3A_165  : i32 {
      %broadcast_in_dim3A_235 = vector.broadcast %while3A_234 : i32 to vector<16xi32>
      %gather3A = tpu.vector_load_idx %arg8[%broadcast_in_dim3A_235] : memref<256xi32, #tpu.memory_space<vmem>>[vector<16xi32>], vector<16xi32>,
      %shift_right_logical3A = arith.constant 14 : i32
      %shift_right_logical3A_236 = vector.broadcast %shift_right_logical3A : i32 to vector<16xi32>
      %shift_right_logical3A_237 = arith.shrui %gather3A, %shift_right_logical3A_236 : vector<16xi32>
      %sub3A = vector.broadcast %mul3A_2 : i32 to vector<16xi32>
      %sub3A_238 = arith.subi %shift_right_logical3A_237, %sub3A : vector<16xi32>
      %mul3A_239 = arith.constant 128 : i32
      %mul3A_240 = vector.broadcast %mul3A_239 : i32 to vector<16xi32>
      %mul3A_241 = arith.muli %sub3A_238, %mul3A_240 : vector<16xi32>
      %add3A_242 = arith.constant 0 : i32
      %add3A_243 = vector.broadcast %add3A_242 : i32 to vector<16xi32>
      %add3A_244 = arith.addi %mul3A_241, %add3A_243 : vector<16xi32>
      %add3A_245 = arith.addi %add3A_244, %iota3A : vector<16xi32>
      %gather3A_246 = tpu.vector_load_idx %arg12[%add3A_245] : memref<40960xf32, #tpu.memory_space<vmem>>[vector<16xi32>], vector<16xf32>,
      %get3A_247 = arith.index_cast %while3A_234 : i32 to index
      %get3A_248 = arith.constant 0 : index
      %get3A_249 = tpu.vector_load %arg11[%get3A_247, %get3A_248] {strides = array<i32>} : memref<128x128xf32, #tpu.memory_space<vmem>>, vector<16xf32>,
      %max3A_250 = arith.maximumf %gather3A_246, %get3A_249 : vector<16xf32>
      tpu.vector_store_idx %arg12[%add3A_245], %max3A_250 : memref<40960xf32, #tpu.memory_space<vmem>>[vector<16xi32>], vector<16xf32>,
      %add3A_251 = arith.constant 16 : i32
      %add3A_252 = vector.broadcast %add3A_251 : i32 to vector<16xi32>
      %add3A_253 = arith.addi %mul3A_241, %add3A_252 : vector<16xi32>
      %add3A_254 = arith.addi %add3A_253, %iota3A : vector<16xi32>
      %gather3A_255 = tpu.vector_load_idx %arg12[%add3A_254] : memref<40960xf32, #tpu.memory_space<vmem>>[vector<16xi32>], vector<16xf32>,
      %get3A_256 = arith.index_cast %while3A_234 : i32 to index
      %get3A_257 = arith.constant 16 : index
      %get3A_258 = tpu.vector_load %arg11[%get3A_256, %get3A_257] {strides = array<i32>} : memref<128x128xf32, #tpu.memory_space<vmem>>, vector<16xf32>,
      %max3A_259 = arith.maximumf %gather3A_255, %get3A_258 : vector<16xf32>
      tpu.vector_store_idx %arg12[%add3A_254], %max3A_259 : memref<40960xf32, #tpu.memory_space<vmem>>[vector<16xi32>], vector<16xf32>,
      %add3A_260 = arith.constant 32 : i32
      %add3A_261 = vector.broadcast %add3A_260 : i32 to vector<16xi32>
      %add3A_262 = arith.addi %mul3A_241, %add3A_261 : vector<16xi32>
      %add3A_263 = arith.addi %add3A_262, %iota3A : vector<16xi32>
      %gather3A_264 = tpu.vector_load_idx %arg12[%add3A_263] : memref<40960xf32, #tpu.memory_space<vmem>>[vector<16xi32>], vector<16xf32>,
      %get3A_265 = arith.index_cast %while3A_234 : i32 to index
      %get3A_266 = arith.constant 32 : index
      %get3A_267 = tpu.vector_load %arg11[%get3A_265, %get3A_266] {strides = array<i32>} : memref<128x128xf32, #tpu.memory_space<vmem>>, vector<16xf32>,
      %max3A_268 = arith.maximumf %gather3A_264, %get3A_267 : vector<16xf32>
      tpu.vector_store_idx %arg12[%add3A_263], %max3A_268 : memref<40960xf32, #tpu.memory_space<vmem>>[vector<16xi32>], vector<16xf32>,
      %add3A_269 = arith.constant 48 : i32
      %add3A_270 = vector.broadcast %add3A_269 : i32 to vector<16xi32>
      %add3A_271 = arith.addi %mul3A_241, %add3A_270 : vector<16xi32>
      %add3A_272 = arith.addi %add3A_271, %iota3A : vector<16xi32>
      %gather3A_273 = tpu.vector_load_idx %arg12[%add3A_272] : memref<40960xf32, #tpu.memory_space<vmem>>[vector<16xi32>], vector<16xf32>,
      %get3A_274 = arith.index_cast %while3A_234 : i32 to index
      %get3A_275 = arith.constant 48 : index
      %get3A_276 = tpu.vector_load %arg11[%get3A_274, %get3A_275] {strides = array<i32>} : memref<128x128xf32, #tpu.memory_space<vmem>>, vector<16xf32>,
      %max3A_277 = arith.maximumf %gather3A_273, %get3A_276 : vector<16xf32>
      tpu.vector_store_idx %arg12[%add3A_272], %max3A_277 : memref<40960xf32, #tpu.memory_space<vmem>>[vector<16xi32>], vector<16xf32>,
      %add3A_278 = arith.constant 64 : i32
      %add3A_279 = vector.broadcast %add3A_278 : i32 to vector<16xi32>
      %add3A_280 = arith.addi %mul3A_241, %add3A_279 : vector<16xi32>
      %add3A_281 = arith.addi %add3A_280, %iota3A : vector<16xi32>
      %gather3A_282 = tpu.vector_load_idx %arg12[%add3A_281] : memref<40960xf32, #tpu.memory_space<vmem>>[vector<16xi32>], vector<16xf32>,
      %get3A_283 = arith.index_cast %while3A_234 : i32 to index
      %get3A_284 = arith.constant 64 : index
      %get3A_285 = tpu.vector_load %arg11[%get3A_283, %get3A_284] {strides = array<i32>} : memref<128x128xf32, #tpu.memory_space<vmem>>, vector<16xf32>,
      %max3A_286 = arith.maximumf %gather3A_282, %get3A_285 : vector<16xf32>
      tpu.vector_store_idx %arg12[%add3A_281], %max3A_286 : memref<40960xf32, #tpu.memory_space<vmem>>[vector<16xi32>], vector<16xf32>,
      %add3A_287 = arith.constant 80 : i32
      %add3A_288 = vector.broadcast %add3A_287 : i32 to vector<16xi32>
      %add3A_289 = arith.addi %mul3A_241, %add3A_288 : vector<16xi32>
      %add3A_290 = arith.addi %add3A_289, %iota3A : vector<16xi32>
      %gather3A_291 = tpu.vector_load_idx %arg12[%add3A_290] : memref<40960xf32, #tpu.memory_space<vmem>>[vector<16xi32>], vector<16xf32>,
      %get3A_292 = arith.index_cast %while3A_234 : i32 to index
      %get3A_293 = arith.constant 80 : index
      %get3A_294 = tpu.vector_load %arg11[%get3A_292, %get3A_293] {strides = array<i32>} : memref<128x128xf32, #tpu.memory_space<vmem>>, vector<16xf32>,
      %max3A_295 = arith.maximumf %gather3A_291, %get3A_294 : vector<16xf32>
      tpu.vector_store_idx %arg12[%add3A_290], %max3A_295 : memref<40960xf32, #tpu.memory_space<vmem>>[vector<16xi32>], vector<16xf32>,
      %add3A_296 = arith.constant 96 : i32
      %add3A_297 = vector.broadcast %add3A_296 : i32 to vector<16xi32>
      %add3A_298 = arith.addi %mul3A_241, %add3A_297 : vector<16xi32>
      %add3A_299 = arith.addi %add3A_298, %iota3A : vector<16xi32>
      %gather3A_300 = tpu.vector_load_idx %arg12[%add3A_299] : memref<40960xf32, #tpu.memory_space<vmem>>[vector<16xi32>], vector<16xf32>,
      %get3A_301 = arith.index_cast %while3A_234 : i32 to index
      %get3A_302 = arith.constant 96 : index
      %get3A_303 = tpu.vector_load %arg11[%get3A_301, %get3A_302] {strides = array<i32>} : memref<128x128xf32, #tpu.memory_space<vmem>>, vector<16xf32>,
      %max3A_304 = arith.maximumf %gather3A_300, %get3A_303 : vector<16xf32>
      tpu.vector_store_idx %arg12[%add3A_299], %max3A_304 : memref<40960xf32, #tpu.memory_space<vmem>>[vector<16xi32>], vector<16xf32>,
      %add3A_305 = arith.constant 112 : i32
      %add3A_306 = vector.broadcast %add3A_305 : i32 to vector<16xi32>
      %add3A_307 = arith.addi %mul3A_241, %add3A_306 : vector<16xi32>
      %add3A_308 = arith.addi %add3A_307, %iota3A : vector<16xi32>
      %gather3A_309 = tpu.vector_load_idx %arg12[%add3A_308] : memref<40960xf32, #tpu.memory_space<vmem>>[vector<16xi32>], vector<16xf32>,
      %get3A_310 = arith.index_cast %while3A_234 : i32 to index
      %get3A_311 = arith.constant 112 : index
      %get3A_312 = tpu.vector_load %arg11[%get3A_310, %get3A_311] {strides = array<i32>} : memref<128x128xf32, #tpu.memory_space<vmem>>, vector<16xf32>,
      %max3A_313 = arith.maximumf %gather3A_309, %get3A_312 : vector<16xf32>
      tpu.vector_store_idx %arg12[%add3A_308], %max3A_313 : memref<40960xf32, #tpu.memory_space<vmem>>[vector<16xi32>], vector<16xf32>,
    }
    %while3A_166 = arith.constant 1 : i32
    scf.for %while3A_234 = %while3A_164 to %while3A_160 step %while3A_166  : i32 {
      %broadcast_in_dim3A_235 = vector.broadcast %while3A_234 : i32 to vector<16xi32>
      %gather3A = tpu.vector_load_idx %arg8[%broadcast_in_dim3A_235] : memref<256xi32, #tpu.memory_space<vmem>>[vector<16xi32>], vector<16xi32>,
      %shift_right_logical3A = arith.constant 14 : i32
      %shift_right_logical3A_236 = vector.broadcast %shift_right_logical3A : i32 to vector<16xi32>
      %shift_right_logical3A_237 = arith.shrui %gather3A, %shift_right_logical3A_236 : vector<16xi32>
      %sub3A = vector.broadcast %mul3A_2 : i32 to vector<16xi32>
      %sub3A_238 = arith.subi %shift_right_logical3A_237, %sub3A : vector<16xi32>
      %mul3A_239 = arith.constant 128 : i32
      %mul3A_240 = vector.broadcast %mul3A_239 : i32 to vector<16xi32>
      %mul3A_241 = arith.muli %sub3A_238, %mul3A_240 : vector<16xi32>
      %add3A_242 = arith.constant 0 : i32
      %add3A_243 = vector.broadcast %add3A_242 : i32 to vector<16xi32>
      %add3A_244 = arith.addi %mul3A_241, %add3A_243 : vector<16xi32>
      %add3A_245 = arith.addi %add3A_244, %iota3A : vector<16xi32>
      %gather3A_246 = tpu.vector_load_idx %arg12[%add3A_245] : memref<40960xf32, #tpu.memory_space<vmem>>[vector<16xi32>], vector<16xf32>,
      %get3A_247 = arith.index_cast %while3A_234 : i32 to index
      %get3A_248 = arith.constant 0 : index
      %get3A_249 = tpu.vector_load %arg11[%get3A_247, %get3A_248] {strides = array<i32>} : memref<128x128xf32, #tpu.memory_space<vmem>>, vector<16xf32>,
      %max3A_250 = arith.maximumf %gather3A_246, %get3A_249 : vector<16xf32>
      tpu.vector_store_idx %arg12[%add3A_245], %max3A_250 : memref<40960xf32, #tpu.memory_space<vmem>>[vector<16xi32>], vector<16xf32>,
      %add3A_251 = arith.constant 16 : i32
      %add3A_252 = vector.broadcast %add3A_251 : i32 to vector<16xi32>
      %add3A_253 = arith.addi %mul3A_241, %add3A_252 : vector<16xi32>
      %add3A_254 = arith.addi %add3A_253, %iota3A : vector<16xi32>
      %gather3A_255 = tpu.vector_load_idx %arg12[%add3A_254] : memref<40960xf32, #tpu.memory_space<vmem>>[vector<16xi32>], vector<16xf32>,
      %get3A_256 = arith.index_cast %while3A_234 : i32 to index
      %get3A_257 = arith.constant 16 : index
      %get3A_258 = tpu.vector_load %arg11[%get3A_256, %get3A_257] {strides = array<i32>} : memref<128x128xf32, #tpu.memory_space<vmem>>, vector<16xf32>,
      %max3A_259 = arith.maximumf %gather3A_255, %get3A_258 : vector<16xf32>
      tpu.vector_store_idx %arg12[%add3A_254], %max3A_259 : memref<40960xf32, #tpu.memory_space<vmem>>[vector<16xi32>], vector<16xf32>,
      %add3A_260 = arith.constant 32 : i32
      %add3A_261 = vector.broadcast %add3A_260 : i32 to vector<16xi32>
      %add3A_262 = arith.addi %mul3A_241, %add3A_261 : vector<16xi32>
      %add3A_263 = arith.addi %add3A_262, %iota3A : vector<16xi32>
      %gather3A_264 = tpu.vector_load_idx %arg12[%add3A_263] : memref<40960xf32, #tpu.memory_space<vmem>>[vector<16xi32>], vector<16xf32>,
      %get3A_265 = arith.index_cast %while3A_234 : i32 to index
      %get3A_266 = arith.constant 32 : index
      %get3A_267 = tpu.vector_load %arg11[%get3A_265, %get3A_266] {strides = array<i32>} : memref<128x128xf32, #tpu.memory_space<vmem>>, vector<16xf32>,
      %max3A_268 = arith.maximumf %gather3A_264, %get3A_267 : vector<16xf32>
      tpu.vector_store_idx %arg12[%add3A_263], %max3A_268 : memref<40960xf32, #tpu.memory_space<vmem>>[vector<16xi32>], vector<16xf32>,
      %add3A_269 = arith.constant 48 : i32
      %add3A_270 = vector.broadcast %add3A_269 : i32 to vector<16xi32>
      %add3A_271 = arith.addi %mul3A_241, %add3A_270 : vector<16xi32>
      %add3A_272 = arith.addi %add3A_271, %iota3A : vector<16xi32>
      %gather3A_273 = tpu.vector_load_idx %arg12[%add3A_272] : memref<40960xf32, #tpu.memory_space<vmem>>[vector<16xi32>], vector<16xf32>,
      %get3A_274 = arith.index_cast %while3A_234 : i32 to index
      %get3A_275 = arith.constant 48 : index
      %get3A_276 = tpu.vector_load %arg11[%get3A_274, %get3A_275] {strides = array<i32>} : memref<128x128xf32, #tpu.memory_space<vmem>>, vector<16xf32>,
      %max3A_277 = arith.maximumf %gather3A_273, %get3A_276 : vector<16xf32>
      tpu.vector_store_idx %arg12[%add3A_272], %max3A_277 : memref<40960xf32, #tpu.memory_space<vmem>>[vector<16xi32>], vector<16xf32>,
      %add3A_278 = arith.constant 64 : i32
      %add3A_279 = vector.broadcast %add3A_278 : i32 to vector<16xi32>
      %add3A_280 = arith.addi %mul3A_241, %add3A_279 : vector<16xi32>
      %add3A_281 = arith.addi %add3A_280, %iota3A : vector<16xi32>
      %gather3A_282 = tpu.vector_load_idx %arg12[%add3A_281] : memref<40960xf32, #tpu.memory_space<vmem>>[vector<16xi32>], vector<16xf32>,
      %get3A_283 = arith.index_cast %while3A_234 : i32 to index
      %get3A_284 = arith.constant 64 : index
      %get3A_285 = tpu.vector_load %arg11[%get3A_283, %get3A_284] {strides = array<i32>} : memref<128x128xf32, #tpu.memory_space<vmem>>, vector<16xf32>,
      %max3A_286 = arith.maximumf %gather3A_282, %get3A_285 : vector<16xf32>
      tpu.vector_store_idx %arg12[%add3A_281], %max3A_286 : memref<40960xf32, #tpu.memory_space<vmem>>[vector<16xi32>], vector<16xf32>,
      %add3A_287 = arith.constant 80 : i32
      %add3A_288 = vector.broadcast %add3A_287 : i32 to vector<16xi32>
      %add3A_289 = arith.addi %mul3A_241, %add3A_288 : vector<16xi32>
      %add3A_290 = arith.addi %add3A_289, %iota3A : vector<16xi32>
      %gather3A_291 = tpu.vector_load_idx %arg12[%add3A_290] : memref<40960xf32, #tpu.memory_space<vmem>>[vector<16xi32>], vector<16xf32>,
      %get3A_292 = arith.index_cast %while3A_234 : i32 to index
      %get3A_293 = arith.constant 80 : index
      %get3A_294 = tpu.vector_load %arg11[%get3A_292, %get3A_293] {strides = array<i32>} : memref<128x128xf32, #tpu.memory_space<vmem>>, vector<16xf32>,
      %max3A_295 = arith.maximumf %gather3A_291, %get3A_294 : vector<16xf32>
      tpu.vector_store_idx %arg12[%add3A_290], %max3A_295 : memref<40960xf32, #tpu.memory_space<vmem>>[vector<16xi32>], vector<16xf32>,
      %add3A_296 = arith.constant 96 : i32
      %add3A_297 = vector.broadcast %add3A_296 : i32 to vector<16xi32>
      %add3A_298 = arith.addi %mul3A_241, %add3A_297 : vector<16xi32>
      %add3A_299 = arith.addi %add3A_298, %iota3A : vector<16xi32>
      %gather3A_300 = tpu.vector_load_idx %arg12[%add3A_299] : memref<40960xf32, #tpu.memory_space<vmem>>[vector<16xi32>], vector<16xf32>,
      %get3A_301 = arith.index_cast %while3A_234 : i32 to index
      %get3A_302 = arith.constant 96 : index
      %get3A_303 = tpu.vector_load %arg11[%get3A_301, %get3A_302] {strides = array<i32>} : memref<128x128xf32, #tpu.memory_space<vmem>>, vector<16xf32>,
      %max3A_304 = arith.maximumf %gather3A_300, %get3A_303 : vector<16xf32>
      tpu.vector_store_idx %arg12[%add3A_299], %max3A_304 : memref<40960xf32, #tpu.memory_space<vmem>>[vector<16xi32>], vector<16xf32>,
      %add3A_305 = arith.constant 112 : i32
      %add3A_306 = vector.broadcast %add3A_305 : i32 to vector<16xi32>
      %add3A_307 = arith.addi %mul3A_241, %add3A_306 : vector<16xi32>
      %add3A_308 = arith.addi %add3A_307, %iota3A : vector<16xi32>
      %gather3A_309 = tpu.vector_load_idx %arg12[%add3A_308] : memref<40960xf32, #tpu.memory_space<vmem>>[vector<16xi32>], vector<16xf32>,
      %get3A_310 = arith.index_cast %while3A_234 : i32 to index
      %get3A_311 = arith.constant 112 : index
      %get3A_312 = tpu.vector_load %arg11[%get3A_310, %get3A_311] {strides = array<i32>} : memref<128x128xf32, #tpu.memory_space<vmem>>, vector<16xf32>,
      %max3A_313 = arith.maximumf %gather3A_309, %get3A_312 : vector<16xf32>
      tpu.vector_store_idx %arg12[%add3A_308], %max3A_313 : memref<40960xf32, #tpu.memory_space<vmem>>[vector<16xi32>], vector<16xf32>,
    }
    %dma_wait3A_167 = arith.constant 64 : i32
    %dma_wait3A_168 = arith.constant 0 : i32
    %dma_wait3A_169 = tpu.memref_slice %arg11[%dma_wait3A_167, %dma_wait3A_168] : memref<128x128xf32, #tpu.memory_space<vmem>> -> memref<64x128xf32, #tpu.memory_space<vmem>>
    %dma_wait3A_170 = arith.constant 0 : i32
    %dma_wait3A_171 = arith.constant 0 : i32
    %dma_wait3A_172 = tpu.memref_slice %arg3[%dma_wait3A_170, %dma_wait3A_171] : memref<10240x128xf32, #tpu.memory_space<hbm>> -> memref<10240x128xf32, #tpu.memory_space<hbm>>
    tpu.wait_indirect_dma semaphore(%arg16 : memref<!tpu.dma_semaphore, #tpu.memory_space<semaphore_mem>>) src(%dma_wait3A_172 : memref<10240x128xf32, #tpu.memory_space<hbm>>) dst(%dma_wait3A_169 : memref<64x128xf32, #tpu.memory_space<vmem>>)
    %max3A = arith.constant 64 : i32
    %max3A_173 = arith.maxsi %scan3A_84, %max3A : i32
    %while3A_174 = arith.constant 0 : i32
    %while3A_175 = arith.constant 64 : i32
    %while3A_176 = arith.subi %max3A_173, %while3A_175 : i32
    %while3A_177 = arith.addi %while3A_175, %while3A_176 : i32
    %while3A_178 = arith.constant 1 : i32
    %while3A_179 = arith.divsi %while3A_176, %while3A_178 : i32
    %while3A_180 = arith.muli %while3A_179, %while3A_178 : i32
    %while3A_181 = arith.addi %while3A_175, %while3A_180 : i32
    %while3A_182 = arith.constant 1 : i32
    scf.for %while3A_234 = %while3A_175 to %while3A_181 step %while3A_182  : i32 {
      %broadcast_in_dim3A_235 = vector.broadcast %while3A_234 : i32 to vector<16xi32>
      %gather3A = tpu.vector_load_idx %arg8[%broadcast_in_dim3A_235] : memref<256xi32, #tpu.memory_space<vmem>>[vector<16xi32>], vector<16xi32>,
      %shift_right_logical3A = arith.constant 14 : i32
      %shift_right_logical3A_236 = vector.broadcast %shift_right_logical3A : i32 to vector<16xi32>
      %shift_right_logical3A_237 = arith.shrui %gather3A, %shift_right_logical3A_236 : vector<16xi32>
      %sub3A = vector.broadcast %mul3A_2 : i32 to vector<16xi32>
      %sub3A_238 = arith.subi %shift_right_logical3A_237, %sub3A : vector<16xi32>
      %mul3A_239 = arith.constant 128 : i32
      %mul3A_240 = vector.broadcast %mul3A_239 : i32 to vector<16xi32>
      %mul3A_241 = arith.muli %sub3A_238, %mul3A_240 : vector<16xi32>
      %add3A_242 = arith.constant 0 : i32
      %add3A_243 = vector.broadcast %add3A_242 : i32 to vector<16xi32>
      %add3A_244 = arith.addi %mul3A_241, %add3A_243 : vector<16xi32>
      %add3A_245 = arith.addi %add3A_244, %iota3A : vector<16xi32>
      %gather3A_246 = tpu.vector_load_idx %arg12[%add3A_245] : memref<40960xf32, #tpu.memory_space<vmem>>[vector<16xi32>], vector<16xf32>,
      %get3A_247 = arith.index_cast %while3A_234 : i32 to index
      %get3A_248 = arith.constant 0 : index
      %get3A_249 = tpu.vector_load %arg11[%get3A_247, %get3A_248] {strides = array<i32>} : memref<128x128xf32, #tpu.memory_space<vmem>>, vector<16xf32>,
      %max3A_250 = arith.maximumf %gather3A_246, %get3A_249 : vector<16xf32>
      tpu.vector_store_idx %arg12[%add3A_245], %max3A_250 : memref<40960xf32, #tpu.memory_space<vmem>>[vector<16xi32>], vector<16xf32>,
      %add3A_251 = arith.constant 16 : i32
      %add3A_252 = vector.broadcast %add3A_251 : i32 to vector<16xi32>
      %add3A_253 = arith.addi %mul3A_241, %add3A_252 : vector<16xi32>
      %add3A_254 = arith.addi %add3A_253, %iota3A : vector<16xi32>
      %gather3A_255 = tpu.vector_load_idx %arg12[%add3A_254] : memref<40960xf32, #tpu.memory_space<vmem>>[vector<16xi32>], vector<16xf32>,
      %get3A_256 = arith.index_cast %while3A_234 : i32 to index
      %get3A_257 = arith.constant 16 : index
      %get3A_258 = tpu.vector_load %arg11[%get3A_256, %get3A_257] {strides = array<i32>} : memref<128x128xf32, #tpu.memory_space<vmem>>, vector<16xf32>,
      %max3A_259 = arith.maximumf %gather3A_255, %get3A_258 : vector<16xf32>
      tpu.vector_store_idx %arg12[%add3A_254], %max3A_259 : memref<40960xf32, #tpu.memory_space<vmem>>[vector<16xi32>], vector<16xf32>,
      %add3A_260 = arith.constant 32 : i32
      %add3A_261 = vector.broadcast %add3A_260 : i32 to vector<16xi32>
      %add3A_262 = arith.addi %mul3A_241, %add3A_261 : vector<16xi32>
      %add3A_263 = arith.addi %add3A_262, %iota3A : vector<16xi32>
      %gather3A_264 = tpu.vector_load_idx %arg12[%add3A_263] : memref<40960xf32, #tpu.memory_space<vmem>>[vector<16xi32>], vector<16xf32>,
      %get3A_265 = arith.index_cast %while3A_234 : i32 to index
      %get3A_266 = arith.constant 32 : index
      %get3A_267 = tpu.vector_load %arg11[%get3A_265, %get3A_266] {strides = array<i32>} : memref<128x128xf32, #tpu.memory_space<vmem>>, vector<16xf32>,
      %max3A_268 = arith.maximumf %gather3A_264, %get3A_267 : vector<16xf32>
      tpu.vector_store_idx %arg12[%add3A_263], %max3A_268 : memref<40960xf32, #tpu.memory_space<vmem>>[vector<16xi32>], vector<16xf32>,
      %add3A_269 = arith.constant 48 : i32
      %add3A_270 = vector.broadcast %add3A_269 : i32 to vector<16xi32>
      %add3A_271 = arith.addi %mul3A_241, %add3A_270 : vector<16xi32>
      %add3A_272 = arith.addi %add3A_271, %iota3A : vector<16xi32>
      %gather3A_273 = tpu.vector_load_idx %arg12[%add3A_272] : memref<40960xf32, #tpu.memory_space<vmem>>[vector<16xi32>], vector<16xf32>,
      %get3A_274 = arith.index_cast %while3A_234 : i32 to index
      %get3A_275 = arith.constant 48 : index
      %get3A_276 = tpu.vector_load %arg11[%get3A_274, %get3A_275] {strides = array<i32>} : memref<128x128xf32, #tpu.memory_space<vmem>>, vector<16xf32>,
      %max3A_277 = arith.maximumf %gather3A_273, %get3A_276 : vector<16xf32>
      tpu.vector_store_idx %arg12[%add3A_272], %max3A_277 : memref<40960xf32, #tpu.memory_space<vmem>>[vector<16xi32>], vector<16xf32>,
      %add3A_278 = arith.constant 64 : i32
      %add3A_279 = vector.broadcast %add3A_278 : i32 to vector<16xi32>
      %add3A_280 = arith.addi %mul3A_241, %add3A_279 : vector<16xi32>
      %add3A_281 = arith.addi %add3A_280, %iota3A : vector<16xi32>
      %gather3A_282 = tpu.vector_load_idx %arg12[%add3A_281] : memref<40960xf32, #tpu.memory_space<vmem>>[vector<16xi32>], vector<16xf32>,
      %get3A_283 = arith.index_cast %while3A_234 : i32 to index
      %get3A_284 = arith.constant 64 : index
      %get3A_285 = tpu.vector_load %arg11[%get3A_283, %get3A_284] {strides = array<i32>} : memref<128x128xf32, #tpu.memory_space<vmem>>, vector<16xf32>,
      %max3A_286 = arith.maximumf %gather3A_282, %get3A_285 : vector<16xf32>
      tpu.vector_store_idx %arg12[%add3A_281], %max3A_286 : memref<40960xf32, #tpu.memory_space<vmem>>[vector<16xi32>], vector<16xf32>,
      %add3A_287 = arith.constant 80 : i32
      %add3A_288 = vector.broadcast %add3A_287 : i32 to vector<16xi32>
      %add3A_289 = arith.addi %mul3A_241, %add3A_288 : vector<16xi32>
      %add3A_290 = arith.addi %add3A_289, %iota3A : vector<16xi32>
      %gather3A_291 = tpu.vector_load_idx %arg12[%add3A_290] : memref<40960xf32, #tpu.memory_space<vmem>>[vector<16xi32>], vector<16xf32>,
      %get3A_292 = arith.index_cast %while3A_234 : i32 to index
      %get3A_293 = arith.constant 80 : index
      %get3A_294 = tpu.vector_load %arg11[%get3A_292, %get3A_293] {strides = array<i32>} : memref<128x128xf32, #tpu.memory_space<vmem>>, vector<16xf32>,
      %max3A_295 = arith.maximumf %gather3A_291, %get3A_294 : vector<16xf32>
      tpu.vector_store_idx %arg12[%add3A_290], %max3A_295 : memref<40960xf32, #tpu.memory_space<vmem>>[vector<16xi32>], vector<16xf32>,
      %add3A_296 = arith.constant 96 : i32
      %add3A_297 = vector.broadcast %add3A_296 : i32 to vector<16xi32>
      %add3A_298 = arith.addi %mul3A_241, %add3A_297 : vector<16xi32>
      %add3A_299 = arith.addi %add3A_298, %iota3A : vector<16xi32>
      %gather3A_300 = tpu.vector_load_idx %arg12[%add3A_299] : memref<40960xf32, #tpu.memory_space<vmem>>[vector<16xi32>], vector<16xf32>,
      %get3A_301 = arith.index_cast %while3A_234 : i32 to index
      %get3A_302 = arith.constant 96 : index
      %get3A_303 = tpu.vector_load %arg11[%get3A_301, %get3A_302] {strides = array<i32>} : memref<128x128xf32, #tpu.memory_space<vmem>>, vector<16xf32>,
      %max3A_304 = arith.maximumf %gather3A_300, %get3A_303 : vector<16xf32>
      tpu.vector_store_idx %arg12[%add3A_299], %max3A_304 : memref<40960xf32, #tpu.memory_space<vmem>>[vector<16xi32>], vector<16xf32>,
      %add3A_305 = arith.constant 112 : i32
      %add3A_306 = vector.broadcast %add3A_305 : i32 to vector<16xi32>
      %add3A_307 = arith.addi %mul3A_241, %add3A_306 : vector<16xi32>
      %add3A_308 = arith.addi %add3A_307, %iota3A : vector<16xi32>
      %gather3A_309 = tpu.vector_load_idx %arg12[%add3A_308] : memref<40960xf32, #tpu.memory_space<vmem>>[vector<16xi32>], vector<16xf32>,
      %get3A_310 = arith.index_cast %while3A_234 : i32 to index
      %get3A_311 = arith.constant 112 : index
      %get3A_312 = tpu.vector_load %arg11[%get3A_310, %get3A_311] {strides = array<i32>} : memref<128x128xf32, #tpu.memory_space<vmem>>, vector<16xf32>,
      %max3A_313 = arith.maximumf %gather3A_309, %get3A_312 : vector<16xf32>
      tpu.vector_store_idx %arg12[%add3A_308], %max3A_313 : memref<40960xf32, #tpu.memory_space<vmem>>[vector<16xi32>], vector<16xf32>,
    }
    %while3A_183 = arith.constant 1 : i32
    scf.for %while3A_234 = %while3A_181 to %while3A_177 step %while3A_183  : i32 {
      %broadcast_in_dim3A_235 = vector.broadcast %while3A_234 : i32 to vector<16xi32>
      %gather3A = tpu.vector_load_idx %arg8[%broadcast_in_dim3A_235] : memref<256xi32, #tpu.memory_space<vmem>>[vector<16xi32>], vector<16xi32>,
      %shift_right_logical3A = arith.constant 14 : i32
      %shift_right_logical3A_236 = vector.broadcast %shift_right_logical3A : i32 to vector<16xi32>
      %shift_right_logical3A_237 = arith.shrui %gather3A, %shift_right_logical3A_236 : vector<16xi32>
      %sub3A = vector.broadcast %mul3A_2 : i32 to vector<16xi32>
      %sub3A_238 = arith.subi %shift_right_logical3A_237, %sub3A : vector<16xi32>
      %mul3A_239 = arith.constant 128 : i32
      %mul3A_240 = vector.broadcast %mul3A_239 : i32 to vector<16xi32>
      %mul3A_241 = arith.muli %sub3A_238, %mul3A_240 : vector<16xi32>
      %add3A_242 = arith.constant 0 : i32
      %add3A_243 = vector.broadcast %add3A_242 : i32 to vector<16xi32>
      %add3A_244 = arith.addi %mul3A_241, %add3A_243 : vector<16xi32>
      %add3A_245 = arith.addi %add3A_244, %iota3A : vector<16xi32>
      %gather3A_246 = tpu.vector_load_idx %arg12[%add3A_245] : memref<40960xf32, #tpu.memory_space<vmem>>[vector<16xi32>], vector<16xf32>,
      %get3A_247 = arith.index_cast %while3A_234 : i32 to index
      %get3A_248 = arith.constant 0 : index
      %get3A_249 = tpu.vector_load %arg11[%get3A_247, %get3A_248] {strides = array<i32>} : memref<128x128xf32, #tpu.memory_space<vmem>>, vector<16xf32>,
      %max3A_250 = arith.maximumf %gather3A_246, %get3A_249 : vector<16xf32>
      tpu.vector_store_idx %arg12[%add3A_245], %max3A_250 : memref<40960xf32, #tpu.memory_space<vmem>>[vector<16xi32>], vector<16xf32>,
      %add3A_251 = arith.constant 16 : i32
      %add3A_252 = vector.broadcast %add3A_251 : i32 to vector<16xi32>
      %add3A_253 = arith.addi %mul3A_241, %add3A_252 : vector<16xi32>
      %add3A_254 = arith.addi %add3A_253, %iota3A : vector<16xi32>
      %gather3A_255 = tpu.vector_load_idx %arg12[%add3A_254] : memref<40960xf32, #tpu.memory_space<vmem>>[vector<16xi32>], vector<16xf32>,
      %get3A_256 = arith.index_cast %while3A_234 : i32 to index
      %get3A_257 = arith.constant 16 : index
      %get3A_258 = tpu.vector_load %arg11[%get3A_256, %get3A_257] {strides = array<i32>} : memref<128x128xf32, #tpu.memory_space<vmem>>, vector<16xf32>,
      %max3A_259 = arith.maximumf %gather3A_255, %get3A_258 : vector<16xf32>
      tpu.vector_store_idx %arg12[%add3A_254], %max3A_259 : memref<40960xf32, #tpu.memory_space<vmem>>[vector<16xi32>], vector<16xf32>,
      %add3A_260 = arith.constant 32 : i32
      %add3A_261 = vector.broadcast %add3A_260 : i32 to vector<16xi32>
      %add3A_262 = arith.addi %mul3A_241, %add3A_261 : vector<16xi32>
      %add3A_263 = arith.addi %add3A_262, %iota3A : vector<16xi32>
      %gather3A_264 = tpu.vector_load_idx %arg12[%add3A_263] : memref<40960xf32, #tpu.memory_space<vmem>>[vector<16xi32>], vector<16xf32>,
      %get3A_265 = arith.index_cast %while3A_234 : i32 to index
      %get3A_266 = arith.constant 32 : index
      %get3A_267 = tpu.vector_load %arg11[%get3A_265, %get3A_266] {strides = array<i32>} : memref<128x128xf32, #tpu.memory_space<vmem>>, vector<16xf32>,
      %max3A_268 = arith.maximumf %gather3A_264, %get3A_267 : vector<16xf32>
      tpu.vector_store_idx %arg12[%add3A_263], %max3A_268 : memref<40960xf32, #tpu.memory_space<vmem>>[vector<16xi32>], vector<16xf32>,
      %add3A_269 = arith.constant 48 : i32
      %add3A_270 = vector.broadcast %add3A_269 : i32 to vector<16xi32>
      %add3A_271 = arith.addi %mul3A_241, %add3A_270 : vector<16xi32>
      %add3A_272 = arith.addi %add3A_271, %iota3A : vector<16xi32>
      %gather3A_273 = tpu.vector_load_idx %arg12[%add3A_272] : memref<40960xf32, #tpu.memory_space<vmem>>[vector<16xi32>], vector<16xf32>,
      %get3A_274 = arith.index_cast %while3A_234 : i32 to index
      %get3A_275 = arith.constant 48 : index
      %get3A_276 = tpu.vector_load %arg11[%get3A_274, %get3A_275] {strides = array<i32>} : memref<128x128xf32, #tpu.memory_space<vmem>>, vector<16xf32>,
      %max3A_277 = arith.maximumf %gather3A_273, %get3A_276 : vector<16xf32>
      tpu.vector_store_idx %arg12[%add3A_272], %max3A_277 : memref<40960xf32, #tpu.memory_space<vmem>>[vector<16xi32>], vector<16xf32>,
      %add3A_278 = arith.constant 64 : i32
      %add3A_279 = vector.broadcast %add3A_278 : i32 to vector<16xi32>
      %add3A_280 = arith.addi %mul3A_241, %add3A_279 : vector<16xi32>
      %add3A_281 = arith.addi %add3A_280, %iota3A : vector<16xi32>
      %gather3A_282 = tpu.vector_load_idx %arg12[%add3A_281] : memref<40960xf32, #tpu.memory_space<vmem>>[vector<16xi32>], vector<16xf32>,
      %get3A_283 = arith.index_cast %while3A_234 : i32 to index
      %get3A_284 = arith.constant 64 : index
      %get3A_285 = tpu.vector_load %arg11[%get3A_283, %get3A_284] {strides = array<i32>} : memref<128x128xf32, #tpu.memory_space<vmem>>, vector<16xf32>,
      %max3A_286 = arith.maximumf %gather3A_282, %get3A_285 : vector<16xf32>
      tpu.vector_store_idx %arg12[%add3A_281], %max3A_286 : memref<40960xf32, #tpu.memory_space<vmem>>[vector<16xi32>], vector<16xf32>,
      %add3A_287 = arith.constant 80 : i32
      %add3A_288 = vector.broadcast %add3A_287 : i32 to vector<16xi32>
      %add3A_289 = arith.addi %mul3A_241, %add3A_288 : vector<16xi32>
      %add3A_290 = arith.addi %add3A_289, %iota3A : vector<16xi32>
      %gather3A_291 = tpu.vector_load_idx %arg12[%add3A_290] : memref<40960xf32, #tpu.memory_space<vmem>>[vector<16xi32>], vector<16xf32>,
      %get3A_292 = arith.index_cast %while3A_234 : i32 to index
      %get3A_293 = arith.constant 80 : index
      %get3A_294 = tpu.vector_load %arg11[%get3A_292, %get3A_293] {strides = array<i32>} : memref<128x128xf32, #tpu.memory_space<vmem>>, vector<16xf32>,
      %max3A_295 = arith.maximumf %gather3A_291, %get3A_294 : vector<16xf32>
      tpu.vector_store_idx %arg12[%add3A_290], %max3A_295 : memref<40960xf32, #tpu.memory_space<vmem>>[vector<16xi32>], vector<16xf32>,
      %add3A_296 = arith.constant 96 : i32
      %add3A_297 = vector.broadcast %add3A_296 : i32 to vector<16xi32>
      %add3A_298 = arith.addi %mul3A_241, %add3A_297 : vector<16xi32>
      %add3A_299 = arith.addi %add3A_298, %iota3A : vector<16xi32>
      %gather3A_300 = tpu.vector_load_idx %arg12[%add3A_299] : memref<40960xf32, #tpu.memory_space<vmem>>[vector<16xi32>], vector<16xf32>,
      %get3A_301 = arith.index_cast %while3A_234 : i32 to index
      %get3A_302 = arith.constant 96 : index
      %get3A_303 = tpu.vector_load %arg11[%get3A_301, %get3A_302] {strides = array<i32>} : memref<128x128xf32, #tpu.memory_space<vmem>>, vector<16xf32>,
      %max3A_304 = arith.maximumf %gather3A_300, %get3A_303 : vector<16xf32>
      tpu.vector_store_idx %arg12[%add3A_299], %max3A_304 : memref<40960xf32, #tpu.memory_space<vmem>>[vector<16xi32>], vector<16xf32>,
      %add3A_305 = arith.constant 112 : i32
      %add3A_306 = vector.broadcast %add3A_305 : i32 to vector<16xi32>
      %add3A_307 = arith.addi %mul3A_241, %add3A_306 : vector<16xi32>
      %add3A_308 = arith.addi %add3A_307, %iota3A : vector<16xi32>
      %gather3A_309 = tpu.vector_load_idx %arg12[%add3A_308] : memref<40960xf32, #tpu.memory_space<vmem>>[vector<16xi32>], vector<16xf32>,
      %get3A_310 = arith.index_cast %while3A_234 : i32 to index
      %get3A_311 = arith.constant 112 : index
      %get3A_312 = tpu.vector_load %arg11[%get3A_310, %get3A_311] {strides = array<i32>} : memref<128x128xf32, #tpu.memory_space<vmem>>, vector<16xf32>,
      %max3A_313 = arith.maximumf %gather3A_309, %get3A_312 : vector<16xf32>
      tpu.vector_store_idx %arg12[%add3A_308], %max3A_313 : memref<40960xf32, #tpu.memory_space<vmem>>[vector<16xi32>], vector<16xf32>,
    }
    %add3A_184 = arith.constant 0 : i32
    %add3A_185 = arith.addi %mul3A_2, %add3A_184 : i32
    "tpu.region"() ({
      %run_scoped3A = tpu.sem_alloc : memref<!tpu.dma_semaphore, #tpu.memory_space<semaphore_mem>>
      %dma_start3A_234 = arith.constant 0 : i32
      %dma_start3A_235 = tpu.memref_slice %arg4[%add3A_185, %dma_start3A_234] : memref<10240x128xf32, #tpu.memory_space<hbm>> -> memref<64x128xf32, #tpu.memory_space<hbm>>
      %dma_start3A_236 = arith.constant 0 : i32
      %dma_start3A_237 = tpu.memref_slice %arg4[%add3A_185, %dma_start3A_236] : memref<10240x128xf32, #tpu.memory_space<hbm>> -> memref<64x128xf32, #tpu.memory_space<hbm>>
      tpu.enqueue_dma source(%dma_start3A_237 : memref<64x128xf32, #tpu.memory_space<hbm>>) target(%arg13 : memref<64x128xf32, #tpu.memory_space<vmem>>) target_semaphore(%run_scoped3A : memref<!tpu.dma_semaphore, #tpu.memory_space<semaphore_mem>>)
      %dma_wait3A_238 = arith.constant 0 : i32
      %dma_wait3A_239 = tpu.memref_slice %arg4[%add3A_185, %dma_wait3A_238] : memref<10240x128xf32, #tpu.memory_space<hbm>> -> memref<64x128xf32, #tpu.memory_space<hbm>>
      %dma_wait3A_240 = arith.constant 0 : i32
      %dma_wait3A_241 = tpu.memref_slice %arg4[%add3A_185, %dma_wait3A_240] : memref<10240x128xf32, #tpu.memory_space<hbm>> -> memref<64x128xf32, #tpu.memory_space<hbm>>
      tpu.wait_dma2 semaphore(%run_scoped3A : memref<!tpu.dma_semaphore, #tpu.memory_space<semaphore_mem>>) src(%dma_wait3A_241 : memref<64x128xf32, #tpu.memory_space<hbm>>) dst(%arg13 : memref<64x128xf32, #tpu.memory_space<vmem>>)
      tpu.yield
    }) : () -> ()
    %scan3A_186 = arith.constant 0 : i32
    %scan3A_187 = arith.constant 0 : i32
    %scan3A_188 = arith.constant 64 : i32
    %scan3A_189 = arith.addi %scan3A_187, %scan3A_188 : i32
    %scan3A_190 = arith.constant 1 : i32
    scf.for %scan3A_234 = %scan3A_187 to %scan3A_189 step %scan3A_190  : i32 {
      %get3A_235 = arith.index_cast %scan3A_234 : i32 to index
      %get3A_236 = arith.constant 0 : index
      %get3A_237 = tpu.vector_load %arg13[%get3A_235, %get3A_236] {strides = array<i32>} : memref<64x128xf32, #tpu.memory_space<vmem>>, vector<16xf32>,
      %add3A_238 = arith.constant 0 : i32
      %add3A_239 = arith.addi %add3A_238, %scan3A_234 : i32
      %mul3A_240 = arith.constant 128 : i32
      %mul3A_241 = arith.muli %add3A_239, %mul3A_240 : i32
      %add3A_242 = arith.constant 0 : i32
      %add3A_243 = arith.addi %mul3A_241, %add3A_242 : i32
      %get3A_244 = arith.index_cast %add3A_243 : i32 to index
      %get3A_245 = tpu.vector_load %arg12[%get3A_244] {strides = array<i32>} : memref<40960xf32, #tpu.memory_space<vmem>>, vector<16xf32>,
      %add3A_246 = arith.addf %get3A_237, %get3A_245 : vector<16xf32>
      %max3A_247 = arith.constant 0.000000e+00 : f32
      %max3A_248 = vector.broadcast %max3A_247 : f32 to vector<16xf32>
      %max3A_249 = arith.maximumf %add3A_246, %max3A_248 : vector<16xf32>
      %swap3A_250 = arith.index_cast %scan3A_234 : i32 to index
      %swap3A_251 = arith.constant 0 : index
      %swap3A_252 = tpu.vector_load %arg14[%swap3A_250, %swap3A_251] {strides = array<i32>} : memref<64x128xf32, #tpu.memory_space<vmem>>, vector<16xf32>,
      tpu.vector_store %arg14[%swap3A_250, %swap3A_251], %max3A_249 {strides = array<i32>} : memref<64x128xf32, #tpu.memory_space<vmem>>, vector<16xf32>,
      %get3A_253 = arith.index_cast %scan3A_234 : i32 to index
      %get3A_254 = arith.constant 16 : index
      %get3A_255 = tpu.vector_load %arg13[%get3A_253, %get3A_254] {strides = array<i32>} : memref<64x128xf32, #tpu.memory_space<vmem>>, vector<16xf32>,
      %add3A_256 = arith.constant 0 : i32
      %add3A_257 = arith.addi %add3A_256, %scan3A_234 : i32
      %mul3A_258 = arith.constant 128 : i32
      %mul3A_259 = arith.muli %add3A_257, %mul3A_258 : i32
      %add3A_260 = arith.constant 16 : i32
      %add3A_261 = arith.addi %mul3A_259, %add3A_260 : i32
      %get3A_262 = arith.index_cast %add3A_261 : i32 to index
      %get3A_263 = tpu.vector_load %arg12[%get3A_262] {strides = array<i32>} : memref<40960xf32, #tpu.memory_space<vmem>>, vector<16xf32>,
      %add3A_264 = arith.addf %get3A_255, %get3A_263 : vector<16xf32>
      %max3A_265 = arith.constant 0.000000e+00 : f32
      %max3A_266 = vector.broadcast %max3A_265 : f32 to vector<16xf32>
      %max3A_267 = arith.maximumf %add3A_264, %max3A_266 : vector<16xf32>
      %swap3A_268 = arith.index_cast %scan3A_234 : i32 to index
      %swap3A_269 = arith.constant 16 : index
      %swap3A_270 = tpu.vector_load %arg14[%swap3A_268, %swap3A_269] {strides = array<i32>} : memref<64x128xf32, #tpu.memory_space<vmem>>, vector<16xf32>,
      tpu.vector_store %arg14[%swap3A_268, %swap3A_269], %max3A_267 {strides = array<i32>} : memref<64x128xf32, #tpu.memory_space<vmem>>, vector<16xf32>,
      %get3A_271 = arith.index_cast %scan3A_234 : i32 to index
      %get3A_272 = arith.constant 32 : index
      %get3A_273 = tpu.vector_load %arg13[%get3A_271, %get3A_272] {strides = array<i32>} : memref<64x128xf32, #tpu.memory_space<vmem>>, vector<16xf32>,
      %add3A_274 = arith.constant 0 : i32
      %add3A_275 = arith.addi %add3A_274, %scan3A_234 : i32
      %mul3A_276 = arith.constant 128 : i32
      %mul3A_277 = arith.muli %add3A_275, %mul3A_276 : i32
      %add3A_278 = arith.constant 32 : i32
      %add3A_279 = arith.addi %mul3A_277, %add3A_278 : i32
      %get3A_280 = arith.index_cast %add3A_279 : i32 to index
      %get3A_281 = tpu.vector_load %arg12[%get3A_280] {strides = array<i32>} : memref<40960xf32, #tpu.memory_space<vmem>>, vector<16xf32>,
      %add3A_282 = arith.addf %get3A_273, %get3A_281 : vector<16xf32>
      %max3A_283 = arith.constant 0.000000e+00 : f32
      %max3A_284 = vector.broadcast %max3A_283 : f32 to vector<16xf32>
      %max3A_285 = arith.maximumf %add3A_282, %max3A_284 : vector<16xf32>
      %swap3A_286 = arith.index_cast %scan3A_234 : i32 to index
      %swap3A_287 = arith.constant 32 : index
      %swap3A_288 = tpu.vector_load %arg14[%swap3A_286, %swap3A_287] {strides = array<i32>} : memref<64x128xf32, #tpu.memory_space<vmem>>, vector<16xf32>,
      tpu.vector_store %arg14[%swap3A_286, %swap3A_287], %max3A_285 {strides = array<i32>} : memref<64x128xf32, #tpu.memory_space<vmem>>, vector<16xf32>,
      %get3A_289 = arith.index_cast %scan3A_234 : i32 to index
      %get3A_290 = arith.constant 48 : index
      %get3A_291 = tpu.vector_load %arg13[%get3A_289, %get3A_290] {strides = array<i32>} : memref<64x128xf32, #tpu.memory_space<vmem>>, vector<16xf32>,
      %add3A_292 = arith.constant 0 : i32
      %add3A_293 = arith.addi %add3A_292, %scan3A_234 : i32
      %mul3A_294 = arith.constant 128 : i32
      %mul3A_295 = arith.muli %add3A_293, %mul3A_294 : i32
      %add3A_296 = arith.constant 48 : i32
      %add3A_297 = arith.addi %mul3A_295, %add3A_296 : i32
      %get3A_298 = arith.index_cast %add3A_297 : i32 to index
      %get3A_299 = tpu.vector_load %arg12[%get3A_298] {strides = array<i32>} : memref<40960xf32, #tpu.memory_space<vmem>>, vector<16xf32>,
      %add3A_300 = arith.addf %get3A_291, %get3A_299 : vector<16xf32>
      %max3A_301 = arith.constant 0.000000e+00 : f32
      %max3A_302 = vector.broadcast %max3A_301 : f32 to vector<16xf32>
      %max3A_303 = arith.maximumf %add3A_300, %max3A_302 : vector<16xf32>
      %swap3A_304 = arith.index_cast %scan3A_234 : i32 to index
      %swap3A_305 = arith.constant 48 : index
      %swap3A_306 = tpu.vector_load %arg14[%swap3A_304, %swap3A_305] {strides = array<i32>} : memref<64x128xf32, #tpu.memory_space<vmem>>, vector<16xf32>,
      tpu.vector_store %arg14[%swap3A_304, %swap3A_305], %max3A_303 {strides = array<i32>} : memref<64x128xf32, #tpu.memory_space<vmem>>, vector<16xf32>,
      %get3A_307 = arith.index_cast %scan3A_234 : i32 to index
      %get3A_308 = arith.constant 64 : index
      %get3A_309 = tpu.vector_load %arg13[%get3A_307, %get3A_308] {strides = array<i32>} : memref<64x128xf32, #tpu.memory_space<vmem>>, vector<16xf32>,
      %add3A_310 = arith.constant 0 : i32
      %add3A_311 = arith.addi %add3A_310, %scan3A_234 : i32
      %mul3A_312 = arith.constant 128 : i32
      %mul3A_313 = arith.muli %add3A_311, %mul3A_312 : i32
      %add3A_314 = arith.constant 64 : i32
      %add3A_315 = arith.addi %mul3A_313, %add3A_314 : i32
      %get3A_316 = arith.index_cast %add3A_315 : i32 to index
      %get3A_317 = tpu.vector_load %arg12[%get3A_316] {strides = array<i32>} : memref<40960xf32, #tpu.memory_space<vmem>>, vector<16xf32>,
      %add3A_318 = arith.addf %get3A_309, %get3A_317 : vector<16xf32>
      %max3A_319 = arith.constant 0.000000e+00 : f32
      %max3A_320 = vector.broadcast %max3A_319 : f32 to vector<16xf32>
      %max3A_321 = arith.maximumf %add3A_318, %max3A_320 : vector<16xf32>
      %swap3A_322 = arith.index_cast %scan3A_234 : i32 to index
      %swap3A_323 = arith.constant 64 : index
      %swap3A_324 = tpu.vector_load %arg14[%swap3A_322, %swap3A_323] {strides = array<i32>} : memref<64x128xf32, #tpu.memory_space<vmem>>, vector<16xf32>,
      tpu.vector_store %arg14[%swap3A_322, %swap3A_323], %max3A_321 {strides = array<i32>} : memref<64x128xf32, #tpu.memory_space<vmem>>, vector<16xf32>,
      %get3A_325 = arith.index_cast %scan3A_234 : i32 to index
      %get3A_326 = arith.constant 80 : index
      %get3A_327 = tpu.vector_load %arg13[%get3A_325, %get3A_326] {strides = array<i32>} : memref<64x128xf32, #tpu.memory_space<vmem>>, vector<16xf32>,
      %add3A_328 = arith.constant 0 : i32
      %add3A_329 = arith.addi %add3A_328, %scan3A_234 : i32
      %mul3A_330 = arith.constant 128 : i32
      %mul3A_331 = arith.muli %add3A_329, %mul3A_330 : i32
      %add3A_332 = arith.constant 80 : i32
      %add3A_333 = arith.addi %mul3A_331, %add3A_332 : i32
      %get3A_334 = arith.index_cast %add3A_333 : i32 to index
      %get3A_335 = tpu.vector_load %arg12[%get3A_334] {strides = array<i32>} : memref<40960xf32, #tpu.memory_space<vmem>>, vector<16xf32>,
      %add3A_336 = arith.addf %get3A_327, %get3A_335 : vector<16xf32>
      %max3A_337 = arith.constant 0.000000e+00 : f32
      %max3A_338 = vector.broadcast %max3A_337 : f32 to vector<16xf32>
      %max3A_339 = arith.maximumf %add3A_336, %max3A_338 : vector<16xf32>
      %swap3A_340 = arith.index_cast %scan3A_234 : i32 to index
      %swap3A_341 = arith.constant 80 : index
      %swap3A_342 = tpu.vector_load %arg14[%swap3A_340, %swap3A_341] {strides = array<i32>} : memref<64x128xf32, #tpu.memory_space<vmem>>, vector<16xf32>,
      tpu.vector_store %arg14[%swap3A_340, %swap3A_341], %max3A_339 {strides = array<i32>} : memref<64x128xf32, #tpu.memory_space<vmem>>, vector<16xf32>,
      %get3A_343 = arith.index_cast %scan3A_234 : i32 to index
      %get3A_344 = arith.constant 96 : index
      %get3A_345 = tpu.vector_load %arg13[%get3A_343, %get3A_344] {strides = array<i32>} : memref<64x128xf32, #tpu.memory_space<vmem>>, vector<16xf32>,
      %add3A_346 = arith.constant 0 : i32
      %add3A_347 = arith.addi %add3A_346, %scan3A_234 : i32
      %mul3A_348 = arith.constant 128 : i32
      %mul3A_349 = arith.muli %add3A_347, %mul3A_348 : i32
      %add3A_350 = arith.constant 96 : i32
      %add3A_351 = arith.addi %mul3A_349, %add3A_350 : i32
      %get3A_352 = arith.index_cast %add3A_351 : i32 to index
      %get3A_353 = tpu.vector_load %arg12[%get3A_352] {strides = array<i32>} : memref<40960xf32, #tpu.memory_space<vmem>>, vector<16xf32>,
      %add3A_354 = arith.addf %get3A_345, %get3A_353 : vector<16xf32>
      %max3A_355 = arith.constant 0.000000e+00 : f32
      %max3A_356 = vector.broadcast %max3A_355 : f32 to vector<16xf32>
      %max3A_357 = arith.maximumf %add3A_354, %max3A_356 : vector<16xf32>
      %swap3A_358 = arith.index_cast %scan3A_234 : i32 to index
      %swap3A_359 = arith.constant 96 : index
      %swap3A_360 = tpu.vector_load %arg14[%swap3A_358, %swap3A_359] {strides = array<i32>} : memref<64x128xf32, #tpu.memory_space<vmem>>, vector<16xf32>,
      tpu.vector_store %arg14[%swap3A_358, %swap3A_359], %max3A_357 {strides = array<i32>} : memref<64x128xf32, #tpu.memory_space<vmem>>, vector<16xf32>,
      %get3A_361 = arith.index_cast %scan3A_234 : i32 to index
      %get3A_362 = arith.constant 112 : index
      %get3A_363 = tpu.vector_load %arg13[%get3A_361, %get3A_362] {strides = array<i32>} : memref<64x128xf32, #tpu.memory_space<vmem>>, vector<16xf32>,
      %add3A_364 = arith.constant 0 : i32
      %add3A_365 = arith.addi %add3A_364, %scan3A_234 : i32
      %mul3A_366 = arith.constant 128 : i32
      %mul3A_367 = arith.muli %add3A_365, %mul3A_366 : i32
      %add3A_368 = arith.constant 112 : i32
      %add3A_369 = arith.addi %mul3A_367, %add3A_368 : i32
      %get3A_370 = arith.index_cast %add3A_369 : i32 to index
      %get3A_371 = tpu.vector_load %arg12[%get3A_370] {strides = array<i32>} : memref<40960xf32, #tpu.memory_space<vmem>>, vector<16xf32>,
      %add3A_372 = arith.addf %get3A_363, %get3A_371 : vector<16xf32>
      %max3A_373 = arith.constant 0.000000e+00 : f32
      %max3A_374 = vector.broadcast %max3A_373 : f32 to vector<16xf32>
      %max3A_375 = arith.maximumf %add3A_372, %max3A_374 : vector<16xf32>
      %swap3A_376 = arith.index_cast %scan3A_234 : i32 to index
      %swap3A_377 = arith.constant 112 : index
      %swap3A_378 = tpu.vector_load %arg14[%swap3A_376, %swap3A_377] {strides = array<i32>} : memref<64x128xf32, #tpu.memory_space<vmem>>, vector<16xf32>,
      tpu.vector_store %arg14[%swap3A_376, %swap3A_377], %max3A_375 {strides = array<i32>} : memref<64x128xf32, #tpu.memory_space<vmem>>, vector<16xf32>,
    }
    %scan3A_191 = arith.constant 64 : i32
    %add3A_192 = arith.constant 0 : i32
    %add3A_193 = arith.addi %mul3A_2, %add3A_192 : i32
    "tpu.region"() ({
      %run_scoped3A = tpu.sem_alloc : memref<!tpu.dma_semaphore, #tpu.memory_space<semaphore_mem>>
      %dma_start3A_234 = arith.constant 0 : i32
      %dma_start3A_235 = tpu.memref_slice %arg5[%add3A_193, %dma_start3A_234] : memref<10240x128xf32, #tpu.memory_space<hbm>> -> memref<64x128xf32, #tpu.memory_space<hbm>>
      %dma_start3A_236 = arith.constant 0 : i32
      %dma_start3A_237 = tpu.memref_slice %arg5[%add3A_193, %dma_start3A_236] : memref<10240x128xf32, #tpu.memory_space<hbm>> -> memref<64x128xf32, #tpu.memory_space<hbm>>
      tpu.enqueue_dma source(%arg14 : memref<64x128xf32, #tpu.memory_space<vmem>>) target(%dma_start3A_237 : memref<64x128xf32, #tpu.memory_space<hbm>>) target_semaphore(%run_scoped3A : memref<!tpu.dma_semaphore, #tpu.memory_space<semaphore_mem>>)
      %dma_wait3A_238 = arith.constant 0 : i32
      %dma_wait3A_239 = tpu.memref_slice %arg5[%add3A_193, %dma_wait3A_238] : memref<10240x128xf32, #tpu.memory_space<hbm>> -> memref<64x128xf32, #tpu.memory_space<hbm>>
      %dma_wait3A_240 = arith.constant 0 : i32
      %dma_wait3A_241 = tpu.memref_slice %arg5[%add3A_193, %dma_wait3A_240] : memref<10240x128xf32, #tpu.memory_space<hbm>> -> memref<64x128xf32, #tpu.memory_space<hbm>>
      tpu.wait_dma2 semaphore(%run_scoped3A : memref<!tpu.dma_semaphore, #tpu.memory_space<semaphore_mem>>) src(%arg14 : memref<64x128xf32, #tpu.memory_space<vmem>>) dst(%dma_wait3A_241 : memref<64x128xf32, #tpu.memory_space<hbm>>)
      tpu.yield
    }) : () -> ()
    %add3A_194 = arith.constant 64 : i32
    %add3A_195 = arith.addi %mul3A_2, %add3A_194 : i32
    "tpu.region"() ({
      %run_scoped3A = tpu.sem_alloc : memref<!tpu.dma_semaphore, #tpu.memory_space<semaphore_mem>>
      %dma_start3A_234 = arith.constant 0 : i32
      %dma_start3A_235 = tpu.memref_slice %arg4[%add3A_195, %dma_start3A_234] : memref<10240x128xf32, #tpu.memory_space<hbm>> -> memref<64x128xf32, #tpu.memory_space<hbm>>
      %dma_start3A_236 = arith.constant 0 : i32
      %dma_start3A_237 = tpu.memref_slice %arg4[%add3A_195, %dma_start3A_236] : memref<10240x128xf32, #tpu.memory_space<hbm>> -> memref<64x128xf32, #tpu.memory_space<hbm>>
      tpu.enqueue_dma source(%dma_start3A_237 : memref<64x128xf32, #tpu.memory_space<hbm>>) target(%arg13 : memref<64x128xf32, #tpu.memory_space<vmem>>) target_semaphore(%run_scoped3A : memref<!tpu.dma_semaphore, #tpu.memory_space<semaphore_mem>>)
      %dma_wait3A_238 = arith.constant 0 : i32
      %dma_wait3A_239 = tpu.memref_slice %arg4[%add3A_195, %dma_wait3A_238] : memref<10240x128xf32, #tpu.memory_space<hbm>> -> memref<64x128xf32, #tpu.memory_space<hbm>>
      %dma_wait3A_240 = arith.constant 0 : i32
      %dma_wait3A_241 = tpu.memref_slice %arg4[%add3A_195, %dma_wait3A_240] : memref<10240x128xf32, #tpu.memory_space<hbm>> -> memref<64x128xf32, #tpu.memory_space<hbm>>
      tpu.wait_dma2 semaphore(%run_scoped3A : memref<!tpu.dma_semaphore, #tpu.memory_space<semaphore_mem>>) src(%dma_wait3A_241 : memref<64x128xf32, #tpu.memory_space<hbm>>) dst(%arg13 : memref<64x128xf32, #tpu.memory_space<vmem>>)
      tpu.yield
    }) : () -> ()
    %scan3A_196 = arith.constant 0 : i32
    %scan3A_197 = arith.constant 0 : i32
    %scan3A_198 = arith.constant 64 : i32
    %scan3A_199 = arith.addi %scan3A_197, %scan3A_198 : i32
    %scan3A_200 = arith.constant 1 : i32
    scf.for %scan3A_234 = %scan3A_197 to %scan3A_199 step %scan3A_200  : i32 {
      %get3A_235 = arith.index_cast %scan3A_234 : i32 to index
      %get3A_236 = arith.constant 0 : index
      %get3A_237 = tpu.vector_load %arg13[%get3A_235, %get3A_236] {strides = array<i32>} : memref<64x128xf32, #tpu.memory_space<vmem>>, vector<16xf32>,
      %add3A_238 = arith.constant 64 : i32
      %add3A_239 = arith.addi %add3A_238, %scan3A_234 : i32
      %mul3A_240 = arith.constant 128 : i32
      %mul3A_241 = arith.muli %add3A_239, %mul3A_240 : i32
      %add3A_242 = arith.constant 0 : i32
      %add3A_243 = arith.addi %mul3A_241, %add3A_242 : i32
      %get3A_244 = arith.index_cast %add3A_243 : i32 to index
      %get3A_245 = tpu.vector_load %arg12[%get3A_244] {strides = array<i32>} : memref<40960xf32, #tpu.memory_space<vmem>>, vector<16xf32>,
      %add3A_246 = arith.addf %get3A_237, %get3A_245 : vector<16xf32>
      %max3A_247 = arith.constant 0.000000e+00 : f32
      %max3A_248 = vector.broadcast %max3A_247 : f32 to vector<16xf32>
      %max3A_249 = arith.maximumf %add3A_246, %max3A_248 : vector<16xf32>
      %swap3A_250 = arith.index_cast %scan3A_234 : i32 to index
      %swap3A_251 = arith.constant 0 : index
      %swap3A_252 = tpu.vector_load %arg14[%swap3A_250, %swap3A_251] {strides = array<i32>} : memref<64x128xf32, #tpu.memory_space<vmem>>, vector<16xf32>,
      tpu.vector_store %arg14[%swap3A_250, %swap3A_251], %max3A_249 {strides = array<i32>} : memref<64x128xf32, #tpu.memory_space<vmem>>, vector<16xf32>,
      %get3A_253 = arith.index_cast %scan3A_234 : i32 to index
      %get3A_254 = arith.constant 16 : index
      %get3A_255 = tpu.vector_load %arg13[%get3A_253, %get3A_254] {strides = array<i32>} : memref<64x128xf32, #tpu.memory_space<vmem>>, vector<16xf32>,
      %add3A_256 = arith.constant 64 : i32
      %add3A_257 = arith.addi %add3A_256, %scan3A_234 : i32
      %mul3A_258 = arith.constant 128 : i32
      %mul3A_259 = arith.muli %add3A_257, %mul3A_258 : i32
      %add3A_260 = arith.constant 16 : i32
      %add3A_261 = arith.addi %mul3A_259, %add3A_260 : i32
      %get3A_262 = arith.index_cast %add3A_261 : i32 to index
      %get3A_263 = tpu.vector_load %arg12[%get3A_262] {strides = array<i32>} : memref<40960xf32, #tpu.memory_space<vmem>>, vector<16xf32>,
      %add3A_264 = arith.addf %get3A_255, %get3A_263 : vector<16xf32>
      %max3A_265 = arith.constant 0.000000e+00 : f32
      %max3A_266 = vector.broadcast %max3A_265 : f32 to vector<16xf32>
      %max3A_267 = arith.maximumf %add3A_264, %max3A_266 : vector<16xf32>
      %swap3A_268 = arith.index_cast %scan3A_234 : i32 to index
      %swap3A_269 = arith.constant 16 : index
      %swap3A_270 = tpu.vector_load %arg14[%swap3A_268, %swap3A_269] {strides = array<i32>} : memref<64x128xf32, #tpu.memory_space<vmem>>, vector<16xf32>,
      tpu.vector_store %arg14[%swap3A_268, %swap3A_269], %max3A_267 {strides = array<i32>} : memref<64x128xf32, #tpu.memory_space<vmem>>, vector<16xf32>,
      %get3A_271 = arith.index_cast %scan3A_234 : i32 to index
      %get3A_272 = arith.constant 32 : index
      %get3A_273 = tpu.vector_load %arg13[%get3A_271, %get3A_272] {strides = array<i32>} : memref<64x128xf32, #tpu.memory_space<vmem>>, vector<16xf32>,
      %add3A_274 = arith.constant 64 : i32
      %add3A_275 = arith.addi %add3A_274, %scan3A_234 : i32
      %mul3A_276 = arith.constant 128 : i32
      %mul3A_277 = arith.muli %add3A_275, %mul3A_276 : i32
      %add3A_278 = arith.constant 32 : i32
      %add3A_279 = arith.addi %mul3A_277, %add3A_278 : i32
      %get3A_280 = arith.index_cast %add3A_279 : i32 to index
      %get3A_281 = tpu.vector_load %arg12[%get3A_280] {strides = array<i32>} : memref<40960xf32, #tpu.memory_space<vmem>>, vector<16xf32>,
      %add3A_282 = arith.addf %get3A_273, %get3A_281 : vector<16xf32>
      %max3A_283 = arith.constant 0.000000e+00 : f32
      %max3A_284 = vector.broadcast %max3A_283 : f32 to vector<16xf32>
      %max3A_285 = arith.maximumf %add3A_282, %max3A_284 : vector<16xf32>
      %swap3A_286 = arith.index_cast %scan3A_234 : i32 to index
      %swap3A_287 = arith.constant 32 : index
      %swap3A_288 = tpu.vector_load %arg14[%swap3A_286, %swap3A_287] {strides = array<i32>} : memref<64x128xf32, #tpu.memory_space<vmem>>, vector<16xf32>,
      tpu.vector_store %arg14[%swap3A_286, %swap3A_287], %max3A_285 {strides = array<i32>} : memref<64x128xf32, #tpu.memory_space<vmem>>, vector<16xf32>,
      %get3A_289 = arith.index_cast %scan3A_234 : i32 to index
      %get3A_290 = arith.constant 48 : index
      %get3A_291 = tpu.vector_load %arg13[%get3A_289, %get3A_290] {strides = array<i32>} : memref<64x128xf32, #tpu.memory_space<vmem>>, vector<16xf32>,
      %add3A_292 = arith.constant 64 : i32
      %add3A_293 = arith.addi %add3A_292, %scan3A_234 : i32
      %mul3A_294 = arith.constant 128 : i32
      %mul3A_295 = arith.muli %add3A_293, %mul3A_294 : i32
      %add3A_296 = arith.constant 48 : i32
      %add3A_297 = arith.addi %mul3A_295, %add3A_296 : i32
      %get3A_298 = arith.index_cast %add3A_297 : i32 to index
      %get3A_299 = tpu.vector_load %arg12[%get3A_298] {strides = array<i32>} : memref<40960xf32, #tpu.memory_space<vmem>>, vector<16xf32>,
      %add3A_300 = arith.addf %get3A_291, %get3A_299 : vector<16xf32>
      %max3A_301 = arith.constant 0.000000e+00 : f32
      %max3A_302 = vector.broadcast %max3A_301 : f32 to vector<16xf32>
      %max3A_303 = arith.maximumf %add3A_300, %max3A_302 : vector<16xf32>
      %swap3A_304 = arith.index_cast %scan3A_234 : i32 to index
      %swap3A_305 = arith.constant 48 : index
      %swap3A_306 = tpu.vector_load %arg14[%swap3A_304, %swap3A_305] {strides = array<i32>} : memref<64x128xf32, #tpu.memory_space<vmem>>, vector<16xf32>,
      tpu.vector_store %arg14[%swap3A_304, %swap3A_305], %max3A_303 {strides = array<i32>} : memref<64x128xf32, #tpu.memory_space<vmem>>, vector<16xf32>,
      %get3A_307 = arith.index_cast %scan3A_234 : i32 to index
      %get3A_308 = arith.constant 64 : index
      %get3A_309 = tpu.vector_load %arg13[%get3A_307, %get3A_308] {strides = array<i32>} : memref<64x128xf32, #tpu.memory_space<vmem>>, vector<16xf32>,
      %add3A_310 = arith.constant 64 : i32
      %add3A_311 = arith.addi %add3A_310, %scan3A_234 : i32
      %mul3A_312 = arith.constant 128 : i32
      %mul3A_313 = arith.muli %add3A_311, %mul3A_312 : i32
      %add3A_314 = arith.constant 64 : i32
      %add3A_315 = arith.addi %mul3A_313, %add3A_314 : i32
      %get3A_316 = arith.index_cast %add3A_315 : i32 to index
      %get3A_317 = tpu.vector_load %arg12[%get3A_316] {strides = array<i32>} : memref<40960xf32, #tpu.memory_space<vmem>>, vector<16xf32>,
      %add3A_318 = arith.addf %get3A_309, %get3A_317 : vector<16xf32>
      %max3A_319 = arith.constant 0.000000e+00 : f32
      %max3A_320 = vector.broadcast %max3A_319 : f32 to vector<16xf32>
      %max3A_321 = arith.maximumf %add3A_318, %max3A_320 : vector<16xf32>
      %swap3A_322 = arith.index_cast %scan3A_234 : i32 to index
      %swap3A_323 = arith.constant 64 : index
      %swap3A_324 = tpu.vector_load %arg14[%swap3A_322, %swap3A_323] {strides = array<i32>} : memref<64x128xf32, #tpu.memory_space<vmem>>, vector<16xf32>,
      tpu.vector_store %arg14[%swap3A_322, %swap3A_323], %max3A_321 {strides = array<i32>} : memref<64x128xf32, #tpu.memory_space<vmem>>, vector<16xf32>,
      %get3A_325 = arith.index_cast %scan3A_234 : i32 to index
      %get3A_326 = arith.constant 80 : index
      %get3A_327 = tpu.vector_load %arg13[%get3A_325, %get3A_326] {strides = array<i32>} : memref<64x128xf32, #tpu.memory_space<vmem>>, vector<16xf32>,
      %add3A_328 = arith.constant 64 : i32
      %add3A_329 = arith.addi %add3A_328, %scan3A_234 : i32
      %mul3A_330 = arith.constant 128 : i32
      %mul3A_331 = arith.muli %add3A_329, %mul3A_330 : i32
      %add3A_332 = arith.constant 80 : i32
      %add3A_333 = arith.addi %mul3A_331, %add3A_332 : i32
      %get3A_334 = arith.index_cast %add3A_333 : i32 to index
      %get3A_335 = tpu.vector_load %arg12[%get3A_334] {strides = array<i32>} : memref<40960xf32, #tpu.memory_space<vmem>>, vector<16xf32>,
      %add3A_336 = arith.addf %get3A_327, %get3A_335 : vector<16xf32>
      %max3A_337 = arith.constant 0.000000e+00 : f32
      %max3A_338 = vector.broadcast %max3A_337 : f32 to vector<16xf32>
      %max3A_339 = arith.maximumf %add3A_336, %max3A_338 : vector<16xf32>
      %swap3A_340 = arith.index_cast %scan3A_234 : i32 to index
      %swap3A_341 = arith.constant 80 : index
      %swap3A_342 = tpu.vector_load %arg14[%swap3A_340, %swap3A_341] {strides = array<i32>} : memref<64x128xf32, #tpu.memory_space<vmem>>, vector<16xf32>,
      tpu.vector_store %arg14[%swap3A_340, %swap3A_341], %max3A_339 {strides = array<i32>} : memref<64x128xf32, #tpu.memory_space<vmem>>, vector<16xf32>,
      %get3A_343 = arith.index_cast %scan3A_234 : i32 to index
      %get3A_344 = arith.constant 96 : index
      %get3A_345 = tpu.vector_load %arg13[%get3A_343, %get3A_344] {strides = array<i32>} : memref<64x128xf32, #tpu.memory_space<vmem>>, vector<16xf32>,
      %add3A_346 = arith.constant 64 : i32
      %add3A_347 = arith.addi %add3A_346, %scan3A_234 : i32
      %mul3A_348 = arith.constant 128 : i32
      %mul3A_349 = arith.muli %add3A_347, %mul3A_348 : i32
      %add3A_350 = arith.constant 96 : i32
      %add3A_351 = arith.addi %mul3A_349, %add3A_350 : i32
      %get3A_352 = arith.index_cast %add3A_351 : i32 to index
      %get3A_353 = tpu.vector_load %arg12[%get3A_352] {strides = array<i32>} : memref<40960xf32, #tpu.memory_space<vmem>>, vector<16xf32>,
      %add3A_354 = arith.addf %get3A_345, %get3A_353 : vector<16xf32>
      %max3A_355 = arith.constant 0.000000e+00 : f32
      %max3A_356 = vector.broadcast %max3A_355 : f32 to vector<16xf32>
      %max3A_357 = arith.maximumf %add3A_354, %max3A_356 : vector<16xf32>
      %swap3A_358 = arith.index_cast %scan3A_234 : i32 to index
      %swap3A_359 = arith.constant 96 : index
      %swap3A_360 = tpu.vector_load %arg14[%swap3A_358, %swap3A_359] {strides = array<i32>} : memref<64x128xf32, #tpu.memory_space<vmem>>, vector<16xf32>,
      tpu.vector_store %arg14[%swap3A_358, %swap3A_359], %max3A_357 {strides = array<i32>} : memref<64x128xf32, #tpu.memory_space<vmem>>, vector<16xf32>,
      %get3A_361 = arith.index_cast %scan3A_234 : i32 to index
      %get3A_362 = arith.constant 112 : index
      %get3A_363 = tpu.vector_load %arg13[%get3A_361, %get3A_362] {strides = array<i32>} : memref<64x128xf32, #tpu.memory_space<vmem>>, vector<16xf32>,
      %add3A_364 = arith.constant 64 : i32
      %add3A_365 = arith.addi %add3A_364, %scan3A_234 : i32
      %mul3A_366 = arith.constant 128 : i32
      %mul3A_367 = arith.muli %add3A_365, %mul3A_366 : i32
      %add3A_368 = arith.constant 112 : i32
      %add3A_369 = arith.addi %mul3A_367, %add3A_368 : i32
      %get3A_370 = arith.index_cast %add3A_369 : i32 to index
      %get3A_371 = tpu.vector_load %arg12[%get3A_370] {strides = array<i32>} : memref<40960xf32, #tpu.memory_space<vmem>>, vector<16xf32>,
      %add3A_372 = arith.addf %get3A_363, %get3A_371 : vector<16xf32>
      %max3A_373 = arith.constant 0.000000e+00 : f32
      %max3A_374 = vector.broadcast %max3A_373 : f32 to vector<16xf32>
      %max3A_375 = arith.maximumf %add3A_372, %max3A_374 : vector<16xf32>
      %swap3A_376 = arith.index_cast %scan3A_234 : i32 to index
      %swap3A_377 = arith.constant 112 : index
      %swap3A_378 = tpu.vector_load %arg14[%swap3A_376, %swap3A_377] {strides = array<i32>} : memref<64x128xf32, #tpu.memory_space<vmem>>, vector<16xf32>,
      tpu.vector_store %arg14[%swap3A_376, %swap3A_377], %max3A_375 {strides = array<i32>} : memref<64x128xf32, #tpu.memory_space<vmem>>, vector<16xf32>,
    }
    %scan3A_201 = arith.constant 64 : i32
    %add3A_202 = arith.constant 64 : i32
    %add3A_203 = arith.addi %mul3A_2, %add3A_202 : i32
    "tpu.region"() ({
      %run_scoped3A = tpu.sem_alloc : memref<!tpu.dma_semaphore, #tpu.memory_space<semaphore_mem>>
      %dma_start3A_234 = arith.constant 0 : i32
      %dma_start3A_235 = tpu.memref_slice %arg5[%add3A_203, %dma_start3A_234] : memref<10240x128xf32, #tpu.memory_space<hbm>> -> memref<64x128xf32, #tpu.memory_space<hbm>>
      %dma_start3A_236 = arith.constant 0 : i32
      %dma_start3A_237 = tpu.memref_slice %arg5[%add3A_203, %dma_start3A_236] : memref<10240x128xf32, #tpu.memory_space<hbm>> -> memref<64x128xf32, #tpu.memory_space<hbm>>
      tpu.enqueue_dma source(%arg14 : memref<64x128xf32, #tpu.memory_space<vmem>>) target(%dma_start3A_237 : memref<64x128xf32, #tpu.memory_space<hbm>>) target_semaphore(%run_scoped3A : memref<!tpu.dma_semaphore, #tpu.memory_space<semaphore_mem>>)
      %dma_wait3A_238 = arith.constant 0 : i32
      %dma_wait3A_239 = tpu.memref_slice %arg5[%add3A_203, %dma_wait3A_238] : memref<10240x128xf32, #tpu.memory_space<hbm>> -> memref<64x128xf32, #tpu.memory_space<hbm>>
      %dma_wait3A_240 = arith.constant 0 : i32
      %dma_wait3A_241 = tpu.memref_slice %arg5[%add3A_203, %dma_wait3A_240] : memref<10240x128xf32, #tpu.memory_space<hbm>> -> memref<64x128xf32, #tpu.memory_space<hbm>>
      tpu.wait_dma2 semaphore(%run_scoped3A : memref<!tpu.dma_semaphore, #tpu.memory_space<semaphore_mem>>) src(%arg14 : memref<64x128xf32, #tpu.memory_space<vmem>>) dst(%dma_wait3A_241 : memref<64x128xf32, #tpu.memory_space<hbm>>)
      tpu.yield
    }) : () -> ()
    %add3A_204 = arith.constant 128 : i32
    %add3A_205 = arith.addi %mul3A_2, %add3A_204 : i32
    "tpu.region"() ({
      %run_scoped3A = tpu.sem_alloc : memref<!tpu.dma_semaphore, #tpu.memory_space<semaphore_mem>>
      %dma_start3A_234 = arith.constant 0 : i32
      %dma_start3A_235 = tpu.memref_slice %arg4[%add3A_205, %dma_start3A_234] : memref<10240x128xf32, #tpu.memory_space<hbm>> -> memref<64x128xf32, #tpu.memory_space<hbm>>
      %dma_start3A_236 = arith.constant 0 : i32
      %dma_start3A_237 = tpu.memref_slice %arg4[%add3A_205, %dma_start3A_236] : memref<10240x128xf32, #tpu.memory_space<hbm>> -> memref<64x128xf32, #tpu.memory_space<hbm>>
      tpu.enqueue_dma source(%dma_start3A_237 : memref<64x128xf32, #tpu.memory_space<hbm>>) target(%arg13 : memref<64x128xf32, #tpu.memory_space<vmem>>) target_semaphore(%run_scoped3A : memref<!tpu.dma_semaphore, #tpu.memory_space<semaphore_mem>>)
      %dma_wait3A_238 = arith.constant 0 : i32
      %dma_wait3A_239 = tpu.memref_slice %arg4[%add3A_205, %dma_wait3A_238] : memref<10240x128xf32, #tpu.memory_space<hbm>> -> memref<64x128xf32, #tpu.memory_space<hbm>>
      %dma_wait3A_240 = arith.constant 0 : i32
      %dma_wait3A_241 = tpu.memref_slice %arg4[%add3A_205, %dma_wait3A_240] : memref<10240x128xf32, #tpu.memory_space<hbm>> -> memref<64x128xf32, #tpu.memory_space<hbm>>
      tpu.wait_dma2 semaphore(%run_scoped3A : memref<!tpu.dma_semaphore, #tpu.memory_space<semaphore_mem>>) src(%dma_wait3A_241 : memref<64x128xf32, #tpu.memory_space<hbm>>) dst(%arg13 : memref<64x128xf32, #tpu.memory_space<vmem>>)
      tpu.yield
    }) : () -> ()
    %scan3A_206 = arith.constant 0 : i32
    %scan3A_207 = arith.constant 0 : i32
    %scan3A_208 = arith.constant 64 : i32
    %scan3A_209 = arith.addi %scan3A_207, %scan3A_208 : i32
    %scan3A_210 = arith.constant 1 : i32
    scf.for %scan3A_234 = %scan3A_207 to %scan3A_209 step %scan3A_210  : i32 {
      %get3A_235 = arith.index_cast %scan3A_234 : i32 to index
      %get3A_236 = arith.constant 0 : index
      %get3A_237 = tpu.vector_load %arg13[%get3A_235, %get3A_236] {strides = array<i32>} : memref<64x128xf32, #tpu.memory_space<vmem>>, vector<16xf32>,
      %add3A_238 = arith.constant 128 : i32
      %add3A_239 = arith.addi %add3A_238, %scan3A_234 : i32
      %mul3A_240 = arith.constant 128 : i32
      %mul3A_241 = arith.muli %add3A_239, %mul3A_240 : i32
      %add3A_242 = arith.constant 0 : i32
      %add3A_243 = arith.addi %mul3A_241, %add3A_242 : i32
      %get3A_244 = arith.index_cast %add3A_243 : i32 to index
      %get3A_245 = tpu.vector_load %arg12[%get3A_244] {strides = array<i32>} : memref<40960xf32, #tpu.memory_space<vmem>>, vector<16xf32>,
      %add3A_246 = arith.addf %get3A_237, %get3A_245 : vector<16xf32>
      %max3A_247 = arith.constant 0.000000e+00 : f32
      %max3A_248 = vector.broadcast %max3A_247 : f32 to vector<16xf32>
      %max3A_249 = arith.maximumf %add3A_246, %max3A_248 : vector<16xf32>
      %swap3A_250 = arith.index_cast %scan3A_234 : i32 to index
      %swap3A_251 = arith.constant 0 : index
      %swap3A_252 = tpu.vector_load %arg14[%swap3A_250, %swap3A_251] {strides = array<i32>} : memref<64x128xf32, #tpu.memory_space<vmem>>, vector<16xf32>,
      tpu.vector_store %arg14[%swap3A_250, %swap3A_251], %max3A_249 {strides = array<i32>} : memref<64x128xf32, #tpu.memory_space<vmem>>, vector<16xf32>,
      %get3A_253 = arith.index_cast %scan3A_234 : i32 to index
      %get3A_254 = arith.constant 16 : index
      %get3A_255 = tpu.vector_load %arg13[%get3A_253, %get3A_254] {strides = array<i32>} : memref<64x128xf32, #tpu.memory_space<vmem>>, vector<16xf32>,
      %add3A_256 = arith.constant 128 : i32
      %add3A_257 = arith.addi %add3A_256, %scan3A_234 : i32
      %mul3A_258 = arith.constant 128 : i32
      %mul3A_259 = arith.muli %add3A_257, %mul3A_258 : i32
      %add3A_260 = arith.constant 16 : i32
      %add3A_261 = arith.addi %mul3A_259, %add3A_260 : i32
      %get3A_262 = arith.index_cast %add3A_261 : i32 to index
      %get3A_263 = tpu.vector_load %arg12[%get3A_262] {strides = array<i32>} : memref<40960xf32, #tpu.memory_space<vmem>>, vector<16xf32>,
      %add3A_264 = arith.addf %get3A_255, %get3A_263 : vector<16xf32>
      %max3A_265 = arith.constant 0.000000e+00 : f32
      %max3A_266 = vector.broadcast %max3A_265 : f32 to vector<16xf32>
      %max3A_267 = arith.maximumf %add3A_264, %max3A_266 : vector<16xf32>
      %swap3A_268 = arith.index_cast %scan3A_234 : i32 to index
      %swap3A_269 = arith.constant 16 : index
      %swap3A_270 = tpu.vector_load %arg14[%swap3A_268, %swap3A_269] {strides = array<i32>} : memref<64x128xf32, #tpu.memory_space<vmem>>, vector<16xf32>,
      tpu.vector_store %arg14[%swap3A_268, %swap3A_269], %max3A_267 {strides = array<i32>} : memref<64x128xf32, #tpu.memory_space<vmem>>, vector<16xf32>,
      %get3A_271 = arith.index_cast %scan3A_234 : i32 to index
      %get3A_272 = arith.constant 32 : index
      %get3A_273 = tpu.vector_load %arg13[%get3A_271, %get3A_272] {strides = array<i32>} : memref<64x128xf32, #tpu.memory_space<vmem>>, vector<16xf32>,
      %add3A_274 = arith.constant 128 : i32
      %add3A_275 = arith.addi %add3A_274, %scan3A_234 : i32
      %mul3A_276 = arith.constant 128 : i32
      %mul3A_277 = arith.muli %add3A_275, %mul3A_276 : i32
      %add3A_278 = arith.constant 32 : i32
      %add3A_279 = arith.addi %mul3A_277, %add3A_278 : i32
      %get3A_280 = arith.index_cast %add3A_279 : i32 to index
      %get3A_281 = tpu.vector_load %arg12[%get3A_280] {strides = array<i32>} : memref<40960xf32, #tpu.memory_space<vmem>>, vector<16xf32>,
      %add3A_282 = arith.addf %get3A_273, %get3A_281 : vector<16xf32>
      %max3A_283 = arith.constant 0.000000e+00 : f32
      %max3A_284 = vector.broadcast %max3A_283 : f32 to vector<16xf32>
      %max3A_285 = arith.maximumf %add3A_282, %max3A_284 : vector<16xf32>
      %swap3A_286 = arith.index_cast %scan3A_234 : i32 to index
      %swap3A_287 = arith.constant 32 : index
      %swap3A_288 = tpu.vector_load %arg14[%swap3A_286, %swap3A_287] {strides = array<i32>} : memref<64x128xf32, #tpu.memory_space<vmem>>, vector<16xf32>,
      tpu.vector_store %arg14[%swap3A_286, %swap3A_287], %max3A_285 {strides = array<i32>} : memref<64x128xf32, #tpu.memory_space<vmem>>, vector<16xf32>,
      %get3A_289 = arith.index_cast %scan3A_234 : i32 to index
      %get3A_290 = arith.constant 48 : index
      %get3A_291 = tpu.vector_load %arg13[%get3A_289, %get3A_290] {strides = array<i32>} : memref<64x128xf32, #tpu.memory_space<vmem>>, vector<16xf32>,
      %add3A_292 = arith.constant 128 : i32
      %add3A_293 = arith.addi %add3A_292, %scan3A_234 : i32
      %mul3A_294 = arith.constant 128 : i32
      %mul3A_295 = arith.muli %add3A_293, %mul3A_294 : i32
      %add3A_296 = arith.constant 48 : i32
      %add3A_297 = arith.addi %mul3A_295, %add3A_296 : i32
      %get3A_298 = arith.index_cast %add3A_297 : i32 to index
      %get3A_299 = tpu.vector_load %arg12[%get3A_298] {strides = array<i32>} : memref<40960xf32, #tpu.memory_space<vmem>>, vector<16xf32>,
      %add3A_300 = arith.addf %get3A_291, %get3A_299 : vector<16xf32>
      %max3A_301 = arith.constant 0.000000e+00 : f32
      %max3A_302 = vector.broadcast %max3A_301 : f32 to vector<16xf32>
      %max3A_303 = arith.maximumf %add3A_300, %max3A_302 : vector<16xf32>
      %swap3A_304 = arith.index_cast %scan3A_234 : i32 to index
      %swap3A_305 = arith.constant 48 : index
      %swap3A_306 = tpu.vector_load %arg14[%swap3A_304, %swap3A_305] {strides = array<i32>} : memref<64x128xf32, #tpu.memory_space<vmem>>, vector<16xf32>,
      tpu.vector_store %arg14[%swap3A_304, %swap3A_305], %max3A_303 {strides = array<i32>} : memref<64x128xf32, #tpu.memory_space<vmem>>, vector<16xf32>,
      %get3A_307 = arith.index_cast %scan3A_234 : i32 to index
      %get3A_308 = arith.constant 64 : index
      %get3A_309 = tpu.vector_load %arg13[%get3A_307, %get3A_308] {strides = array<i32>} : memref<64x128xf32, #tpu.memory_space<vmem>>, vector<16xf32>,
      %add3A_310 = arith.constant 128 : i32
      %add3A_311 = arith.addi %add3A_310, %scan3A_234 : i32
      %mul3A_312 = arith.constant 128 : i32
      %mul3A_313 = arith.muli %add3A_311, %mul3A_312 : i32
      %add3A_314 = arith.constant 64 : i32
      %add3A_315 = arith.addi %mul3A_313, %add3A_314 : i32
      %get3A_316 = arith.index_cast %add3A_315 : i32 to index
      %get3A_317 = tpu.vector_load %arg12[%get3A_316] {strides = array<i32>} : memref<40960xf32, #tpu.memory_space<vmem>>, vector<16xf32>,
      %add3A_318 = arith.addf %get3A_309, %get3A_317 : vector<16xf32>
      %max3A_319 = arith.constant 0.000000e+00 : f32
      %max3A_320 = vector.broadcast %max3A_319 : f32 to vector<16xf32>
      %max3A_321 = arith.maximumf %add3A_318, %max3A_320 : vector<16xf32>
      %swap3A_322 = arith.index_cast %scan3A_234 : i32 to index
      %swap3A_323 = arith.constant 64 : index
      %swap3A_324 = tpu.vector_load %arg14[%swap3A_322, %swap3A_323] {strides = array<i32>} : memref<64x128xf32, #tpu.memory_space<vmem>>, vector<16xf32>,
      tpu.vector_store %arg14[%swap3A_322, %swap3A_323], %max3A_321 {strides = array<i32>} : memref<64x128xf32, #tpu.memory_space<vmem>>, vector<16xf32>,
      %get3A_325 = arith.index_cast %scan3A_234 : i32 to index
      %get3A_326 = arith.constant 80 : index
      %get3A_327 = tpu.vector_load %arg13[%get3A_325, %get3A_326] {strides = array<i32>} : memref<64x128xf32, #tpu.memory_space<vmem>>, vector<16xf32>,
      %add3A_328 = arith.constant 128 : i32
      %add3A_329 = arith.addi %add3A_328, %scan3A_234 : i32
      %mul3A_330 = arith.constant 128 : i32
      %mul3A_331 = arith.muli %add3A_329, %mul3A_330 : i32
      %add3A_332 = arith.constant 80 : i32
      %add3A_333 = arith.addi %mul3A_331, %add3A_332 : i32
      %get3A_334 = arith.index_cast %add3A_333 : i32 to index
      %get3A_335 = tpu.vector_load %arg12[%get3A_334] {strides = array<i32>} : memref<40960xf32, #tpu.memory_space<vmem>>, vector<16xf32>,
      %add3A_336 = arith.addf %get3A_327, %get3A_335 : vector<16xf32>
      %max3A_337 = arith.constant 0.000000e+00 : f32
      %max3A_338 = vector.broadcast %max3A_337 : f32 to vector<16xf32>
      %max3A_339 = arith.maximumf %add3A_336, %max3A_338 : vector<16xf32>
      %swap3A_340 = arith.index_cast %scan3A_234 : i32 to index
      %swap3A_341 = arith.constant 80 : index
      %swap3A_342 = tpu.vector_load %arg14[%swap3A_340, %swap3A_341] {strides = array<i32>} : memref<64x128xf32, #tpu.memory_space<vmem>>, vector<16xf32>,
      tpu.vector_store %arg14[%swap3A_340, %swap3A_341], %max3A_339 {strides = array<i32>} : memref<64x128xf32, #tpu.memory_space<vmem>>, vector<16xf32>,
      %get3A_343 = arith.index_cast %scan3A_234 : i32 to index
      %get3A_344 = arith.constant 96 : index
      %get3A_345 = tpu.vector_load %arg13[%get3A_343, %get3A_344] {strides = array<i32>} : memref<64x128xf32, #tpu.memory_space<vmem>>, vector<16xf32>,
      %add3A_346 = arith.constant 128 : i32
      %add3A_347 = arith.addi %add3A_346, %scan3A_234 : i32
      %mul3A_348 = arith.constant 128 : i32
      %mul3A_349 = arith.muli %add3A_347, %mul3A_348 : i32
      %add3A_350 = arith.constant 96 : i32
      %add3A_351 = arith.addi %mul3A_349, %add3A_350 : i32
      %get3A_352 = arith.index_cast %add3A_351 : i32 to index
      %get3A_353 = tpu.vector_load %arg12[%get3A_352] {strides = array<i32>} : memref<40960xf32, #tpu.memory_space<vmem>>, vector<16xf32>,
      %add3A_354 = arith.addf %get3A_345, %get3A_353 : vector<16xf32>
      %max3A_355 = arith.constant 0.000000e+00 : f32
      %max3A_356 = vector.broadcast %max3A_355 : f32 to vector<16xf32>
      %max3A_357 = arith.maximumf %add3A_354, %max3A_356 : vector<16xf32>
      %swap3A_358 = arith.index_cast %scan3A_234 : i32 to index
      %swap3A_359 = arith.constant 96 : index
      %swap3A_360 = tpu.vector_load %arg14[%swap3A_358, %swap3A_359] {strides = array<i32>} : memref<64x128xf32, #tpu.memory_space<vmem>>, vector<16xf32>,
      tpu.vector_store %arg14[%swap3A_358, %swap3A_359], %max3A_357 {strides = array<i32>} : memref<64x128xf32, #tpu.memory_space<vmem>>, vector<16xf32>,
      %get3A_361 = arith.index_cast %scan3A_234 : i32 to index
      %get3A_362 = arith.constant 112 : index
      %get3A_363 = tpu.vector_load %arg13[%get3A_361, %get3A_362] {strides = array<i32>} : memref<64x128xf32, #tpu.memory_space<vmem>>, vector<16xf32>,
      %add3A_364 = arith.constant 128 : i32
      %add3A_365 = arith.addi %add3A_364, %scan3A_234 : i32
      %mul3A_366 = arith.constant 128 : i32
      %mul3A_367 = arith.muli %add3A_365, %mul3A_366 : i32
      %add3A_368 = arith.constant 112 : i32
      %add3A_369 = arith.addi %mul3A_367, %add3A_368 : i32
      %get3A_370 = arith.index_cast %add3A_369 : i32 to index
      %get3A_371 = tpu.vector_load %arg12[%get3A_370] {strides = array<i32>} : memref<40960xf32, #tpu.memory_space<vmem>>, vector<16xf32>,
      %add3A_372 = arith.addf %get3A_363, %get3A_371 : vector<16xf32>
      %max3A_373 = arith.constant 0.000000e+00 : f32
      %max3A_374 = vector.broadcast %max3A_373 : f32 to vector<16xf32>
      %max3A_375 = arith.maximumf %add3A_372, %max3A_374 : vector<16xf32>
      %swap3A_376 = arith.index_cast %scan3A_234 : i32 to index
      %swap3A_377 = arith.constant 112 : index
      %swap3A_378 = tpu.vector_load %arg14[%swap3A_376, %swap3A_377] {strides = array<i32>} : memref<64x128xf32, #tpu.memory_space<vmem>>, vector<16xf32>,
      tpu.vector_store %arg14[%swap3A_376, %swap3A_377], %max3A_375 {strides = array<i32>} : memref<64x128xf32, #tpu.memory_space<vmem>>, vector<16xf32>,
    }
    %scan3A_211 = arith.constant 64 : i32
    %add3A_212 = arith.constant 128 : i32
    %add3A_213 = arith.addi %mul3A_2, %add3A_212 : i32
    "tpu.region"() ({
      %run_scoped3A = tpu.sem_alloc : memref<!tpu.dma_semaphore, #tpu.memory_space<semaphore_mem>>
      %dma_start3A_234 = arith.constant 0 : i32
      %dma_start3A_235 = tpu.memref_slice %arg5[%add3A_213, %dma_start3A_234] : memref<10240x128xf32, #tpu.memory_space<hbm>> -> memref<64x128xf32, #tpu.memory_space<hbm>>
      %dma_start3A_236 = arith.constant 0 : i32
      %dma_start3A_237 = tpu.memref_slice %arg5[%add3A_213, %dma_start3A_236] : memref<10240x128xf32, #tpu.memory_space<hbm>> -> memref<64x128xf32, #tpu.memory_space<hbm>>
      tpu.enqueue_dma source(%arg14 : memref<64x128xf32, #tpu.memory_space<vmem>>) target(%dma_start3A_237 : memref<64x128xf32, #tpu.memory_space<hbm>>) target_semaphore(%run_scoped3A : memref<!tpu.dma_semaphore, #tpu.memory_space<semaphore_mem>>)
      %dma_wait3A_238 = arith.constant 0 : i32
      %dma_wait3A_239 = tpu.memref_slice %arg5[%add3A_213, %dma_wait3A_238] : memref<10240x128xf32, #tpu.memory_space<hbm>> -> memref<64x128xf32, #tpu.memory_space<hbm>>
      %dma_wait3A_240 = arith.constant 0 : i32
      %dma_wait3A_241 = tpu.memref_slice %arg5[%add3A_213, %dma_wait3A_240] : memref<10240x128xf32, #tpu.memory_space<hbm>> -> memref<64x128xf32, #tpu.memory_space<hbm>>
      tpu.wait_dma2 semaphore(%run_scoped3A : memref<!tpu.dma_semaphore, #tpu.memory_space<semaphore_mem>>) src(%arg14 : memref<64x128xf32, #tpu.memory_space<vmem>>) dst(%dma_wait3A_241 : memref<64x128xf32, #tpu.memory_space<hbm>>)
      tpu.yield
    }) : () -> ()
    %add3A_214 = arith.constant 192 : i32
    %add3A_215 = arith.addi %mul3A_2, %add3A_214 : i32
    "tpu.region"() ({
      %run_scoped3A = tpu.sem_alloc : memref<!tpu.dma_semaphore, #tpu.memory_space<semaphore_mem>>
      %dma_start3A_234 = arith.constant 0 : i32
      %dma_start3A_235 = tpu.memref_slice %arg4[%add3A_215, %dma_start3A_234] : memref<10240x128xf32, #tpu.memory_space<hbm>> -> memref<64x128xf32, #tpu.memory_space<hbm>>
      %dma_start3A_236 = arith.constant 0 : i32
      %dma_start3A_237 = tpu.memref_slice %arg4[%add3A_215, %dma_start3A_236] : memref<10240x128xf32, #tpu.memory_space<hbm>> -> memref<64x128xf32, #tpu.memory_space<hbm>>
      tpu.enqueue_dma source(%dma_start3A_237 : memref<64x128xf32, #tpu.memory_space<hbm>>) target(%arg13 : memref<64x128xf32, #tpu.memory_space<vmem>>) target_semaphore(%run_scoped3A : memref<!tpu.dma_semaphore, #tpu.memory_space<semaphore_mem>>)
      %dma_wait3A_238 = arith.constant 0 : i32
      %dma_wait3A_239 = tpu.memref_slice %arg4[%add3A_215, %dma_wait3A_238] : memref<10240x128xf32, #tpu.memory_space<hbm>> -> memref<64x128xf32, #tpu.memory_space<hbm>>
      %dma_wait3A_240 = arith.constant 0 : i32
      %dma_wait3A_241 = tpu.memref_slice %arg4[%add3A_215, %dma_wait3A_240] : memref<10240x128xf32, #tpu.memory_space<hbm>> -> memref<64x128xf32, #tpu.memory_space<hbm>>
      tpu.wait_dma2 semaphore(%run_scoped3A : memref<!tpu.dma_semaphore, #tpu.memory_space<semaphore_mem>>) src(%dma_wait3A_241 : memref<64x128xf32, #tpu.memory_space<hbm>>) dst(%arg13 : memref<64x128xf32, #tpu.memory_space<vmem>>)
      tpu.yield
    }) : () -> ()
    %scan3A_216 = arith.constant 0 : i32
    %scan3A_217 = arith.constant 0 : i32
    %scan3A_218 = arith.constant 64 : i32
    %scan3A_219 = arith.addi %scan3A_217, %scan3A_218 : i32
    %scan3A_220 = arith.constant 1 : i32
    scf.for %scan3A_234 = %scan3A_217 to %scan3A_219 step %scan3A_220  : i32 {
      %get3A_235 = arith.index_cast %scan3A_234 : i32 to index
      %get3A_236 = arith.constant 0 : index
      %get3A_237 = tpu.vector_load %arg13[%get3A_235, %get3A_236] {strides = array<i32>} : memref<64x128xf32, #tpu.memory_space<vmem>>, vector<16xf32>,
      %add3A_238 = arith.constant 192 : i32
      %add3A_239 = arith.addi %add3A_238, %scan3A_234 : i32
      %mul3A_240 = arith.constant 128 : i32
      %mul3A_241 = arith.muli %add3A_239, %mul3A_240 : i32
      %add3A_242 = arith.constant 0 : i32
      %add3A_243 = arith.addi %mul3A_241, %add3A_242 : i32
      %get3A_244 = arith.index_cast %add3A_243 : i32 to index
      %get3A_245 = tpu.vector_load %arg12[%get3A_244] {strides = array<i32>} : memref<40960xf32, #tpu.memory_space<vmem>>, vector<16xf32>,
      %add3A_246 = arith.addf %get3A_237, %get3A_245 : vector<16xf32>
      %max3A_247 = arith.constant 0.000000e+00 : f32
      %max3A_248 = vector.broadcast %max3A_247 : f32 to vector<16xf32>
      %max3A_249 = arith.maximumf %add3A_246, %max3A_248 : vector<16xf32>
      %swap3A_250 = arith.index_cast %scan3A_234 : i32 to index
      %swap3A_251 = arith.constant 0 : index
      %swap3A_252 = tpu.vector_load %arg14[%swap3A_250, %swap3A_251] {strides = array<i32>} : memref<64x128xf32, #tpu.memory_space<vmem>>, vector<16xf32>,
      tpu.vector_store %arg14[%swap3A_250, %swap3A_251], %max3A_249 {strides = array<i32>} : memref<64x128xf32, #tpu.memory_space<vmem>>, vector<16xf32>,
      %get3A_253 = arith.index_cast %scan3A_234 : i32 to index
      %get3A_254 = arith.constant 16 : index
      %get3A_255 = tpu.vector_load %arg13[%get3A_253, %get3A_254] {strides = array<i32>} : memref<64x128xf32, #tpu.memory_space<vmem>>, vector<16xf32>,
      %add3A_256 = arith.constant 192 : i32
      %add3A_257 = arith.addi %add3A_256, %scan3A_234 : i32
      %mul3A_258 = arith.constant 128 : i32
      %mul3A_259 = arith.muli %add3A_257, %mul3A_258 : i32
      %add3A_260 = arith.constant 16 : i32
      %add3A_261 = arith.addi %mul3A_259, %add3A_260 : i32
      %get3A_262 = arith.index_cast %add3A_261 : i32 to index
      %get3A_263 = tpu.vector_load %arg12[%get3A_262] {strides = array<i32>} : memref<40960xf32, #tpu.memory_space<vmem>>, vector<16xf32>,
      %add3A_264 = arith.addf %get3A_255, %get3A_263 : vector<16xf32>
      %max3A_265 = arith.constant 0.000000e+00 : f32
      %max3A_266 = vector.broadcast %max3A_265 : f32 to vector<16xf32>
      %max3A_267 = arith.maximumf %add3A_264, %max3A_266 : vector<16xf32>
      %swap3A_268 = arith.index_cast %scan3A_234 : i32 to index
      %swap3A_269 = arith.constant 16 : index
      %swap3A_270 = tpu.vector_load %arg14[%swap3A_268, %swap3A_269] {strides = array<i32>} : memref<64x128xf32, #tpu.memory_space<vmem>>, vector<16xf32>,
      tpu.vector_store %arg14[%swap3A_268, %swap3A_269], %max3A_267 {strides = array<i32>} : memref<64x128xf32, #tpu.memory_space<vmem>>, vector<16xf32>,
      %get3A_271 = arith.index_cast %scan3A_234 : i32 to index
      %get3A_272 = arith.constant 32 : index
      %get3A_273 = tpu.vector_load %arg13[%get3A_271, %get3A_272] {strides = array<i32>} : memref<64x128xf32, #tpu.memory_space<vmem>>, vector<16xf32>,
      %add3A_274 = arith.constant 192 : i32
      %add3A_275 = arith.addi %add3A_274, %scan3A_234 : i32
      %mul3A_276 = arith.constant 128 : i32
      %mul3A_277 = arith.muli %add3A_275, %mul3A_276 : i32
      %add3A_278 = arith.constant 32 : i32
      %add3A_279 = arith.addi %mul3A_277, %add3A_278 : i32
      %get3A_280 = arith.index_cast %add3A_279 : i32 to index
      %get3A_281 = tpu.vector_load %arg12[%get3A_280] {strides = array<i32>} : memref<40960xf32, #tpu.memory_space<vmem>>, vector<16xf32>,
      %add3A_282 = arith.addf %get3A_273, %get3A_281 : vector<16xf32>
      %max3A_283 = arith.constant 0.000000e+00 : f32
      %max3A_284 = vector.broadcast %max3A_283 : f32 to vector<16xf32>
      %max3A_285 = arith.maximumf %add3A_282, %max3A_284 : vector<16xf32>
      %swap3A_286 = arith.index_cast %scan3A_234 : i32 to index
      %swap3A_287 = arith.constant 32 : index
      %swap3A_288 = tpu.vector_load %arg14[%swap3A_286, %swap3A_287] {strides = array<i32>} : memref<64x128xf32, #tpu.memory_space<vmem>>, vector<16xf32>,
      tpu.vector_store %arg14[%swap3A_286, %swap3A_287], %max3A_285 {strides = array<i32>} : memref<64x128xf32, #tpu.memory_space<vmem>>, vector<16xf32>,
      %get3A_289 = arith.index_cast %scan3A_234 : i32 to index
      %get3A_290 = arith.constant 48 : index
      %get3A_291 = tpu.vector_load %arg13[%get3A_289, %get3A_290] {strides = array<i32>} : memref<64x128xf32, #tpu.memory_space<vmem>>, vector<16xf32>,
      %add3A_292 = arith.constant 192 : i32
      %add3A_293 = arith.addi %add3A_292, %scan3A_234 : i32
      %mul3A_294 = arith.constant 128 : i32
      %mul3A_295 = arith.muli %add3A_293, %mul3A_294 : i32
      %add3A_296 = arith.constant 48 : i32
      %add3A_297 = arith.addi %mul3A_295, %add3A_296 : i32
      %get3A_298 = arith.index_cast %add3A_297 : i32 to index
      %get3A_299 = tpu.vector_load %arg12[%get3A_298] {strides = array<i32>} : memref<40960xf32, #tpu.memory_space<vmem>>, vector<16xf32>,
      %add3A_300 = arith.addf %get3A_291, %get3A_299 : vector<16xf32>
      %max3A_301 = arith.constant 0.000000e+00 : f32
      %max3A_302 = vector.broadcast %max3A_301 : f32 to vector<16xf32>
      %max3A_303 = arith.maximumf %add3A_300, %max3A_302 : vector<16xf32>
      %swap3A_304 = arith.index_cast %scan3A_234 : i32 to index
      %swap3A_305 = arith.constant 48 : index
      %swap3A_306 = tpu.vector_load %arg14[%swap3A_304, %swap3A_305] {strides = array<i32>} : memref<64x128xf32, #tpu.memory_space<vmem>>, vector<16xf32>,
      tpu.vector_store %arg14[%swap3A_304, %swap3A_305], %max3A_303 {strides = array<i32>} : memref<64x128xf32, #tpu.memory_space<vmem>>, vector<16xf32>,
      %get3A_307 = arith.index_cast %scan3A_234 : i32 to index
      %get3A_308 = arith.constant 64 : index
      %get3A_309 = tpu.vector_load %arg13[%get3A_307, %get3A_308] {strides = array<i32>} : memref<64x128xf32, #tpu.memory_space<vmem>>, vector<16xf32>,
      %add3A_310 = arith.constant 192 : i32
      %add3A_311 = arith.addi %add3A_310, %scan3A_234 : i32
      %mul3A_312 = arith.constant 128 : i32
      %mul3A_313 = arith.muli %add3A_311, %mul3A_312 : i32
      %add3A_314 = arith.constant 64 : i32
      %add3A_315 = arith.addi %mul3A_313, %add3A_314 : i32
      %get3A_316 = arith.index_cast %add3A_315 : i32 to index
      %get3A_317 = tpu.vector_load %arg12[%get3A_316] {strides = array<i32>} : memref<40960xf32, #tpu.memory_space<vmem>>, vector<16xf32>,
      %add3A_318 = arith.addf %get3A_309, %get3A_317 : vector<16xf32>
      %max3A_319 = arith.constant 0.000000e+00 : f32
      %max3A_320 = vector.broadcast %max3A_319 : f32 to vector<16xf32>
      %max3A_321 = arith.maximumf %add3A_318, %max3A_320 : vector<16xf32>
      %swap3A_322 = arith.index_cast %scan3A_234 : i32 to index
      %swap3A_323 = arith.constant 64 : index
      %swap3A_324 = tpu.vector_load %arg14[%swap3A_322, %swap3A_323] {strides = array<i32>} : memref<64x128xf32, #tpu.memory_space<vmem>>, vector<16xf32>,
      tpu.vector_store %arg14[%swap3A_322, %swap3A_323], %max3A_321 {strides = array<i32>} : memref<64x128xf32, #tpu.memory_space<vmem>>, vector<16xf32>,
      %get3A_325 = arith.index_cast %scan3A_234 : i32 to index
      %get3A_326 = arith.constant 80 : index
      %get3A_327 = tpu.vector_load %arg13[%get3A_325, %get3A_326] {strides = array<i32>} : memref<64x128xf32, #tpu.memory_space<vmem>>, vector<16xf32>,
      %add3A_328 = arith.constant 192 : i32
      %add3A_329 = arith.addi %add3A_328, %scan3A_234 : i32
      %mul3A_330 = arith.constant 128 : i32
      %mul3A_331 = arith.muli %add3A_329, %mul3A_330 : i32
      %add3A_332 = arith.constant 80 : i32
      %add3A_333 = arith.addi %mul3A_331, %add3A_332 : i32
      %get3A_334 = arith.index_cast %add3A_333 : i32 to index
      %get3A_335 = tpu.vector_load %arg12[%get3A_334] {strides = array<i32>} : memref<40960xf32, #tpu.memory_space<vmem>>, vector<16xf32>,
      %add3A_336 = arith.addf %get3A_327, %get3A_335 : vector<16xf32>
      %max3A_337 = arith.constant 0.000000e+00 : f32
      %max3A_338 = vector.broadcast %max3A_337 : f32 to vector<16xf32>
      %max3A_339 = arith.maximumf %add3A_336, %max3A_338 : vector<16xf32>
      %swap3A_340 = arith.index_cast %scan3A_234 : i32 to index
      %swap3A_341 = arith.constant 80 : index
      %swap3A_342 = tpu.vector_load %arg14[%swap3A_340, %swap3A_341] {strides = array<i32>} : memref<64x128xf32, #tpu.memory_space<vmem>>, vector<16xf32>,
      tpu.vector_store %arg14[%swap3A_340, %swap3A_341], %max3A_339 {strides = array<i32>} : memref<64x128xf32, #tpu.memory_space<vmem>>, vector<16xf32>,
      %get3A_343 = arith.index_cast %scan3A_234 : i32 to index
      %get3A_344 = arith.constant 96 : index
      %get3A_345 = tpu.vector_load %arg13[%get3A_343, %get3A_344] {strides = array<i32>} : memref<64x128xf32, #tpu.memory_space<vmem>>, vector<16xf32>,
      %add3A_346 = arith.constant 192 : i32
      %add3A_347 = arith.addi %add3A_346, %scan3A_234 : i32
      %mul3A_348 = arith.constant 128 : i32
      %mul3A_349 = arith.muli %add3A_347, %mul3A_348 : i32
      %add3A_350 = arith.constant 96 : i32
      %add3A_351 = arith.addi %mul3A_349, %add3A_350 : i32
      %get3A_352 = arith.index_cast %add3A_351 : i32 to index
      %get3A_353 = tpu.vector_load %arg12[%get3A_352] {strides = array<i32>} : memref<40960xf32, #tpu.memory_space<vmem>>, vector<16xf32>,
      %add3A_354 = arith.addf %get3A_345, %get3A_353 : vector<16xf32>
      %max3A_355 = arith.constant 0.000000e+00 : f32
      %max3A_356 = vector.broadcast %max3A_355 : f32 to vector<16xf32>
      %max3A_357 = arith.maximumf %add3A_354, %max3A_356 : vector<16xf32>
      %swap3A_358 = arith.index_cast %scan3A_234 : i32 to index
      %swap3A_359 = arith.constant 96 : index
      %swap3A_360 = tpu.vector_load %arg14[%swap3A_358, %swap3A_359] {strides = array<i32>} : memref<64x128xf32, #tpu.memory_space<vmem>>, vector<16xf32>,
      tpu.vector_store %arg14[%swap3A_358, %swap3A_359], %max3A_357 {strides = array<i32>} : memref<64x128xf32, #tpu.memory_space<vmem>>, vector<16xf32>,
      %get3A_361 = arith.index_cast %scan3A_234 : i32 to index
      %get3A_362 = arith.constant 112 : index
      %get3A_363 = tpu.vector_load %arg13[%get3A_361, %get3A_362] {strides = array<i32>} : memref<64x128xf32, #tpu.memory_space<vmem>>, vector<16xf32>,
      %add3A_364 = arith.constant 192 : i32
      %add3A_365 = arith.addi %add3A_364, %scan3A_234 : i32
      %mul3A_366 = arith.constant 128 : i32
      %mul3A_367 = arith.muli %add3A_365, %mul3A_366 : i32
      %add3A_368 = arith.constant 112 : i32
      %add3A_369 = arith.addi %mul3A_367, %add3A_368 : i32
      %get3A_370 = arith.index_cast %add3A_369 : i32 to index
      %get3A_371 = tpu.vector_load %arg12[%get3A_370] {strides = array<i32>} : memref<40960xf32, #tpu.memory_space<vmem>>, vector<16xf32>,
      %add3A_372 = arith.addf %get3A_363, %get3A_371 : vector<16xf32>
      %max3A_373 = arith.constant 0.000000e+00 : f32
      %max3A_374 = vector.broadcast %max3A_373 : f32 to vector<16xf32>
      %max3A_375 = arith.maximumf %add3A_372, %max3A_374 : vector<16xf32>
      %swap3A_376 = arith.index_cast %scan3A_234 : i32 to index
      %swap3A_377 = arith.constant 112 : index
      %swap3A_378 = tpu.vector_load %arg14[%swap3A_376, %swap3A_377] {strides = array<i32>} : memref<64x128xf32, #tpu.memory_space<vmem>>, vector<16xf32>,
      tpu.vector_store %arg14[%swap3A_376, %swap3A_377], %max3A_375 {strides = array<i32>} : memref<64x128xf32, #tpu.memory_space<vmem>>, vector<16xf32>,
    }
    %scan3A_221 = arith.constant 64 : i32
    %add3A_222 = arith.constant 192 : i32
    %add3A_223 = arith.addi %mul3A_2, %add3A_222 : i32
    "tpu.region"() ({
      %run_scoped3A = tpu.sem_alloc : memref<!tpu.dma_semaphore, #tpu.memory_space<semaphore_mem>>
      %dma_start3A_234 = arith.constant 0 : i32
      %dma_start3A_235 = tpu.memref_slice %arg5[%add3A_223, %dma_start3A_234] : memref<10240x128xf32, #tpu.memory_space<hbm>> -> memref<64x128xf32, #tpu.memory_space<hbm>>
      %dma_start3A_236 = arith.constant 0 : i32
      %dma_start3A_237 = tpu.memref_slice %arg5[%add3A_223, %dma_start3A_236] : memref<10240x128xf32, #tpu.memory_space<hbm>> -> memref<64x128xf32, #tpu.memory_space<hbm>>
      tpu.enqueue_dma source(%arg14 : memref<64x128xf32, #tpu.memory_space<vmem>>) target(%dma_start3A_237 : memref<64x128xf32, #tpu.memory_space<hbm>>) target_semaphore(%run_scoped3A : memref<!tpu.dma_semaphore, #tpu.memory_space<semaphore_mem>>)
      %dma_wait3A_238 = arith.constant 0 : i32
      %dma_wait3A_239 = tpu.memref_slice %arg5[%add3A_223, %dma_wait3A_238] : memref<10240x128xf32, #tpu.memory_space<hbm>> -> memref<64x128xf32, #tpu.memory_space<hbm>>
      %dma_wait3A_240 = arith.constant 0 : i32
      %dma_wait3A_241 = tpu.memref_slice %arg5[%add3A_223, %dma_wait3A_240] : memref<10240x128xf32, #tpu.memory_space<hbm>> -> memref<64x128xf32, #tpu.memory_space<hbm>>
      tpu.wait_dma2 semaphore(%run_scoped3A : memref<!tpu.dma_semaphore, #tpu.memory_space<semaphore_mem>>) src(%arg14 : memref<64x128xf32, #tpu.memory_space<vmem>>) dst(%dma_wait3A_241 : memref<64x128xf32, #tpu.memory_space<hbm>>)
      tpu.yield
    }) : () -> ()
    %add3A_224 = arith.constant 256 : i32
    %add3A_225 = arith.addi %mul3A_2, %add3A_224 : i32
    "tpu.region"() ({
      %run_scoped3A = tpu.sem_alloc : memref<!tpu.dma_semaphore, #tpu.memory_space<semaphore_mem>>
      %dma_start3A_234 = arith.constant 0 : i32
      %dma_start3A_235 = tpu.memref_slice %arg4[%add3A_225, %dma_start3A_234] : memref<10240x128xf32, #tpu.memory_space<hbm>> -> memref<64x128xf32, #tpu.memory_space<hbm>>
      %dma_start3A_236 = arith.constant 0 : i32
      %dma_start3A_237 = tpu.memref_slice %arg4[%add3A_225, %dma_start3A_236] : memref<10240x128xf32, #tpu.memory_space<hbm>> -> memref<64x128xf32, #tpu.memory_space<hbm>>
      tpu.enqueue_dma source(%dma_start3A_237 : memref<64x128xf32, #tpu.memory_space<hbm>>) target(%arg13 : memref<64x128xf32, #tpu.memory_space<vmem>>) target_semaphore(%run_scoped3A : memref<!tpu.dma_semaphore, #tpu.memory_space<semaphore_mem>>)
      %dma_wait3A_238 = arith.constant 0 : i32
      %dma_wait3A_239 = tpu.memref_slice %arg4[%add3A_225, %dma_wait3A_238] : memref<10240x128xf32, #tpu.memory_space<hbm>> -> memref<64x128xf32, #tpu.memory_space<hbm>>
      %dma_wait3A_240 = arith.constant 0 : i32
      %dma_wait3A_241 = tpu.memref_slice %arg4[%add3A_225, %dma_wait3A_240] : memref<10240x128xf32, #tpu.memory_space<hbm>> -> memref<64x128xf32, #tpu.memory_space<hbm>>
      tpu.wait_dma2 semaphore(%run_scoped3A : memref<!tpu.dma_semaphore, #tpu.memory_space<semaphore_mem>>) src(%dma_wait3A_241 : memref<64x128xf32, #tpu.memory_space<hbm>>) dst(%arg13 : memref<64x128xf32, #tpu.memory_space<vmem>>)
      tpu.yield
    }) : () -> ()
    %scan3A_226 = arith.constant 0 : i32
    %scan3A_227 = arith.constant 0 : i32
    %scan3A_228 = arith.constant 64 : i32
    %scan3A_229 = arith.addi %scan3A_227, %scan3A_228 : i32
    %scan3A_230 = arith.constant 1 : i32
    scf.for %scan3A_234 = %scan3A_227 to %scan3A_229 step %scan3A_230  : i32 {
      %get3A_235 = arith.index_cast %scan3A_234 : i32 to index
      %get3A_236 = arith.constant 0 : index
      %get3A_237 = tpu.vector_load %arg13[%get3A_235, %get3A_236] {strides = array<i32>} : memref<64x128xf32, #tpu.memory_space<vmem>>, vector<16xf32>,
      %add3A_238 = arith.constant 256 : i32
      %add3A_239 = arith.addi %add3A_238, %scan3A_234 : i32
      %mul3A_240 = arith.constant 128 : i32
      %mul3A_241 = arith.muli %add3A_239, %mul3A_240 : i32
      %add3A_242 = arith.constant 0 : i32
      %add3A_243 = arith.addi %mul3A_241, %add3A_242 : i32
      %get3A_244 = arith.index_cast %add3A_243 : i32 to index
      %get3A_245 = tpu.vector_load %arg12[%get3A_244] {strides = array<i32>} : memref<40960xf32, #tpu.memory_space<vmem>>, vector<16xf32>,
      %add3A_246 = arith.addf %get3A_237, %get3A_245 : vector<16xf32>
      %max3A_247 = arith.constant 0.000000e+00 : f32
      %max3A_248 = vector.broadcast %max3A_247 : f32 to vector<16xf32>
      %max3A_249 = arith.maximumf %add3A_246, %max3A_248 : vector<16xf32>
      %swap3A_250 = arith.index_cast %scan3A_234 : i32 to index
      %swap3A_251 = arith.constant 0 : index
      %swap3A_252 = tpu.vector_load %arg14[%swap3A_250, %swap3A_251] {strides = array<i32>} : memref<64x128xf32, #tpu.memory_space<vmem>>, vector<16xf32>,
      tpu.vector_store %arg14[%swap3A_250, %swap3A_251], %max3A_249 {strides = array<i32>} : memref<64x128xf32, #tpu.memory_space<vmem>>, vector<16xf32>,
      %get3A_253 = arith.index_cast %scan3A_234 : i32 to index
      %get3A_254 = arith.constant 16 : index
      %get3A_255 = tpu.vector_load %arg13[%get3A_253, %get3A_254] {strides = array<i32>} : memref<64x128xf32, #tpu.memory_space<vmem>>, vector<16xf32>,
      %add3A_256 = arith.constant 256 : i32
      %add3A_257 = arith.addi %add3A_256, %scan3A_234 : i32
      %mul3A_258 = arith.constant 128 : i32
      %mul3A_259 = arith.muli %add3A_257, %mul3A_258 : i32
      %add3A_260 = arith.constant 16 : i32
      %add3A_261 = arith.addi %mul3A_259, %add3A_260 : i32
      %get3A_262 = arith.index_cast %add3A_261 : i32 to index
      %get3A_263 = tpu.vector_load %arg12[%get3A_262] {strides = array<i32>} : memref<40960xf32, #tpu.memory_space<vmem>>, vector<16xf32>,
      %add3A_264 = arith.addf %get3A_255, %get3A_263 : vector<16xf32>
      %max3A_265 = arith.constant 0.000000e+00 : f32
      %max3A_266 = vector.broadcast %max3A_265 : f32 to vector<16xf32>
      %max3A_267 = arith.maximumf %add3A_264, %max3A_266 : vector<16xf32>
      %swap3A_268 = arith.index_cast %scan3A_234 : i32 to index
      %swap3A_269 = arith.constant 16 : index
      %swap3A_270 = tpu.vector_load %arg14[%swap3A_268, %swap3A_269] {strides = array<i32>} : memref<64x128xf32, #tpu.memory_space<vmem>>, vector<16xf32>,
      tpu.vector_store %arg14[%swap3A_268, %swap3A_269], %max3A_267 {strides = array<i32>} : memref<64x128xf32, #tpu.memory_space<vmem>>, vector<16xf32>,
      %get3A_271 = arith.index_cast %scan3A_234 : i32 to index
      %get3A_272 = arith.constant 32 : index
      %get3A_273 = tpu.vector_load %arg13[%get3A_271, %get3A_272] {strides = array<i32>} : memref<64x128xf32, #tpu.memory_space<vmem>>, vector<16xf32>,
      %add3A_274 = arith.constant 256 : i32
      %add3A_275 = arith.addi %add3A_274, %scan3A_234 : i32
      %mul3A_276 = arith.constant 128 : i32
      %mul3A_277 = arith.muli %add3A_275, %mul3A_276 : i32
      %add3A_278 = arith.constant 32 : i32
      %add3A_279 = arith.addi %mul3A_277, %add3A_278 : i32
      %get3A_280 = arith.index_cast %add3A_279 : i32 to index
      %get3A_281 = tpu.vector_load %arg12[%get3A_280] {strides = array<i32>} : memref<40960xf32, #tpu.memory_space<vmem>>, vector<16xf32>,
      %add3A_282 = arith.addf %get3A_273, %get3A_281 : vector<16xf32>
      %max3A_283 = arith.constant 0.000000e+00 : f32
      %max3A_284 = vector.broadcast %max3A_283 : f32 to vector<16xf32>
      %max3A_285 = arith.maximumf %add3A_282, %max3A_284 : vector<16xf32>
      %swap3A_286 = arith.index_cast %scan3A_234 : i32 to index
      %swap3A_287 = arith.constant 32 : index
      %swap3A_288 = tpu.vector_load %arg14[%swap3A_286, %swap3A_287] {strides = array<i32>} : memref<64x128xf32, #tpu.memory_space<vmem>>, vector<16xf32>,
      tpu.vector_store %arg14[%swap3A_286, %swap3A_287], %max3A_285 {strides = array<i32>} : memref<64x128xf32, #tpu.memory_space<vmem>>, vector<16xf32>,
      %get3A_289 = arith.index_cast %scan3A_234 : i32 to index
      %get3A_290 = arith.constant 48 : index
      %get3A_291 = tpu.vector_load %arg13[%get3A_289, %get3A_290] {strides = array<i32>} : memref<64x128xf32, #tpu.memory_space<vmem>>, vector<16xf32>,
      %add3A_292 = arith.constant 256 : i32
      %add3A_293 = arith.addi %add3A_292, %scan3A_234 : i32
      %mul3A_294 = arith.constant 128 : i32
      %mul3A_295 = arith.muli %add3A_293, %mul3A_294 : i32
      %add3A_296 = arith.constant 48 : i32
      %add3A_297 = arith.addi %mul3A_295, %add3A_296 : i32
      %get3A_298 = arith.index_cast %add3A_297 : i32 to index
      %get3A_299 = tpu.vector_load %arg12[%get3A_298] {strides = array<i32>} : memref<40960xf32, #tpu.memory_space<vmem>>, vector<16xf32>,
      %add3A_300 = arith.addf %get3A_291, %get3A_299 : vector<16xf32>
      %max3A_301 = arith.constant 0.000000e+00 : f32
      %max3A_302 = vector.broadcast %max3A_301 : f32 to vector<16xf32>
      %max3A_303 = arith.maximumf %add3A_300, %max3A_302 : vector<16xf32>
      %swap3A_304 = arith.index_cast %scan3A_234 : i32 to index
      %swap3A_305 = arith.constant 48 : index
      %swap3A_306 = tpu.vector_load %arg14[%swap3A_304, %swap3A_305] {strides = array<i32>} : memref<64x128xf32, #tpu.memory_space<vmem>>, vector<16xf32>,
      tpu.vector_store %arg14[%swap3A_304, %swap3A_305], %max3A_303 {strides = array<i32>} : memref<64x128xf32, #tpu.memory_space<vmem>>, vector<16xf32>,
      %get3A_307 = arith.index_cast %scan3A_234 : i32 to index
      %get3A_308 = arith.constant 64 : index
      %get3A_309 = tpu.vector_load %arg13[%get3A_307, %get3A_308] {strides = array<i32>} : memref<64x128xf32, #tpu.memory_space<vmem>>, vector<16xf32>,
      %add3A_310 = arith.constant 256 : i32
      %add3A_311 = arith.addi %add3A_310, %scan3A_234 : i32
      %mul3A_312 = arith.constant 128 : i32
      %mul3A_313 = arith.muli %add3A_311, %mul3A_312 : i32
      %add3A_314 = arith.constant 64 : i32
      %add3A_315 = arith.addi %mul3A_313, %add3A_314 : i32
      %get3A_316 = arith.index_cast %add3A_315 : i32 to index
      %get3A_317 = tpu.vector_load %arg12[%get3A_316] {strides = array<i32>} : memref<40960xf32, #tpu.memory_space<vmem>>, vector<16xf32>,
      %add3A_318 = arith.addf %get3A_309, %get3A_317 : vector<16xf32>
      %max3A_319 = arith.constant 0.000000e+00 : f32
      %max3A_320 = vector.broadcast %max3A_319 : f32 to vector<16xf32>
      %max3A_321 = arith.maximumf %add3A_318, %max3A_320 : vector<16xf32>
      %swap3A_322 = arith.index_cast %scan3A_234 : i32 to index
      %swap3A_323 = arith.constant 64 : index
      %swap3A_324 = tpu.vector_load %arg14[%swap3A_322, %swap3A_323] {strides = array<i32>} : memref<64x128xf32, #tpu.memory_space<vmem>>, vector<16xf32>,
      tpu.vector_store %arg14[%swap3A_322, %swap3A_323], %max3A_321 {strides = array<i32>} : memref<64x128xf32, #tpu.memory_space<vmem>>, vector<16xf32>,
      %get3A_325 = arith.index_cast %scan3A_234 : i32 to index
      %get3A_326 = arith.constant 80 : index
      %get3A_327 = tpu.vector_load %arg13[%get3A_325, %get3A_326] {strides = array<i32>} : memref<64x128xf32, #tpu.memory_space<vmem>>, vector<16xf32>,
      %add3A_328 = arith.constant 256 : i32
      %add3A_329 = arith.addi %add3A_328, %scan3A_234 : i32
      %mul3A_330 = arith.constant 128 : i32
      %mul3A_331 = arith.muli %add3A_329, %mul3A_330 : i32
      %add3A_332 = arith.constant 80 : i32
      %add3A_333 = arith.addi %mul3A_331, %add3A_332 : i32
      %get3A_334 = arith.index_cast %add3A_333 : i32 to index
      %get3A_335 = tpu.vector_load %arg12[%get3A_334] {strides = array<i32>} : memref<40960xf32, #tpu.memory_space<vmem>>, vector<16xf32>,
      %add3A_336 = arith.addf %get3A_327, %get3A_335 : vector<16xf32>
      %max3A_337 = arith.constant 0.000000e+00 : f32
      %max3A_338 = vector.broadcast %max3A_337 : f32 to vector<16xf32>
      %max3A_339 = arith.maximumf %add3A_336, %max3A_338 : vector<16xf32>
      %swap3A_340 = arith.index_cast %scan3A_234 : i32 to index
      %swap3A_341 = arith.constant 80 : index
      %swap3A_342 = tpu.vector_load %arg14[%swap3A_340, %swap3A_341] {strides = array<i32>} : memref<64x128xf32, #tpu.memory_space<vmem>>, vector<16xf32>,
      tpu.vector_store %arg14[%swap3A_340, %swap3A_341], %max3A_339 {strides = array<i32>} : memref<64x128xf32, #tpu.memory_space<vmem>>, vector<16xf32>,
      %get3A_343 = arith.index_cast %scan3A_234 : i32 to index
      %get3A_344 = arith.constant 96 : index
      %get3A_345 = tpu.vector_load %arg13[%get3A_343, %get3A_344] {strides = array<i32>} : memref<64x128xf32, #tpu.memory_space<vmem>>, vector<16xf32>,
      %add3A_346 = arith.constant 256 : i32
      %add3A_347 = arith.addi %add3A_346, %scan3A_234 : i32
      %mul3A_348 = arith.constant 128 : i32
      %mul3A_349 = arith.muli %add3A_347, %mul3A_348 : i32
      %add3A_350 = arith.constant 96 : i32
      %add3A_351 = arith.addi %mul3A_349, %add3A_350 : i32
      %get3A_352 = arith.index_cast %add3A_351 : i32 to index
      %get3A_353 = tpu.vector_load %arg12[%get3A_352] {strides = array<i32>} : memref<40960xf32, #tpu.memory_space<vmem>>, vector<16xf32>,
      %add3A_354 = arith.addf %get3A_345, %get3A_353 : vector<16xf32>
      %max3A_355 = arith.constant 0.000000e+00 : f32
      %max3A_356 = vector.broadcast %max3A_355 : f32 to vector<16xf32>
      %max3A_357 = arith.maximumf %add3A_354, %max3A_356 : vector<16xf32>
      %swap3A_358 = arith.index_cast %scan3A_234 : i32 to index
      %swap3A_359 = arith.constant 96 : index
      %swap3A_360 = tpu.vector_load %arg14[%swap3A_358, %swap3A_359] {strides = array<i32>} : memref<64x128xf32, #tpu.memory_space<vmem>>, vector<16xf32>,
      tpu.vector_store %arg14[%swap3A_358, %swap3A_359], %max3A_357 {strides = array<i32>} : memref<64x128xf32, #tpu.memory_space<vmem>>, vector<16xf32>,
      %get3A_361 = arith.index_cast %scan3A_234 : i32 to index
      %get3A_362 = arith.constant 112 : index
      %get3A_363 = tpu.vector_load %arg13[%get3A_361, %get3A_362] {strides = array<i32>} : memref<64x128xf32, #tpu.memory_space<vmem>>, vector<16xf32>,
      %add3A_364 = arith.constant 256 : i32
      %add3A_365 = arith.addi %add3A_364, %scan3A_234 : i32
      %mul3A_366 = arith.constant 128 : i32
      %mul3A_367 = arith.muli %add3A_365, %mul3A_366 : i32
      %add3A_368 = arith.constant 112 : i32
      %add3A_369 = arith.addi %mul3A_367, %add3A_368 : i32
      %get3A_370 = arith.index_cast %add3A_369 : i32 to index
      %get3A_371 = tpu.vector_load %arg12[%get3A_370] {strides = array<i32>} : memref<40960xf32, #tpu.memory_space<vmem>>, vector<16xf32>,
      %add3A_372 = arith.addf %get3A_363, %get3A_371 : vector<16xf32>
      %max3A_373 = arith.constant 0.000000e+00 : f32
      %max3A_374 = vector.broadcast %max3A_373 : f32 to vector<16xf32>
      %max3A_375 = arith.maximumf %add3A_372, %max3A_374 : vector<16xf32>
      %swap3A_376 = arith.index_cast %scan3A_234 : i32 to index
      %swap3A_377 = arith.constant 112 : index
      %swap3A_378 = tpu.vector_load %arg14[%swap3A_376, %swap3A_377] {strides = array<i32>} : memref<64x128xf32, #tpu.memory_space<vmem>>, vector<16xf32>,
      tpu.vector_store %arg14[%swap3A_376, %swap3A_377], %max3A_375 {strides = array<i32>} : memref<64x128xf32, #tpu.memory_space<vmem>>, vector<16xf32>,
    }
    %scan3A_231 = arith.constant 64 : i32
    %add3A_232 = arith.constant 256 : i32
    %add3A_233 = arith.addi %mul3A_2, %add3A_232 : i32
    "tpu.region"() ({
      %run_scoped3A = tpu.sem_alloc : memref<!tpu.dma_semaphore, #tpu.memory_space<semaphore_mem>>
      %dma_start3A_234 = arith.constant 0 : i32
      %dma_start3A_235 = tpu.memref_slice %arg5[%add3A_233, %dma_start3A_234] : memref<10240x128xf32, #tpu.memory_space<hbm>> -> memref<64x128xf32, #tpu.memory_space<hbm>>
      %dma_start3A_236 = arith.constant 0 : i32
      %dma_start3A_237 = tpu.memref_slice %arg5[%add3A_233, %dma_start3A_236] : memref<10240x128xf32, #tpu.memory_space<hbm>> -> memref<64x128xf32, #tpu.memory_space<hbm>>
      tpu.enqueue_dma source(%arg14 : memref<64x128xf32, #tpu.memory_space<vmem>>) target(%dma_start3A_237 : memref<64x128xf32, #tpu.memory_space<hbm>>) target_semaphore(%run_scoped3A : memref<!tpu.dma_semaphore, #tpu.memory_space<semaphore_mem>>)
      %dma_wait3A_238 = arith.constant 0 : i32
      %dma_wait3A_239 = tpu.memref_slice %arg5[%add3A_233, %dma_wait3A_238] : memref<10240x128xf32, #tpu.memory_space<hbm>> -> memref<64x128xf32, #tpu.memory_space<hbm>>
      %dma_wait3A_240 = arith.constant 0 : i32
      %dma_wait3A_241 = tpu.memref_slice %arg5[%add3A_233, %dma_wait3A_240] : memref<10240x128xf32, #tpu.memory_space<hbm>> -> memref<64x128xf32, #tpu.memory_space<hbm>>
      tpu.wait_dma2 semaphore(%run_scoped3A : memref<!tpu.dma_semaphore, #tpu.memory_space<semaphore_mem>>) src(%arg14 : memref<64x128xf32, #tpu.memory_space<vmem>>) dst(%dma_wait3A_241 : memref<64x128xf32, #tpu.memory_space<hbm>>)
      tpu.yield
    }) : () -> ()
    return
  }
}

module attributes {stable_mosaic.version = 14 : i64} {
  func.func @_tc_body(%arg0: i32, %arg1: memref<1024x128xf32, #tpu.memory_space<vmem>>, %arg2: memref<256x128xf32, #tpu.memory_space<vmem>>, %arg3: memref<1x128xf32, #tpu.memory_space<vmem>>, %arg4: memref<1024x128xf32, #tpu.memory_space<vmem>>, %arg5: memref<1024x128xf32, #tpu.memory_space<vmem>>) attributes {dimension_semantics = [#tpu.dimension_semantics<arbitrary>], iteration_bounds = array<i64: 10>, scalar_prefetch = 0 : i64, scratch_operands = 0 : i64, tpu.core_type = #tpu.core_type<tc>, window_params = [{transform_indices = @transform_0, window_bounds = array<i64: 1024, 128>}, {pipeline_mode = #tpu.pipeline_mode<synchronous>, transform_indices = @transform_1, window_bounds = array<i64: 256, 128>}, {pipeline_mode = #tpu.pipeline_mode<synchronous>, transform_indices = @transform_2, window_bounds = array<i64: 1, 128>}, {transform_indices = @transform_3, window_bounds = array<i64: 1024, 128>}, {transform_indices = @transform_4, window_bounds = array<i64: 1024, 128>}]} {
    %get3A = arith.constant 0 : index
    %get3A_0 = arith.constant 0 : index
    %get3A_1 = vector.load %arg1[%get3A, %get3A_0] : memref<1024x128xf32, #tpu.memory_space<vmem>>, vector<1024x128xf32>
    %get3A_2 = arith.constant 0 : index
    %get3A_3 = arith.constant 0 : index
    %get3A_4 = vector.load %arg2[%get3A_2, %get3A_3] : memref<256x128xf32, #tpu.memory_space<vmem>>, vector<128x128xf32>
    %get3A_5 = arith.constant 128 : index
    %get3A_6 = arith.constant 0 : index
    %get3A_7 = vector.load %arg2[%get3A_5, %get3A_6] : memref<256x128xf32, #tpu.memory_space<vmem>>, vector<128x128xf32>
    %sub3A = arith.subf %get3A_4, %get3A_7 : vector<128x128xf32>
    %dot_general3A = arith.constant dense<0.000000e+00> : vector<1024x128xf32>
    %dot_general3A_8 = tpu.matmul %get3A_1, %sub3A, %dot_general3A {dimension_numbers = #tpu.dot_dimension_numbers<[1], [0], [0], [1], [0, 0, 1, 1], [], []>, transpose_lhs_hint = false} : vector<1024x128xf32>, vector<128x128xf32>, vector<1024x128xf32> -> vector<1024x128xf32>
    %get3A_9 = arith.constant 0 : index
    %get3A_10 = arith.constant 0 : index
    %get3A_11 = vector.load %arg3[%get3A_9, %get3A_10] : memref<1x128xf32, #tpu.memory_space<vmem>>, vector<1x128xf32>
    %add3A = vector.broadcast %get3A_11 : vector<1x128xf32> to vector<1024x128xf32>
    %add3A_12 = arith.addf %dot_general3A_8, %add3A : vector<1024x128xf32>
    %swap3A = arith.constant 0 : index
    %swap3A_13 = arith.constant 0 : index
    %swap3A_14 = vector.load %arg4[%swap3A, %swap3A_13] : memref<1024x128xf32, #tpu.memory_space<vmem>>, vector<1024x128xf32>
    tpu.vector_store %arg4[%swap3A, %swap3A_13], %add3A_12 {strides = array<i32>} : memref<1024x128xf32, #tpu.memory_space<vmem>>, vector<1024x128xf32>,
    %dot_general3A_15 = arith.constant dense<0.000000e+00> : vector<1024x128xf32>
    %dot_general3A_16 = tpu.matmul %get3A_1, %get3A_7, %dot_general3A_15 {dimension_numbers = #tpu.dot_dimension_numbers<[1], [0], [0], [1], [0, 0, 1, 1], [], []>, transpose_lhs_hint = false} : vector<1024x128xf32>, vector<128x128xf32>, vector<1024x128xf32> -> vector<1024x128xf32>
    %swap3A_17 = arith.constant 0 : index
    %swap3A_18 = arith.constant 0 : index
    %swap3A_19 = vector.load %arg5[%swap3A_17, %swap3A_18] : memref<1024x128xf32, #tpu.memory_space<vmem>>, vector<1024x128xf32>
    tpu.vector_store %arg5[%swap3A_17, %swap3A_18], %dot_general3A_16 {strides = array<i32>} : memref<1024x128xf32, #tpu.memory_space<vmem>>, vector<1024x128xf32>,
    return
  }
  func.func @transform_0(%arg0: i32) -> (i32, i32) {
    %c0_i32 = arith.constant 0 : i32
    %c0_i32_0 = arith.constant 0 : i32
    return %arg0, %c0_i32 : i32, i32
  }
  func.func @transform_1(%arg0: i32) -> (i32, i32) {
    %c0_i32 = arith.constant 0 : i32
    %c0_i32_0 = arith.constant 0 : i32
    %c0_i32_1 = arith.constant 0 : i32
    return %c0_i32, %c0_i32_0 : i32, i32
  }
  func.func @transform_2(%arg0: i32) -> (i32, i32) {
    %c0_i32 = arith.constant 0 : i32
    %c0_i32_0 = arith.constant 0 : i32
    %c0_i32_1 = arith.constant 0 : i32
    return %c0_i32, %c0_i32_0 : i32, i32
  }
  func.func @transform_3(%arg0: i32) -> (i32, i32) {
    %c0_i32 = arith.constant 0 : i32
    %c0_i32_0 = arith.constant 0 : i32
    return %arg0, %c0_i32 : i32, i32
  }
  func.func @transform_4(%arg0: i32) -> (i32, i32) {
    %c0_i32 = arith.constant 0 : i32
    %c0_i32_0 = arith.constant 0 : i32
    return %arg0, %c0_i32 : i32, i32
  }
}

module attributes {stable_mosaic.version = 14 : i64} {
  func.func @_pack_body(%arg0: i32, %arg1: memref<2500x128xi32, #tpu.memory_space<vmem>>, %arg2: memref<2500x128xi32, #tpu.memory_space<vmem>>, %arg3: memref<2500x128xi32, #tpu.memory_space<vmem>>) attributes {dimension_semantics = [#tpu.dimension_semantics<arbitrary>], iteration_bounds = array<i64: 1>, scalar_prefetch = 0 : i64, scratch_operands = 0 : i64, tpu.core_type = #tpu.core_type<tc>, window_params = [{pipeline_mode = #tpu.pipeline_mode<synchronous>, transform_indices = @transform_0, window_bounds = array<i64: 2500, 128>}, {pipeline_mode = #tpu.pipeline_mode<synchronous>, transform_indices = @transform_1, window_bounds = array<i64: 2500, 128>}, {pipeline_mode = #tpu.pipeline_mode<synchronous>, transform_indices = @transform_2, window_bounds = array<i64: 2500, 128>}]} {
    %get3A = arith.constant 0 : index
    %get3A_0 = arith.constant 0 : index
    %get3A_1 = vector.load %arg2[%get3A, %get3A_0] : memref<2500x128xi32, #tpu.memory_space<vmem>>, vector<2500x128xi32>
    %mul3A = arith.constant 16384 : i32
    %mul3A_2 = vector.broadcast %mul3A : i32 to vector<2500x128xi32>
    %mul3A_3 = arith.muli %get3A_1, %mul3A_2 : vector<2500x128xi32>
    %get3A_4 = arith.constant 0 : index
    %get3A_5 = arith.constant 0 : index
    %get3A_6 = vector.load %arg1[%get3A_4, %get3A_5] : memref<2500x128xi32, #tpu.memory_space<vmem>>, vector<2500x128xi32>
    %add3A = arith.addi %mul3A_3, %get3A_6 : vector<2500x128xi32>
    %swap3A = arith.constant 0 : index
    %swap3A_7 = arith.constant 0 : index
    %swap3A_8 = vector.load %arg3[%swap3A, %swap3A_7] : memref<2500x128xi32, #tpu.memory_space<vmem>>, vector<2500x128xi32>
    tpu.vector_store %arg3[%swap3A, %swap3A_7], %add3A {strides = array<i32>} : memref<2500x128xi32, #tpu.memory_space<vmem>>, vector<2500x128xi32>,
    return
  }
  func.func @transform_0(%arg0: i32) -> (i32, i32) {
    %c0_i32 = arith.constant 0 : i32
    %c0_i32_0 = arith.constant 0 : i32
    %c0_i32_1 = arith.constant 0 : i32
    return %c0_i32, %c0_i32_0 : i32, i32
  }
  func.func @transform_1(%arg0: i32) -> (i32, i32) {
    %c0_i32 = arith.constant 0 : i32
    %c0_i32_0 = arith.constant 0 : i32
    %c0_i32_1 = arith.constant 0 : i32
    return %c0_i32, %c0_i32_0 : i32, i32
  }
  func.func @transform_2(%arg0: i32) -> (i32, i32) {
    %c0_i32 = arith.constant 0 : i32
    %c0_i32_0 = arith.constant 0 : i32
    %c0_i32_1 = arith.constant 0 : i32
    return %c0_i32, %c0_i32_0 : i32, i32
  }
}

</mosaic_0001>

<sc_bundles>
// kernel: kernel.5.cloned.1.call-start
scs
__scs_entry_jumppad:
0x0: {  	(pc) =	sbr.rel $0x88, $3  }
0x1: {  	(tag) =	ssettag $0x0;
	lr =	simm.s32 $0x1  }
0x2: {  	[smem:$0x3F9D] =	sst lr;
	_ =	strace $0xD0000000  }
0x3: {  	_ = 	snop  }
0x4: {  	_ = 	snop  }
0x5: {  	_ = 	snop  }
0x6: {  	_ = 	snop  }
0x7: {  	_ = 	snop  }
__scs_overlays_trampoline_lowered:
0x8: {  	[smem:$0x3FAC] =	sst s0  }
0x9: {  	[smem:$0x3FAD] =	sst s1  }
0xa: {  	[smem:$0x3FAE] =	sst s2  }
0xb: {  	[smem:$0x3FAF] =	sst s3  }
0xc: {  	[smem:$0x3FB0] =	sst s4  }
0xd: {  	[smem:$0x3FB1] =	sst s5  }
0xe: {  	[smem:$0x3FB2] =	sst s6  }
0xf: {  	[smem:$0x3FB3] =	sst s7  }
0x10: {  	[smem:$0x3FB4] =	sst s8  }
0x11: {  	[smem:$0x3FB5] =	sst s9;
	s0 =	simm.s32 @!p0 $0x0  }
0x12: {  	s1 =	sld [smem:$0x3F9B];
	s0 =	simm.s32 @p0 $0x1  }
0x13: {  	[smem:$0x3FB6] =	sst s0;
	s0 =	simm.s32 @!p1 $0x0  }
0x14: {  	s2 =	sld [smem:$0x3F9A];
	s0 =	simm.s32 @p1 $0x1  }
0x15: {  	[smem:$0x3FB7] =	sst s0;
	s0 =	simm.s32 @!p2 $0x0  }
0x16: {  	s3 =	sld [smem:$0x3FDB];
	s0 =	simm.s32 @p2 $0x1  }
0x17: {  	s4 =	simm.s32 $0x1BF5;
	[smem:$0x3FB9] =	sst s0  }
0x18: {  	s0 =	sld [smem:$0x3F9C];
	_ =	swait.ge [sflag:s4], $0x0  }
0x19: {  	s7 =	sld [smem:$0x3F9D]  }
0x1a: {  	s8 =	sadd.s32 $0xFFFFE003, lr  }
0x1b: {  	s9 =	sadd.s32 $0xFFFFFEF7, lr;
	s5 =	simm.s32 $0xFFFFFFFF;
	p2 =	slt.u32 s8, $0xFFFFF086  }
0x1c: {  	p1 =	slt.u32 s9, $0xF7A;
	s5 =	simm.s32 @!p2 $0x0  }
0x1d: {  	s5 =	simm.s32 @p1 $0x1;
	p0 =	seq.s32 s7, s2  }
0x1e: {  	s7 =	smul.u32 @!p0 $0xF7A, s2;
	p2 =	seq.s32 @!p0 s5, $0x0  }
0x1f: {  	s9 =	smul.u32 $0xF7A, s1;
	s8 =	simm.s32 @!p0 $0x1BF5;
	p2 =	por !p2, p0  }
0x20: {  	[sflag:s8] =	ssyncset.s32 @!p0 $0xFFFFF086;
	s6 =	sadd.s32 @!p0 s3, s7;
	s7 =	simm.s32 @!p0 $0x108  }
0x21: {  	s3 =	sadd.s32 s3, s9;
	s6 =	sadd.s32 @!p0 $0x88, s6;
	s7 =	simm.s32 @p2 $0x1082  }
0x22: {  	[simem:s7], [sflag:s8] =	dma.local @!p0 [hbm:s6], $0xF7A  }
0x23: {  	s9 =	sor.u32 $0xD0000000, s2;
	s6 =	simm.s32 $0x108;
	_ =	swait.ge @!p0 [sflag:s8], $0x0  }
0x24: {  	s3 =	sadd.s32 $0x88, s3;
	s6 =	simm.s32 @!p1 $0x1082;
	[sflag:s4] =	ssyncset.s32 $0xFFFFF086  }
0x25: {  	[simem:s6], [sflag:s4] =	dma.local [hbm:s3], $0xF7A  }
0x26: {  	[smem:$0x3F9D] =	sst s1;
	(tag) =	ssettag s2;
	_ =	strace s9  }
0x27: {  	s1 =	sld [smem:$0x3FAD]  }
0x28: {  	s2 =	sld [smem:$0x3FAE]  }
0x29: {  	s4 =	sld [smem:$0x3FB0]  }
0x2a: {  	p0 =	seq.s32 s5, $0x0;
	s5 =	sld [smem:$0x3FB1]  }
0x2b: {  	s6 =	sld [smem:$0x3FB2]  }
0x2c: {  	s7 =	sld [smem:$0x3FB3]  }
0x2d: {  	s3 =	simm.s32 $0x108;
	s8 =	sld [smem:$0x3FB4]  }
0x2e: {  	s3 =	simm.s32 @!p0 $0x1082;
	s9 =	sld [smem:$0x3FB5]  }
0x2f: {  	lr =	sadd.s32 s0, s3;
	s0 =	sld [smem:$0x3FAC]  }
0x30: {  	s3 =	sld [smem:$0x3FAF]  }
0x31: {  	[smem:$0x3FB8] =	sst s10  }
0x32: {  	s10 =	sld [smem:$0x3FB6];
	_ =	sdelay $0x3  }
0x33: {  	p0 =	seq.s32 s10, $0x1;
	s10 =	sld [smem:$0x3FB8];
	_ =	sdelay $0x3  }
0x34: {  	[smem:$0x3FB8] =	sst s10  }
0x35: {  	s10 =	sld [smem:$0x3FB7];
	_ =	sdelay $0x3  }
0x36: {  	p1 =	seq.s32 s10, $0x1;
	s10 =	sld [smem:$0x3FB8];
	_ =	sdelay $0x3  }
0x37: {  	[smem:$0x3FB8] =	sst s10  }
0x38: {  	s10 =	sld [smem:$0x3FB9]  }
0x39: {  	_ = 	snop;
	(pc) =	sbr.ind lr, $3  }
0x3a: {  	_ = 	snop  }
0x3b: {  	_ = 	snop  }
0x3c: {  	p2 =	seq.s32 s10, $0x1;
	s10 =	sld [smem:$0x3FB8]  }
0x3d: {  	_ =	shalt  }
0x3e: {  	_ =	shalt  }
0x3f: {  	_ =	shalt  }
0x40: {  	_ =	shalt  }
0x41: {  	_ =	shalt  }
0x42: {  	_ =	shalt  }
0x43: {  	_ =	shalt  }
0x44: {  	_ =	shalt  }
0x45: {  	_ =	shalt  }
0x46: {  	_ =	shalt  }
0x47: {  	_ =	shalt  }
0x48: {  	_ =	shalt  }
0x49: {  	_ =	shalt  }
0x4a: {  	_ =	shalt  }
0x4b: {  	_ =	shalt  }
0x4c: {  	_ =	shalt  }
0x4d: {  	_ =	shalt  }
0x4e: {  	_ =	shalt  }
0x4f: {  	_ =	shalt  }
0x50: {  	_ =	shalt  }
0x51: {  	_ =	shalt  }
0x52: {  	_ =	shalt  }
0x53: {  	_ =	shalt  }
0x54: {  	_ =	shalt  }
0x55: {  	_ =	shalt  }
0x56: {  	_ =	shalt  }
0x57: {  	_ =	shalt  }
0x58: {  	_ =	shalt  }
0x59: {  	_ =	shalt  }
0x5a: {  	_ =	shalt  }
0x5b: {  	_ =	shalt  }
0x5c: {  	_ =	shalt  }
0x5d: {  	_ =	shalt  }
0x5e: {  	_ =	shalt  }
0x5f: {  	_ =	shalt  }
0x60: {  	_ =	shalt  }
0x61: {  	_ =	shalt  }
0x62: {  	_ =	shalt  }
0x63: {  	_ =	shalt  }
0x64: {  	_ =	shalt  }
0x65: {  	_ =	shalt  }
0x66: {  	_ =	shalt  }
0x67: {  	_ =	shalt  }
0x68: {  	_ =	shalt  }
0x69: {  	_ =	shalt  }
0x6a: {  	_ =	shalt  }
0x6b: {  	_ =	shalt  }
0x6c: {  	_ =	shalt  }
0x6d: {  	_ =	shalt  }
0x6e: {  	_ =	shalt  }
0x6f: {  	_ =	shalt  }
0x70: {  	_ =	shalt  }
0x71: {  	_ =	shalt  }
0x72: {  	_ =	shalt  }
0x73: {  	_ =	shalt  }
0x74: {  	_ =	shalt  }
0x75: {  	_ =	shalt  }
0x76: {  	_ =	shalt  }
0x77: {  	_ =	shalt  }
0x78: {  	_ =	shalt  }
0x79: {  	_ =	shalt  }
0x7a: {  	_ =	shalt  }
0x7b: {  	_ =	shalt  }
0x7c: {  	_ =	shalt  }
0x7d: {  	_ =	shalt  }
0x7e: {  	_ =	shalt  }
0x7f: {  	_ =	shalt  }
0x80: {  	_ =	shalt  }
0x81: {  	_ =	shalt  }
0x82: {  	_ =	shalt  }
0x83: {  	_ =	shalt  }
0x84: {  	_ =	shalt  }
0x85: {  	_ =	shalt  }
0x86: {  	_ =	shalt  }
0x87: {  	_ =	shalt  }
.Lfunc_end0:
.L_simem_size_0:
called_computation_lowered:
.L_overlay_start_0:
0x88: {  	s2 =	sld [smem:$0x3FD9]  }
0x89: {  	s3 =	sld [smem:$0x3FFE];
	_ =	sdelay $0x1  }
0x8a: {  	s1 =	srdreg.scid  }
0x8b: {  	s0 =	sand.u32 $0x1, s1  }
0x8c: {  	s17 =	sshll.u32 s0, $0xA;
	s2 =	sadd.s32 s3, s2  }
0x8d: {  	s2 =	sadd.s32 s2, s17  }
0x8e: {  	[smem:$0x3FC4] =	sst s2  }
0x8f: {  	_ = 	snop  }
0x90: {  	s2 =	sld [smem:$0x3FD0];
	(tm) =	ssettm $0x1  }
0x91: {  	s18 =	sld [smem:$0x3FFB];
	_ =	sdelay $0x3  }
0x92: {  	_ =	strace s18  }
0x93: {  	s3 =	sld [smem:$0x3FFC];
	_ =	sdelay $0x3  }
0x94: {  	_ =	strace s3  }
0x95: {  	s3 =	sld [smem:$0x3FFD];
	_ =	sdelay $0x3  }
0x96: {  	_ =	strace s3  }
0x97: {  	_ =	strace $0x8FFFFFFF  }
0x98: {  	s19 =	sld [smem:$0x3FDB];
	_ =	sdelay $0x1  }
0x99: {  	s4 =	simm.s32 $_scs_section_size  }
0x9a: {  	s5 =	simm.s32 $_size__tile_overlayer_lowered;
	s6 =	simm.s32 $_tile_overlayer_lowered  }
0x9b: {  	s22 =	simm.s32 $0x1BFF;
	s21 =	sshll.u32 s6, $0x1;
	s3 =	sadd.s32 s4, s19  }
0x9c: {  	s7 =	simm.s32 $0x0;
	s20 =	sshll.u32 s5, $0x1;
	s5 =	sadd.s32 s21, s3  }
0x9d: {  	[timem:s7], [sflag:s22] =	dma.local [hbm:s5], s20  }
0x9e: {  	_ =	swait.ge [sflag:s22], s20  }
0x9f: {  	s4 =	ssub.s32 $0x0, s20;
	[sflag:s22] =	ssyncset.done $0x0  }
0xa0: {  	[sflag:s22] =	ssyncadd.s32 s4;
	_ =	sdelay $0x1  }
0xa1: {  	s23 =	simm.s32 $0x1B8B  }
0xa2: {  	_ =	swait.ge [sflag:s23], $0x1  }
0xa3: {  	[sflag:s23] =	ssyncset.done $0x0  }
0xa4: {  	s25 =	simm.s32 $0x1B8E;
	s24 =	sld [smem:$0x3FFE];
	[sflag:s23] =	ssyncadd.s32 $0xFFFFFFFF  }
0xa5: {  	s26 =	simm.s32 $execute0_lowered;
	[smem:$0x3FD2] =	sst s25  }
0xa6: {  	s5 =	sshll.u32 s26, $0x1;
	_ =	strace $0x80000046;
	[dreg:$0x1] =	wrdreg $0xFFFFFFFF  }
0xa7: {  	s28 =	simm.s32 $_size_execute0_lowered;
	s3 =	sadd.s32 s3, s5;
	[dreg:$0x0] =	wrdreg $0x0  }
0xa8: {  	s5 =	sshll.u32 s28, $0x1;
	[dreg:$0x2] =	wrdreg s3  }
0xa9: {  	[dreg:$0x3] =	wrdreg s5  }
0xaa: {  	[dreg:$0x4] =	wrdreg $0xC0  }
0xab: {  	_ =	task [dreg:s7], $0x5FFFF  }
0xac: {  	[dreg:$0x1] =	wrdreg $0xFFFFFFFF  }
0xad: {  	[dreg:$0x0] =	wrdreg $0x60  }
0xae: {  	[dreg:$0x2] =	wrdreg s2  }
0xaf: {  	[dreg:$0x3] =	wrdreg s24  }
0xb0: {  	[dreg:$0x4] =	wrdreg $0x9  }
0xb1: {  	_ =	task.clear_ibuf [dreg:s7], $0x5FFFF;
	_ =	strace $0x90000046  }
0xb2: {  	s29 =	simm.s32 $0x9;
	_ =	strace $0x80000048  }
0xb3: {  	_ =	swait.ge [sflag:s29], $0x1  }
0xb4: {  	[sflag:s29] =	ssyncadd.s32 $0xFFFFFFFF  }
0xb5: {  	_ =	strace $0x90000048  }
0xb6: {  	_ =	sfence  }
0xb7: {  	s30 =	sld [smem:$0x0];
	_ =	sdelay $0x2  }
0xb8: {  	s31 =	sshll.u32 s1, $0xD;
	s1 =	sshrl.u32 s1, $0x2  }
0xb9: {  	s3 =	sand.u32 $0x4000, s31;
	s1 =	sadd.s32 s1, s30  }
0xba: {  	s0 =	sor.u32 s3, s0;
	s1 =	sshll.u32 s1, $0x11  }
0xbb: {  	s0 =	sor.u32 s1, s0  }
0xbc: {  	s0 =	sadd.s32 $0x8F2B, s0  }
0xbd: {  	[sflag:s0] =	ssyncadd.remote.s32 $0x1  }
0xbe: {  	_ =	sfence.sel $0xFFFF  }
0xbf: {  	[dreg:$0x0] =	wrdreg $0xFFFFFFFF;
	(pc) =	sbr.abs _section_cstart, $3  }
0xc0: {  	[dreg:$0x1] =	wrdreg $0xFFFFFFFF  }
0xc1: {  	_ =	task.clear_ibuf [dreg:s7], $0x2FFFF;
	_ =	strace $0x9FFFFFFF  }
0xc2: {  	(tm) =	ssettm $0x7FFFFFFF  }
0xc3: {  	_ =	shalt  }
tec
execute0_lowered:
.L_overlay_start_1:
0x0: {  	(tag) =	ssettag $0x1  }
0x1: {  	s2 =	rddreg [dreg:$0x0]  }
0x2: {  	s0 =	rddreg [dreg:$0x1]  }
0x3: {  	s1 =	srdreg.scid;
	s3 =	stileid.u32;
	s4 =	simm.s32 $0x0  }
0x4: {  	s16 =	simm.s32 $0x3;
	s17 =	simm.s32 $0x1900;
	s18 =	simm.s32 $0x3200  }
0x5: {  	s19 =	simm.s32 $0x40;
	s20 =	simm.s32 $0x3300;
	s28 =	simm.s32 $0x4  }
0x6: {  	s29 =	simm.s32 $0x11400;
	s1 =	sand.u32 $0x1, s1;
	s3 =	sshll.u32 s3, $0x1  }
0x7: {  	s30 =	simm.s32 $0x5;
	s31 =	simm.s32 $0x13400;
	s3 =	sor.u32 s1, s3  }
0x8: {  	[smem:$0x7FF] =	sst s4;
	s4 =	sadd.s32 $0x28A00, s0;
	s5 =	smul.u32 $0x500000, s3  }
0x9: {  	s7 =	sadd.s32 $0xA00, s0;
	s1 =	ssub.s32 $0x2, s1;
	s6 =	smul.u32 $0x1400, s3  }
0xa: {  	s0 =	sadd.s32 $0x50A00, s0;
	s8 =	sshrl.u32 s1, $0x1;
	s9 =	smul.u32 $0xA000, s3  }
0xb: {  	_ =	strace $0x80000047;
	s3 =	smul.u32 $0x140, s3;
	s1 =	ssub.s32 s1, s8  }
0xc: {  	s21 =	sadd.s32 $0x500000, s5;
	s10 =	sadd.s32 s7, s6;
	s9 =	sshrl.u32 s9, $0x3  }
0xd: {  	s6 =	sadd.s32 s0, s6;
	s15 =	smax.u32 s1, $0x1;
	[dreg:$0x3] =	wrdreg s10  }
0xe: {  	[dreg:$0x4] =	wrdreg s6;
	s22 =	sadd.s32 $0x400, s9;
	s23 =	sadd.s32 $0x800, s9  }
0xf: {  	s26 =	sadd.s32 $0xC00, s9;
	s9 =	sadd.s32 $0x1000, s9;
	v1 =	vmov s21;
	s21 =	simm.s32 $0x3400  }
0x10: {  	s11 =	sadd.s32 s7, s22;
	s6 =	sadd.s32 s0, s22;
	s24 =	sadd.s32 s7, s23  }
0x11: {  	s25 =	sadd.s32 s0, s23;
	s12 =	sadd.s32 s0, s26;
	[dreg:$0x5] =	wrdreg s11  }
0x12: {  	v3 =	vlaneseq.u32;
	v4 =	vimm.f32 $-Inf;
	v5 =	vimm.s32 $0x0;
	s13 =	sadd.s32 s7, s9;
	s14 =	sadd.s32 s0, s9;
	[dreg:$0x6] =	wrdreg s6  }
0x13: {  	v6 =	vor.u32 $0x10, v3;
	v7 =	vor.u32 $0x20, v3;
	v8 =	vor.u32 $0x30, v3;
	s22 =	simm.s32 $0x3380;
	s23 =	simm.s32 $0x5400;
	[dreg:$0x7] =	wrdreg s24  }
0x14: {  	v9 =	vor.u32 $0x40, v3;
	v10 =	vor.u32 $0x50, v3;
	v11 =	vor.u32 $0x60, v3;
	s0 =	simm.s32 $0x0;
	[dreg:$0x8] =	wrdreg s25;
	s11 =	sadd.s32 s7, s26  }
0x15: {  	v12 =	vor.u32 $0x70, v3;
	v0 =	vmov s5;
	v2 =	vmov s3;
	s24 =	simm.s32 $0x1;
	s25 =	simm.s32 $0x7400;
	s26 =	simm.s32 $0x2  }
.LBB2_1:
0x16: {  	s1 =	simm.s32 $0x40;
	s3 =	simm.s32 $0x0  }
.LBB2_2:
0x17: {  	p0 =	sne.s32 s1, $0x27FC0;
	[tilespmem:s3+$0x7400] =	vst v4;
	s3 =	smov.u32 s1;
	s1 =	sadd.s32 $0x40, s1  }
.Ltmp0:
0x18: {  	(pc) =	sbr.rel @p0 .LBB2_2-.Ltmp0, $2  }
0x19: {  	_ =	sdelay $0x2  }
0x1a: {  	s3 =	sshra.s32 s3, $0x2  }
0x1b: {  	[tilespmem:s3+$0x7400] =	vst v4  }
0x1c: {  	[tilespmem:$0x3200] =	vst v5  }
0x1d: {  	[tilespmem:$0x3210] =	vst v5  }
0x1e: {  	[tilespmem:$0x3220] =	vst v5  }
0x1f: {  	[tilespmem:$0x3230] =	vst v5  }
0x20: {  	[tilespmem:$0x3240] =	vst v5  }
0x21: {  	[tilespmem:$0x3250] =	vst v5  }
0x22: {  	[tilespmem:$0x3260] =	vst v5  }
0x23: {  	[tilespmem:$0x3270] =	vst v5  }
0x24: {  	[tilespmem:$0x3280] =	vst v5  }
0x25: {  	[tilespmem:$0x3290] =	vst v5  }
0x26: {  	[tilespmem:$0x32A0] =	vst v5  }
0x27: {  	[tilespmem:$0x32B0] =	vst v5  }
.Ltmp1:
0x28: {  	[tilespmem:$0x32C0] =	vst v5;
	(pc) =	sbr.rel .LBB2_4-.Ltmp1, $4  }
0x29: {  	[tilespmem:$0x32D0] =	vst v5  }
0x2a: {  	[tilespmem:$0x32E0] =	vst v5  }
0x2b: {  	s3 =	simm.s32 $0x0;
	s1 =	simm.s32 $0x0;
	s5 =	simm.s32 $0x0;
	[tilespmem:$0x32F0] =	vst v5  }
0x2c: {  	[tilespmem:s3], [sflag:$0x3] =	stream.linear.gather [hbm4b:s2+s3], $0x1900, $0x38;
	[tilespmem:$0x15400] =	vst v63  }
.LBB2_20:
0x2d: {  	s5 =	sadd.s32 $0x1, s5  }
0x2e: {  	p0 =	sne.s32 s5, $0x19  }
.Ltmp2:
0x2f: {  	_ = 	snop;
	(pc) =	sbr.rel @!p0 .LBB2_21-.Ltmp2, $1  }
0x30: {  	_ =	sdelay $0x3  }
.LBB2_4:
0x31: {  	s6 =	smul.u32 $0x3200, s5;
	_ =	sdelay $0x1  }
.Ltmp3:
0x32: {  	_ =	swait.ge [sflag:s16], $0x1900;
	s7 =	sshrl.u32 s6, $0x3;
	(pc) =	sbr.rel .LBB2_5-.Ltmp3, $4  }
0x33: {  	[sflag:s16] =	ssyncset.done $0x0;
	s7 =	sadd.s32 s2, s7  }
0x34: {  	[sflag:s16] =	ssyncadd.s32 $0xFFFFE700;
	s7 =	sadd.s32 $0x320, s7  }
0x35: {  	[tilespmem:s17], [sflag:$0x4] =	stream.linear.gather [hbm4b:s7+s3], $0x1900, $0x38;
	[tilespmem:$0x15400] =	vst v63  }
0x36: {  	s7 =	simm.s32 $0x0  }
.LBB2_10:
0x37: {  	_ =	sdelay $0x3  }
0x38: {  	[tilespmem:v13+s25+$0x0] =	vst.idx.msk $0xffff, v15  }
0x39: {  	v13 =	vld.idx.msk [tilespmem:v14+s18+$0x0], $0xffff;
	_ =	sdelay $0x4  }
0x3a: {  	v13 =	vshrl.u32 v13, $0xE  }
0x3b: {  	v13 =	vsub.s32 v13, v2  }
0x3c: {  	v13 =	vshll.u32 v13, $0x7  }
0x3d: {  	v14 =	vor.u32 v3, v13;
	_ =	sdelay $0x2  }
0x3e: {  	s8 =	sadd.s32 $0x80, s8  }
0x3f: {  	v16 =	vld [tilespmem:s8+$0xFFFFFF90]  }
0x40: {  	v15 =	vld.idx.msk [tilespmem:v14+s25+$0x0], $0xffff;
	_ =	sdelay $0x1  }
0x41: {  	v17 =	vor.u32 v6, v13;
	_ =	sdelay $0x2  }
0x42: {  	v15 =	vmax.f32 v15, v16  }
0x43: {  	[tilespmem:v14+s25+$0x0] =	vst.idx.msk $0xffff, v15  }
0x44: {  	v14 =	vld.idx.msk [tilespmem:v17+s25+$0x0], $0xffff  }
0x45: {  	v15 =	vld [tilespmem:s8+$0xFFFFFFA0];
	_ =	sdelay $0x1  }
0x46: {  	v59 =	vor.u32 v7, v13;
	_ =	sdelay $0x2  }
0x47: {  	v14 =	vmax.f32 v14, v15  }
0x48: {  	[tilespmem:v17+s25+$0x0] =	vst.idx.msk $0xffff, v14  }
0x49: {  	v14 =	vld.idx.msk [tilespmem:v59+s25+$0x0], $0xffff  }
0x4a: {  	v15 =	vld [tilespmem:s8+$0xFFFFFFB0];
	_ =	sdelay $0x1  }
0x4b: {  	v60 =	vor.u32 v8, v13;
	_ =	sdelay $0x2  }
0x4c: {  	v14 =	vmax.f32 v14, v15  }
0x4d: {  	[tilespmem:v59+s25+$0x0] =	vst.idx.msk $0xffff, v14  }
0x4e: {  	v14 =	vld.idx.msk [tilespmem:v60+s25+$0x0], $0xffff  }
0x4f: {  	v15 =	vld [tilespmem:s8+$0xFFFFFFC0];
	_ =	sdelay $0x1  }
0x50: {  	v61 =	vor.u32 v9, v13;
	_ =	sdelay $0x2  }
0x51: {  	v14 =	vmax.f32 v14, v15  }
0x52: {  	[tilespmem:v60+s25+$0x0] =	vst.idx.msk $0xffff, v14  }
0x53: {  	v14 =	vld.idx.msk [tilespmem:v61+s25+$0x0], $0xffff  }
0x54: {  	v15 =	vld [tilespmem:s8+$0xFFFFFFD0];
	_ =	sdelay $0x1  }
0x55: {  	v62 =	vor.u32 v10, v13;
	_ =	sdelay $0x2  }
0x56: {  	v14 =	vmax.f32 v14, v15  }
0x57: {  	[tilespmem:v61+s25+$0x0] =	vst.idx.msk $0xffff, v14  }
0x58: {  	v14 =	vld.idx.msk [tilespmem:v62+s25+$0x0], $0xffff  }
0x59: {  	v15 =	vld [tilespmem:s8+$0xFFFFFFE0];
	_ =	sdelay $0x1  }
0x5a: {  	v63 =	vor.u32 v11, v13;
	_ =	sdelay $0x2  }
0x5b: {  	v14 =	vmax.f32 v14, v15  }
0x5c: {  	[tilespmem:v62+s25+$0x0] =	vst.idx.msk $0xffff, v14  }
0x5d: {  	v14 =	vld.idx.msk [tilespmem:v63+s25+$0x0], $0xffff  }
0x5e: {  	v15 =	vld [tilespmem:s8+$0xFFFFFFF0];
	_ =	sdelay $0x1  }
0x5f: {  	v13 =	vor.u32 v12, v13;
	_ =	sdelay $0x2  }
0x60: {  	v14 =	vmax.f32 v14, v15  }
0x61: {  	[tilespmem:v63+s25+$0x0] =	vst.idx.msk $0xffff, v14  }
0x62: {  	v14 =	vld.idx.msk [tilespmem:v13+s25+$0x0], $0xffff  }
0x63: {  	v15 =	vld [tilespmem:s8+$0x0];
	_ =	sdelay $0x4  }
0x64: {  	v14 =	vmax.f32 v14, v15  }
0x65: {  	[tilespmem:v13+s25+$0x0] =	vst.idx.msk $0xffff, v14  }
0x66: {  	v13 =	vld [tilespmem:$0x3280]  }
0x67: {  	v14 =	vld [tilespmem:$0x3290]  }
0x68: {  	v15 =	vld [tilespmem:$0x32A0]  }
0x69: {  	v16 =	vld [tilespmem:$0x32B0]  }
0x6a: {  	v17 =	vld [tilespmem:$0x32C0]  }
0x6b: {  	[tilespmem:$0x3200] =	vst v13;
	v13 =	vld [tilespmem:$0x32D0]  }
0x6c: {  	[tilespmem:$0x3210] =	vst v14;
	v14 =	vld [tilespmem:$0x32E0]  }
0x6d: {  	[tilespmem:$0x3220] =	vst v15;
	v15 =	vld [tilespmem:$0x32F0]  }
0x6e: {  	[tilespmem:$0x3230] =	vst v16  }
0x6f: {  	[tilespmem:$0x3240] =	vst v17  }
0x70: {  	[tilespmem:$0x3250] =	vst v13  }
0x71: {  	[tilespmem:$0x3260] =	vst v14  }
0x72: {  	s1 =	sadd.s32 $0xFFFFFF80, s1;
	[tilespmem:$0x3270] =	vst v15  }
.LBB2_11:
0x73: {  	s7 =	sadd.s32 $0x1, s7  }
0x74: {  	p0 =	sne.s32 s7, $0x32  }
.Ltmp4:
0x75: {  	_ = 	snop;
	(pc) =	sbr.rel @!p0 .LBB2_12-.Ltmp4, $1  }
0x76: {  	_ =	sdelay $0x3  }
.LBB2_5:
0x77: {  	s8 =	sshll.u32 s7, $0x7  }
0x78: {  	s8 =	sand.u32 $0x3FFFFF80, s8  }
0x79: {  	v13 =	vld [tilespmem:s8+$0x0];
	_ =	sdelay $0x2  }
0x7a: {  	v14 =	vld [tilespmem:s8+$0x10]  }
0x7b: {  	v15 =	vld [tilespmem:s8+$0x20]  }
0x7c: {  	v16 =	vld [tilespmem:s8+$0x30];
	vm0 =	vge.s32 v13, v0;
	vm1 =	vlt.s32 v13, v1  }
0x7d: {  	v17 =	vld [tilespmem:s8+$0x40];
	vm1 =	vmand vm0, vm1  }
0x7e: {  	v19 =	vsel vm1, $0x1, v5  }
0x7f: {  	v18 =	vld [tilespmem:s8+$0x50];
	(xrf0) =	vadd.scan.msk.s32 $0xffff, v19  }
0x80: {  	vm2 =	vge.s32 v14, v0;
	vm3 =	vlt.s32 v14, v1  }
0x81: {  	vm9 =	vge.s32 v15, v0;
	vm10 =	vlt.s32 v15, v1;
	vm11 =	vge.s32 v16, v0  }
0x82: {  	v20 =	vld [tilespmem:s8+$0x60];
	vm4 =	vlt.s32 v16, v1;
	vm12 =	vge.s32 v17, v0;
	vm0 =	vmand vm2, vm3  }
0x83: {  	vm5 =	vlt.s32 v17, v1;
	vm2 =	vmand vm9, vm10;
	v47 =	vsel vm0, $0x1, v5  }
0x84: {  	vm13 =	vge.s32 v18, v0;
	vm3 =	vmand vm11, vm4;
	v48 =	vsel vm2, $0x1, v5;
	(xrf0) =	vadd.scan.msk.s32 $0xffff, v47  }
0x85: {  	vm6 =	vlt.s32 v18, v1;
	vm4 =	vmand vm12, vm5;
	v49 =	vsel vm3, $0x1, v5;
	(xrf0) =	vadd.scan.msk.s32 $0xffff, v48;
	v51, _, _ =	vpop (xrf0)  }
0x86: {  	v23 =	vld [tilespmem:s8+$0x70];
	vm5 =	vmand vm13, vm6;
	v50 =	vsel vm4, $0x1, v5;
	(xrf0) =	vadd.scan.msk.s32 $0xffff, v49;
	(v2sf) =	vpush v51, $0xF  }
0x87: {  	vm14 =	vge.s32 v20, v0;
	vm7 =	vlt.s32 v20, v1;
	v21 =	vsel vm5, $0x1, v5;
	(xrf0) =	vadd.scan.msk.s32 $0xffff, v50  }
0x88: {  	vm6 =	vmand vm14, vm7;
	(xrf0) =	vadd.scan.msk.s32 $0xffff, v21  }
0x89: {  	v52 =	vsel vm6, $0x1, v5  }
0x8a: {  	v22, _, _ =	vpop (xrf0);
	(xrf0) =	vadd.scan.msk.s32 $0xffff, v52  }
0x8b: {  	vm15 =	vge.s32 v23, v0;
	vm8 =	vlt.s32 v23, v1;
	v24, _, _ =	vpop (xrf0);
	(v2sf) =	vpush v22, $0xF  }
0x8c: {  	vm7 =	vmand vm15, vm8;
	(v2sf) =	vpush v24, $0xF;
	v53, _, _ =	vpop (xrf0)  }
0x8d: {  	v28 =	vsel vm7, $0x1, v5;
	v25, _, _ =	vpop (xrf0);
	(v2sf) =	vpush v53, $0xF  }
0x8e: {  	v26, _, _ =	vpop (xrf0);
	(xrf0) =	vadd.scan.msk.s32 $0xffff, v28  }
0x8f: {  	(v2sf) =	vpush v25, $0xF  }
0x90: {  	v27, _, _ =	vpop (xrf0);
	(v2sf) =	vpush v26, $0xF  }
0x91: {  	(v2sf) =	vpush v27, $0xF;
	_ =	sdelay $0x2  }
0x92: {  	v28, _, _ =	vpop (xrf0)  }
0x93: {  	s9 =	spop (v2sf);
	(v2sf) =	vpush v28, $0xF;
	_ =	sdelay $0x2  }
0x94: {  	v29 =	vmov s1  }
0x95: {  	v29 =	vadd.s32 $0xFFFFFFFF, v29  }
0x96: {  	v29 =	vbroadcast v29, $0x0;
	s8 =	sadd.s32 s1, s9;
	s9 =	spop (v2sf)  }
0x97: {  	s10 =	spop (v2sf);
	s9 =	sadd.s32 s9, s8;
	v30 =	vmov s8  }
0x98: {  	v19 =	vadd.s32 v51, v29;
	v31 =	vmov s9;
	s1 =	sadd.s32 s10, s9;
	s10 =	spop (v2sf);
	v30 =	vadd.s32 $0xFFFFFFFF, v30  }
0x99: {  	v32 =	vmov s1;
	s1 =	sadd.s32 s10, s1;
	v30 =	vbroadcast v30, $0x0;
	v31 =	vadd.s32 $0xFFFFFFFF, v31  }
0x9a: {  	s9 =	spop (v2sf);
	v32 =	vadd.s32 $0xFFFFFFFF, v32;
	v54 =	vbroadcast v31, $0x0;
	v56 =	vmov s1  }
0x9b: {  	s8 =	sadd.s32 s9, s1;
	v55 =	vbroadcast v32, $0x0;
	s10 =	spop (v2sf);
	v22 =	vadd.s32 v22, v30;
	v58 =	vadd.s32 $0xFFFFFFFF, v56  }
0x9c: {  	v57 =	vmov s8;
	s1 =	sadd.s32 s10, s8;
	s9 =	spop (v2sf);
	v24 =	vadd.s32 v24, v54;
	v29 =	vbroadcast v58, $0x0  }
0x9d: {  	v30 =	vadd.s32 $0xFFFFFFFF, v57;
	v21 =	vadd.s32 v53, v55;
	v59 =	vmov s1;
	s1 =	sadd.s32 s9, s1  }
0x9e: {  	v30 =	vbroadcast v30, $0x0;
	v31 =	vadd.s32 $0xFFFFFFFF, v59;
	v60 =	vmov s1  }
0x9f: {  	v25 =	vadd.s32 v25, v29;
	v61 =	vbroadcast v31, $0x0;
	v62 =	vadd.s32 $0xFFFFFFFF, v60  }
0xa0: {  	[tilespmem:v19+s18+$0x0] =	vst.idx.msk vm1, v13;
	v13 =	vadd.s32 v26, v30;
	v63 =	vbroadcast v62, $0x0;
	s10 =	spop (v2sf)  }
0xa1: {  	[tilespmem:v22+s18+$0x0] =	vst.idx.msk vm0, v14;
	v14 =	vadd.s32 v27, v61;
	s1 =	sadd.s32 s10, s1  }
0xa2: {  	[tilespmem:v24+s18+$0x0] =	vst.idx.msk vm2, v15;
	v15 =	vadd.s32 v28, v63;
	p0 =	slt.s32 s1, $0x80  }
.Ltmp5:
0xa3: {  	[tilespmem:v21+s18+$0x0] =	vst.idx.msk vm3, v16;
	(pc) =	sbr.rel @p0 .LBB2_11-.Ltmp5, $4  }
0xa4: {  	[tilespmem:v25+s18+$0x0] =	vst.idx.msk vm4, v17  }
0xa5: {  	[tilespmem:v13+s18+$0x0] =	vst.idx.msk vm5, v18  }
0xa6: {  	[tilespmem:v14+s18+$0x0] =	vst.idx.msk vm6, v20  }
0xa7: {  	[tilespmem:v15+s18+$0x0] =	vst.idx.msk vm7, v23  }
0xa8: {  	v13 =	vld [tilespmem:$0x3200]  }
0xa9: {  	v14 =	vld [tilespmem:$0x3240]  }
0xaa: {  	v15 =	vld [tilespmem:$0x3210]  }
0xab: {  	v16 =	vld [tilespmem:$0x3250]  }
0xac: {  	v17 =	vld [tilespmem:$0x3220]  }
0xad: {  	v18 =	vld [tilespmem:$0x3260];
	v13 =	vand.u32 $0x3FFF, v13  }
0xae: {  	[tilespmem:$0x3300] =	vst v13;
	v13 =	vand.u32 $0x3FFF, v14;
	v14 =	vld [tilespmem:$0x3230]  }
0xaf: {  	[tilespmem:$0x3380] =	vst v13;
	v13 =	vand.u32 $0x3FFF, v15;
	v15 =	vld [tilespmem:$0x3270]  }
0xb0: {  	[tilespmem:$0x3310] =	vst v13;
	v13 =	vand.u32 $0x3FFF, v16  }
0xb1: {  	[tilespmem:$0x3390] =	vst v13;
	v13 =	vand.u32 $0x3FFF, v17  }
0xb2: {  	[tilespmem:$0x3320] =	vst v13;
	v13 =	vand.u32 $0x3FFF, v18  }
0xb3: {  	[tilespmem:$0x33A0] =	vst v13;
	v13 =	vand.u32 $0x3FFF, v14  }
0xb4: {  	[tilespmem:$0x3330] =	vst v13;
	v13 =	vand.u32 $0x3FFF, v15  }
0xb5: {  	s8 =	simm.s32 $0x0;
	[tilespmem:$0x33B0] =	vst v13  }
0xb6: {  	[tilespmem:s21], [sflag:$0x1] =	stream.indirect.gather [hbm4b:s4+s19], $0x80, s20, s19, $0xb8;
	[tilespmem:$0x15400] =	vst v63  }
0xb7: {  	v13 =	vmov s8  }
0xb8: {  	[tilespmem:s23], [sflag:$0x2] =	stream.indirect.gather [hbm4b:s4+s19], $0x80, s22, s19, $0xb8;
	[tilespmem:$0x15400] =	vst v63  }
0xb9: {  	_ =	swait.ge [sflag:s24], $0x2000  }
0xba: {  	[sflag:s24] =	ssyncset.done $0x0  }
0xbb: {  	[sflag:s24] =	ssyncadd.s32 $0xFFFFE000  }
0xbc: {  	v13 =	vld.idx.msk [tilespmem:v13+s18+$0x0], $0xffff;
	_ =	sdelay $0x4  }
0xbd: {  	v13 =	vshrl.u32 v13, $0xE  }
0xbe: {  	v13 =	vsub.s32 v13, v2  }
0xbf: {  	v13 =	vshll.u32 v13, $0x7  }
0xc0: {  	v14 =	vor.u32 v3, v13;
	_ =	sdelay $0x2  }
0xc1: {  	s8 =	simm.s32 $0x3440  }
0xc2: {  	v16 =	vld [tilespmem:s8+$0xFFFFFFC0]  }
0xc3: {  	v15 =	vld.idx.msk [tilespmem:v14+s25+$0x0], $0xffff;
	_ =	sdelay $0x1  }
0xc4: {  	v17 =	vor.u32 v6, v13;
	_ =	sdelay $0x2  }
0xc5: {  	v15 =	vmax.f32 v15, v16  }
0xc6: {  	[tilespmem:v14+s25+$0x0] =	vst.idx.msk $0xffff, v15  }
0xc7: {  	v14 =	vld.idx.msk [tilespmem:v17+s25+$0x0], $0xffff  }
0xc8: {  	v15 =	vld [tilespmem:s8+$0xFFFFFFD0];
	_ =	sdelay $0x1  }
0xc9: {  	v16 =	vor.u32 v7, v13;
	_ =	sdelay $0x2  }
0xca: {  	v14 =	vmax.f32 v14, v15  }
0xcb: {  	[tilespmem:v17+s25+$0x0] =	vst.idx.msk $0xffff, v14  }
0xcc: {  	v14 =	vld.idx.msk [tilespmem:v16+s25+$0x0], $0xffff  }
0xcd: {  	v15 =	vld [tilespmem:s8+$0xFFFFFFE0];
	_ =	sdelay $0x1  }
0xce: {  	v17 =	vor.u32 v8, v13;
	_ =	sdelay $0x2  }
0xcf: {  	v14 =	vmax.f32 v14, v15  }
0xd0: {  	[tilespmem:v16+s25+$0x0] =	vst.idx.msk $0xffff, v14  }
0xd1: {  	v14 =	vld.idx.msk [tilespmem:v17+s25+$0x0], $0xffff  }
0xd2: {  	v15 =	vld [tilespmem:s8+$0xFFFFFFF0];
	_ =	sdelay $0x1  }
0xd3: {  	v16 =	vor.u32 v9, v13;
	_ =	sdelay $0x2  }
0xd4: {  	v14 =	vmax.f32 v14, v15  }
0xd5: {  	[tilespmem:v17+s25+$0x0] =	vst.idx.msk $0xffff, v14  }
0xd6: {  	v14 =	vld.idx.msk [tilespmem:v16+s25+$0x0], $0xffff  }
0xd7: {  	v15 =	vld [tilespmem:s8+$0x0];
	_ =	sdelay $0x1  }
0xd8: {  	v17 =	vor.u32 v10, v13;
	_ =	sdelay $0x2  }
0xd9: {  	v14 =	vmax.f32 v14, v15  }
0xda: {  	[tilespmem:v16+s25+$0x0] =	vst.idx.msk $0xffff, v14  }
0xdb: {  	v14 =	vld.idx.msk [tilespmem:v17+s25+$0x0], $0xffff  }
0xdc: {  	v15 =	vld [tilespmem:s8+$0x10];
	_ =	sdelay $0x1  }
0xdd: {  	v16 =	vor.u32 v11, v13;
	_ =	sdelay $0x2  }
0xde: {  	v14 =	vmax.f32 v14, v15  }
0xdf: {  	[tilespmem:v17+s25+$0x0] =	vst.idx.msk $0xffff, v14  }
0xe0: {  	v14 =	vld.idx.msk [tilespmem:v16+s25+$0x0], $0xffff  }
0xe1: {  	v15 =	vld [tilespmem:s8+$0x20];
	_ =	sdelay $0x1  }
0xe2: {  	v13 =	vor.u32 v12, v13;
	_ =	sdelay $0x2  }
0xe3: {  	v14 =	vmax.f32 v14, v15  }
0xe4: {  	[tilespmem:v16+s25+$0x0] =	vst.idx.msk $0xffff, v14  }
0xe5: {  	v15 =	vld.idx.msk [tilespmem:v13+s25+$0x0], $0xffff  }
0xe6: {  	v16 =	vld [tilespmem:s8+$0x30];
	_ =	sdelay $0x1  }
0xe7: {  	s10 =	simm.s32 $0x1  }
0xe8: {  	v14 =	vmov s10;
	_ =	sdelay $0x1  }
0xe9: {  	s9 =	simm.s32 $0x2;
	v15 =	vmax.f32 v15, v16  }
.LBB2_7:
0xea: {  	p0 =	sne.s32 s9, $0x3F  }
0xeb: {  	[tilespmem:v13+s25+$0x0] =	vst.idx.msk $0xffff, v15;
	s8 =	sadd.s32 $0x80, s8;
	s10 =	smov.u32 s9;
	s9 =	sadd.s32 $0x1, s9  }
0xec: {  	v13 =	vld.idx.msk [tilespmem:v14+s18+$0x0], $0xffff;
	_ =	sdelay $0x5  }
0xed: {  	v13 =	vshrl.u32 v13, $0xE  }
0xee: {  	v13 =	vsub.s32 v13, v2  }
0xef: {  	v13 =	vshll.u32 v13, $0x7  }
0xf0: {  	v14 =	vor.u32 v3, v13;
	_ =	sdelay $0x4  }
0xf1: {  	v15 =	vld.idx.msk [tilespmem:v14+s25+$0x0], $0xffff  }
0xf2: {  	v16 =	vld [tilespmem:s8+$0xFFFFFFC0];
	_ =	sdelay $0x1  }
0xf3: {  	v17 =	vor.u32 v6, v13;
	_ =	sdelay $0x2  }
0xf4: {  	v15 =	vmax.f32 v15, v16  }
0xf5: {  	[tilespmem:v14+s25+$0x0] =	vst.idx.msk $0xffff, v15  }
0xf6: {  	v14 =	vld.idx.msk [tilespmem:v17+s25+$0x0], $0xffff  }
0xf7: {  	v15 =	vld [tilespmem:s8+$0xFFFFFFD0];
	_ =	sdelay $0x1  }
0xf8: {  	v16 =	vor.u32 v7, v13;
	_ =	sdelay $0x2  }
0xf9: {  	v14 =	vmax.f32 v14, v15  }
0xfa: {  	[tilespmem:v17+s25+$0x0] =	vst.idx.msk $0xffff, v14  }
0xfb: {  	v14 =	vld.idx.msk [tilespmem:v16+s25+$0x0], $0xffff  }
0xfc: {  	v15 =	vld [tilespmem:s8+$0xFFFFFFE0];
	_ =	sdelay $0x1  }
0xfd: {  	v17 =	vor.u32 v8, v13;
	_ =	sdelay $0x2  }
0xfe: {  	v14 =	vmax.f32 v14, v15  }
0xff: {  	[tilespmem:v16+s25+$0x0] =	vst.idx.msk $0xffff, v14  }
0x100: {  	v14 =	vld.idx.msk [tilespmem:v17+s25+$0x0], $0xffff  }
0x101: {  	v15 =	vld [tilespmem:s8+$0xFFFFFFF0];
	_ =	sdelay $0x1  }
0x102: {  	v16 =	vor.u32 v9, v13;
	_ =	sdelay $0x2  }
0x103: {  	v14 =	vmax.f32 v14, v15  }
0x104: {  	[tilespmem:v17+s25+$0x0] =	vst.idx.msk $0xffff, v14  }
0x105: {  	v14 =	vld.idx.msk [tilespmem:v16+s25+$0x0], $0xffff  }
0x106: {  	v15 =	vld [tilespmem:s8+$0x0];
	_ =	sdelay $0x1  }
0x107: {  	v17 =	vor.u32 v10, v13;
	_ =	sdelay $0x2  }
0x108: {  	v14 =	vmax.f32 v14, v15  }
0x109: {  	[tilespmem:v16+s25+$0x0] =	vst.idx.msk $0xffff, v14  }
0x10a: {  	v14 =	vld.idx.msk [tilespmem:v17+s25+$0x0], $0xffff  }
0x10b: {  	v15 =	vld [tilespmem:s8+$0x10];
	_ =	sdelay $0x1  }
0x10c: {  	v16 =	vor.u32 v11, v13;
	_ =	sdelay $0x2  }
0x10d: {  	v14 =	vmax.f32 v14, v15  }
0x10e: {  	[tilespmem:v17+s25+$0x0] =	vst.idx.msk $0xffff, v14  }
0x10f: {  	v14 =	vld.idx.msk [tilespmem:v16+s25+$0x0], $0xffff  }
0x110: {  	v15 =	vld [tilespmem:s8+$0x20];
	_ =	sdelay $0x1  }
0x111: {  	v13 =	vor.u32 v12, v13;
	_ =	sdelay $0x2  }
0x112: {  	v14 =	vmax.f32 v14, v15  }
0x113: {  	[tilespmem:v16+s25+$0x0] =	vst.idx.msk $0xffff, v14  }
0x114: {  	v15 =	vld.idx.msk [tilespmem:v13+s25+$0x0], $0xffff  }
0x115: {  	v16 =	vld [tilespmem:s8+$0x30]  }
.Ltmp6:
0x116: {  	(pc) =	sbr.rel @p0 .LBB2_7-.Ltmp6, $2  }
0x117: {  	v14 =	vmov s10;
	_ =	sdelay $0x2  }
0x118: {  	v15 =	vmax.f32 v15, v16  }
0x119: {  	_ =	sdelay $0x3  }
0x11a: {  	[tilespmem:v13+s25+$0x0] =	vst.idx.msk $0xffff, v15  }
0x11b: {  	v13 =	vld.idx.msk [tilespmem:v14+s18+$0x0], $0xffff;
	_ =	sdelay $0x4  }
0x11c: {  	v13 =	vshrl.u32 v13, $0xE  }
0x11d: {  	v13 =	vsub.s32 v13, v2  }
0x11e: {  	v13 =	vshll.u32 v13, $0x7  }
0x11f: {  	v14 =	vor.u32 v3, v13;
	_ =	sdelay $0x2  }
0x120: {  	s8 =	sadd.s32 $0x80, s8  }
0x121: {  	v16 =	vld [tilespmem:s8+$0xFFFFFFC0]  }
0x122: {  	v15 =	vld.idx.msk [tilespmem:v14+s25+$0x0], $0xffff;
	_ =	sdelay $0x1  }
0x123: {  	v17 =	vor.u32 v6, v13;
	_ =	sdelay $0x2  }
0x124: {  	v15 =	vmax.f32 v15, v16  }
0x125: {  	[tilespmem:v14+s25+$0x0] =	vst.idx.msk $0xffff, v15  }
0x126: {  	v14 =	vld.idx.msk [tilespmem:v17+s25+$0x0], $0xffff  }
0x127: {  	v15 =	vld [tilespmem:s8+$0xFFFFFFD0];
	_ =	sdelay $0x1  }
0x128: {  	v16 =	vor.u32 v7, v13;
	_ =	sdelay $0x2  }
0x129: {  	v14 =	vmax.f32 v14, v15  }
0x12a: {  	[tilespmem:v17+s25+$0x0] =	vst.idx.msk $0xffff, v14  }
0x12b: {  	v14 =	vld.idx.msk [tilespmem:v16+s25+$0x0], $0xffff  }
0x12c: {  	v15 =	vld [tilespmem:s8+$0xFFFFFFE0];
	_ =	sdelay $0x1  }
0x12d: {  	v17 =	vor.u32 v8, v13;
	_ =	sdelay $0x2  }
0x12e: {  	v14 =	vmax.f32 v14, v15  }
0x12f: {  	[tilespmem:v16+s25+$0x0] =	vst.idx.msk $0xffff, v14  }
0x130: {  	v14 =	vld.idx.msk [tilespmem:v17+s25+$0x0], $0xffff  }
0x131: {  	v15 =	vld [tilespmem:s8+$0xFFFFFFF0];
	_ =	sdelay $0x1  }
0x132: {  	v16 =	vor.u32 v9, v13;
	_ =	sdelay $0x2  }
0x133: {  	v14 =	vmax.f32 v14, v15  }
0x134: {  	[tilespmem:v17+s25+$0x0] =	vst.idx.msk $0xffff, v14  }
0x135: {  	v14 =	vld.idx.msk [tilespmem:v16+s25+$0x0], $0xffff  }
0x136: {  	v15 =	vld [tilespmem:s8+$0x0];
	_ =	sdelay $0x1  }
0x137: {  	v17 =	vor.u32 v10, v13;
	_ =	sdelay $0x2  }
0x138: {  	v14 =	vmax.f32 v14, v15  }
0x139: {  	[tilespmem:v16+s25+$0x0] =	vst.idx.msk $0xffff, v14  }
0x13a: {  	v14 =	vld.idx.msk [tilespmem:v17+s25+$0x0], $0xffff  }
0x13b: {  	v15 =	vld [tilespmem:s8+$0x10];
	_ =	sdelay $0x1  }
0x13c: {  	v16 =	vor.u32 v11, v13;
	_ =	sdelay $0x2  }
0x13d: {  	v14 =	vmax.f32 v14, v15  }
0x13e: {  	[tilespmem:v17+s25+$0x0] =	vst.idx.msk $0xffff, v14  }
0x13f: {  	v14 =	vld.idx.msk [tilespmem:v16+s25+$0x0], $0xffff  }
0x140: {  	v15 =	vld [tilespmem:s8+$0x20];
	_ =	sdelay $0x1  }
0x141: {  	v13 =	vor.u32 v12, v13;
	_ =	sdelay $0x2  }
0x142: {  	v14 =	vmax.f32 v14, v15  }
0x143: {  	[tilespmem:v16+s25+$0x0] =	vst.idx.msk $0xffff, v14  }
0x144: {  	v14 =	vld.idx.msk [tilespmem:v13+s25+$0x0], $0xffff  }
0x145: {  	v15 =	vld [tilespmem:s8+$0x30];
	_ =	sdelay $0x3  }
0x146: {  	s10 =	simm.s32 $0x40  }
0x147: {  	v14 =	vmax.f32 v14, v15;
	v15 =	vmov s10  }
0x148: {  	[tilespmem:v13+s25+$0x0] =	vst.idx.msk $0xffff, v14  }
0x149: {  	_ =	swait.ge [sflag:s26], $0x2000  }
0x14a: {  	[sflag:s26] =	ssyncset.done $0x0  }
0x14b: {  	[sflag:s26] =	ssyncadd.s32 $0xFFFFE000  }
0x14c: {  	v13 =	vld.idx.msk [tilespmem:v15+s18+$0x0], $0xffff;
	_ =	sdelay $0x4  }
0x14d: {  	v13 =	vshrl.u32 v13, $0xE  }
0x14e: {  	v13 =	vsub.s32 v13, v2  }
0x14f: {  	v13 =	vshll.u32 v13, $0x7  }
0x150: {  	v14 =	vor.u32 v3, v13;
	_ =	sdelay $0x2  }
0x151: {  	s8 =	simm.s32 $0x5470  }
0x152: {  	v16 =	vld [tilespmem:s8+$0xFFFFFF90]  }
0x153: {  	v15 =	vld.idx.msk [tilespmem:v14+s25+$0x0], $0xffff;
	_ =	sdelay $0x1  }
0x154: {  	v17 =	vor.u32 v6, v13;
	_ =	sdelay $0x2  }
0x155: {  	v15 =	vmax.f32 v15, v16  }
0x156: {  	[tilespmem:v14+s25+$0x0] =	vst.idx.msk $0xffff, v15  }
0x157: {  	v14 =	vld.idx.msk [tilespmem:v17+s25+$0x0], $0xffff  }
0x158: {  	v15 =	vld [tilespmem:s8+$0xFFFFFFA0];
	_ =	sdelay $0x1  }
0x159: {  	v16 =	vor.u32 v7, v13;
	_ =	sdelay $0x2  }
0x15a: {  	v14 =	vmax.f32 v14, v15  }
0x15b: {  	[tilespmem:v17+s25+$0x0] =	vst.idx.msk $0xffff, v14  }
0x15c: {  	v14 =	vld.idx.msk [tilespmem:v16+s25+$0x0], $0xffff  }
0x15d: {  	v15 =	vld [tilespmem:s8+$0xFFFFFFB0];
	_ =	sdelay $0x1  }
0x15e: {  	v17 =	vor.u32 v8, v13;
	_ =	sdelay $0x2  }
0x15f: {  	v14 =	vmax.f32 v14, v15  }
0x160: {  	[tilespmem:v16+s25+$0x0] =	vst.idx.msk $0xffff, v14  }
0x161: {  	v14 =	vld.idx.msk [tilespmem:v17+s25+$0x0], $0xffff  }
0x162: {  	v15 =	vld [tilespmem:s8+$0xFFFFFFC0];
	_ =	sdelay $0x1  }
0x163: {  	v16 =	vor.u32 v9, v13;
	_ =	sdelay $0x2  }
0x164: {  	v14 =	vmax.f32 v14, v15  }
0x165: {  	[tilespmem:v17+s25+$0x0] =	vst.idx.msk $0xffff, v14  }
0x166: {  	v14 =	vld.idx.msk [tilespmem:v16+s25+$0x0], $0xffff  }
0x167: {  	v15 =	vld [tilespmem:s8+$0xFFFFFFD0];
	_ =	sdelay $0x1  }
0x168: {  	v17 =	vor.u32 v10, v13;
	_ =	sdelay $0x2  }
0x169: {  	v14 =	vmax.f32 v14, v15  }
0x16a: {  	[tilespmem:v16+s25+$0x0] =	vst.idx.msk $0xffff, v14  }
0x16b: {  	v14 =	vld.idx.msk [tilespmem:v17+s25+$0x0], $0xffff  }
0x16c: {  	v15 =	vld [tilespmem:s8+$0xFFFFFFE0];
	_ =	sdelay $0x1  }
0x16d: {  	v16 =	vor.u32 v11, v13;
	_ =	sdelay $0x2  }
0x16e: {  	v14 =	vmax.f32 v14, v15  }
0x16f: {  	[tilespmem:v17+s25+$0x0] =	vst.idx.msk $0xffff, v14  }
0x170: {  	v14 =	vld.idx.msk [tilespmem:v16+s25+$0x0], $0xffff  }
0x171: {  	v15 =	vld [tilespmem:s8+$0xFFFFFFF0];
	_ =	sdelay $0x1  }
0x172: {  	v13 =	vor.u32 v12, v13;
	_ =	sdelay $0x2  }
0x173: {  	v14 =	vmax.f32 v14, v15  }
0x174: {  	[tilespmem:v16+s25+$0x0] =	vst.idx.msk $0xffff, v14  }
0x175: {  	v15 =	vld.idx.msk [tilespmem:v13+s25+$0x0], $0xffff  }
0x176: {  	v16 =	vld [tilespmem:s8+$0x0];
	_ =	sdelay $0x1  }
0x177: {  	s10 =	simm.s32 $0x41  }
0x178: {  	v14 =	vmov s10;
	_ =	sdelay $0x1  }
0x179: {  	s9 =	simm.s32 $0x42;
	v15 =	vmax.f32 v15, v16  }
.LBB2_9:
0x17a: {  	p0 =	sne.s32 s9, $0x7F  }
0x17b: {  	[tilespmem:v13+s25+$0x0] =	vst.idx.msk $0xffff, v15;
	s8 =	sadd.s32 $0x80, s8;
	s10 =	smov.u32 s9;
	s9 =	sadd.s32 $0x1, s9  }
0x17c: {  	v13 =	vld.idx.msk [tilespmem:v14+s18+$0x0], $0xffff;
	_ =	sdelay $0x5  }
0x17d: {  	v13 =	vshrl.u32 v13, $0xE  }
0x17e: {  	v13 =	vsub.s32 v13, v2  }
0x17f: {  	v13 =	vshll.u32 v13, $0x7  }
0x180: {  	v14 =	vor.u32 v3, v13;
	_ =	sdelay $0x4  }
0x181: {  	v15 =	vld.idx.msk [tilespmem:v14+s25+$0x0], $0xffff  }
0x182: {  	v16 =	vld [tilespmem:s8+$0xFFFFFF90];
	_ =	sdelay $0x1  }
0x183: {  	v17 =	vor.u32 v6, v13;
	_ =	sdelay $0x2  }
0x184: {  	v15 =	vmax.f32 v15, v16  }
0x185: {  	[tilespmem:v14+s25+$0x0] =	vst.idx.msk $0xffff, v15  }
0x186: {  	v14 =	vld.idx.msk [tilespmem:v17+s25+$0x0], $0xffff  }
0x187: {  	v15 =	vld [tilespmem:s8+$0xFFFFFFA0];
	_ =	sdelay $0x1  }
0x188: {  	v16 =	vor.u32 v7, v13;
	_ =	sdelay $0x2  }
0x189: {  	v14 =	vmax.f32 v14, v15  }
0x18a: {  	[tilespmem:v17+s25+$0x0] =	vst.idx.msk $0xffff, v14  }
0x18b: {  	v14 =	vld.idx.msk [tilespmem:v16+s25+$0x0], $0xffff  }
0x18c: {  	v15 =	vld [tilespmem:s8+$0xFFFFFFB0];
	_ =	sdelay $0x1  }
0x18d: {  	v17 =	vor.u32 v8, v13;
	_ =	sdelay $0x2  }
0x18e: {  	v14 =	vmax.f32 v14, v15  }
0x18f: {  	[tilespmem:v16+s25+$0x0] =	vst.idx.msk $0xffff, v14  }
0x190: {  	v14 =	vld.idx.msk [tilespmem:v17+s25+$0x0], $0xffff  }
0x191: {  	v15 =	vld [tilespmem:s8+$0xFFFFFFC0];
	_ =	sdelay $0x1  }
0x192: {  	v16 =	vor.u32 v9, v13;
	_ =	sdelay $0x2  }
0x193: {  	v14 =	vmax.f32 v14, v15  }
0x194: {  	[tilespmem:v17+s25+$0x0] =	vst.idx.msk $0xffff, v14  }
0x195: {  	v14 =	vld.idx.msk [tilespmem:v16+s25+$0x0], $0xffff  }
0x196: {  	v15 =	vld [tilespmem:s8+$0xFFFFFFD0];
	_ =	sdelay $0x1  }
0x197: {  	v17 =	vor.u32 v10, v13;
	_ =	sdelay $0x2  }
0x198: {  	v14 =	vmax.f32 v14, v15  }
0x199: {  	[tilespmem:v16+s25+$0x0] =	vst.idx.msk $0xffff, v14  }
0x19a: {  	v14 =	vld.idx.msk [tilespmem:v17+s25+$0x0], $0xffff  }
0x19b: {  	v15 =	vld [tilespmem:s8+$0xFFFFFFE0];
	_ =	sdelay $0x1  }
0x19c: {  	v16 =	vor.u32 v11, v13;
	_ =	sdelay $0x2  }
0x19d: {  	v14 =	vmax.f32 v14, v15  }
0x19e: {  	[tilespmem:v17+s25+$0x0] =	vst.idx.msk $0xffff, v14  }
0x19f: {  	v14 =	vld.idx.msk [tilespmem:v16+s25+$0x0], $0xffff  }
0x1a0: {  	v15 =	vld [tilespmem:s8+$0xFFFFFFF0];
	_ =	sdelay $0x1  }
0x1a1: {  	v13 =	vor.u32 v12, v13;
	_ =	sdelay $0x2  }
0x1a2: {  	v14 =	vmax.f32 v14, v15  }
0x1a3: {  	[tilespmem:v16+s25+$0x0] =	vst.idx.msk $0xffff, v14  }
0x1a4: {  	v15 =	vld.idx.msk [tilespmem:v13+s25+$0x0], $0xffff  }
0x1a5: {  	v16 =	vld [tilespmem:s8+$0x0]  }
.Ltmp7:
0x1a6: {  	(pc) =	sbr.rel @p0 .LBB2_9-.Ltmp7, $2  }
0x1a7: {  	v14 =	vmov s10;
	_ =	sdelay $0x2  }
0x1a8: {  	v15 =	vmax.f32 v15, v16  }
.Ltmp8:
0x1a9: {  	_ = 	snop;
	(pc) =	sbr.rel .LBB2_10-.Ltmp8, $1  }
0x1aa: {  	_ =	sdelay $0x3  }
.LBB2_12:
0x1ab: {  	p0 =	seq.s32 s5, $0x18  }
.Ltmp9:
0x1ac: {  	_ =	swait.ge [sflag:s28], $0x1900;
	s6 =	sshrl.u32 @!p0 s6, $0x3;
	(pc) =	sbr.rel .LBB2_13-.Ltmp9, $4  }
0x1ad: {  	[sflag:s28] =	ssyncset.done $0x0;
	s6 =	sadd.s32 @!p0 s2, s6  }
0x1ae: {  	s7 =	simm.s32 @!p0 $0x0;
	[sflag:s28] =	ssyncadd.s32 $0xFFFFE700;
	s6 =	sadd.s32 @!p0 $0x640, s6  }
0x1af: {  	[tilespmem:s7], [sflag:$0x3] =	stream.linear.gather @!p0 [hbm4b:s6+s7], $0x1900, $0x38;
	[tilespmem:$0x15400] =	vst v63  }
0x1b0: {  	s6 =	simm.s32 $0x0  }
.LBB2_18:
0x1b1: {  	_ =	sdelay $0x3  }
0x1b2: {  	[tilespmem:v13+s25+$0x0] =	vst.idx.msk $0xffff, v15  }
0x1b3: {  	v13 =	vld.idx.msk [tilespmem:v14+s18+$0x0], $0xffff;
	_ =	sdelay $0x4  }
0x1b4: {  	v13 =	vshrl.u32 v13, $0xE  }
0x1b5: {  	v13 =	vsub.s32 v13, v2  }
0x1b6: {  	v13 =	vshll.u32 v13, $0x7  }
0x1b7: {  	v14 =	vor.u32 v3, v13;
	_ =	sdelay $0x2  }
0x1b8: {  	s7 =	sadd.s32 $0x80, s7  }
0x1b9: {  	v16 =	vld [tilespmem:s7+$0xFFFFFF90]  }
0x1ba: {  	v15 =	vld.idx.msk [tilespmem:v14+s25+$0x0], $0xffff;
	_ =	sdelay $0x1  }
0x1bb: {  	v17 =	vor.u32 v6, v13;
	_ =	sdelay $0x2  }
0x1bc: {  	v15 =	vmax.f32 v15, v16  }
0x1bd: {  	[tilespmem:v14+s25+$0x0] =	vst.idx.msk $0xffff, v15  }
0x1be: {  	v14 =	vld.idx.msk [tilespmem:v17+s25+$0x0], $0xffff  }
0x1bf: {  	v15 =	vld [tilespmem:s7+$0xFFFFFFA0];
	_ =	sdelay $0x1  }
0x1c0: {  	v59 =	vor.u32 v7, v13;
	_ =	sdelay $0x2  }
0x1c1: {  	v14 =	vmax.f32 v14, v15  }
0x1c2: {  	[tilespmem:v17+s25+$0x0] =	vst.idx.msk $0xffff, v14  }
0x1c3: {  	v14 =	vld.idx.msk [tilespmem:v59+s25+$0x0], $0xffff  }
0x1c4: {  	v15 =	vld [tilespmem:s7+$0xFFFFFFB0];
	_ =	sdelay $0x1  }
0x1c5: {  	v60 =	vor.u32 v8, v13;
	_ =	sdelay $0x2  }
0x1c6: {  	v14 =	vmax.f32 v14, v15  }
0x1c7: {  	[tilespmem:v59+s25+$0x0] =	vst.idx.msk $0xffff, v14  }
0x1c8: {  	v14 =	vld.idx.msk [tilespmem:v60+s25+$0x0], $0xffff  }
0x1c9: {  	v15 =	vld [tilespmem:s7+$0xFFFFFFC0];
	_ =	sdelay $0x1  }
0x1ca: {  	v61 =	vor.u32 v9, v13;
	_ =	sdelay $0x2  }
0x1cb: {  	v14 =	vmax.f32 v14, v15  }
0x1cc: {  	[tilespmem:v60+s25+$0x0] =	vst.idx.msk $0xffff, v14  }
0x1cd: {  	v14 =	vld.idx.msk [tilespmem:v61+s25+$0x0], $0xffff  }
0x1ce: {  	v15 =	vld [tilespmem:s7+$0xFFFFFFD0];
	_ =	sdelay $0x1  }
0x1cf: {  	v62 =	vor.u32 v10, v13;
	_ =	sdelay $0x2  }
0x1d0: {  	v14 =	vmax.f32 v14, v15  }
0x1d1: {  	[tilespmem:v61+s25+$0x0] =	vst.idx.msk $0xffff, v14  }
0x1d2: {  	v14 =	vld.idx.msk [tilespmem:v62+s25+$0x0], $0xffff  }
0x1d3: {  	v15 =	vld [tilespmem:s7+$0xFFFFFFE0];
	_ =	sdelay $0x1  }
0x1d4: {  	v63 =	vor.u32 v11, v13;
	_ =	sdelay $0x2  }
0x1d5: {  	v14 =	vmax.f32 v14, v15  }
0x1d6: {  	[tilespmem:v62+s25+$0x0] =	vst.idx.msk $0xffff, v14  }
0x1d7: {  	v14 =	vld.idx.msk [tilespmem:v63+s25+$0x0], $0xffff  }
0x1d8: {  	v15 =	vld [tilespmem:s7+$0xFFFFFFF0];
	_ =	sdelay $0x1  }
0x1d9: {  	v13 =	vor.u32 v12, v13;
	_ =	sdelay $0x2  }
0x1da: {  	v14 =	vmax.f32 v14, v15  }
0x1db: {  	[tilespmem:v63+s25+$0x0] =	vst.idx.msk $0xffff, v14  }
0x1dc: {  	v14 =	vld.idx.msk [tilespmem:v13+s25+$0x0], $0xffff  }
0x1dd: {  	v15 =	vld [tilespmem:s7+$0x0];
	_ =	sdelay $0x4  }
0x1de: {  	v14 =	vmax.f32 v14, v15  }
0x1df: {  	[tilespmem:v13+s25+$0x0] =	vst.idx.msk $0xffff, v14  }
0x1e0: {  	v13 =	vld [tilespmem:$0x3280]  }
0x1e1: {  	v14 =	vld [tilespmem:$0x3290]  }
0x1e2: {  	v15 =	vld [tilespmem:$0x32A0]  }
0x1e3: {  	v16 =	vld [tilespmem:$0x32B0]  }
0x1e4: {  	v17 =	vld [tilespmem:$0x32C0]  }
0x1e5: {  	[tilespmem:$0x3200] =	vst v13;
	v13 =	vld [tilespmem:$0x32D0]  }
0x1e6: {  	[tilespmem:$0x3210] =	vst v14;
	v14 =	vld [tilespmem:$0x32E0]  }
0x1e7: {  	[tilespmem:$0x3220] =	vst v15;
	v15 =	vld [tilespmem:$0x32F0]  }
0x1e8: {  	[tilespmem:$0x3230] =	vst v16  }
0x1e9: {  	[tilespmem:$0x3240] =	vst v17  }
0x1ea: {  	[tilespmem:$0x3250] =	vst v13  }
0x1eb: {  	[tilespmem:$0x3260] =	vst v14  }
0x1ec: {  	s1 =	sadd.s32 $0xFFFFFF80, s1;
	[tilespmem:$0x3270] =	vst v15  }
.LBB2_19:
0x1ed: {  	s6 =	sadd.s32 $0x1, s6  }
0x1ee: {  	p0 =	sne.s32 s6, $0x32  }
.Ltmp10:
0x1ef: {  	_ = 	snop;
	(pc) =	sbr.rel @!p0 .LBB2_20-.Ltmp10, $1  }
0x1f0: {  	_ =	sdelay $0x3  }
.LBB2_13:
0x1f1: {  	s7 =	sshll.u32 s6, $0x7  }
0x1f2: {  	s7 =	sand.u32 $0x3FFFFF80, s7  }
0x1f3: {  	v13 =	vld [tilespmem:s7+$0x1900];
	_ =	sdelay $0x2  }
0x1f4: {  	v14 =	vld [tilespmem:s7+$0x1910]  }
0x1f5: {  	v15 =	vld [tilespmem:s7+$0x1920]  }
0x1f6: {  	v16 =	vld [tilespmem:s7+$0x1930];
	vm0 =	vge.s32 v13, v0;
	vm1 =	vlt.s32 v13, v1  }
0x1f7: {  	v17 =	vld [tilespmem:s7+$0x1940];
	vm1 =	vmand vm0, vm1  }
0x1f8: {  	v19 =	vsel vm1, $0x1, v5  }
0x1f9: {  	v18 =	vld [tilespmem:s7+$0x1950];
	(xrf0) =	vadd.scan.msk.s32 $0xffff, v19  }
0x1fa: {  	vm2 =	vge.s32 v14, v0;
	vm3 =	vlt.s32 v14, v1  }
0x1fb: {  	vm9 =	vge.s32 v15, v0;
	vm10 =	vlt.s32 v15, v1;
	vm11 =	vge.s32 v16, v0  }
0x1fc: {  	v20 =	vld [tilespmem:s7+$0x1960];
	vm4 =	vlt.s32 v16, v1;
	vm12 =	vge.s32 v17, v0;
	vm0 =	vmand vm2, vm3  }
0x1fd: {  	vm5 =	vlt.s32 v17, v1;
	vm2 =	vmand vm9, vm10;
	v47 =	vsel vm0, $0x1, v5  }
0x1fe: {  	vm13 =	vge.s32 v18, v0;
	vm3 =	vmand vm11, vm4;
	v48 =	vsel vm2, $0x1, v5;
	(xrf0) =	vadd.scan.msk.s32 $0xffff, v47  }
0x1ff: {  	vm6 =	vlt.s32 v18, v1;
	vm4 =	vmand vm12, vm5;
	v49 =	vsel vm3, $0x1, v5;
	(xrf0) =	vadd.scan.msk.s32 $0xffff, v48;
	v51, _, _ =	vpop (xrf0)  }
0x200: {  	v23 =	vld [tilespmem:s7+$0x1970];
	vm5 =	vmand vm13, vm6;
	v50 =	vsel vm4, $0x1, v5;
	(xrf0) =	vadd.scan.msk.s32 $0xffff, v49;
	(v2sf) =	vpush v51, $0xF  }
0x201: {  	vm14 =	vge.s32 v20, v0;
	vm7 =	vlt.s32 v20, v1;
	v21 =	vsel vm5, $0x1, v5;
	(xrf0) =	vadd.scan.msk.s32 $0xffff, v50  }
0x202: {  	vm6 =	vmand vm14, vm7;
	(xrf0) =	vadd.scan.msk.s32 $0xffff, v21  }
0x203: {  	v52 =	vsel vm6, $0x1, v5  }
0x204: {  	v22, _, _ =	vpop (xrf0);
	(xrf0) =	vadd.scan.msk.s32 $0xffff, v52  }
0x205: {  	vm15 =	vge.s32 v23, v0;
	vm8 =	vlt.s32 v23, v1;
	v24, _, _ =	vpop (xrf0);
	(v2sf) =	vpush v22, $0xF  }
0x206: {  	vm7 =	vmand vm15, vm8;
	(v2sf) =	vpush v24, $0xF;
	v53, _, _ =	vpop (xrf0)  }
0x207: {  	v28 =	vsel vm7, $0x1, v5;
	v25, _, _ =	vpop (xrf0);
	(v2sf) =	vpush v53, $0xF  }
0x208: {  	v26, _, _ =	vpop (xrf0);
	(xrf0) =	vadd.scan.msk.s32 $0xffff, v28  }
0x209: {  	(v2sf) =	vpush v25, $0xF  }
0x20a: {  	v27, _, _ =	vpop (xrf0);
	(v2sf) =	vpush v26, $0xF  }
0x20b: {  	(v2sf) =	vpush v27, $0xF;
	_ =	sdelay $0x2  }
0x20c: {  	v28, _, _ =	vpop (xrf0)  }
0x20d: {  	s9 =	spop (v2sf);
	(v2sf) =	vpush v28, $0xF;
	_ =	sdelay $0x2  }
0x20e: {  	v29 =	vmov s1  }
0x20f: {  	v29 =	vadd.s32 $0xFFFFFFFF, v29  }
0x210: {  	v29 =	vbroadcast v29, $0x0;
	s7 =	sadd.s32 s1, s9;
	s8 =	spop (v2sf)  }
0x211: {  	s10 =	spop (v2sf);
	s8 =	sadd.s32 s8, s7;
	v30 =	vmov s7  }
0x212: {  	v19 =	vadd.s32 v51, v29;
	v31 =	vmov s8;
	s1 =	sadd.s32 s10, s8;
	s9 =	spop (v2sf);
	v30 =	vadd.s32 $0xFFFFFFFF, v30  }
0x213: {  	v32 =	vmov s1;
	s1 =	sadd.s32 s9, s1;
	v30 =	vbroadcast v30, $0x0;
	v31 =	vadd.s32 $0xFFFFFFFF, v31  }
0x214: {  	s10 =	spop (v2sf);
	v32 =	vadd.s32 $0xFFFFFFFF, v32;
	v54 =	vbroadcast v31, $0x0;
	v56 =	vmov s1  }
0x215: {  	s7 =	sadd.s32 s10, s1;
	v55 =	vbroadcast v32, $0x0;
	s8 =	spop (v2sf);
	v22 =	vadd.s32 v22, v30;
	v58 =	vadd.s32 $0xFFFFFFFF, v56  }
0x216: {  	v57 =	vmov s7;
	s1 =	sadd.s32 s8, s7;
	s9 =	spop (v2sf);
	v24 =	vadd.s32 v24, v54;
	v29 =	vbroadcast v58, $0x0  }
0x217: {  	v30 =	vadd.s32 $0xFFFFFFFF, v57;
	v21 =	vadd.s32 v53, v55;
	v59 =	vmov s1;
	s1 =	sadd.s32 s9, s1  }
0x218: {  	v30 =	vbroadcast v30, $0x0;
	v31 =	vadd.s32 $0xFFFFFFFF, v59;
	v60 =	vmov s1  }
0x219: {  	v25 =	vadd.s32 v25, v29;
	v61 =	vbroadcast v31, $0x0;
	v62 =	vadd.s32 $0xFFFFFFFF, v60  }
0x21a: {  	[tilespmem:v19+s18+$0x0] =	vst.idx.msk vm1, v13;
	v13 =	vadd.s32 v26, v30;
	v63 =	vbroadcast v62, $0x0;
	s10 =	spop (v2sf)  }
0x21b: {  	[tilespmem:v22+s18+$0x0] =	vst.idx.msk vm0, v14;
	v14 =	vadd.s32 v27, v61;
	s1 =	sadd.s32 s10, s1  }
0x21c: {  	[tilespmem:v24+s18+$0x0] =	vst.idx.msk vm2, v15;
	v15 =	vadd.s32 v28, v63;
	p0 =	slt.s32 s1, $0x80  }
.Ltmp11:
0x21d: {  	[tilespmem:v21+s18+$0x0] =	vst.idx.msk vm3, v16;
	(pc) =	sbr.rel @p0 .LBB2_19-.Ltmp11, $4  }
0x21e: {  	[tilespmem:v25+s18+$0x0] =	vst.idx.msk vm4, v17  }
0x21f: {  	[tilespmem:v13+s18+$0x0] =	vst.idx.msk vm5, v18  }
0x220: {  	[tilespmem:v14+s18+$0x0] =	vst.idx.msk vm6, v20  }
0x221: {  	[tilespmem:v15+s18+$0x0] =	vst.idx.msk vm7, v23  }
0x222: {  	v13 =	vld [tilespmem:$0x3200]  }
0x223: {  	v14 =	vld [tilespmem:$0x3240]  }
0x224: {  	v15 =	vld [tilespmem:$0x3210]  }
0x225: {  	v16 =	vld [tilespmem:$0x3250]  }
0x226: {  	v17 =	vld [tilespmem:$0x3220]  }
0x227: {  	v18 =	vld [tilespmem:$0x3260];
	v13 =	vand.u32 $0x3FFF, v13  }
0x228: {  	[tilespmem:$0x3300] =	vst v13;
	v13 =	vand.u32 $0x3FFF, v14;
	v14 =	vld [tilespmem:$0x3230]  }
0x229: {  	[tilespmem:$0x3380] =	vst v13;
	v13 =	vand.u32 $0x3FFF, v15;
	v15 =	vld [tilespmem:$0x3270]  }
0x22a: {  	[tilespmem:$0x3310] =	vst v13;
	v13 =	vand.u32 $0x3FFF, v16  }
0x22b: {  	[tilespmem:$0x3390] =	vst v13;
	v13 =	vand.u32 $0x3FFF, v17  }
0x22c: {  	[tilespmem:$0x3320] =	vst v13;
	v13 =	vand.u32 $0x3FFF, v18  }
0x22d: {  	[tilespmem:$0x33A0] =	vst v13;
	v13 =	vand.u32 $0x3FFF, v14  }
0x22e: {  	[tilespmem:$0x3330] =	vst v13;
	v13 =	vand.u32 $0x3FFF, v15  }
0x22f: {  	s7 =	simm.s32 $0x0;
	[tilespmem:$0x33B0] =	vst v13  }
0x230: {  	[tilespmem:s21], [sflag:$0x1] =	stream.indirect.gather [hbm4b:s4+s19], $0x80, s20, s19, $0xb8;
	[tilespmem:$0x15400] =	vst v63  }
0x231: {  	v13 =	vmov s7  }
0x232: {  	[tilespmem:s23], [sflag:$0x2] =	stream.indirect.gather [hbm4b:s4+s19], $0x80, s22, s19, $0xb8;
	[tilespmem:$0x15400] =	vst v63  }
0x233: {  	_ =	swait.ge [sflag:s24], $0x2000  }
0x234: {  	[sflag:s24] =	ssyncset.done $0x0  }
0x235: {  	[sflag:s24] =	ssyncadd.s32 $0xFFFFE000  }
0x236: {  	v13 =	vld.idx.msk [tilespmem:v13+s18+$0x0], $0xffff;
	_ =	sdelay $0x4  }
0x237: {  	v13 =	vshrl.u32 v13, $0xE  }
0x238: {  	v13 =	vsub.s32 v13, v2  }
0x239: {  	v13 =	vshll.u32 v13, $0x7  }
0x23a: {  	v14 =	vor.u32 v3, v13;
	_ =	sdelay $0x2  }
0x23b: {  	s7 =	simm.s32 $0x3440  }
0x23c: {  	v16 =	vld [tilespmem:s7+$0xFFFFFFC0]  }
0x23d: {  	v15 =	vld.idx.msk [tilespmem:v14+s25+$0x0], $0xffff;
	_ =	sdelay $0x1  }
0x23e: {  	v17 =	vor.u32 v6, v13;
	_ =	sdelay $0x2  }
0x23f: {  	v15 =	vmax.f32 v15, v16  }
0x240: {  	[tilespmem:v14+s25+$0x0] =	vst.idx.msk $0xffff, v15  }
0x241: {  	v14 =	vld.idx.msk [tilespmem:v17+s25+$0x0], $0xffff  }
0x242: {  	v15 =	vld [tilespmem:s7+$0xFFFFFFD0];
	_ =	sdelay $0x1  }
0x243: {  	v16 =	vor.u32 v7, v13;
	_ =	sdelay $0x2  }
0x244: {  	v14 =	vmax.f32 v14, v15  }
0x245: {  	[tilespmem:v17+s25+$0x0] =	vst.idx.msk $0xffff, v14  }
0x246: {  	v14 =	vld.idx.msk [tilespmem:v16+s25+$0x0], $0xffff  }
0x247: {  	v15 =	vld [tilespmem:s7+$0xFFFFFFE0];
	_ =	sdelay $0x1  }
0x248: {  	v17 =	vor.u32 v8, v13;
	_ =	sdelay $0x2  }
0x249: {  	v14 =	vmax.f32 v14, v15  }
0x24a: {  	[tilespmem:v16+s25+$0x0] =	vst.idx.msk $0xffff, v14  }
0x24b: {  	v14 =	vld.idx.msk [tilespmem:v17+s25+$0x0], $0xffff  }
0x24c: {  	v15 =	vld [tilespmem:s7+$0xFFFFFFF0];
	_ =	sdelay $0x1  }
0x24d: {  	v16 =	vor.u32 v9, v13;
	_ =	sdelay $0x2  }
0x24e: {  	v14 =	vmax.f32 v14, v15  }
0x24f: {  	[tilespmem:v17+s25+$0x0] =	vst.idx.msk $0xffff, v14  }
0x250: {  	v14 =	vld.idx.msk [tilespmem:v16+s25+$0x0], $0xffff  }
0x251: {  	v15 =	vld [tilespmem:s7+$0x0];
	_ =	sdelay $0x1  }
0x252: {  	v17 =	vor.u32 v10, v13;
	_ =	sdelay $0x2  }
0x253: {  	v14 =	vmax.f32 v14, v15  }
0x254: {  	[tilespmem:v16+s25+$0x0] =	vst.idx.msk $0xffff, v14  }
0x255: {  	v14 =	vld.idx.msk [tilespmem:v17+s25+$0x0], $0xffff  }
0x256: {  	v15 =	vld [tilespmem:s7+$0x10];
	_ =	sdelay $0x1  }
0x257: {  	v16 =	vor.u32 v11, v13;
	_ =	sdelay $0x2  }
0x258: {  	v14 =	vmax.f32 v14, v15  }
0x259: {  	[tilespmem:v17+s25+$0x0] =	vst.idx.msk $0xffff, v14  }
0x25a: {  	v14 =	vld.idx.msk [tilespmem:v16+s25+$0x0], $0xffff  }
0x25b: {  	v15 =	vld [tilespmem:s7+$0x20];
	_ =	sdelay $0x1  }
0x25c: {  	v13 =	vor.u32 v12, v13;
	_ =	sdelay $0x2  }
0x25d: {  	v14 =	vmax.f32 v14, v15  }
0x25e: {  	[tilespmem:v16+s25+$0x0] =	vst.idx.msk $0xffff, v14  }
0x25f: {  	v15 =	vld.idx.msk [tilespmem:v13+s25+$0x0], $0xffff  }
0x260: {  	v16 =	vld [tilespmem:s7+$0x30];
	_ =	sdelay $0x1  }
0x261: {  	s9 =	simm.s32 $0x1  }
0x262: {  	v14 =	vmov s9;
	_ =	sdelay $0x1  }
0x263: {  	s8 =	simm.s32 $0x2;
	v15 =	vmax.f32 v15, v16  }
.LBB2_15:
0x264: {  	p0 =	sne.s32 s8, $0x3F  }
0x265: {  	[tilespmem:v13+s25+$0x0] =	vst.idx.msk $0xffff, v15;
	s7 =	sadd.s32 $0x80, s7;
	s9 =	smov.u32 s8;
	s8 =	sadd.s32 $0x1, s8  }
0x266: {  	v13 =	vld.idx.msk [tilespmem:v14+s18+$0x0], $0xffff;
	_ =	sdelay $0x5  }
0x267: {  	v13 =	vshrl.u32 v13, $0xE  }
0x268: {  	v13 =	vsub.s32 v13, v2  }
0x269: {  	v13 =	vshll.u32 v13, $0x7  }
0x26a: {  	v14 =	vor.u32 v3, v13;
	_ =	sdelay $0x4  }
0x26b: {  	v15 =	vld.idx.msk [tilespmem:v14+s25+$0x0], $0xffff  }
0x26c: {  	v16 =	vld [tilespmem:s7+$0xFFFFFFC0];
	_ =	sdelay $0x1  }
0x26d: {  	v17 =	vor.u32 v6, v13;
	_ =	sdelay $0x2  }
0x26e: {  	v15 =	vmax.f32 v15, v16  }
0x26f: {  	[tilespmem:v14+s25+$0x0] =	vst.idx.msk $0xffff, v15  }
0x270: {  	v14 =	vld.idx.msk [tilespmem:v17+s25+$0x0], $0xffff  }
0x271: {  	v15 =	vld [tilespmem:s7+$0xFFFFFFD0];
	_ =	sdelay $0x1  }
0x272: {  	v16 =	vor.u32 v7, v13;
	_ =	sdelay $0x2  }
0x273: {  	v14 =	vmax.f32 v14, v15  }
0x274: {  	[tilespmem:v17+s25+$0x0] =	vst.idx.msk $0xffff, v14  }
0x275: {  	v14 =	vld.idx.msk [tilespmem:v16+s25+$0x0], $0xffff  }
0x276: {  	v15 =	vld [tilespmem:s7+$0xFFFFFFE0];
	_ =	sdelay $0x1  }
0x277: {  	v17 =	vor.u32 v8, v13;
	_ =	sdelay $0x2  }
0x278: {  	v14 =	vmax.f32 v14, v15  }
0x279: {  	[tilespmem:v16+s25+$0x0] =	vst.idx.msk $0xffff, v14  }
0x27a: {  	v14 =	vld.idx.msk [tilespmem:v17+s25+$0x0], $0xffff  }
0x27b: {  	v15 =	vld [tilespmem:s7+$0xFFFFFFF0];
	_ =	sdelay $0x1  }
0x27c: {  	v16 =	vor.u32 v9, v13;
	_ =	sdelay $0x2  }
0x27d: {  	v14 =	vmax.f32 v14, v15  }
0x27e: {  	[tilespmem:v17+s25+$0x0] =	vst.idx.msk $0xffff, v14  }
0x27f: {  	v14 =	vld.idx.msk [tilespmem:v16+s25+$0x0], $0xffff  }
0x280: {  	v15 =	vld [tilespmem:s7+$0x0];
	_ =	sdelay $0x1  }
0x281: {  	v17 =	vor.u32 v10, v13;
	_ =	sdelay $0x2  }
0x282: {  	v14 =	vmax.f32 v14, v15  }
0x283: {  	[tilespmem:v16+s25+$0x0] =	vst.idx.msk $0xffff, v14  }
0x284: {  	v14 =	vld.idx.msk [tilespmem:v17+s25+$0x0], $0xffff  }
0x285: {  	v15 =	vld [tilespmem:s7+$0x10];
	_ =	sdelay $0x1  }
0x286: {  	v16 =	vor.u32 v11, v13;
	_ =	sdelay $0x2  }
0x287: {  	v14 =	vmax.f32 v14, v15  }
0x288: {  	[tilespmem:v17+s25+$0x0] =	vst.idx.msk $0xffff, v14  }
0x289: {  	v14 =	vld.idx.msk [tilespmem:v16+s25+$0x0], $0xffff  }
0x28a: {  	v15 =	vld [tilespmem:s7+$0x20];
	_ =	sdelay $0x1  }
0x28b: {  	v13 =	vor.u32 v12, v13;
	_ =	sdelay $0x2  }
0x28c: {  	v14 =	vmax.f32 v14, v15  }
0x28d: {  	[tilespmem:v16+s25+$0x0] =	vst.idx.msk $0xffff, v14  }
0x28e: {  	v15 =	vld.idx.msk [tilespmem:v13+s25+$0x0], $0xffff  }
0x28f: {  	v16 =	vld [tilespmem:s7+$0x30]  }
.Ltmp12:
0x290: {  	(pc) =	sbr.rel @p0 .LBB2_15-.Ltmp12, $2  }
0x291: {  	v14 =	vmov s9;
	_ =	sdelay $0x2  }
0x292: {  	v15 =	vmax.f32 v15, v16  }
0x293: {  	_ =	sdelay $0x3  }
0x294: {  	[tilespmem:v13+s25+$0x0] =	vst.idx.msk $0xffff, v15  }
0x295: {  	v13 =	vld.idx.msk [tilespmem:v14+s18+$0x0], $0xffff;
	_ =	sdelay $0x4  }
0x296: {  	v13 =	vshrl.u32 v13, $0xE  }
0x297: {  	v13 =	vsub.s32 v13, v2  }
0x298: {  	v13 =	vshll.u32 v13, $0x7  }
0x299: {  	v14 =	vor.u32 v3, v13;
	_ =	sdelay $0x2  }
0x29a: {  	s7 =	sadd.s32 $0x80, s7  }
0x29b: {  	v16 =	vld [tilespmem:s7+$0xFFFFFFC0]  }
0x29c: {  	v15 =	vld.idx.msk [tilespmem:v14+s25+$0x0], $0xffff;
	_ =	sdelay $0x1  }
0x29d: {  	v17 =	vor.u32 v6, v13;
	_ =	sdelay $0x2  }
0x29e: {  	v15 =	vmax.f32 v15, v16  }
0x29f: {  	[tilespmem:v14+s25+$0x0] =	vst.idx.msk $0xffff, v15  }
0x2a0: {  	v14 =	vld.idx.msk [tilespmem:v17+s25+$0x0], $0xffff  }
0x2a1: {  	v15 =	vld [tilespmem:s7+$0xFFFFFFD0];
	_ =	sdelay $0x1  }
0x2a2: {  	v16 =	vor.u32 v7, v13;
	_ =	sdelay $0x2  }
0x2a3: {  	v14 =	vmax.f32 v14, v15  }
0x2a4: {  	[tilespmem:v17+s25+$0x0] =	vst.idx.msk $0xffff, v14  }
0x2a5: {  	v14 =	vld.idx.msk [tilespmem:v16+s25+$0x0], $0xffff  }
0x2a6: {  	v15 =	vld [tilespmem:s7+$0xFFFFFFE0];
	_ =	sdelay $0x1  }
0x2a7: {  	v17 =	vor.u32 v8, v13;
	_ =	sdelay $0x2  }
0x2a8: {  	v14 =	vmax.f32 v14, v15  }
0x2a9: {  	[tilespmem:v16+s25+$0x0] =	vst.idx.msk $0xffff, v14  }
0x2aa: {  	v14 =	vld.idx.msk [tilespmem:v17+s25+$0x0], $0xffff  }
0x2ab: {  	v15 =	vld [tilespmem:s7+$0xFFFFFFF0];
	_ =	sdelay $0x1  }
0x2ac: {  	v16 =	vor.u32 v9, v13;
	_ =	sdelay $0x2  }
0x2ad: {  	v14 =	vmax.f32 v14, v15  }
0x2ae: {  	[tilespmem:v17+s25+$0x0] =	vst.idx.msk $0xffff, v14  }
0x2af: {  	v14 =	vld.idx.msk [tilespmem:v16+s25+$0x0], $0xffff  }
0x2b0: {  	v15 =	vld [tilespmem:s7+$0x0];
	_ =	sdelay $0x1  }
0x2b1: {  	v17 =	vor.u32 v10, v13;
	_ =	sdelay $0x2  }
0x2b2: {  	v14 =	vmax.f32 v14, v15  }
0x2b3: {  	[tilespmem:v16+s25+$0x0] =	vst.idx.msk $0xffff, v14  }
0x2b4: {  	v14 =	vld.idx.msk [tilespmem:v17+s25+$0x0], $0xffff  }
0x2b5: {  	v15 =	vld [tilespmem:s7+$0x10];
	_ =	sdelay $0x1  }
0x2b6: {  	v16 =	vor.u32 v11, v13;
	_ =	sdelay $0x2  }
0x2b7: {  	v14 =	vmax.f32 v14, v15  }
0x2b8: {  	[tilespmem:v17+s25+$0x0] =	vst.idx.msk $0xffff, v14  }
0x2b9: {  	v14 =	vld.idx.msk [tilespmem:v16+s25+$0x0], $0xffff  }
0x2ba: {  	v15 =	vld [tilespmem:s7+$0x20];
	_ =	sdelay $0x1  }
0x2bb: {  	v13 =	vor.u32 v12, v13;
	_ =	sdelay $0x2  }
0x2bc: {  	v14 =	vmax.f32 v14, v15  }
0x2bd: {  	[tilespmem:v16+s25+$0x0] =	vst.idx.msk $0xffff, v14  }
0x2be: {  	v14 =	vld.idx.msk [tilespmem:v13+s25+$0x0], $0xffff  }
0x2bf: {  	v15 =	vld [tilespmem:s7+$0x30];
	_ =	sdelay $0x3  }
0x2c0: {  	s10 =	simm.s32 $0x40  }
0x2c1: {  	v14 =	vmax.f32 v14, v15;
	v15 =	vmov s10  }
0x2c2: {  	[tilespmem:v13+s25+$0x0] =	vst.idx.msk $0xffff, v14  }
0x2c3: {  	_ =	swait.ge [sflag:s26], $0x2000  }
0x2c4: {  	[sflag:s26] =	ssyncset.done $0x0  }
0x2c5: {  	[sflag:s26] =	ssyncadd.s32 $0xFFFFE000  }
0x2c6: {  	v13 =	vld.idx.msk [tilespmem:v15+s18+$0x0], $0xffff;
	_ =	sdelay $0x4  }
0x2c7: {  	v13 =	vshrl.u32 v13, $0xE  }
0x2c8: {  	v13 =	vsub.s32 v13, v2  }
0x2c9: {  	v13 =	vshll.u32 v13, $0x7  }
0x2ca: {  	v14 =	vor.u32 v3, v13;
	_ =	sdelay $0x2  }
0x2cb: {  	s7 =	simm.s32 $0x5470  }
0x2cc: {  	v16 =	vld [tilespmem:s7+$0xFFFFFF90]  }
0x2cd: {  	v15 =	vld.idx.msk [tilespmem:v14+s25+$0x0], $0xffff;
	_ =	sdelay $0x1  }
0x2ce: {  	v17 =	vor.u32 v6, v13;
	_ =	sdelay $0x2  }
0x2cf: {  	v15 =	vmax.f32 v15, v16  }
0x2d0: {  	[tilespmem:v14+s25+$0x0] =	vst.idx.msk $0xffff, v15  }
0x2d1: {  	v14 =	vld.idx.msk [tilespmem:v17+s25+$0x0], $0xffff  }
0x2d2: {  	v15 =	vld [tilespmem:s7+$0xFFFFFFA0];
	_ =	sdelay $0x1  }
0x2d3: {  	v16 =	vor.u32 v7, v13;
	_ =	sdelay $0x2  }
0x2d4: {  	v14 =	vmax.f32 v14, v15  }
0x2d5: {  	[tilespmem:v17+s25+$0x0] =	vst.idx.msk $0xffff, v14  }
0x2d6: {  	v14 =	vld.idx.msk [tilespmem:v16+s25+$0x0], $0xffff  }
0x2d7: {  	v15 =	vld [tilespmem:s7+$0xFFFFFFB0];
	_ =	sdelay $0x1  }
0x2d8: {  	v17 =	vor.u32 v8, v13;
	_ =	sdelay $0x2  }
0x2d9: {  	v14 =	vmax.f32 v14, v15  }
0x2da: {  	[tilespmem:v16+s25+$0x0] =	vst.idx.msk $0xffff, v14  }
0x2db: {  	v14 =	vld.idx.msk [tilespmem:v17+s25+$0x0], $0xffff  }
0x2dc: {  	v15 =	vld [tilespmem:s7+$0xFFFFFFC0];
	_ =	sdelay $0x1  }
0x2dd: {  	v16 =	vor.u32 v9, v13;
	_ =	sdelay $0x2  }
0x2de: {  	v14 =	vmax.f32 v14, v15  }
0x2df: {  	[tilespmem:v17+s25+$0x0] =	vst.idx.msk $0xffff, v14  }
0x2e0: {  	v14 =	vld.idx.msk [tilespmem:v16+s25+$0x0], $0xffff  }
0x2e1: {  	v15 =	vld [tilespmem:s7+$0xFFFFFFD0];
	_ =	sdelay $0x1  }
0x2e2: {  	v17 =	vor.u32 v10, v13;
	_ =	sdelay $0x2  }
0x2e3: {  	v14 =	vmax.f32 v14, v15  }
0x2e4: {  	[tilespmem:v16+s25+$0x0] =	vst.idx.msk $0xffff, v14  }
0x2e5: {  	v14 =	vld.idx.msk [tilespmem:v17+s25+$0x0], $0xffff  }
0x2e6: {  	v15 =	vld [tilespmem:s7+$0xFFFFFFE0];
	_ =	sdelay $0x1  }
0x2e7: {  	v16 =	vor.u32 v11, v13;
	_ =	sdelay $0x2  }
0x2e8: {  	v14 =	vmax.f32 v14, v15  }
0x2e9: {  	[tilespmem:v17+s25+$0x0] =	vst.idx.msk $0xffff, v14  }
0x2ea: {  	v14 =	vld.idx.msk [tilespmem:v16+s25+$0x0], $0xffff  }
0x2eb: {  	v15 =	vld [tilespmem:s7+$0xFFFFFFF0];
	_ =	sdelay $0x1  }
0x2ec: {  	v13 =	vor.u32 v12, v13;
	_ =	sdelay $0x2  }
0x2ed: {  	v14 =	vmax.f32 v14, v15  }
0x2ee: {  	[tilespmem:v16+s25+$0x0] =	vst.idx.msk $0xffff, v14  }
0x2ef: {  	v15 =	vld.idx.msk [tilespmem:v13+s25+$0x0], $0xffff  }
0x2f0: {  	v16 =	vld [tilespmem:s7+$0x0];
	_ =	sdelay $0x1  }
0x2f1: {  	s9 =	simm.s32 $0x41  }
0x2f2: {  	v14 =	vmov s9;
	_ =	sdelay $0x1  }
0x2f3: {  	s8 =	simm.s32 $0x42;
	v15 =	vmax.f32 v15, v16  }
.LBB2_17:
0x2f4: {  	p0 =	sne.s32 s8, $0x7F  }
0x2f5: {  	[tilespmem:v13+s25+$0x0] =	vst.idx.msk $0xffff, v15;
	s7 =	sadd.s32 $0x80, s7;
	s9 =	smov.u32 s8;
	s8 =	sadd.s32 $0x1, s8  }
0x2f6: {  	v13 =	vld.idx.msk [tilespmem:v14+s18+$0x0], $0xffff;
	_ =	sdelay $0x5  }
0x2f7: {  	v13 =	vshrl.u32 v13, $0xE  }
0x2f8: {  	v13 =	vsub.s32 v13, v2  }
0x2f9: {  	v13 =	vshll.u32 v13, $0x7  }
0x2fa: {  	v14 =	vor.u32 v3, v13;
	_ =	sdelay $0x4  }
0x2fb: {  	v15 =	vld.idx.msk [tilespmem:v14+s25+$0x0], $0xffff  }
0x2fc: {  	v16 =	vld [tilespmem:s7+$0xFFFFFF90];
	_ =	sdelay $0x1  }
0x2fd: {  	v17 =	vor.u32 v6, v13;
	_ =	sdelay $0x2  }
0x2fe: {  	v15 =	vmax.f32 v15, v16  }
0x2ff: {  	[tilespmem:v14+s25+$0x0] =	vst.idx.msk $0xffff, v15  }
0x300: {  	v14 =	vld.idx.msk [tilespmem:v17+s25+$0x0], $0xffff  }
0x301: {  	v15 =	vld [tilespmem:s7+$0xFFFFFFA0];
	_ =	sdelay $0x1  }
0x302: {  	v16 =	vor.u32 v7, v13;
	_ =	sdelay $0x2  }
0x303: {  	v14 =	vmax.f32 v14, v15  }
0x304: {  	[tilespmem:v17+s25+$0x0] =	vst.idx.msk $0xffff, v14  }
0x305: {  	v14 =	vld.idx.msk [tilespmem:v16+s25+$0x0], $0xffff  }
0x306: {  	v15 =	vld [tilespmem:s7+$0xFFFFFFB0];
	_ =	sdelay $0x1  }
0x307: {  	v17 =	vor.u32 v8, v13;
	_ =	sdelay $0x2  }
0x308: {  	v14 =	vmax.f32 v14, v15  }
0x309: {  	[tilespmem:v16+s25+$0x0] =	vst.idx.msk $0xffff, v14  }
0x30a: {  	v14 =	vld.idx.msk [tilespmem:v17+s25+$0x0], $0xffff  }
0x30b: {  	v15 =	vld [tilespmem:s7+$0xFFFFFFC0];
	_ =	sdelay $0x1  }
0x30c: {  	v16 =	vor.u32 v9, v13;
	_ =	sdelay $0x2  }
0x30d: {  	v14 =	vmax.f32 v14, v15  }
0x30e: {  	[tilespmem:v17+s25+$0x0] =	vst.idx.msk $0xffff, v14  }
0x30f: {  	v14 =	vld.idx.msk [tilespmem:v16+s25+$0x0], $0xffff  }
0x310: {  	v15 =	vld [tilespmem:s7+$0xFFFFFFD0];
	_ =	sdelay $0x1  }
0x311: {  	v17 =	vor.u32 v10, v13;
	_ =	sdelay $0x2  }
0x312: {  	v14 =	vmax.f32 v14, v15  }
0x313: {  	[tilespmem:v16+s25+$0x0] =	vst.idx.msk $0xffff, v14  }
0x314: {  	v14 =	vld.idx.msk [tilespmem:v17+s25+$0x0], $0xffff  }
0x315: {  	v15 =	vld [tilespmem:s7+$0xFFFFFFE0];
	_ =	sdelay $0x1  }
0x316: {  	v16 =	vor.u32 v11, v13;
	_ =	sdelay $0x2  }
0x317: {  	v14 =	vmax.f32 v14, v15  }
0x318: {  	[tilespmem:v17+s25+$0x0] =	vst.idx.msk $0xffff, v14  }
0x319: {  	v14 =	vld.idx.msk [tilespmem:v16+s25+$0x0], $0xffff  }
0x31a: {  	v15 =	vld [tilespmem:s7+$0xFFFFFFF0];
	_ =	sdelay $0x1  }
0x31b: {  	v13 =	vor.u32 v12, v13;
	_ =	sdelay $0x2  }
0x31c: {  	v14 =	vmax.f32 v14, v15  }
0x31d: {  	[tilespmem:v16+s25+$0x0] =	vst.idx.msk $0xffff, v14  }
0x31e: {  	v15 =	vld.idx.msk [tilespmem:v13+s25+$0x0], $0xffff  }
0x31f: {  	v16 =	vld [tilespmem:s7+$0x0]  }
.Ltmp13:
0x320: {  	(pc) =	sbr.rel @p0 .LBB2_17-.Ltmp13, $2  }
0x321: {  	v14 =	vmov s9;
	_ =	sdelay $0x2  }
0x322: {  	v15 =	vmax.f32 v15, v16  }
.Ltmp14:
0x323: {  	_ = 	snop;
	(pc) =	sbr.rel .LBB2_18-.Ltmp14, $1  }
0x324: {  	_ =	sdelay $0x3  }
.LBB2_21:
0x325: {  	v13 =	vld [tilespmem:$0x3200]  }
0x326: {  	v14 =	vld [tilespmem:$0x3240]  }
0x327: {  	v15 =	vld [tilespmem:$0x3210]  }
0x328: {  	v16 =	vld [tilespmem:$0x3250]  }
0x329: {  	v17 =	vld [tilespmem:$0x3220]  }
0x32a: {  	v18 =	vld [tilespmem:$0x3260];
	v13 =	vand.u32 $0x3FFF, v13  }
0x32b: {  	[tilespmem:$0x3300] =	vst v13;
	v13 =	vand.u32 $0x3FFF, v14;
	v14 =	vld [tilespmem:$0x3230]  }
0x32c: {  	[tilespmem:$0x3380] =	vst v13;
	v13 =	vand.u32 $0x3FFF, v15;
	v15 =	vld [tilespmem:$0x3270]  }
0x32d: {  	[tilespmem:$0x3310] =	vst v13;
	v13 =	vand.u32 $0x3FFF, v16  }
0x32e: {  	[tilespmem:$0x3390] =	vst v13;
	v13 =	vand.u32 $0x3FFF, v17  }
0x32f: {  	[tilespmem:$0x3320] =	vst v13;
	v13 =	vand.u32 $0x3FFF, v18  }
0x330: {  	[tilespmem:$0x33A0] =	vst v13;
	v13 =	vand.u32 $0x3FFF, v14  }
0x331: {  	[tilespmem:$0x3330] =	vst v13;
	v13 =	vand.u32 $0x3FFF, v15  }
0x332: {  	p0 =	slt.s32 s1, $0x1;
	[tilespmem:$0x33B0] =	vst v13  }
0x333: {  	[tilespmem:s21], [sflag:$0x1] =	stream.indirect.gather [hbm4b:s4+s19], $0x80, s20, s19, $0xb8;
	[tilespmem:$0x15400] =	vst v63  }
.Ltmp15:
0x334: {  	_ = 	snop;
	(pc) =	sbr.rel @p0 .LBB2_28-.Ltmp15, $4  }
0x335: {  	[tilespmem:s23], [sflag:$0x2] =	stream.indirect.gather [hbm4b:s4+s19], $0x80, s22, s19, $0xb8;
	[tilespmem:$0x15400] =	vst v63  }
0x336: {  	_ =	swait.ge [sflag:s24], $0x2000  }
0x337: {  	[sflag:s24] =	ssyncset.done $0x0  }
0x338: {  	[sflag:s24] =	ssyncadd.s32 $0xFFFFE000  }
0x339: {  	p0 =	slt.s32 s1, $0x40;
	s5 =	smov.u32 s1  }
0x33a: {  	s5 =	simm.s32 @!p0 $0x40  }
0x33b: {  	p1 =	sne.s32 s5, $0x1  }
.Ltmp16:
0x33c: {  	_ = 	snop;
	(pc) =	sbr.rel @!p1 .LBB2_23-.Ltmp16, $3  }
0x33d: {  	_ =	sdelay $0x1  }
0x33e: {  	s7 =	simm.s32 $0x0  }
0x33f: {  	s3 =	simm.s32 $0x3440;
	s6 =	simm.s32 $0x1;
	v14 =	vmov s7;
	p0 =	por $0x0, $0x0  }
0x340: {  	_ =	sdelay $0x3  }
0x341: {  	v13 =	vld.idx.msk [tilespmem:v14+s18+$0x0], $0xffff;
	_ =	sdelay $0x4  }
0x342: {  	v13 =	vshrl.u32 v13, $0xE  }
0x343: {  	v13 =	vsub.s32 v13, v2  }
0x344: {  	v13 =	vshll.u32 v13, $0x7  }
0x345: {  	v14 =	vor.u32 v3, v13;
	_ =	sdelay $0x3  }
0x346: {  	v16 =	vld [tilespmem:s3+$0xFFFFFFC0]  }
0x347: {  	v15 =	vld.idx.msk [tilespmem:v14+s25+$0x0], $0xffff;
	_ =	sdelay $0x1  }
0x348: {  	v17 =	vor.u32 v6, v13;
	_ =	sdelay $0x2  }
0x349: {  	v15 =	vmax.f32 v15, v16  }
0x34a: {  	[tilespmem:v14+s25+$0x0] =	vst.idx.msk $0xffff, v15  }
0x34b: {  	v14 =	vld.idx.msk [tilespmem:v17+s25+$0x0], $0xffff  }
0x34c: {  	v15 =	vld [tilespmem:s3+$0xFFFFFFD0];
	_ =	sdelay $0x1  }
0x34d: {  	v16 =	vor.u32 v7, v13;
	_ =	sdelay $0x2  }
0x34e: {  	v14 =	vmax.f32 v14, v15  }
0x34f: {  	[tilespmem:v17+s25+$0x0] =	vst.idx.msk $0xffff, v14  }
0x350: {  	v14 =	vld.idx.msk [tilespmem:v16+s25+$0x0], $0xffff  }
0x351: {  	v15 =	vld [tilespmem:s3+$0xFFFFFFE0];
	_ =	sdelay $0x1  }
0x352: {  	v17 =	vor.u32 v8, v13;
	_ =	sdelay $0x2  }
0x353: {  	v14 =	vmax.f32 v14, v15  }
0x354: {  	[tilespmem:v16+s25+$0x0] =	vst.idx.msk $0xffff, v14  }
0x355: {  	v14 =	vld.idx.msk [tilespmem:v17+s25+$0x0], $0xffff  }
0x356: {  	v15 =	vld [tilespmem:s3+$0xFFFFFFF0];
	_ =	sdelay $0x1  }
0x357: {  	v16 =	vor.u32 v9, v13;
	_ =	sdelay $0x2  }
0x358: {  	v14 =	vmax.f32 v14, v15  }
0x359: {  	[tilespmem:v17+s25+$0x0] =	vst.idx.msk $0xffff, v14  }
0x35a: {  	v14 =	vld.idx.msk [tilespmem:v16+s25+$0x0], $0xffff  }
0x35b: {  	v15 =	vld [tilespmem:s3+$0x0];
	_ =	sdelay $0x1  }
0x35c: {  	v17 =	vor.u32 v10, v13;
	_ =	sdelay $0x2  }
0x35d: {  	v14 =	vmax.f32 v14, v15  }
0x35e: {  	[tilespmem:v16+s25+$0x0] =	vst.idx.msk $0xffff, v14  }
0x35f: {  	v14 =	vld.idx.msk [tilespmem:v17+s25+$0x0], $0xffff  }
0x360: {  	v15 =	vld [tilespmem:s3+$0x10];
	_ =	sdelay $0x1  }
0x361: {  	v16 =	vor.u32 v11, v13;
	_ =	sdelay $0x2  }
0x362: {  	v14 =	vmax.f32 v14, v15  }
0x363: {  	[tilespmem:v17+s25+$0x0] =	vst.idx.msk $0xffff, v14  }
0x364: {  	v14 =	vld.idx.msk [tilespmem:v16+s25+$0x0], $0xffff  }
0x365: {  	v15 =	vld [tilespmem:s3+$0x20];
	_ =	sdelay $0x1  }
0x366: {  	v13 =	vor.u32 v12, v13;
	_ =	sdelay $0x2  }
0x367: {  	v14 =	vmax.f32 v14, v15  }
0x368: {  	[tilespmem:v16+s25+$0x0] =	vst.idx.msk $0xffff, v14  }
0x369: {  	v15 =	vld.idx.msk [tilespmem:v13+s25+$0x0], $0xffff  }
0x36a: {  	p1 =	sne.s32 s5, $0x2;
	v16 =	vld [tilespmem:s3+$0x30]  }
.Ltmp17:
0x36b: {  	_ = 	snop;
	(pc) =	sbr.rel @!p1 .LBB2_25-.Ltmp17, $2  }
0x36c: {  	v14 =	vmov s6;
	_ =	sdelay $0x2  }
0x36d: {  	s7 =	simm.s32 $0x2;
	p0 =	por $0x1, $0x1;
	s6 =	simm.s32 $0x3440;
	v15 =	vmax.f32 v15, v16  }
.LBB2_26:
0x36e: {  	[tilespmem:v13+s25+$0x0] =	vst.idx.msk $0xffff, v15;
	s6 =	sadd.s32 $0x80, s6;
	s8 =	smov.u32 s7;
	s7 =	sadd.s32 $0x1, s7  }
0x36f: {  	p1 =	sne.s32 s5, s7;
	v13 =	vld.idx.msk [tilespmem:v14+s18+$0x0], $0xffff;
	_ =	sdelay $0x5  }
0x370: {  	v13 =	vshrl.u32 v13, $0xE  }
0x371: {  	v13 =	vsub.s32 v13, v2  }
0x372: {  	v13 =	vshll.u32 v13, $0x7  }
0x373: {  	v14 =	vor.u32 v3, v13;
	_ =	sdelay $0x4  }
0x374: {  	v15 =	vld.idx.msk [tilespmem:v14+s25+$0x0], $0xffff  }
0x375: {  	v16 =	vld [tilespmem:s6+$0xFFFFFFC0];
	_ =	sdelay $0x1  }
0x376: {  	v17 =	vor.u32 v6, v13;
	_ =	sdelay $0x2  }
0x377: {  	v15 =	vmax.f32 v15, v16  }
0x378: {  	[tilespmem:v14+s25+$0x0] =	vst.idx.msk $0xffff, v15  }
0x379: {  	v14 =	vld.idx.msk [tilespmem:v17+s25+$0x0], $0xffff  }
0x37a: {  	v15 =	vld [tilespmem:s6+$0xFFFFFFD0];
	_ =	sdelay $0x1  }
0x37b: {  	v16 =	vor.u32 v7, v13;
	_ =	sdelay $0x2  }
0x37c: {  	v14 =	vmax.f32 v14, v15  }
0x37d: {  	[tilespmem:v17+s25+$0x0] =	vst.idx.msk $0xffff, v14  }
0x37e: {  	v14 =	vld.idx.msk [tilespmem:v16+s25+$0x0], $0xffff  }
0x37f: {  	v15 =	vld [tilespmem:s6+$0xFFFFFFE0];
	_ =	sdelay $0x1  }
0x380: {  	v17 =	vor.u32 v8, v13;
	_ =	sdelay $0x2  }
0x381: {  	v14 =	vmax.f32 v14, v15  }
0x382: {  	[tilespmem:v16+s25+$0x0] =	vst.idx.msk $0xffff, v14  }
0x383: {  	v14 =	vld.idx.msk [tilespmem:v17+s25+$0x0], $0xffff  }
0x384: {  	v15 =	vld [tilespmem:s6+$0xFFFFFFF0];
	_ =	sdelay $0x1  }
0x385: {  	v16 =	vor.u32 v9, v13;
	_ =	sdelay $0x2  }
0x386: {  	v14 =	vmax.f32 v14, v15  }
0x387: {  	[tilespmem:v17+s25+$0x0] =	vst.idx.msk $0xffff, v14  }
0x388: {  	v14 =	vld.idx.msk [tilespmem:v16+s25+$0x0], $0xffff  }
0x389: {  	v15 =	vld [tilespmem:s6+$0x0];
	_ =	sdelay $0x1  }
0x38a: {  	v17 =	vor.u32 v10, v13;
	_ =	sdelay $0x2  }
0x38b: {  	v14 =	vmax.f32 v14, v15  }
0x38c: {  	[tilespmem:v16+s25+$0x0] =	vst.idx.msk $0xffff, v14  }
0x38d: {  	v14 =	vld.idx.msk [tilespmem:v17+s25+$0x0], $0xffff  }
0x38e: {  	v15 =	vld [tilespmem:s6+$0x10];
	_ =	sdelay $0x1  }
0x38f: {  	v16 =	vor.u32 v11, v13;
	_ =	sdelay $0x2  }
0x390: {  	v14 =	vmax.f32 v14, v15  }
0x391: {  	[tilespmem:v17+s25+$0x0] =	vst.idx.msk $0xffff, v14  }
0x392: {  	v14 =	vld.idx.msk [tilespmem:v16+s25+$0x0], $0xffff  }
0x393: {  	v15 =	vld [tilespmem:s6+$0x20];
	_ =	sdelay $0x1  }
0x394: {  	v13 =	vor.u32 v12, v13;
	_ =	sdelay $0x2  }
0x395: {  	v14 =	vmax.f32 v14, v15  }
0x396: {  	[tilespmem:v16+s25+$0x0] =	vst.idx.msk $0xffff, v14  }
0x397: {  	v15 =	vld.idx.msk [tilespmem:v13+s25+$0x0], $0xffff  }
0x398: {  	v16 =	vld [tilespmem:s6+$0x30]  }
.Ltmp18:
0x399: {  	(pc) =	sbr.rel @p1 .LBB2_26-.Ltmp18, $2  }
0x39a: {  	v14 =	vmov s8;
	_ =	sdelay $0x2  }
0x39b: {  	v15 =	vmax.f32 v15, v16  }
.LBB2_27:
0x39c: {  	_ =	sdelay $0x3  }
0x39d: {  	[tilespmem:v13+s25+$0x0] =	vst.idx.msk @p0 $0xffff, v15  }
0x39e: {  	v13 =	vld.idx.msk [tilespmem:v14+s18+$0x0], $0xffff;
	_ =	sdelay $0x4  }
0x39f: {  	v13 =	vshrl.u32 v13, $0xE  }
0x3a0: {  	v13 =	vsub.s32 v13, v2  }
0x3a1: {  	v13 =	vshll.u32 v13, $0x7  }
0x3a2: {  	v14 =	vor.u32 v3, v13;
	_ =	sdelay $0x1  }
0x3a3: {  	s5 =	sadd.s32 @p0 $0x80, s6  }
0x3a4: {  	s3 =	smov.u32 @p0 s5  }
0x3a5: {  	v16 =	vld [tilespmem:s3+$0xFFFFFFC0]  }
0x3a6: {  	v15 =	vld.idx.msk [tilespmem:v14+s25+$0x0], $0xffff;
	_ =	sdelay $0x1  }
0x3a7: {  	v17 =	vor.u32 v6, v13;
	_ =	sdelay $0x2  }
0x3a8: {  	v15 =	vmax.f32 v15, v16  }
0x3a9: {  	[tilespmem:v14+s25+$0x0] =	vst.idx.msk $0xffff, v15  }
0x3aa: {  	v14 =	vld.idx.msk [tilespmem:v17+s25+$0x0], $0xffff  }
0x3ab: {  	v15 =	vld [tilespmem:s3+$0xFFFFFFD0];
	_ =	sdelay $0x1  }
0x3ac: {  	v59 =	vor.u32 v7, v13;
	_ =	sdelay $0x2  }
0x3ad: {  	v14 =	vmax.f32 v14, v15  }
0x3ae: {  	[tilespmem:v17+s25+$0x0] =	vst.idx.msk $0xffff, v14  }
0x3af: {  	v14 =	vld.idx.msk [tilespmem:v59+s25+$0x0], $0xffff  }
0x3b0: {  	v15 =	vld [tilespmem:s3+$0xFFFFFFE0];
	_ =	sdelay $0x1  }
0x3b1: {  	v60 =	vor.u32 v8, v13;
	_ =	sdelay $0x2  }
0x3b2: {  	v14 =	vmax.f32 v14, v15  }
0x3b3: {  	[tilespmem:v59+s25+$0x0] =	vst.idx.msk $0xffff, v14  }
0x3b4: {  	v14 =	vld.idx.msk [tilespmem:v60+s25+$0x0], $0xffff  }
0x3b5: {  	v15 =	vld [tilespmem:s3+$0xFFFFFFF0];
	_ =	sdelay $0x1  }
0x3b6: {  	v61 =	vor.u32 v9, v13;
	_ =	sdelay $0x2  }
0x3b7: {  	v14 =	vmax.f32 v14, v15  }
0x3b8: {  	[tilespmem:v60+s25+$0x0] =	vst.idx.msk $0xffff, v14  }
0x3b9: {  	v14 =	vld.idx.msk [tilespmem:v61+s25+$0x0], $0xffff  }
0x3ba: {  	v15 =	vld [tilespmem:s3+$0x0];
	_ =	sdelay $0x1  }
0x3bb: {  	v62 =	vor.u32 v10, v13;
	_ =	sdelay $0x2  }
0x3bc: {  	v14 =	vmax.f32 v14, v15  }
0x3bd: {  	[tilespmem:v61+s25+$0x0] =	vst.idx.msk $0xffff, v14  }
0x3be: {  	v14 =	vld.idx.msk [tilespmem:v62+s25+$0x0], $0xffff  }
0x3bf: {  	v15 =	vld [tilespmem:s3+$0x10];
	_ =	sdelay $0x1  }
0x3c0: {  	v63 =	vor.u32 v11, v13;
	_ =	sdelay $0x2  }
0x3c1: {  	v14 =	vmax.f32 v14, v15  }
0x3c2: {  	[tilespmem:v62+s25+$0x0] =	vst.idx.msk $0xffff, v14  }
0x3c3: {  	v14 =	vld.idx.msk [tilespmem:v63+s25+$0x0], $0xffff  }
0x3c4: {  	v15 =	vld [tilespmem:s3+$0x20];
	_ =	sdelay $0x1  }
0x3c5: {  	v13 =	vor.u32 v12, v13;
	_ =	sdelay $0x2  }
0x3c6: {  	v14 =	vmax.f32 v14, v15  }
0x3c7: {  	[tilespmem:v63+s25+$0x0] =	vst.idx.msk $0xffff, v14  }
0x3c8: {  	v14 =	vld.idx.msk [tilespmem:v13+s25+$0x0], $0xffff  }
0x3c9: {  	v15 =	vld [tilespmem:s3+$0x30];
	_ =	sdelay $0x4  }
0x3ca: {  	v14 =	vmax.f32 v14, v15  }
0x3cb: {  	[tilespmem:v13+s25+$0x0] =	vst.idx.msk $0xffff, v14  }
.LBB2_28:
0x3cc: {  	p0 =	slt.s32 s1, $0x41  }
.Ltmp19:
0x3cd: {  	_ = 	snop;
	(pc) =	sbr.rel @p0 .LBB2_35-.Ltmp19, $4  }
0x3ce: {  	_ = 	snop  }
0x3cf: {  	_ =	swait.ge [sflag:s26], $0x2000  }
0x3d0: {  	[sflag:s26] =	ssyncset.done $0x0  }
0x3d1: {  	[sflag:s26] =	ssyncadd.s32 $0xFFFFE000  }
0x3d2: {  	p0 =	sgt.s32 s1, $0x40  }
0x3d3: {  	s1 =	simm.s32 @!p0 $0x40  }
0x3d4: {  	p1 =	sne.s32 s1, $0x41  }
.Ltmp20:
0x3d5: {  	_ = 	snop;
	(pc) =	sbr.rel @!p1 .LBB2_30-.Ltmp20, $3  }
0x3d6: {  	_ =	sdelay $0x1  }
0x3d7: {  	s6 =	simm.s32 $0x40  }
0x3d8: {  	s3 =	simm.s32 $0x5470;
	s5 =	simm.s32 $0x41;
	v14 =	vmov s6;
	p0 =	por $0x0, $0x0  }
0x3d9: {  	_ =	sdelay $0x3  }
0x3da: {  	v13 =	vld.idx.msk [tilespmem:v14+s18+$0x0], $0xffff;
	_ =	sdelay $0x4  }
0x3db: {  	v13 =	vshrl.u32 v13, $0xE  }
0x3dc: {  	v13 =	vsub.s32 v13, v2  }
0x3dd: {  	v13 =	vshll.u32 v13, $0x7  }
0x3de: {  	v14 =	vor.u32 v3, v13;
	_ =	sdelay $0x3  }
0x3df: {  	v16 =	vld [tilespmem:s3+$0xFFFFFF90]  }
0x3e0: {  	v15 =	vld.idx.msk [tilespmem:v14+s25+$0x0], $0xffff;
	_ =	sdelay $0x1  }
0x3e1: {  	v17 =	vor.u32 v6, v13;
	_ =	sdelay $0x2  }
0x3e2: {  	v15 =	vmax.f32 v15, v16  }
0x3e3: {  	[tilespmem:v14+s25+$0x0] =	vst.idx.msk $0xffff, v15  }
0x3e4: {  	v14 =	vld.idx.msk [tilespmem:v17+s25+$0x0], $0xffff  }
0x3e5: {  	v15 =	vld [tilespmem:s3+$0xFFFFFFA0];
	_ =	sdelay $0x1  }
0x3e6: {  	v16 =	vor.u32 v7, v13;
	_ =	sdelay $0x2  }
0x3e7: {  	v14 =	vmax.f32 v14, v15  }
0x3e8: {  	[tilespmem:v17+s25+$0x0] =	vst.idx.msk $0xffff, v14  }
0x3e9: {  	v14 =	vld.idx.msk [tilespmem:v16+s25+$0x0], $0xffff  }
0x3ea: {  	v15 =	vld [tilespmem:s3+$0xFFFFFFB0];
	_ =	sdelay $0x1  }
0x3eb: {  	v17 =	vor.u32 v8, v13;
	_ =	sdelay $0x2  }
0x3ec: {  	v14 =	vmax.f32 v14, v15  }
0x3ed: {  	[tilespmem:v16+s25+$0x0] =	vst.idx.msk $0xffff, v14  }
0x3ee: {  	v14 =	vld.idx.msk [tilespmem:v17+s25+$0x0], $0xffff  }
0x3ef: {  	v15 =	vld [tilespmem:s3+$0xFFFFFFC0];
	_ =	sdelay $0x1  }
0x3f0: {  	v16 =	vor.u32 v9, v13;
	_ =	sdelay $0x2  }
0x3f1: {  	v14 =	vmax.f32 v14, v15  }
0x3f2: {  	[tilespmem:v17+s25+$0x0] =	vst.idx.msk $0xffff, v14  }
0x3f3: {  	v14 =	vld.idx.msk [tilespmem:v16+s25+$0x0], $0xffff  }
0x3f4: {  	v15 =	vld [tilespmem:s3+$0xFFFFFFD0];
	_ =	sdelay $0x1  }
0x3f5: {  	v17 =	vor.u32 v10, v13;
	_ =	sdelay $0x2  }
0x3f6: {  	v14 =	vmax.f32 v14, v15  }
0x3f7: {  	[tilespmem:v16+s25+$0x0] =	vst.idx.msk $0xffff, v14  }
0x3f8: {  	v14 =	vld.idx.msk [tilespmem:v17+s25+$0x0], $0xffff  }
0x3f9: {  	v15 =	vld [tilespmem:s3+$0xFFFFFFE0];
	_ =	sdelay $0x1  }
0x3fa: {  	v16 =	vor.u32 v11, v13;
	_ =	sdelay $0x2  }
0x3fb: {  	v14 =	vmax.f32 v14, v15  }
0x3fc: {  	[tilespmem:v17+s25+$0x0] =	vst.idx.msk $0xffff, v14  }
0x3fd: {  	v14 =	vld.idx.msk [tilespmem:v16+s25+$0x0], $0xffff  }
0x3fe: {  	v15 =	vld [tilespmem:s3+$0xFFFFFFF0];
	_ =	sdelay $0x1  }
0x3ff: {  	v13 =	vor.u32 v12, v13;
	_ =	sdelay $0x2  }
0x400: {  	v14 =	vmax.f32 v14, v15  }
0x401: {  	[tilespmem:v16+s25+$0x0] =	vst.idx.msk $0xffff, v14  }
0x402: {  	v15 =	vld.idx.msk [tilespmem:v13+s25+$0x0], $0xffff  }
0x403: {  	p1 =	sne.s32 s1, $0x42;
	v16 =	vld [tilespmem:s3+$0x0]  }
.Ltmp21:
0x404: {  	_ = 	snop;
	(pc) =	sbr.rel @!p1 .LBB2_32-.Ltmp21, $2  }
0x405: {  	v14 =	vmov s5;
	_ =	sdelay $0x2  }
0x406: {  	s6 =	simm.s32 $0x42;
	p0 =	por $0x1, $0x1;
	s5 =	simm.s32 $0x5470;
	v15 =	vmax.f32 v15, v16  }
.LBB2_33:
0x407: {  	[tilespmem:v13+s25+$0x0] =	vst.idx.msk $0xffff, v15;
	s5 =	sadd.s32 $0x80, s5;
	s7 =	smov.u32 s6;
	s6 =	sadd.s32 $0x1, s6  }
0x408: {  	p1 =	sne.s32 s1, s6;
	v13 =	vld.idx.msk [tilespmem:v14+s18+$0x0], $0xffff;
	_ =	sdelay $0x5  }
0x409: {  	v13 =	vshrl.u32 v13, $0xE  }
0x40a: {  	v13 =	vsub.s32 v13, v2  }
0x40b: {  	v13 =	vshll.u32 v13, $0x7  }
0x40c: {  	v14 =	vor.u32 v3, v13;
	_ =	sdelay $0x4  }
0x40d: {  	v15 =	vld.idx.msk [tilespmem:v14+s25+$0x0], $0xffff  }
0x40e: {  	v16 =	vld [tilespmem:s5+$0xFFFFFF90];
	_ =	sdelay $0x1  }
0x40f: {  	v17 =	vor.u32 v6, v13;
	_ =	sdelay $0x2  }
0x410: {  	v15 =	vmax.f32 v15, v16  }
0x411: {  	[tilespmem:v14+s25+$0x0] =	vst.idx.msk $0xffff, v15  }
0x412: {  	v14 =	vld.idx.msk [tilespmem:v17+s25+$0x0], $0xffff  }
0x413: {  	v15 =	vld [tilespmem:s5+$0xFFFFFFA0];
	_ =	sdelay $0x1  }
0x414: {  	v16 =	vor.u32 v7, v13;
	_ =	sdelay $0x2  }
0x415: {  	v14 =	vmax.f32 v14, v15  }
0x416: {  	[tilespmem:v17+s25+$0x0] =	vst.idx.msk $0xffff, v14  }
0x417: {  	v14 =	vld.idx.msk [tilespmem:v16+s25+$0x0], $0xffff  }
0x418: {  	v15 =	vld [tilespmem:s5+$0xFFFFFFB0];
	_ =	sdelay $0x1  }
0x419: {  	v17 =	vor.u32 v8, v13;
	_ =	sdelay $0x2  }
0x41a: {  	v14 =	vmax.f32 v14, v15  }
0x41b: {  	[tilespmem:v16+s25+$0x0] =	vst.idx.msk $0xffff, v14  }
0x41c: {  	v14 =	vld.idx.msk [tilespmem:v17+s25+$0x0], $0xffff  }
0x41d: {  	v15 =	vld [tilespmem:s5+$0xFFFFFFC0];
	_ =	sdelay $0x1  }
0x41e: {  	v16 =	vor.u32 v9, v13;
	_ =	sdelay $0x2  }
0x41f: {  	v14 =	vmax.f32 v14, v15  }
0x420: {  	[tilespmem:v17+s25+$0x0] =	vst.idx.msk $0xffff, v14  }
0x421: {  	v14 =	vld.idx.msk [tilespmem:v16+s25+$0x0], $0xffff  }
0x422: {  	v15 =	vld [tilespmem:s5+$0xFFFFFFD0];
	_ =	sdelay $0x1  }
0x423: {  	v17 =	vor.u32 v10, v13;
	_ =	sdelay $0x2  }
0x424: {  	v14 =	vmax.f32 v14, v15  }
0x425: {  	[tilespmem:v16+s25+$0x0] =	vst.idx.msk $0xffff, v14  }
0x426: {  	v14 =	vld.idx.msk [tilespmem:v17+s25+$0x0], $0xffff  }
0x427: {  	v15 =	vld [tilespmem:s5+$0xFFFFFFE0];
	_ =	sdelay $0x1  }
0x428: {  	v16 =	vor.u32 v11, v13;
	_ =	sdelay $0x2  }
0x429: {  	v14 =	vmax.f32 v14, v15  }
0x42a: {  	[tilespmem:v17+s25+$0x0] =	vst.idx.msk $0xffff, v14  }
0x42b: {  	v14 =	vld.idx.msk [tilespmem:v16+s25+$0x0], $0xffff  }
0x42c: {  	v15 =	vld [tilespmem:s5+$0xFFFFFFF0];
	_ =	sdelay $0x1  }
0x42d: {  	v13 =	vor.u32 v12, v13;
	_ =	sdelay $0x2  }
0x42e: {  	v14 =	vmax.f32 v14, v15  }
0x42f: {  	[tilespmem:v16+s25+$0x0] =	vst.idx.msk $0xffff, v14  }
0x430: {  	v15 =	vld.idx.msk [tilespmem:v13+s25+$0x0], $0xffff  }
0x431: {  	v16 =	vld [tilespmem:s5+$0x0]  }
.Ltmp22:
0x432: {  	(pc) =	sbr.rel @p1 .LBB2_33-.Ltmp22, $2  }
0x433: {  	v14 =	vmov s7;
	_ =	sdelay $0x2  }
0x434: {  	v15 =	vmax.f32 v15, v16  }
.LBB2_34:
0x435: {  	_ =	sdelay $0x3  }
0x436: {  	[tilespmem:v13+s25+$0x0] =	vst.idx.msk @p0 $0xffff, v15  }
0x437: {  	v13 =	vld.idx.msk [tilespmem:v14+s18+$0x0], $0xffff;
	_ =	sdelay $0x4  }
0x438: {  	v13 =	vshrl.u32 v13, $0xE  }
0x439: {  	v13 =	vsub.s32 v13, v2  }
0x43a: {  	v13 =	vshll.u32 v13, $0x7  }
0x43b: {  	v14 =	vor.u32 v3, v13;
	_ =	sdelay $0x1  }
0x43c: {  	s1 =	sadd.s32 @p0 $0x80, s5  }
0x43d: {  	s3 =	smov.u32 @p0 s1  }
0x43e: {  	v16 =	vld [tilespmem:s3+$0xFFFFFF90]  }
0x43f: {  	v15 =	vld.idx.msk [tilespmem:v14+s25+$0x0], $0xffff;
	_ =	sdelay $0x1  }
0x440: {  	v17 =	vor.u32 v6, v13;
	_ =	sdelay $0x2  }
0x441: {  	v15 =	vmax.f32 v15, v16  }
0x442: {  	[tilespmem:v14+s25+$0x0] =	vst.idx.msk $0xffff, v15  }
0x443: {  	v14 =	vld.idx.msk [tilespmem:v17+s25+$0x0], $0xffff  }
0x444: {  	v15 =	vld [tilespmem:s3+$0xFFFFFFA0];
	_ =	sdelay $0x1  }
0x445: {  	v59 =	vor.u32 v7, v13;
	_ =	sdelay $0x2  }
0x446: {  	v14 =	vmax.f32 v14, v15  }
0x447: {  	[tilespmem:v17+s25+$0x0] =	vst.idx.msk $0xffff, v14  }
0x448: {  	v14 =	vld.idx.msk [tilespmem:v59+s25+$0x0], $0xffff  }
0x449: {  	v15 =	vld [tilespmem:s3+$0xFFFFFFB0];
	_ =	sdelay $0x1  }
0x44a: {  	v60 =	vor.u32 v8, v13;
	_ =	sdelay $0x2  }
0x44b: {  	v14 =	vmax.f32 v14, v15  }
0x44c: {  	[tilespmem:v59+s25+$0x0] =	vst.idx.msk $0xffff, v14  }
0x44d: {  	v14 =	vld.idx.msk [tilespmem:v60+s25+$0x0], $0xffff  }
0x44e: {  	v15 =	vld [tilespmem:s3+$0xFFFFFFC0];
	_ =	sdelay $0x1  }
0x44f: {  	v61 =	vor.u32 v9, v13;
	_ =	sdelay $0x2  }
0x450: {  	v14 =	vmax.f32 v14, v15  }
0x451: {  	[tilespmem:v60+s25+$0x0] =	vst.idx.msk $0xffff, v14  }
0x452: {  	v14 =	vld.idx.msk [tilespmem:v61+s25+$0x0], $0xffff  }
0x453: {  	v15 =	vld [tilespmem:s3+$0xFFFFFFD0];
	_ =	sdelay $0x1  }
0x454: {  	v62 =	vor.u32 v10, v13;
	_ =	sdelay $0x2  }
0x455: {  	v14 =	vmax.f32 v14, v15  }
0x456: {  	[tilespmem:v61+s25+$0x0] =	vst.idx.msk $0xffff, v14  }
0x457: {  	v14 =	vld.idx.msk [tilespmem:v62+s25+$0x0], $0xffff  }
0x458: {  	v15 =	vld [tilespmem:s3+$0xFFFFFFE0];
	_ =	sdelay $0x1  }
0x459: {  	v63 =	vor.u32 v11, v13;
	_ =	sdelay $0x2  }
0x45a: {  	v14 =	vmax.f32 v14, v15  }
0x45b: {  	[tilespmem:v62+s25+$0x0] =	vst.idx.msk $0xffff, v14  }
0x45c: {  	v14 =	vld.idx.msk [tilespmem:v63+s25+$0x0], $0xffff  }
0x45d: {  	v15 =	vld [tilespmem:s3+$0xFFFFFFF0];
	_ =	sdelay $0x1  }
0x45e: {  	v13 =	vor.u32 v12, v13;
	_ =	sdelay $0x2  }
0x45f: {  	v14 =	vmax.f32 v14, v15  }
0x460: {  	[tilespmem:v63+s25+$0x0] =	vst.idx.msk $0xffff, v14  }
0x461: {  	v14 =	vld.idx.msk [tilespmem:v13+s25+$0x0], $0xffff  }
0x462: {  	v15 =	vld [tilespmem:s3+$0x0];
	_ =	sdelay $0x4  }
0x463: {  	v14 =	vmax.f32 v14, v15  }
0x464: {  	[tilespmem:v13+s25+$0x0] =	vst.idx.msk $0xffff, v14  }
.LBB2_35:
0x465: {  	s1 =	simm.s32 $0x0;
	s3 =	rddreg [dreg:$0x3]  }
0x466: {  	[tilespmem:s29], [sflag:$0x5] =	stream.linear.gather [hbm4b:s3+s1], $0x2000, $0x38;
	[tilespmem:$0x15400] =	vst v63  }
0x467: {  	_ =	swait.ge [sflag:s30], $0x2000  }
0x468: {  	[sflag:s30] =	ssyncset.done $0x0  }
0x469: {  	s1 =	simm.s32 $0x0;
	[sflag:s30] =	ssyncadd.s32 $0xFFFFE000  }
0x46a: {  	v13 =	vld [tilespmem:s1+$0x11470]  }
0x46b: {  	v14 =	vld [tilespmem:s1+$0x7470]  }
0x46c: {  	v15 =	vld [tilespmem:s1+$0x11400]  }
0x46d: {  	v16 =	vld [tilespmem:s1+$0x7400]  }
0x46e: {  	v17 =	vld [tilespmem:s1+$0x11410]  }
0x46f: {  	v18 =	vld [tilespmem:s1+$0x7410]  }
0x470: {  	v19 =	vld [tilespmem:s1+$0x11420]  }
0x471: {  	v13 =	vadd.f32 v14, v13;
	v14 =	vld [tilespmem:s1+$0x7420]  }
0x472: {  	v20 =	vld [tilespmem:s1+$0x11430]  }
0x473: {  	v21 =	vld [tilespmem:s1+$0x7430];
	v15 =	vadd.f32 v16, v15  }
0x474: {  	v22 =	vld [tilespmem:s1+$0x11440];
	v13 =	vmax.f32 v13, $0.0e+00  }
0x475: {  	[tilespmem:s1+$0x13470] =	vst v13;
	v13 =	vmax.f32 v15, $0.0e+00;
	v15 =	vadd.f32 v18, v17;
	v18 =	vld [tilespmem:s1+$0x7440]  }
0x476: {  	v16 =	vld [tilespmem:s1+$0x7450];
	v14 =	vadd.f32 v14, v19  }
0x477: {  	[tilespmem:s1+$0x13400] =	vst v13;
	v13 =	vld [tilespmem:s1+$0x11450];
	v15 =	vmax.f32 v15, $0.0e+00  }
0x478: {  	v17 =	vld [tilespmem:s1+$0x7460];
	v19 =	vadd.f32 v21, v20;
	[tilespmem:s1+$0x13410] =	vst v15;
	v15 =	vmax.f32 v14, $0.0e+00  }
0x479: {  	s3 =	simm.s32 $0x80;
	v14 =	vld [tilespmem:s1+$0x11460];
	[tilespmem:s1+$0x13420] =	vst v15  }
0x47a: {  	s5 =	simm.s32 $0x400;
	v19 =	vmax.f32 v19, $0.0e+00;
	v18 =	vadd.f32 v18, v22;
	v15 =	vld [tilespmem:s3+$0x11470]  }
.LBB2_36:
0x47b: {  	p0 =	sne.s32 s5, $0x7E00;
	v20 =	vld [tilespmem:s3+$0x7470];
	[tilespmem:s1+$0x13430] =	vst v19  }
0x47c: {  	v19 =	vld [tilespmem:s3+$0x11400];
	v18 =	vmax.f32 v18, $0.0e+00;
	v13 =	vadd.f32 v16, v13  }
0x47d: {  	v16 =	vld [tilespmem:s3+$0x7400];
	[tilespmem:s1+$0x13440] =	vst v18  }
0x47e: {  	v18 =	vld [tilespmem:s3+$0x11410];
	v13 =	vmax.f32 v13, $0.0e+00;
	v14 =	vadd.f32 v17, v14  }
0x47f: {  	v17 =	vld [tilespmem:s3+$0x7410];
	[tilespmem:s1+$0x13450] =	vst v13  }
0x480: {  	v13 =	vld [tilespmem:s3+$0x11420];
	v15 =	vadd.f32 v20, v15;
	v14 =	vmax.f32 v14, $0.0e+00  }
0x481: {  	v20 =	vld [tilespmem:s3+$0x7420];
	[tilespmem:s1+$0x13460] =	vst v14;
	s1 =	smov.u32 s3  }
0x482: {  	v14 =	vadd.f32 v16, v19;
	v19 =	vld [tilespmem:s1+$0x11430];
	v15 =	vmax.f32 v15, $0.0e+00  }
0x483: {  	v21 =	vld [tilespmem:s1+$0x7430];
	[tilespmem:s1+$0x13470] =	vst v15  }
0x484: {  	v14 =	vmax.f32 v14, $0.0e+00;
	v15 =	vadd.f32 v17, v18;
	v18 =	vld [tilespmem:s1+$0x11440]  }
0x485: {  	[tilespmem:s1+$0x13400] =	vst v14;
	v22 =	vld [tilespmem:s1+$0x7440]  }
.Ltmp23:
0x486: {  	v14 =	vmax.f32 v15, $0.0e+00;
	v15 =	vadd.f32 v20, v13;
	v13 =	vld [tilespmem:s1+$0x11450];
	(pc) =	sbr.rel @p0 .LBB2_36-.Ltmp23, $4  }
0x487: {  	[tilespmem:s1+$0x13410] =	vst v14;
	v16 =	vld [tilespmem:s1+$0x7450]  }
0x488: {  	v15 =	vmax.f32 v15, $0.0e+00;
	v19 =	vadd.f32 v21, v19;
	v14 =	vld [tilespmem:s1+$0x11460]  }
0x489: {  	s3 =	sshra.s32 s5, $0x2;
	[tilespmem:s1+$0x13420] =	vst v15;
	v17 =	vld [tilespmem:s1+$0x7460]  }
0x48a: {  	s5 =	sadd.s32 $0x200, s5;
	v15 =	vld [tilespmem:s3+$0x11470];
	v19 =	vmax.f32 v19, $0.0e+00;
	v18 =	vadd.f32 v22, v18  }
0x48b: {  	v20 =	vld [tilespmem:s3+$0x7470];
	[tilespmem:s1+$0x13430] =	vst v19  }
0x48c: {  	v19 =	vld [tilespmem:s3+$0x11400];
	v18 =	vmax.f32 v18, $0.0e+00;
	v13 =	vadd.f32 v16, v13  }
0x48d: {  	v21 =	vld [tilespmem:s3+$0x7400];
	[tilespmem:s1+$0x13440] =	vst v18  }
0x48e: {  	v16 =	vld [tilespmem:s3+$0x11410];
	v13 =	vmax.f32 v13, $0.0e+00;
	v14 =	vadd.f32 v17, v14  }
0x48f: {  	v18 =	vld [tilespmem:s3+$0x7410];
	[tilespmem:s1+$0x13450] =	vst v13  }
0x490: {  	v13 =	vld [tilespmem:s3+$0x11420];
	v14 =	vmax.f32 v14, $0.0e+00  }
0x491: {  	v17 =	vld [tilespmem:s3+$0x7420];
	v15 =	vadd.f32 v20, v15;
	[tilespmem:s1+$0x13460] =	vst v14  }
0x492: {  	v19 =	vadd.f32 v21, v19;
	v14 =	vld [tilespmem:s3+$0x11430]  }
0x493: {  	v15 =	vmax.f32 v15, $0.0e+00;
	v20 =	vld [tilespmem:s3+$0x7430]  }
0x494: {  	[tilespmem:s3+$0x13470] =	vst v15;
	v15 =	vmax.f32 v19, $0.0e+00;
	v19 =	vld [tilespmem:s3+$0x11440]  }
0x495: {  	v16 =	vadd.f32 v18, v16;
	v18 =	vld [tilespmem:s3+$0x11450]  }
0x496: {  	[tilespmem:s3+$0x13400] =	vst v15;
	v15 =	vld [tilespmem:s3+$0x7440];
	v13 =	vadd.f32 v17, v13  }
0x497: {  	v16 =	vmax.f32 v16, $0.0e+00;
	v17 =	vld [tilespmem:s3+$0x11460]  }
0x498: {  	[tilespmem:s3+$0x13410] =	vst v16;
	v16 =	vld [tilespmem:s3+$0x7450];
	v13 =	vmax.f32 v13, $0.0e+00  }
0x499: {  	[tilespmem:s3+$0x13420] =	vst v13;
	v13 =	vld [tilespmem:s3+$0x7460];
	_ =	sdelay $0x1  }
0x49a: {  	v14 =	vadd.f32 v20, v14  }
0x49b: {  	v15 =	vadd.f32 v15, v19  }
0x49c: {  	v14 =	vmax.f32 v14, $0.0e+00;
	v16 =	vadd.f32 v16, v18  }
0x49d: {  	[tilespmem:s3+$0x13430] =	vst v14;
	v14 =	vmax.f32 v15, $0.0e+00;
	v13 =	vadd.f32 v13, v17  }
0x49e: {  	[tilespmem:s3+$0x13440] =	vst v14;
	v14 =	vmax.f32 v16, $0.0e+00  }
0x49f: {  	[tilespmem:s3+$0x13450] =	vst v14;
	v13 =	vmax.f32 v13, $0.0e+00  }
0x4a0: {  	s8 =	simm.s32 $0x0;
	s9 =	rddreg [dreg:$0x4];
	[tilespmem:s3+$0x13460] =	vst v13  }
0x4a1: {  	[hbm4b:s9+s8] =	stream.linear.scatter [tilespmem:s31], [sflag:$0x5], $0x2000, $0x38;
	[tilespmem:$0x15400] =	vst v63  }
0x4a2: {  	_ =	swait.ge [sflag:s30], $0x2000  }
0x4a3: {  	[sflag:s30] =	ssyncset.done $0x0  }
0x4a4: {  	s10 =	rddreg [dreg:$0x5];
	[sflag:s30] =	ssyncadd.s32 $0xFFFFE000  }
0x4a5: {  	[tilespmem:s29], [sflag:$0x5] =	stream.linear.gather [hbm4b:s10+s8], $0x2000, $0x38;
	[tilespmem:$0x15400] =	vst v63  }
0x4a6: {  	_ =	swait.ge [sflag:s30], $0x2000  }
0x4a7: {  	[sflag:s30] =	ssyncset.done $0x0  }
0x4a8: {  	s1 =	simm.s32 $0x0;
	[sflag:s30] =	ssyncadd.s32 $0xFFFFE000  }
0x4a9: {  	v13 =	vld [tilespmem:s1+$0x11470]  }
0x4aa: {  	v14 =	vld [tilespmem:s1+$0x9470]  }
0x4ab: {  	v15 =	vld [tilespmem:s1+$0x11400]  }
0x4ac: {  	v16 =	vld [tilespmem:s1+$0x9400]  }
0x4ad: {  	v17 =	vld [tilespmem:s1+$0x11410]  }
0x4ae: {  	v18 =	vld [tilespmem:s1+$0x9410]  }
0x4af: {  	v19 =	vld [tilespmem:s1+$0x11420]  }
0x4b0: {  	v13 =	vadd.f32 v14, v13;
	v14 =	vld [tilespmem:s1+$0x9420]  }
0x4b1: {  	v20 =	vld [tilespmem:s1+$0x11430]  }
0x4b2: {  	v63 =	vld [tilespmem:s1+$0x9430];
	v15 =	vadd.f32 v16, v15  }
0x4b3: {  	v22 =	vld [tilespmem:s1+$0x11440];
	v13 =	vmax.f32 v13, $0.0e+00  }
0x4b4: {  	[tilespmem:s1+$0x13470] =	vst v13;
	v13 =	vmax.f32 v15, $0.0e+00;
	v15 =	vadd.f32 v18, v17;
	v18 =	vld [tilespmem:s1+$0x9440]  }
0x4b5: {  	v16 =	vld [tilespmem:s1+$0x9450];
	v14 =	vadd.f32 v14, v19  }
0x4b6: {  	[tilespmem:s1+$0x13400] =	vst v13;
	v13 =	vld [tilespmem:s1+$0x11450];
	v15 =	vmax.f32 v15, $0.0e+00  }
0x4b7: {  	v17 =	vld [tilespmem:s1+$0x9460];
	v19 =	vadd.f32 v63, v20;
	[tilespmem:s1+$0x13410] =	vst v15;
	v15 =	vmax.f32 v14, $0.0e+00  }
0x4b8: {  	s3 =	simm.s32 $0x80;
	v14 =	vld [tilespmem:s1+$0x11460];
	[tilespmem:s1+$0x13420] =	vst v15  }
0x4b9: {  	s5 =	simm.s32 $0x400;
	v19 =	vmax.f32 v19, $0.0e+00;
	v18 =	vadd.f32 v18, v22;
	v15 =	vld [tilespmem:s3+$0x11470]  }
.LBB2_38:
0x4ba: {  	p0 =	sne.s32 s5, $0x7E00;
	v20 =	vld [tilespmem:s3+$0x9470];
	[tilespmem:s1+$0x13430] =	vst v19  }
0x4bb: {  	v19 =	vld [tilespmem:s3+$0x11400];
	v18 =	vmax.f32 v18, $0.0e+00;
	v13 =	vadd.f32 v16, v13  }
0x4bc: {  	v16 =	vld [tilespmem:s3+$0x9400];
	[tilespmem:s1+$0x13440] =	vst v18  }
0x4bd: {  	v18 =	vld [tilespmem:s3+$0x11410];
	v13 =	vmax.f32 v13, $0.0e+00;
	v14 =	vadd.f32 v17, v14  }
0x4be: {  	v17 =	vld [tilespmem:s3+$0x9410];
	[tilespmem:s1+$0x13450] =	vst v13  }
0x4bf: {  	v13 =	vld [tilespmem:s3+$0x11420];
	v15 =	vadd.f32 v20, v15;
	v14 =	vmax.f32 v14, $0.0e+00  }
0x4c0: {  	v20 =	vld [tilespmem:s3+$0x9420];
	[tilespmem:s1+$0x13460] =	vst v14;
	s1 =	smov.u32 s3  }
0x4c1: {  	v14 =	vadd.f32 v16, v19;
	v19 =	vld [tilespmem:s1+$0x11430];
	v15 =	vmax.f32 v15, $0.0e+00  }
0x4c2: {  	v21 =	vld [tilespmem:s1+$0x9430];
	[tilespmem:s1+$0x13470] =	vst v15  }
0x4c3: {  	v14 =	vmax.f32 v14, $0.0e+00;
	v15 =	vadd.f32 v17, v18;
	v18 =	vld [tilespmem:s1+$0x11440]  }
0x4c4: {  	[tilespmem:s1+$0x13400] =	vst v14;
	v22 =	vld [tilespmem:s1+$0x9440]  }
.Ltmp24:
0x4c5: {  	v14 =	vmax.f32 v15, $0.0e+00;
	v15 =	vadd.f32 v20, v13;
	v13 =	vld [tilespmem:s1+$0x11450];
	(pc) =	sbr.rel @p0 .LBB2_38-.Ltmp24, $4  }
0x4c6: {  	[tilespmem:s1+$0x13410] =	vst v14;
	v16 =	vld [tilespmem:s1+$0x9450]  }
0x4c7: {  	v15 =	vmax.f32 v15, $0.0e+00;
	v19 =	vadd.f32 v21, v19;
	v14 =	vld [tilespmem:s1+$0x11460]  }
0x4c8: {  	s3 =	sshra.s32 s5, $0x2;
	[tilespmem:s1+$0x13420] =	vst v15;
	v17 =	vld [tilespmem:s1+$0x9460]  }
0x4c9: {  	s5 =	sadd.s32 $0x200, s5;
	v15 =	vld [tilespmem:s3+$0x11470];
	v19 =	vmax.f32 v19, $0.0e+00;
	v18 =	vadd.f32 v22, v18  }
0x4ca: {  	v20 =	vld [tilespmem:s3+$0x9470];
	[tilespmem:s1+$0x13430] =	vst v19  }
0x4cb: {  	v19 =	vld [tilespmem:s3+$0x11400];
	v18 =	vmax.f32 v18, $0.0e+00;
	v13 =	vadd.f32 v16, v13  }
0x4cc: {  	v21 =	vld [tilespmem:s3+$0x9400];
	[tilespmem:s1+$0x13440] =	vst v18  }
0x4cd: {  	v16 =	vld [tilespmem:s3+$0x11410];
	v13 =	vmax.f32 v13, $0.0e+00;
	v14 =	vadd.f32 v17, v14  }
0x4ce: {  	v18 =	vld [tilespmem:s3+$0x9410];
	[tilespmem:s1+$0x13450] =	vst v13  }
0x4cf: {  	v13 =	vld [tilespmem:s3+$0x11420];
	v14 =	vmax.f32 v14, $0.0e+00  }
0x4d0: {  	v17 =	vld [tilespmem:s3+$0x9420];
	v15 =	vadd.f32 v20, v15;
	[tilespmem:s1+$0x13460] =	vst v14  }
0x4d1: {  	v19 =	vadd.f32 v21, v19;
	v14 =	vld [tilespmem:s3+$0x11430]  }
0x4d2: {  	v15 =	vmax.f32 v15, $0.0e+00;
	v20 =	vld [tilespmem:s3+$0x9430]  }
0x4d3: {  	[tilespmem:s3+$0x13470] =	vst v15;
	v15 =	vmax.f32 v19, $0.0e+00;
	v19 =	vld [tilespmem:s3+$0x11440]  }
0x4d4: {  	v16 =	vadd.f32 v18, v16;
	v18 =	vld [tilespmem:s3+$0x11450]  }
0x4d5: {  	[tilespmem:s3+$0x13400] =	vst v15;
	v15 =	vld [tilespmem:s3+$0x9440];
	v13 =	vadd.f32 v17, v13  }
0x4d6: {  	v16 =	vmax.f32 v16, $0.0e+00;
	v17 =	vld [tilespmem:s3+$0x11460]  }
0x4d7: {  	[tilespmem:s3+$0x13410] =	vst v16;
	v16 =	vld [tilespmem:s3+$0x9450];
	v13 =	vmax.f32 v13, $0.0e+00  }
0x4d8: {  	[tilespmem:s3+$0x13420] =	vst v13;
	v13 =	vld [tilespmem:s3+$0x9460];
	_ =	sdelay $0x1  }
0x4d9: {  	v14 =	vadd.f32 v20, v14  }
0x4da: {  	v15 =	vadd.f32 v15, v19  }
0x4db: {  	v14 =	vmax.f32 v14, $0.0e+00;
	v16 =	vadd.f32 v16, v18  }
0x4dc: {  	[tilespmem:s3+$0x13430] =	vst v14;
	v14 =	vmax.f32 v15, $0.0e+00;
	v13 =	vadd.f32 v13, v17  }
0x4dd: {  	[tilespmem:s3+$0x13440] =	vst v14;
	v14 =	vmax.f32 v16, $0.0e+00  }
0x4de: {  	[tilespmem:s3+$0x13450] =	vst v14;
	v13 =	vmax.f32 v13, $0.0e+00  }
0x4df: {  	s8 =	simm.s32 $0x0;
	s9 =	rddreg [dreg:$0x6];
	[tilespmem:s3+$0x13460] =	vst v13  }
0x4e0: {  	[hbm4b:s9+s8] =	stream.linear.scatter [tilespmem:s31], [sflag:$0x5], $0x2000, $0x38;
	[tilespmem:$0x15400] =	vst v63  }
0x4e1: {  	_ =	swait.ge [sflag:s30], $0x2000  }
0x4e2: {  	[sflag:s30] =	ssyncset.done $0x0  }
0x4e3: {  	s10 =	rddreg [dreg:$0x7];
	[sflag:s30] =	ssyncadd.s32 $0xFFFFE000  }
0x4e4: {  	[tilespmem:s29], [sflag:$0x5] =	stream.linear.gather [hbm4b:s10+s8], $0x2000, $0x38;
	[tilespmem:$0x15400] =	vst v63  }
0x4e5: {  	_ =	swait.ge [sflag:s30], $0x2000  }
0x4e6: {  	[sflag:s30] =	ssyncset.done $0x0  }
0x4e7: {  	s1 =	simm.s32 $0x0;
	[sflag:s30] =	ssyncadd.s32 $0xFFFFE000  }
0x4e8: {  	v13 =	vld [tilespmem:s1+$0x11470]  }
0x4e9: {  	v14 =	vld [tilespmem:s1+$0xB470]  }
0x4ea: {  	v15 =	vld [tilespmem:s1+$0x11400]  }
0x4eb: {  	v16 =	vld [tilespmem:s1+$0xB400]  }
0x4ec: {  	v17 =	vld [tilespmem:s1+$0x11410]  }
0x4ed: {  	v18 =	vld [tilespmem:s1+$0xB410]  }
0x4ee: {  	v19 =	vld [tilespmem:s1+$0x11420]  }
0x4ef: {  	v13 =	vadd.f32 v14, v13;
	v14 =	vld [tilespmem:s1+$0xB420]  }
0x4f0: {  	v20 =	vld [tilespmem:s1+$0x11430]  }
0x4f1: {  	v63 =	vld [tilespmem:s1+$0xB430];
	v15 =	vadd.f32 v16, v15  }
0x4f2: {  	v22 =	vld [tilespmem:s1+$0x11440];
	v13 =	vmax.f32 v13, $0.0e+00  }
0x4f3: {  	[tilespmem:s1+$0x13470] =	vst v13;
	v13 =	vmax.f32 v15, $0.0e+00;
	v15 =	vadd.f32 v18, v17;
	v18 =	vld [tilespmem:s1+$0xB440]  }
0x4f4: {  	v16 =	vld [tilespmem:s1+$0xB450];
	v14 =	vadd.f32 v14, v19  }
0x4f5: {  	[tilespmem:s1+$0x13400] =	vst v13;
	v13 =	vld [tilespmem:s1+$0x11450];
	v15 =	vmax.f32 v15, $0.0e+00  }
0x4f6: {  	v17 =	vld [tilespmem:s1+$0xB460];
	v19 =	vadd.f32 v63, v20;
	[tilespmem:s1+$0x13410] =	vst v15;
	v15 =	vmax.f32 v14, $0.0e+00  }
0x4f7: {  	s3 =	simm.s32 $0x80;
	v14 =	vld [tilespmem:s1+$0x11460];
	[tilespmem:s1+$0x13420] =	vst v15  }
0x4f8: {  	s5 =	simm.s32 $0x400;
	v19 =	vmax.f32 v19, $0.0e+00;
	v18 =	vadd.f32 v18, v22;
	v15 =	vld [tilespmem:s3+$0x11470]  }
.LBB2_40:
0x4f9: {  	p0 =	sne.s32 s5, $0x7E00;
	v20 =	vld [tilespmem:s3+$0xB470];
	[tilespmem:s1+$0x13430] =	vst v19  }
0x4fa: {  	v19 =	vld [tilespmem:s3+$0x11400];
	v18 =	vmax.f32 v18, $0.0e+00;
	v13 =	vadd.f32 v16, v13  }
0x4fb: {  	v16 =	vld [tilespmem:s3+$0xB400];
	[tilespmem:s1+$0x13440] =	vst v18  }
0x4fc: {  	v18 =	vld [tilespmem:s3+$0x11410];
	v13 =	vmax.f32 v13, $0.0e+00;
	v14 =	vadd.f32 v17, v14  }
0x4fd: {  	v17 =	vld [tilespmem:s3+$0xB410];
	[tilespmem:s1+$0x13450] =	vst v13  }
0x4fe: {  	v13 =	vld [tilespmem:s3+$0x11420];
	v15 =	vadd.f32 v20, v15;
	v14 =	vmax.f32 v14, $0.0e+00  }
0x4ff: {  	v20 =	vld [tilespmem:s3+$0xB420];
	[tilespmem:s1+$0x13460] =	vst v14;
	s1 =	smov.u32 s3  }
0x500: {  	v14 =	vadd.f32 v16, v19;
	v19 =	vld [tilespmem:s1+$0x11430];
	v15 =	vmax.f32 v15, $0.0e+00  }
0x501: {  	v21 =	vld [tilespmem:s1+$0xB430];
	[tilespmem:s1+$0x13470] =	vst v15  }
0x502: {  	v14 =	vmax.f32 v14, $0.0e+00;
	v15 =	vadd.f32 v17, v18;
	v18 =	vld [tilespmem:s1+$0x11440]  }
0x503: {  	[tilespmem:s1+$0x13400] =	vst v14;
	v22 =	vld [tilespmem:s1+$0xB440]  }
.Ltmp25:
0x504: {  	v14 =	vmax.f32 v15, $0.0e+00;
	v15 =	vadd.f32 v20, v13;
	v13 =	vld [tilespmem:s1+$0x11450];
	(pc) =	sbr.rel @p0 .LBB2_40-.Ltmp25, $4  }
0x505: {  	[tilespmem:s1+$0x13410] =	vst v14;
	v16 =	vld [tilespmem:s1+$0xB450]  }
0x506: {  	v15 =	vmax.f32 v15, $0.0e+00;
	v19 =	vadd.f32 v21, v19;
	v14 =	vld [tilespmem:s1+$0x11460]  }
0x507: {  	s3 =	sshra.s32 s5, $0x2;
	[tilespmem:s1+$0x13420] =	vst v15;
	v17 =	vld [tilespmem:s1+$0xB460]  }
0x508: {  	s5 =	sadd.s32 $0x200, s5;
	v15 =	vld [tilespmem:s3+$0x11470];
	v19 =	vmax.f32 v19, $0.0e+00;
	v18 =	vadd.f32 v22, v18  }
0x509: {  	v20 =	vld [tilespmem:s3+$0xB470];
	[tilespmem:s1+$0x13430] =	vst v19  }
0x50a: {  	v19 =	vld [tilespmem:s3+$0x11400];
	v18 =	vmax.f32 v18, $0.0e+00;
	v13 =	vadd.f32 v16, v13  }
0x50b: {  	v21 =	vld [tilespmem:s3+$0xB400];
	[tilespmem:s1+$0x13440] =	vst v18  }
0x50c: {  	v16 =	vld [tilespmem:s3+$0x11410];
	v13 =	vmax.f32 v13, $0.0e+00;
	v14 =	vadd.f32 v17, v14  }
0x50d: {  	v18 =	vld [tilespmem:s3+$0xB410];
	[tilespmem:s1+$0x13450] =	vst v13  }
0x50e: {  	v13 =	vld [tilespmem:s3+$0x11420];
	v14 =	vmax.f32 v14, $0.0e+00  }
0x50f: {  	v17 =	vld [tilespmem:s3+$0xB420];
	v15 =	vadd.f32 v20, v15;
	[tilespmem:s1+$0x13460] =	vst v14  }
0x510: {  	v19 =	vadd.f32 v21, v19;
	v14 =	vld [tilespmem:s3+$0x11430]  }
0x511: {  	v15 =	vmax.f32 v15, $0.0e+00;
	v20 =	vld [tilespmem:s3+$0xB430]  }
0x512: {  	[tilespmem:s3+$0x13470] =	vst v15;
	v15 =	vmax.f32 v19, $0.0e+00;
	v19 =	vld [tilespmem:s3+$0x11440]  }
0x513: {  	v16 =	vadd.f32 v18, v16;
	v18 =	vld [tilespmem:s3+$0x11450]  }
0x514: {  	[tilespmem:s3+$0x13400] =	vst v15;
	v15 =	vld [tilespmem:s3+$0xB440];
	v13 =	vadd.f32 v17, v13  }
0x515: {  	v16 =	vmax.f32 v16, $0.0e+00;
	v17 =	vld [tilespmem:s3+$0x11460]  }
0x516: {  	[tilespmem:s3+$0x13410] =	vst v16;
	v16 =	vld [tilespmem:s3+$0xB450];
	v13 =	vmax.f32 v13, $0.0e+00  }
0x517: {  	[tilespmem:s3+$0x13420] =	vst v13;
	v13 =	vld [tilespmem:s3+$0xB460];
	_ =	sdelay $0x1  }
0x518: {  	v14 =	vadd.f32 v20, v14  }
0x519: {  	v15 =	vadd.f32 v15, v19  }
0x51a: {  	v14 =	vmax.f32 v14, $0.0e+00;
	v16 =	vadd.f32 v16, v18  }
0x51b: {  	[tilespmem:s3+$0x13430] =	vst v14;
	v14 =	vmax.f32 v15, $0.0e+00;
	v13 =	vadd.f32 v13, v17  }
0x51c: {  	[tilespmem:s3+$0x13440] =	vst v14;
	v14 =	vmax.f32 v16, $0.0e+00  }
0x51d: {  	[tilespmem:s3+$0x13450] =	vst v14;
	v13 =	vmax.f32 v13, $0.0e+00  }
0x51e: {  	s9 =	simm.s32 $0x0;
	s10 =	rddreg [dreg:$0x8];
	[tilespmem:s3+$0x13460] =	vst v13  }
0x51f: {  	[hbm4b:s10+s9] =	stream.linear.scatter [tilespmem:s31], [sflag:$0x5], $0x2000, $0x38;
	[tilespmem:$0x15400] =	vst v63  }
0x520: {  	_ =	swait.ge [sflag:s30], $0x2000  }
0x521: {  	[sflag:s30] =	ssyncset.done $0x0  }
0x522: {  	[sflag:s30] =	ssyncadd.s32 $0xFFFFE000  }
0x523: {  	[tilespmem:s29], [sflag:$0x5] =	stream.linear.gather [hbm4b:s11+s9], $0x2000, $0x38;
	[tilespmem:$0x15400] =	vst v63  }
0x524: {  	_ =	swait.ge [sflag:s30], $0x2000  }
0x525: {  	[sflag:s30] =	ssyncset.done $0x0  }
0x526: {  	s1 =	simm.s32 $0x0;
	[sflag:s30] =	ssyncadd.s32 $0xFFFFE000  }
0x527: {  	v13 =	vld [tilespmem:s1+$0x11470]  }
0x528: {  	v14 =	vld [tilespmem:s1+$0xD470]  }
0x529: {  	v15 =	vld [tilespmem:s1+$0x11400]  }
0x52a: {  	v16 =	vld [tilespmem:s1+$0xD400]  }
0x52b: {  	v17 =	vld [tilespmem:s1+$0x11410]  }
0x52c: {  	v18 =	vld [tilespmem:s1+$0xD410]  }
0x52d: {  	v19 =	vld [tilespmem:s1+$0x11420]  }
0x52e: {  	v13 =	vadd.f32 v14, v13;
	v14 =	vld [tilespmem:s1+$0xD420]  }
0x52f: {  	v20 =	vld [tilespmem:s1+$0x11430]  }
0x530: {  	v63 =	vld [tilespmem:s1+$0xD430];
	v15 =	vadd.f32 v16, v15  }
0x531: {  	v22 =	vld [tilespmem:s1+$0x11440];
	v13 =	vmax.f32 v13, $0.0e+00  }
0x532: {  	[tilespmem:s1+$0x13470] =	vst v13;
	v13 =	vmax.f32 v15, $0.0e+00;
	v15 =	vadd.f32 v18, v17;
	v18 =	vld [tilespmem:s1+$0xD440]  }
0x533: {  	v16 =	vld [tilespmem:s1+$0xD450];
	v14 =	vadd.f32 v14, v19  }
0x534: {  	[tilespmem:s1+$0x13400] =	vst v13;
	v13 =	vld [tilespmem:s1+$0x11450];
	v15 =	vmax.f32 v15, $0.0e+00  }
0x535: {  	v17 =	vld [tilespmem:s1+$0xD460];
	v19 =	vadd.f32 v63, v20;
	[tilespmem:s1+$0x13410] =	vst v15;
	v15 =	vmax.f32 v14, $0.0e+00  }
0x536: {  	s3 =	simm.s32 $0x80;
	v14 =	vld [tilespmem:s1+$0x11460];
	[tilespmem:s1+$0x13420] =	vst v15  }
0x537: {  	s5 =	simm.s32 $0x400;
	v19 =	vmax.f32 v19, $0.0e+00;
	v18 =	vadd.f32 v18, v22;
	v15 =	vld [tilespmem:s3+$0x11470]  }
.LBB2_42:
0x538: {  	p0 =	sne.s32 s5, $0x7E00;
	v20 =	vld [tilespmem:s3+$0xD470];
	[tilespmem:s1+$0x13430] =	vst v19  }
0x539: {  	v19 =	vld [tilespmem:s3+$0x11400];
	v18 =	vmax.f32 v18, $0.0e+00;
	v13 =	vadd.f32 v16, v13  }
0x53a: {  	v16 =	vld [tilespmem:s3+$0xD400];
	[tilespmem:s1+$0x13440] =	vst v18  }
0x53b: {  	v18 =	vld [tilespmem:s3+$0x11410];
	v13 =	vmax.f32 v13, $0.0e+00;
	v14 =	vadd.f32 v17, v14  }
0x53c: {  	v17 =	vld [tilespmem:s3+$0xD410];
	[tilespmem:s1+$0x13450] =	vst v13  }
0x53d: {  	v13 =	vld [tilespmem:s3+$0x11420];
	v15 =	vadd.f32 v20, v15;
	v14 =	vmax.f32 v14, $0.0e+00  }
0x53e: {  	v20 =	vld [tilespmem:s3+$0xD420];
	[tilespmem:s1+$0x13460] =	vst v14;
	s1 =	smov.u32 s3  }
0x53f: {  	v14 =	vadd.f32 v16, v19;
	v19 =	vld [tilespmem:s1+$0x11430];
	v15 =	vmax.f32 v15, $0.0e+00  }
0x540: {  	v21 =	vld [tilespmem:s1+$0xD430];
	[tilespmem:s1+$0x13470] =	vst v15  }
0x541: {  	v14 =	vmax.f32 v14, $0.0e+00;
	v15 =	vadd.f32 v17, v18;
	v18 =	vld [tilespmem:s1+$0x11440]  }
0x542: {  	[tilespmem:s1+$0x13400] =	vst v14;
	v22 =	vld [tilespmem:s1+$0xD440]  }
.Ltmp26:
0x543: {  	v14 =	vmax.f32 v15, $0.0e+00;
	v15 =	vadd.f32 v20, v13;
	v13 =	vld [tilespmem:s1+$0x11450];
	(pc) =	sbr.rel @p0 .LBB2_42-.Ltmp26, $4  }
0x544: {  	[tilespmem:s1+$0x13410] =	vst v14;
	v16 =	vld [tilespmem:s1+$0xD450]  }
0x545: {  	v15 =	vmax.f32 v15, $0.0e+00;
	v19 =	vadd.f32 v21, v19;
	v14 =	vld [tilespmem:s1+$0x11460]  }
0x546: {  	s3 =	sshra.s32 s5, $0x2;
	[tilespmem:s1+$0x13420] =	vst v15;
	v17 =	vld [tilespmem:s1+$0xD460]  }
0x547: {  	s5 =	sadd.s32 $0x200, s5;
	v15 =	vld [tilespmem:s3+$0x11470];
	v19 =	vmax.f32 v19, $0.0e+00;
	v18 =	vadd.f32 v22, v18  }
0x548: {  	v20 =	vld [tilespmem:s3+$0xD470];
	[tilespmem:s1+$0x13430] =	vst v19  }
0x549: {  	v19 =	vld [tilespmem:s3+$0x11400];
	v18 =	vmax.f32 v18, $0.0e+00;
	v13 =	vadd.f32 v16, v13  }
0x54a: {  	v21 =	vld [tilespmem:s3+$0xD400];
	[tilespmem:s1+$0x13440] =	vst v18  }
0x54b: {  	v16 =	vld [tilespmem:s3+$0x11410];
	v13 =	vmax.f32 v13, $0.0e+00;
	v14 =	vadd.f32 v17, v14  }
0x54c: {  	v18 =	vld [tilespmem:s3+$0xD410];
	[tilespmem:s1+$0x13450] =	vst v13  }
0x54d: {  	v13 =	vld [tilespmem:s3+$0x11420];
	v14 =	vmax.f32 v14, $0.0e+00  }
0x54e: {  	v17 =	vld [tilespmem:s3+$0xD420];
	v15 =	vadd.f32 v20, v15;
	[tilespmem:s1+$0x13460] =	vst v14  }
0x54f: {  	v19 =	vadd.f32 v21, v19;
	v14 =	vld [tilespmem:s3+$0x11430]  }
0x550: {  	v15 =	vmax.f32 v15, $0.0e+00;
	v20 =	vld [tilespmem:s3+$0xD430]  }
0x551: {  	[tilespmem:s3+$0x13470] =	vst v15;
	v15 =	vmax.f32 v19, $0.0e+00;
	v19 =	vld [tilespmem:s3+$0x11440]  }
0x552: {  	v16 =	vadd.f32 v18, v16;
	v18 =	vld [tilespmem:s3+$0x11450]  }
0x553: {  	[tilespmem:s3+$0x13400] =	vst v15;
	v15 =	vld [tilespmem:s3+$0xD440];
	v13 =	vadd.f32 v17, v13  }
0x554: {  	v16 =	vmax.f32 v16, $0.0e+00;
	v17 =	vld [tilespmem:s3+$0x11460]  }
0x555: {  	[tilespmem:s3+$0x13410] =	vst v16;
	v16 =	vld [tilespmem:s3+$0xD450];
	v13 =	vmax.f32 v13, $0.0e+00  }
0x556: {  	[tilespmem:s3+$0x13420] =	vst v13;
	v13 =	vld [tilespmem:s3+$0xD460];
	_ =	sdelay $0x1  }
0x557: {  	v14 =	vadd.f32 v20, v14  }
0x558: {  	v15 =	vadd.f32 v15, v19  }
0x559: {  	v14 =	vmax.f32 v14, $0.0e+00;
	v16 =	vadd.f32 v16, v18  }
0x55a: {  	[tilespmem:s3+$0x13430] =	vst v14;
	v14 =	vmax.f32 v15, $0.0e+00;
	v13 =	vadd.f32 v13, v17  }
0x55b: {  	[tilespmem:s3+$0x13440] =	vst v14;
	v14 =	vmax.f32 v16, $0.0e+00  }
0x55c: {  	[tilespmem:s3+$0x13450] =	vst v14;
	v13 =	vmax.f32 v13, $0.0e+00  }
0x55d: {  	s10 =	simm.s32 $0x0;
	[tilespmem:s3+$0x13460] =	vst v13  }
0x55e: {  	[hbm4b:s12+s10] =	stream.linear.scatter [tilespmem:s31], [sflag:$0x5], $0x2000, $0x38;
	[tilespmem:$0x15400] =	vst v63  }
0x55f: {  	_ =	swait.ge [sflag:s30], $0x2000  }
0x560: {  	[sflag:s30] =	ssyncset.done $0x0  }
0x561: {  	[sflag:s30] =	ssyncadd.s32 $0xFFFFE000  }
0x562: {  	[tilespmem:s29], [sflag:$0x5] =	stream.linear.gather [hbm4b:s13+s10], $0x2000, $0x38;
	[tilespmem:$0x15400] =	vst v63  }
0x563: {  	_ =	swait.ge [sflag:s30], $0x2000  }
0x564: {  	[sflag:s30] =	ssyncset.done $0x0  }
0x565: {  	s1 =	simm.s32 $0x0;
	[sflag:s30] =	ssyncadd.s32 $0xFFFFE000  }
0x566: {  	v13 =	vld [tilespmem:s1+$0x11470]  }
0x567: {  	v14 =	vld [tilespmem:s1+$0xF470]  }
0x568: {  	v15 =	vld [tilespmem:s1+$0x11400]  }
0x569: {  	v16 =	vld [tilespmem:s1+$0xF400]  }
0x56a: {  	v17 =	vld [tilespmem:s1+$0x11410]  }
0x56b: {  	v18 =	vld [tilespmem:s1+$0xF410]  }
0x56c: {  	v19 =	vld [tilespmem:s1+$0x11420]  }
0x56d: {  	v13 =	vadd.f32 v14, v13;
	v14 =	vld [tilespmem:s1+$0xF420]  }
0x56e: {  	v20 =	vld [tilespmem:s1+$0x11430]  }
0x56f: {  	v63 =	vld [tilespmem:s1+$0xF430];
	v15 =	vadd.f32 v16, v15  }
0x570: {  	v22 =	vld [tilespmem:s1+$0x11440];
	v13 =	vmax.f32 v13, $0.0e+00  }
0x571: {  	[tilespmem:s1+$0x13470] =	vst v13;
	v13 =	vmax.f32 v15, $0.0e+00;
	v15 =	vadd.f32 v18, v17;
	v18 =	vld [tilespmem:s1+$0xF440]  }
0x572: {  	v16 =	vld [tilespmem:s1+$0xF450];
	v14 =	vadd.f32 v14, v19  }
0x573: {  	[tilespmem:s1+$0x13400] =	vst v13;
	v13 =	vld [tilespmem:s1+$0x11450];
	v15 =	vmax.f32 v15, $0.0e+00  }
0x574: {  	v17 =	vld [tilespmem:s1+$0xF460];
	v19 =	vadd.f32 v63, v20;
	[tilespmem:s1+$0x13410] =	vst v15;
	v15 =	vmax.f32 v14, $0.0e+00  }
0x575: {  	s3 =	simm.s32 $0x80;
	v14 =	vld [tilespmem:s1+$0x11460];
	[tilespmem:s1+$0x13420] =	vst v15  }
0x576: {  	s5 =	simm.s32 $0x400;
	v19 =	vmax.f32 v19, $0.0e+00;
	v18 =	vadd.f32 v18, v22;
	v15 =	vld [tilespmem:s3+$0x11470]  }
.LBB2_44:
0x577: {  	p0 =	sne.s32 s5, $0x7E00;
	v20 =	vld [tilespmem:s3+$0xF470];
	[tilespmem:s1+$0x13430] =	vst v19  }
0x578: {  	v19 =	vld [tilespmem:s3+$0x11400];
	v18 =	vmax.f32 v18, $0.0e+00;
	v13 =	vadd.f32 v16, v13  }
0x579: {  	v16 =	vld [tilespmem:s3+$0xF400];
	[tilespmem:s1+$0x13440] =	vst v18  }
0x57a: {  	v18 =	vld [tilespmem:s3+$0x11410];
	v13 =	vmax.f32 v13, $0.0e+00;
	v14 =	vadd.f32 v17, v14  }
0x57b: {  	v17 =	vld [tilespmem:s3+$0xF410];
	[tilespmem:s1+$0x13450] =	vst v13  }
0x57c: {  	v13 =	vld [tilespmem:s3+$0x11420];
	v15 =	vadd.f32 v20, v15;
	v14 =	vmax.f32 v14, $0.0e+00  }
0x57d: {  	v20 =	vld [tilespmem:s3+$0xF420];
	[tilespmem:s1+$0x13460] =	vst v14;
	s1 =	smov.u32 s3  }
0x57e: {  	v14 =	vadd.f32 v16, v19;
	v19 =	vld [tilespmem:s1+$0x11430];
	v15 =	vmax.f32 v15, $0.0e+00  }
0x57f: {  	v21 =	vld [tilespmem:s1+$0xF430];
	[tilespmem:s1+$0x13470] =	vst v15  }
0x580: {  	v14 =	vmax.f32 v14, $0.0e+00;
	v15 =	vadd.f32 v17, v18;
	v18 =	vld [tilespmem:s1+$0x11440]  }
0x581: {  	[tilespmem:s1+$0x13400] =	vst v14;
	v22 =	vld [tilespmem:s1+$0xF440]  }
.Ltmp27:
0x582: {  	v14 =	vmax.f32 v15, $0.0e+00;
	v15 =	vadd.f32 v20, v13;
	v13 =	vld [tilespmem:s1+$0x11450];
	(pc) =	sbr.rel @p0 .LBB2_44-.Ltmp27, $4  }
0x583: {  	[tilespmem:s1+$0x13410] =	vst v14;
	v16 =	vld [tilespmem:s1+$0xF450]  }
0x584: {  	v15 =	vmax.f32 v15, $0.0e+00;
	v19 =	vadd.f32 v21, v19;
	v14 =	vld [tilespmem:s1+$0x11460]  }
0x585: {  	s3 =	sshra.s32 s5, $0x2;
	[tilespmem:s1+$0x13420] =	vst v15;
	v17 =	vld [tilespmem:s1+$0xF460]  }
0x586: {  	s5 =	sadd.s32 $0x200, s5;
	v15 =	vld [tilespmem:s3+$0x11470];
	v19 =	vmax.f32 v19, $0.0e+00;
	v18 =	vadd.f32 v22, v18  }
0x587: {  	v20 =	vld [tilespmem:s3+$0xF470];
	[tilespmem:s1+$0x13430] =	vst v19  }
0x588: {  	v19 =	vld [tilespmem:s3+$0x11400];
	v18 =	vmax.f32 v18, $0.0e+00;
	v13 =	vadd.f32 v16, v13  }
0x589: {  	v21 =	vld [tilespmem:s3+$0xF400];
	[tilespmem:s1+$0x13440] =	vst v18  }
0x58a: {  	v57 =	vld [tilespmem:s3+$0x11410];
	v13 =	vmax.f32 v13, $0.0e+00;
	v14 =	vadd.f32 v17, v14  }
0x58b: {  	v18 =	vld [tilespmem:s3+$0xF410];
	[tilespmem:s1+$0x13450] =	vst v13  }
0x58c: {  	v13 =	vld [tilespmem:s3+$0x11420];
	v14 =	vmax.f32 v14, $0.0e+00  }
0x58d: {  	v58 =	vld [tilespmem:s3+$0xF420];
	[tilespmem:s1+$0x13460] =	vst v14  }
0x58e: {  	v14 =	vld [tilespmem:s3+$0x11430]  }
0x58f: {  	v15 =	vadd.f32 v20, v15;
	v59 =	vld [tilespmem:s3+$0xF430]  }
0x590: {  	v19 =	vadd.f32 v21, v19;
	v60 =	vld [tilespmem:s3+$0x11440]  }
0x591: {  	v15 =	vmax.f32 v15, $0.0e+00;
	v61 =	vld [tilespmem:s3+$0x11450]  }
0x592: {  	v62 =	vld [tilespmem:s3+$0xF450];
	[tilespmem:s3+$0x13470] =	vst v15;
	v15 =	vmax.f32 v19, $0.0e+00;
	v13 =	vadd.f32 v58, v13  }
0x593: {  	[tilespmem:s3+$0x13400] =	vst v15;
	v15 =	vld [tilespmem:s3+$0xF440]  }
0x594: {  	v63 =	vld [tilespmem:s3+$0x11460];
	v13 =	vmax.f32 v13, $0.0e+00  }
0x595: {  	[tilespmem:s3+$0x13420] =	vst v13;
	v13 =	vld [tilespmem:s3+$0xF460]  }
0x596: {  	v16 =	vadd.f32 v18, v57  }
0x597: {  	v14 =	vadd.f32 v59, v14  }
0x598: {  	v16 =	vmax.f32 v16, $0.0e+00;
	v15 =	vadd.f32 v15, v60  }
0x599: {  	[tilespmem:s3+$0x13410] =	vst v16;
	v16 =	vadd.f32 v62, v61;
	v14 =	vmax.f32 v14, $0.0e+00  }
0x59a: {  	[tilespmem:s3+$0x13430] =	vst v14;
	v14 =	vmax.f32 v15, $0.0e+00;
	v13 =	vadd.f32 v13, v63  }
0x59b: {  	[tilespmem:s3+$0x13440] =	vst v14;
	v14 =	vmax.f32 v16, $0.0e+00  }
0x59c: {  	s0 =	sadd.s32 $0x1, s0;
	[tilespmem:s3+$0x13450] =	vst v14;
	v13 =	vmax.f32 v13, $0.0e+00  }
0x59d: {  	s10 =	simm.s32 $0x0;
	p0 =	sne.s32 s0, s15;
	[tilespmem:s3+$0x13460] =	vst v13  }
0x59e: {  	[hbm4b:s14+s10] =	stream.linear.scatter [tilespmem:s31], [sflag:$0x5], $0x2000, $0x38;
	[tilespmem:$0x15400] =	vst v63  }
.Ltmp28:
0x59f: {  	_ = 	snop;
	(pc) =	sbr.rel @p0 .LBB2_1-.Ltmp28, $4  }
.Ltmp29:
0x5a0: {  	_ = 	snop;
	(pc) =	sbr.rel @!p0 .LBB2_46-.Ltmp29, $4  }
0x5a1: {  	_ =	swait.ge [sflag:s30], $0x2000  }
0x5a2: {  	[sflag:s30] =	ssyncset.done $0x0  }
0x5a3: {  	[sflag:s30] =	ssyncadd.s32 $0xFFFFE000  }
0x5a4: {  	_ = 	snop  }
.LBB2_23:
.Ltmp30:
0x5a5: {  	(pc) =	sbr.rel .LBB2_27-.Ltmp30, $2  }
0x5a6: {  	_ =	sdelay $0x2  }
0x5a7: {  	s6 =	simm.s32 $0x3440  }
.LBB2_25:
.Ltmp31:
0x5a8: {  	(pc) =	sbr.rel .LBB2_27-.Ltmp31, $2  }
0x5a9: {  	_ =	sdelay $0x2  }
0x5aa: {  	s6 =	simm.s32 $0x3440  }
.LBB2_30:
.Ltmp32:
0x5ab: {  	(pc) =	sbr.rel .LBB2_34-.Ltmp32, $2  }
0x5ac: {  	_ =	sdelay $0x2  }
0x5ad: {  	s5 =	simm.s32 $0x5470  }
.LBB2_32:
.Ltmp33:
0x5ae: {  	(pc) =	sbr.rel .LBB2_34-.Ltmp33, $2  }
0x5af: {  	_ =	sdelay $0x2  }
0x5b0: {  	s5 =	simm.s32 $0x5470  }
.LBB2_46:
0x5b1: {  	_ =	sfence.sel $0x180000  }
0x5b2: {  	[bflag:$0x0] =	sbarrier.arrive $0xFFFF  }
0x5b3: {  	_ =	strace $0x90000047  }
0x5b4: {  	s0 =	stileid.u32;
	[bflag:$0x2] =	sbarrier.arrive $0xFFFF  }
0x5b5: {  	p0 =	sne.s32 s0, $0x0;
	s0 =	rddreg [dreg:$0x2]  }
0x5b6: {  	s0 =	sadd.s32 @!p0 $0x100000, s0  }
0x5b7: {  	[sflag:s0] =	ssyncadd.tile.s32 @!p0 $0x1;
	_ =	shalt  }
.Lfunc_end2:
_tile_overlayer_lowered:
.L_overlay_start_2:
0x5b8: {  	(tag) =	ssettag $0x2  }
0x5b9: {  	s0 =	rddreg [dreg:$0x0];
	s2 =	stileid.u32  }
0x5ba: {  	s1 =	rddreg [dreg:$0x1];
	p0 =	sne.s32 s2, $0x0  }
0x5bb: {  	s3 =	rddreg [dreg:$0x2];
	[bflag:$0x3] =	sbarrier.arrive $0xFFFF;
	s2 =	simm.s32 @!p0 $0x1C05  }
0x5bc: {  	[timem:s3], [sflag:s2] =	dma.local @!p0 [hbm:s0], s1  }
0x5bd: {  	s0 =	simm.s32 @!p0 $0x5  }
0x5be: {  	_ =	swait.ge @!p0 [sflag:s0], s1  }
0x5bf: {  	s1 =	ssub.s32 @!p0 $0x0, s1;
	[sflag:s0] =	ssyncset.done @!p0 $0x0  }
0x5c0: {  	[sflag:s0] =	ssyncadd.s32 @!p0 s1  }
0x5c1: {  	[bflag:$0x3] =	sbarrier.arrive $0xFFFF  }
0x5c2: {  	_ =	shalt  }

</sc_bundles>
